<compile_context>
chip_gen: v7x
topology: tpu7x:2x2x1
jax: 0.10.2.dev20260603
libtpu: 0.0.44.dev20260713+nightly
codegen_flags: <defaults>
</compile_context>

<pallas_src>
import functools

import jax
import jax.numpy as jnp
from jax import lax
from jax.experimental import pallas as pl
from jax.experimental.pallas import tpu as pltpu
from jax.experimental.pallas import tpu_sc as plsc

N_EDGES = 1600000
N_SEG = 512
NUM_CORES = 2
NUM_SUBCORES = 16
LANES = 16
NW = NUM_CORES * NUM_SUBCORES
EPW = N_EDGES // NW
NCHUNK = 5
CSZ = EPW // NCHUNK
CVECS = CSZ // LANES
GRP = 8
UNROLL = 2
WAVE = NCHUNK


def _sc_partials(x, idx):
    mesh = plsc.VectorSubcoreMesh(
        core_axis_name="c", subcore_axis_name="s")

    @functools.partial(
        pl.kernel,
        out_type=[
            jax.ShapeDtypeStruct((NW, N_SEG), jnp.float32),
            jax.ShapeDtypeStruct((NW, N_SEG), jnp.float32),
        ],
        mesh=mesh,
        compiler_params=pltpu.CompilerParams(
            needs_layout_passes=False,
            disable_bounds_checks=True,
        ),
        scratch_types=[
            pltpu.VMEM((EPW,), jnp.float32),
            pltpu.VMEM((EPW,), jnp.int32),
            pltpu.VMEM((N_SEG,), jnp.float32),
            pltpu.VMEM((N_SEG,), jnp.float32),
            pltpu.VMEM((N_SEG,), jnp.float32),
            pltpu.VMEM((N_SEG,), jnp.float32),
            pltpu.VMEM((N_SEG,), jnp.float32),
            pltpu.VMEM((N_SEG,), jnp.float32),
            pltpu.VMEM((N_SEG,), jnp.float32),
            pltpu.VMEM((N_SEG,), jnp.float32),
            pltpu.SemaphoreType.DMA,
            pltpu.SemaphoreType.DMA,
        ],
    )
    def k(x_hbm, idx_hbm, sums_hbm, counts_hbm,
          xv, iv, sums_a, counts_a, sums_b, counts_b,
          sums_c, counts_c, sums_d, counts_d, sem_x, sem_i):
        wid = lax.axis_index("s") * NUM_CORES + lax.axis_index("c")
        base = wid * EPW
        def fire(c):
            cpx = pltpu.make_async_copy(
                x_hbm.at[pl.ds(base + c * CSZ, CSZ)],
                xv.at[pl.ds(c * CSZ, CSZ)], sem_x)
            cpi = pltpu.make_async_copy(
                idx_hbm.at[pl.ds(base + c * CSZ, CSZ)],
                iv.at[pl.ds(c * CSZ, CSZ)], sem_i)
            cpx.start()
            cpi.start()
            return (cpx, cpi)

        cps = [fire(c) for c in range(WAVE)]
        zero = jnp.zeros((LANES,), jnp.float32)
        sum_refs = (sums_a, sums_b, sums_c, sums_d)
        cnt_refs = (counts_a, counts_b, counts_c, counts_d)
        NACC = len(sum_refs)
        for j in range(N_SEG // LANES):
            sl = pl.ds(j * LANES, LANES)
            for r in sum_refs + cnt_refs:
                r[sl] = zero

        ones = jnp.ones((LANES,), jnp.float32)

        def make_body(cbase):
            def body(i, carry):
                off = pl.multiple_of(cbase + i * (GRP * LANES), LANES)
                ivs = [iv[pl.ds(off + q * LANES, LANES)] for q in range(GRP)]
                xvs = [xv[pl.ds(off + q * LANES, LANES)] for q in range(GRP)]
                for q in range(GRP):
                    plsc.addupdate_scatter(sum_refs[q % NACC], [ivs[q]], xvs[q])
                    plsc.addupdate_scatter(cnt_refs[q % NACC], [ivs[q]], ones)
                return carry
            return body

        for c in range(NCHUNK):
            cps[c][0].wait()
            cps[c][1].wait()
            if c + WAVE < NCHUNK:
                cps.append(fire(c + WAVE))
            cbase = c * CSZ
            lax.fori_loop(0, CVECS // GRP, make_body(cbase), 0, unroll=UNROLL)
            for t in range(CVECS % GRP):
                toff = cbase + ((CVECS // GRP) * GRP + t) * LANES
                it = iv[pl.ds(toff, LANES)]
                xt = xv[pl.ds(toff, LANES)]
                plsc.addupdate_scatter(sum_refs[t % NACC], [it], xt)
                plsc.addupdate_scatter(cnt_refs[t % NACC], [it], ones)

        for j in range(N_SEG // LANES):
            sl = pl.ds(j * LANES, LANES)
            sums_a[sl] = (sums_a[sl] + sums_b[sl]) + (sums_c[sl] + sums_d[sl])
            counts_a[sl] = (counts_a[sl] + counts_b[sl]) + (counts_c[sl] + counts_d[sl])

        pltpu.sync_copy(sums_a, sums_hbm.at[wid])
        pltpu.sync_copy(counts_a, counts_hbm.at[wid])

    return k(x, idx)


def _finalize(sums, counts, target2d):
    def body(s_ref, c_ref, t_ref, o_ref):
        s = jnp.sum(s_ref[...], axis=0, keepdims=True)
        c = jnp.sum(c_ref[...], axis=0, keepdims=True)
        mean = s / jnp.maximum(c, 1.0)
        d = mean - t_ref[...]
        o_ref[0, 0] = jnp.sum(d * d) * (1.0 / N_SEG)

    return pl.pallas_call(
        body,
        out_shape=jax.ShapeDtypeStruct((1, 1), jnp.float32),
        out_specs=pl.BlockSpec(memory_space=pltpu.SMEM),
    )(sums, counts, target2d)


def kernel(x, idx, target_mean_weights):
    if x.ndim > 1 and x.shape[1] == 1:
        x = jnp.squeeze(x, axis=1)
    sums, counts = _sc_partials(x, idx.astype(jnp.int32))
    out = _finalize(sums, counts, target_mean_weights.reshape(1, N_SEG))
    return out[0, 0]

# --- scband reference (transcript-rebuilt; emitter-appended) ---
"""Pipeline reference for scband-stiff-regularizer-82660940579471 (READ-ONLY COPY).

The authoritative reference and input builder live on the scoring server;
editing this copy changes nothing except your own understanding.
"""

import jax, jax.numpy as jnp
import numpy as np

NUM_EDGES = 1600000
NUM_UNIQUE = 512
STRENGTH = 1.0

def setup_inputs(seed: int = 0) -> dict:
    key = jax.random.key(seed)
    k1, k2, k3 = jax.random.split(key, 3)
    # per-synapse (voltage-scaled) weights being regularized
    x = jax.random.normal(k1, (NUM_EDGES,), dtype=jnp.float32) * 0.1
    # edge-type id for each synapse (np.unique return_inverse output in the original)
    idx = jax.random.randint(k2, (NUM_EDGES,), 0, NUM_UNIQUE).astype(jnp.int32)
    # initial per-edge-type mean weights (precomputed constant in __init__)
    target_mean_weights = jax.random.normal(k3, (NUM_UNIQUE,), dtype=jnp.float32) * 0.1
    return {"x": x, "idx": idx, "target_mean_weights": target_mean_weights}

def reference(x, idx, target_mean_weights):
    # tf.squeeze(x, axis=1) branch
    if x.ndim > 1 and x.shape[1] == 1:
        x = jnp.squeeze(x, axis=1)
    # tf.math.unsorted_segment_mean(x, idx, num_unique)
    sums = jax.ops.segment_sum(x, idx, num_segments=NUM_UNIQUE)
    counts = jax.ops.segment_sum(jnp.ones_like(x), idx, num_segments=NUM_UNIQUE)
    counts = jnp.maximum(counts, 1.0)  # guard empty segments (all segments occupied w.h.p. here)
    mean_edge_type_weights = sums / counts
    # penalize_relative_change == False branch
    reg_loss = jnp.mean(jnp.square(mean_edge_type_weights - target_mean_weights))
    return reg_loss.astype(jnp.float32) * jnp.float32(STRENGTH)

if __name__ == "__main__":
    import jax
    _d = setup_inputs()
    print(jax.jit(kernel)(*tuple(_d.values())))

</pallas_src>

<mosaic_0001>
#map = affine_map<(d0, d1) -> (0)>
#map1 = affine_map<(d0, d1) -> (0, 0)>
module attributes {stable_mosaic.version = 14 : i64} {
  func.func @k(%arg0: i32, %arg1: i32, %arg2: memref<1600000xf32, #tpu.memory_space<hbm>>, %arg3: memref<1600000xi32, #tpu.memory_space<hbm>>, %arg4: memref<32x512xf32, #tpu.memory_space<hbm>>, %arg5: memref<32x512xf32, #tpu.memory_space<hbm>>, %arg6: memref<50000xf32, #tpu.memory_space<vmem>>, %arg7: memref<50000xi32, #tpu.memory_space<vmem>>, %arg8: memref<512xf32, #tpu.memory_space<vmem>>, %arg9: memref<512xf32, #tpu.memory_space<vmem>>, %arg10: memref<512xf32, #tpu.memory_space<vmem>>, %arg11: memref<512xf32, #tpu.memory_space<vmem>>, %arg12: memref<512xf32, #tpu.memory_space<vmem>>, %arg13: memref<512xf32, #tpu.memory_space<vmem>>, %arg14: memref<512xf32, #tpu.memory_space<vmem>>, %arg15: memref<512xf32, #tpu.memory_space<vmem>>, %arg16: memref<!tpu.dma_semaphore, #tpu.memory_space<semaphore_mem>>, %arg17: memref<!tpu.dma_semaphore, #tpu.memory_space<semaphore_mem>>) attributes {dimension_semantics = [#tpu.dimension_semantics<core_parallel>, #tpu.dimension_semantics<subcore_parallel>], iteration_bounds = array<i64: 2, 16>, scalar_prefetch = 0 : i64, scratch_operands = 12 : i64, tpu.core_type = #tpu.core_type<sc_vector_subcore>, window_params = [{transform_indices = #map}, {transform_indices = #map}, {transform_indices = #map1}, {transform_indices = #map1}]} {
    %mul3A = arith.constant 2 : i32
    %mul3A_0 = arith.muli %arg1, %mul3A : i32
    %add3A = arith.addi %mul3A_0, %arg0 : i32
    %mul3A_1 = arith.constant 50000 : i32
    %mul3A_2 = arith.muli %add3A, %mul3A_1 : i32
    %add3A_3 = arith.constant 0 : i32
    %add3A_4 = arith.addi %mul3A_2, %add3A_3 : i32
    %add3A_5 = arith.constant 0 : i32
    %add3A_6 = arith.addi %mul3A_2, %add3A_5 : i32
    %dma_start3A = arith.constant 0 : i32
    %dma_start3A_7 = tpu.memref_slice %arg6[%dma_start3A] : memref<50000xf32, #tpu.memory_space<vmem>> -> memref<10000xf32, #tpu.memory_space<vmem>>
    %dma_start3A_8 = tpu.memref_slice %arg2[%add3A_4] : memref<1600000xf32, #tpu.memory_space<hbm>> -> memref<10000xf32, #tpu.memory_space<hbm>>
    %dma_start3A_9 = arith.constant 0 : i32
    %dma_start3A_10 = tpu.memref_slice %arg6[%dma_start3A_9] : memref<50000xf32, #tpu.memory_space<vmem>> -> memref<10000xf32, #tpu.memory_space<vmem>>
    %dma_start3A_11 = tpu.memref_slice %arg2[%add3A_4] : memref<1600000xf32, #tpu.memory_space<hbm>> -> memref<10000xf32, #tpu.memory_space<hbm>>
    tpu.enqueue_dma source(%dma_start3A_11 : memref<10000xf32, #tpu.memory_space<hbm>>) target(%dma_start3A_10 : memref<10000xf32, #tpu.memory_space<vmem>>) target_semaphore(%arg16 : memref<!tpu.dma_semaphore, #tpu.memory_space<semaphore_mem>>)
    %dma_start3A_12 = arith.constant 0 : i32
    %dma_start3A_13 = tpu.memref_slice %arg7[%dma_start3A_12] : memref<50000xi32, #tpu.memory_space<vmem>> -> memref<10000xi32, #tpu.memory_space<vmem>>
    %dma_start3A_14 = tpu.memref_slice %arg3[%add3A_6] : memref<1600000xi32, #tpu.memory_space<hbm>> -> memref<10000xi32, #tpu.memory_space<hbm>>
    %dma_start3A_15 = arith.constant 0 : i32
    %dma_start3A_16 = tpu.memref_slice %arg7[%dma_start3A_15] : memref<50000xi32, #tpu.memory_space<vmem>> -> memref<10000xi32, #tpu.memory_space<vmem>>
    %dma_start3A_17 = tpu.memref_slice %arg3[%add3A_6] : memref<1600000xi32, #tpu.memory_space<hbm>> -> memref<10000xi32, #tpu.memory_space<hbm>>
    tpu.enqueue_dma source(%dma_start3A_17 : memref<10000xi32, #tpu.memory_space<hbm>>) target(%dma_start3A_16 : memref<10000xi32, #tpu.memory_space<vmem>>) target_semaphore(%arg17 : memref<!tpu.dma_semaphore, #tpu.memory_space<semaphore_mem>>)
    %add3A_18 = arith.constant 10000 : i32
    %add3A_19 = arith.addi %mul3A_2, %add3A_18 : i32
    %add3A_20 = arith.constant 10000 : i32
    %add3A_21 = arith.addi %mul3A_2, %add3A_20 : i32
    %dma_start3A_22 = arith.constant 10000 : i32
    %dma_start3A_23 = tpu.memref_slice %arg6[%dma_start3A_22] : memref<50000xf32, #tpu.memory_space<vmem>> -> memref<10000xf32, #tpu.memory_space<vmem>>
    %dma_start3A_24 = tpu.memref_slice %arg2[%add3A_19] : memref<1600000xf32, #tpu.memory_space<hbm>> -> memref<10000xf32, #tpu.memory_space<hbm>>
    %dma_start3A_25 = arith.constant 10000 : i32
    %dma_start3A_26 = tpu.memref_slice %arg6[%dma_start3A_25] : memref<50000xf32, #tpu.memory_space<vmem>> -> memref<10000xf32, #tpu.memory_space<vmem>>
    %dma_start3A_27 = tpu.memref_slice %arg2[%add3A_19] : memref<1600000xf32, #tpu.memory_space<hbm>> -> memref<10000xf32, #tpu.memory_space<hbm>>
    tpu.enqueue_dma source(%dma_start3A_27 : memref<10000xf32, #tpu.memory_space<hbm>>) target(%dma_start3A_26 : memref<10000xf32, #tpu.memory_space<vmem>>) target_semaphore(%arg16 : memref<!tpu.dma_semaphore, #tpu.memory_space<semaphore_mem>>)
    %dma_start3A_28 = arith.constant 10000 : i32
    %dma_start3A_29 = tpu.memref_slice %arg7[%dma_start3A_28] : memref<50000xi32, #tpu.memory_space<vmem>> -> memref<10000xi32, #tpu.memory_space<vmem>>
    %dma_start3A_30 = tpu.memref_slice %arg3[%add3A_21] : memref<1600000xi32, #tpu.memory_space<hbm>> -> memref<10000xi32, #tpu.memory_space<hbm>>
    %dma_start3A_31 = arith.constant 10000 : i32
    %dma_start3A_32 = tpu.memref_slice %arg7[%dma_start3A_31] : memref<50000xi32, #tpu.memory_space<vmem>> -> memref<10000xi32, #tpu.memory_space<vmem>>
    %dma_start3A_33 = tpu.memref_slice %arg3[%add3A_21] : memref<1600000xi32, #tpu.memory_space<hbm>> -> memref<10000xi32, #tpu.memory_space<hbm>>
    tpu.enqueue_dma source(%dma_start3A_33 : memref<10000xi32, #tpu.memory_space<hbm>>) target(%dma_start3A_32 : memref<10000xi32, #tpu.memory_space<vmem>>) target_semaphore(%arg17 : memref<!tpu.dma_semaphore, #tpu.memory_space<semaphore_mem>>)
    %add3A_34 = arith.constant 20000 : i32
    %add3A_35 = arith.addi %mul3A_2, %add3A_34 : i32
    %add3A_36 = arith.constant 20000 : i32
    %add3A_37 = arith.addi %mul3A_2, %add3A_36 : i32
    %dma_start3A_38 = arith.constant 20000 : i32
    %dma_start3A_39 = tpu.memref_slice %arg6[%dma_start3A_38] : memref<50000xf32, #tpu.memory_space<vmem>> -> memref<10000xf32, #tpu.memory_space<vmem>>
    %dma_start3A_40 = tpu.memref_slice %arg2[%add3A_35] : memref<1600000xf32, #tpu.memory_space<hbm>> -> memref<10000xf32, #tpu.memory_space<hbm>>
    %dma_start3A_41 = arith.constant 20000 : i32
    %dma_start3A_42 = tpu.memref_slice %arg6[%dma_start3A_41] : memref<50000xf32, #tpu.memory_space<vmem>> -> memref<10000xf32, #tpu.memory_space<vmem>>
    %dma_start3A_43 = tpu.memref_slice %arg2[%add3A_35] : memref<1600000xf32, #tpu.memory_space<hbm>> -> memref<10000xf32, #tpu.memory_space<hbm>>
    tpu.enqueue_dma source(%dma_start3A_43 : memref<10000xf32, #tpu.memory_space<hbm>>) target(%dma_start3A_42 : memref<10000xf32, #tpu.memory_space<vmem>>) target_semaphore(%arg16 : memref<!tpu.dma_semaphore, #tpu.memory_space<semaphore_mem>>)
    %dma_start3A_44 = arith.constant 20000 : i32
    %dma_start3A_45 = tpu.memref_slice %arg7[%dma_start3A_44] : memref<50000xi32, #tpu.memory_space<vmem>> -> memref<10000xi32, #tpu.memory_space<vmem>>
    %dma_start3A_46 = tpu.memref_slice %arg3[%add3A_37] : memref<1600000xi32, #tpu.memory_space<hbm>> -> memref<10000xi32, #tpu.memory_space<hbm>>
    %dma_start3A_47 = arith.constant 20000 : i32
    %dma_start3A_48 = tpu.memref_slice %arg7[%dma_start3A_47] : memref<50000xi32, #tpu.memory_space<vmem>> -> memref<10000xi32, #tpu.memory_space<vmem>>
    %dma_start3A_49 = tpu.memref_slice %arg3[%add3A_37] : memref<1600000xi32, #tpu.memory_space<hbm>> -> memref<10000xi32, #tpu.memory_space<hbm>>
    tpu.enqueue_dma source(%dma_start3A_49 : memref<10000xi32, #tpu.memory_space<hbm>>) target(%dma_start3A_48 : memref<10000xi32, #tpu.memory_space<vmem>>) target_semaphore(%arg17 : memref<!tpu.dma_semaphore, #tpu.memory_space<semaphore_mem>>)
    %add3A_50 = arith.constant 30000 : i32
    %add3A_51 = arith.addi %mul3A_2, %add3A_50 : i32
    %add3A_52 = arith.constant 30000 : i32
    %add3A_53 = arith.addi %mul3A_2, %add3A_52 : i32
    %dma_start3A_54 = arith.constant 30000 : i32
    %dma_start3A_55 = tpu.memref_slice %arg6[%dma_start3A_54] : memref<50000xf32, #tpu.memory_space<vmem>> -> memref<10000xf32, #tpu.memory_space<vmem>>
    %dma_start3A_56 = tpu.memref_slice %arg2[%add3A_51] : memref<1600000xf32, #tpu.memory_space<hbm>> -> memref<10000xf32, #tpu.memory_space<hbm>>
    %dma_start3A_57 = arith.constant 30000 : i32
    %dma_start3A_58 = tpu.memref_slice %arg6[%dma_start3A_57] : memref<50000xf32, #tpu.memory_space<vmem>> -> memref<10000xf32, #tpu.memory_space<vmem>>
    %dma_start3A_59 = tpu.memref_slice %arg2[%add3A_51] : memref<1600000xf32, #tpu.memory_space<hbm>> -> memref<10000xf32, #tpu.memory_space<hbm>>
    tpu.enqueue_dma source(%dma_start3A_59 : memref<10000xf32, #tpu.memory_space<hbm>>) target(%dma_start3A_58 : memref<10000xf32, #tpu.memory_space<vmem>>) target_semaphore(%arg16 : memref<!tpu.dma_semaphore, #tpu.memory_space<semaphore_mem>>)
    %dma_start3A_60 = arith.constant 30000 : i32
    %dma_start3A_61 = tpu.memref_slice %arg7[%dma_start3A_60] : memref<50000xi32, #tpu.memory_space<vmem>> -> memref<10000xi32, #tpu.memory_space<vmem>>
    %dma_start3A_62 = tpu.memref_slice %arg3[%add3A_53] : memref<1600000xi32, #tpu.memory_space<hbm>> -> memref<10000xi32, #tpu.memory_space<hbm>>
    %dma_start3A_63 = arith.constant 30000 : i32
    %dma_start3A_64 = tpu.memref_slice %arg7[%dma_start3A_63] : memref<50000xi32, #tpu.memory_space<vmem>> -> memref<10000xi32, #tpu.memory_space<vmem>>
    %dma_start3A_65 = tpu.memref_slice %arg3[%add3A_53] : memref<1600000xi32, #tpu.memory_space<hbm>> -> memref<10000xi32, #tpu.memory_space<hbm>>
    tpu.enqueue_dma source(%dma_start3A_65 : memref<10000xi32, #tpu.memory_space<hbm>>) target(%dma_start3A_64 : memref<10000xi32, #tpu.memory_space<vmem>>) target_semaphore(%arg17 : memref<!tpu.dma_semaphore, #tpu.memory_space<semaphore_mem>>)
    %add3A_66 = arith.constant 40000 : i32
    %add3A_67 = arith.addi %mul3A_2, %add3A_66 : i32
    %add3A_68 = arith.constant 40000 : i32
    %add3A_69 = arith.addi %mul3A_2, %add3A_68 : i32
    %dma_start3A_70 = arith.constant 40000 : i32
    %dma_start3A_71 = tpu.memref_slice %arg6[%dma_start3A_70] : memref<50000xf32, #tpu.memory_space<vmem>> -> memref<10000xf32, #tpu.memory_space<vmem>>
    %dma_start3A_72 = tpu.memref_slice %arg2[%add3A_67] : memref<1600000xf32, #tpu.memory_space<hbm>> -> memref<10000xf32, #tpu.memory_space<hbm>>
    %dma_start3A_73 = arith.constant 40000 : i32
    %dma_start3A_74 = tpu.memref_slice %arg6[%dma_start3A_73] : memref<50000xf32, #tpu.memory_space<vmem>> -> memref<10000xf32, #tpu.memory_space<vmem>>
    %dma_start3A_75 = tpu.memref_slice %arg2[%add3A_67] : memref<1600000xf32, #tpu.memory_space<hbm>> -> memref<10000xf32, #tpu.memory_space<hbm>>
    tpu.enqueue_dma source(%dma_start3A_75 : memref<10000xf32, #tpu.memory_space<hbm>>) target(%dma_start3A_74 : memref<10000xf32, #tpu.memory_space<vmem>>) target_semaphore(%arg16 : memref<!tpu.dma_semaphore, #tpu.memory_space<semaphore_mem>>)
    %dma_start3A_76 = arith.constant 40000 : i32
    %dma_start3A_77 = tpu.memref_slice %arg7[%dma_start3A_76] : memref<50000xi32, #tpu.memory_space<vmem>> -> memref<10000xi32, #tpu.memory_space<vmem>>
    %dma_start3A_78 = tpu.memref_slice %arg3[%add3A_69] : memref<1600000xi32, #tpu.memory_space<hbm>> -> memref<10000xi32, #tpu.memory_space<hbm>>
    %dma_start3A_79 = arith.constant 40000 : i32
    %dma_start3A_80 = tpu.memref_slice %arg7[%dma_start3A_79] : memref<50000xi32, #tpu.memory_space<vmem>> -> memref<10000xi32, #tpu.memory_space<vmem>>
    %dma_start3A_81 = tpu.memref_slice %arg3[%add3A_69] : memref<1600000xi32, #tpu.memory_space<hbm>> -> memref<10000xi32, #tpu.memory_space<hbm>>
    tpu.enqueue_dma source(%dma_start3A_81 : memref<10000xi32, #tpu.memory_space<hbm>>) target(%dma_start3A_80 : memref<10000xi32, #tpu.memory_space<vmem>>) target_semaphore(%arg17 : memref<!tpu.dma_semaphore, #tpu.memory_space<semaphore_mem>>)
    %broadcast_in_dim3A = arith.constant 0.000000e+00 : f32
    %broadcast_in_dim3A_82 = vector.broadcast %broadcast_in_dim3A : f32 to vector<16xf32>
    %swap3A = arith.constant 0 : index
    %swap3A_83 = tpu.vector_load %arg8[%swap3A] {strides = array<i32>} : memref<512xf32, #tpu.memory_space<vmem>>, vector<16xf32>,
    tpu.vector_store %arg8[%swap3A], %broadcast_in_dim3A_82 {strides = array<i32>} : memref<512xf32, #tpu.memory_space<vmem>>, vector<16xf32>,
    %swap3A_84 = arith.constant 0 : index
    %swap3A_85 = tpu.vector_load %arg10[%swap3A_84] {strides = array<i32>} : memref<512xf32, #tpu.memory_space<vmem>>, vector<16xf32>,
    tpu.vector_store %arg10[%swap3A_84], %broadcast_in_dim3A_82 {strides = array<i32>} : memref<512xf32, #tpu.memory_space<vmem>>, vector<16xf32>,
    %swap3A_86 = arith.constant 0 : index
    %swap3A_87 = tpu.vector_load %arg12[%swap3A_86] {strides = array<i32>} : memref<512xf32, #tpu.memory_space<vmem>>, vector<16xf32>,
    tpu.vector_store %arg12[%swap3A_86], %broadcast_in_dim3A_82 {strides = array<i32>} : memref<512xf32, #tpu.memory_space<vmem>>, vector<16xf32>,
    %swap3A_88 = arith.constant 0 : index
    %swap3A_89 = tpu.vector_load %arg14[%swap3A_88] {strides = array<i32>} : memref<512xf32, #tpu.memory_space<vmem>>, vector<16xf32>,
    tpu.vector_store %arg14[%swap3A_88], %broadcast_in_dim3A_82 {strides = array<i32>} : memref<512xf32, #tpu.memory_space<vmem>>, vector<16xf32>,
    %swap3A_90 = arith.constant 0 : index
    %swap3A_91 = tpu.vector_load %arg9[%swap3A_90] {strides = array<i32>} : memref<512xf32, #tpu.memory_space<vmem>>, vector<16xf32>,
    tpu.vector_store %arg9[%swap3A_90], %broadcast_in_dim3A_82 {strides = array<i32>} : memref<512xf32, #tpu.memory_space<vmem>>, vector<16xf32>,
    %swap3A_92 = arith.constant 0 : index
    %swap3A_93 = tpu.vector_load %arg11[%swap3A_92] {strides = array<i32>} : memref<512xf32, #tpu.memory_space<vmem>>, vector<16xf32>,
    tpu.vector_store %arg11[%swap3A_92], %broadcast_in_dim3A_82 {strides = array<i32>} : memref<512xf32, #tpu.memory_space<vmem>>, vector<16xf32>,
    %swap3A_94 = arith.constant 0 : index
    %swap3A_95 = tpu.vector_load %arg13[%swap3A_94] {strides = array<i32>} : memref<512xf32, #tpu.memory_space<vmem>>, vector<16xf32>,
    tpu.vector_store %arg13[%swap3A_94], %broadcast_in_dim3A_82 {strides = array<i32>} : memref<512xf32, #tpu.memory_space<vmem>>, vector<16xf32>,
    %swap3A_96 = arith.constant 0 : index
    %swap3A_97 = tpu.vector_load %arg15[%swap3A_96] {strides = array<i32>} : memref<512xf32, #tpu.memory_space<vmem>>, vector<16xf32>,
    tpu.vector_store %arg15[%swap3A_96], %broadcast_in_dim3A_82 {strides = array<i32>} : memref<512xf32, #tpu.memory_space<vmem>>, vector<16xf32>,
    %swap3A_98 = arith.constant 16 : index
    %swap3A_99 = tpu.vector_load %arg8[%swap3A_98] {strides = array<i32>} : memref<512xf32, #tpu.memory_space<vmem>>, vector<16xf32>,
    tpu.vector_store %arg8[%swap3A_98], %broadcast_in_dim3A_82 {strides = array<i32>} : memref<512xf32, #tpu.memory_space<vmem>>, vector<16xf32>,
    %swap3A_100 = arith.constant 16 : index
    %swap3A_101 = tpu.vector_load %arg10[%swap3A_100] {strides = array<i32>} : memref<512xf32, #tpu.memory_space<vmem>>, vector<16xf32>,
    tpu.vector_store %arg10[%swap3A_100], %broadcast_in_dim3A_82 {strides = array<i32>} : memref<512xf32, #tpu.memory_space<vmem>>, vector<16xf32>,
    %swap3A_102 = arith.constant 16 : index
    %swap3A_103 = tpu.vector_load %arg12[%swap3A_102] {strides = array<i32>} : memref<512xf32, #tpu.memory_space<vmem>>, vector<16xf32>,
    tpu.vector_store %arg12[%swap3A_102], %broadcast_in_dim3A_82 {strides = array<i32>} : memref<512xf32, #tpu.memory_space<vmem>>, vector<16xf32>,
    %swap3A_104 = arith.constant 16 : index
    %swap3A_105 = tpu.vector_load %arg14[%swap3A_104] {strides = array<i32>} : memref<512xf32, #tpu.memory_space<vmem>>, vector<16xf32>,
    tpu.vector_store %arg14[%swap3A_104], %broadcast_in_dim3A_82 {strides = array<i32>} : memref<512xf32, #tpu.memory_space<vmem>>, vector<16xf32>,
    %swap3A_106 = arith.constant 16 : index
    %swap3A_107 = tpu.vector_load %arg9[%swap3A_106] {strides = array<i32>} : memref<512xf32, #tpu.memory_space<vmem>>, vector<16xf32>,
    tpu.vector_store %arg9[%swap3A_106], %broadcast_in_dim3A_82 {strides = array<i32>} : memref<512xf32, #tpu.memory_space<vmem>>, vector<16xf32>,
    %swap3A_108 = arith.constant 16 : index
    %swap3A_109 = tpu.vector_load %arg11[%swap3A_108] {strides = array<i32>} : memref<512xf32, #tpu.memory_space<vmem>>, vector<16xf32>,
    tpu.vector_store %arg11[%swap3A_108], %broadcast_in_dim3A_82 {strides = array<i32>} : memref<512xf32, #tpu.memory_space<vmem>>, vector<16xf32>,
    %swap3A_110 = arith.constant 16 : index
    %swap3A_111 = tpu.vector_load %arg13[%swap3A_110] {strides = array<i32>} : memref<512xf32, #tpu.memory_space<vmem>>, vector<16xf32>,
    tpu.vector_store %arg13[%swap3A_110], %broadcast_in_dim3A_82 {strides = array<i32>} : memref<512xf32, #tpu.memory_space<vmem>>, vector<16xf32>,
    %swap3A_112 = arith.constant 16 : index
    %swap3A_113 = tpu.vector_load %arg15[%swap3A_112] {strides = array<i32>} : memref<512xf32, #tpu.memory_space<vmem>>, vector<16xf32>,
    tpu.vector_store %arg15[%swap3A_112], %broadcast_in_dim3A_82 {strides = array<i32>} : memref<512xf32, #tpu.memory_space<vmem>>, vector<16xf32>,
    %swap3A_114 = arith.constant 32 : index
    %swap3A_115 = tpu.vector_load %arg8[%swap3A_114] {strides = array<i32>} : memref<512xf32, #tpu.memory_space<vmem>>, vector<16xf32>,
    tpu.vector_store %arg8[%swap3A_114], %broadcast_in_dim3A_82 {strides = array<i32>} : memref<512xf32, #tpu.memory_space<vmem>>, vector<16xf32>,
    %swap3A_116 = arith.constant 32 : index
    %swap3A_117 = tpu.vector_load %arg10[%swap3A_116] {strides = array<i32>} : memref<512xf32, #tpu.memory_space<vmem>>, vector<16xf32>,
    tpu.vector_store %arg10[%swap3A_116], %broadcast_in_dim3A_82 {strides = array<i32>} : memref<512xf32, #tpu.memory_space<vmem>>, vector<16xf32>,
    %swap3A_118 = arith.constant 32 : index
    %swap3A_119 = tpu.vector_load %arg12[%swap3A_118] {strides = array<i32>} : memref<512xf32, #tpu.memory_space<vmem>>, vector<16xf32>,
    tpu.vector_store %arg12[%swap3A_118], %broadcast_in_dim3A_82 {strides = array<i32>} : memref<512xf32, #tpu.memory_space<vmem>>, vector<16xf32>,
    %swap3A_120 = arith.constant 32 : index
    %swap3A_121 = tpu.vector_load %arg14[%swap3A_120] {strides = array<i32>} : memref<512xf32, #tpu.memory_space<vmem>>, vector<16xf32>,
    tpu.vector_store %arg14[%swap3A_120], %broadcast_in_dim3A_82 {strides = array<i32>} : memref<512xf32, #tpu.memory_space<vmem>>, vector<16xf32>,
    %swap3A_122 = arith.constant 32 : index
    %swap3A_123 = tpu.vector_load %arg9[%swap3A_122] {strides = array<i32>} : memref<512xf32, #tpu.memory_space<vmem>>, vector<16xf32>,
    tpu.vector_store %arg9[%swap3A_122], %broadcast_in_dim3A_82 {strides = array<i32>} : memref<512xf32, #tpu.memory_space<vmem>>, vector<16xf32>,
    %swap3A_124 = arith.constant 32 : index
    %swap3A_125 = tpu.vector_load %arg11[%swap3A_124] {strides = array<i32>} : memref<512xf32, #tpu.memory_space<vmem>>, vector<16xf32>,
    tpu.vector_store %arg11[%swap3A_124], %broadcast_in_dim3A_82 {strides = array<i32>} : memref<512xf32, #tpu.memory_space<vmem>>, vector<16xf32>,
    %swap3A_126 = arith.constant 32 : index
    %swap3A_127 = tpu.vector_load %arg13[%swap3A_126] {strides = array<i32>} : memref<512xf32, #tpu.memory_space<vmem>>, vector<16xf32>,
    tpu.vector_store %arg13[%swap3A_126], %broadcast_in_dim3A_82 {strides = array<i32>} : memref<512xf32, #tpu.memory_space<vmem>>, vector<16xf32>,
    %swap3A_128 = arith.constant 32 : index
    %swap3A_129 = tpu.vector_load %arg15[%swap3A_128] {strides = array<i32>} : memref<512xf32, #tpu.memory_space<vmem>>, vector<16xf32>,
    tpu.vector_store %arg15[%swap3A_128], %broadcast_in_dim3A_82 {strides = array<i32>} : memref<512xf32, #tpu.memory_space<vmem>>, vector<16xf32>,
    %swap3A_130 = arith.constant 48 : index
    %swap3A_131 = tpu.vector_load %arg8[%swap3A_130] {strides = array<i32>} : memref<512xf32, #tpu.memory_space<vmem>>, vector<16xf32>,
    tpu.vector_store %arg8[%swap3A_130], %broadcast_in_dim3A_82 {strides = array<i32>} : memref<512xf32, #tpu.memory_space<vmem>>, vector<16xf32>,
    %swap3A_132 = arith.constant 48 : index
    %swap3A_133 = tpu.vector_load %arg10[%swap3A_132] {strides = array<i32>} : memref<512xf32, #tpu.memory_space<vmem>>, vector<16xf32>,
    tpu.vector_store %arg10[%swap3A_132], %broadcast_in_dim3A_82 {strides = array<i32>} : memref<512xf32, #tpu.memory_space<vmem>>, vector<16xf32>,
    %swap3A_134 = arith.constant 48 : index
    %swap3A_135 = tpu.vector_load %arg12[%swap3A_134] {strides = array<i32>} : memref<512xf32, #tpu.memory_space<vmem>>, vector<16xf32>,
    tpu.vector_store %arg12[%swap3A_134], %broadcast_in_dim3A_82 {strides = array<i32>} : memref<512xf32, #tpu.memory_space<vmem>>, vector<16xf32>,
    %swap3A_136 = arith.constant 48 : index
    %swap3A_137 = tpu.vector_load %arg14[%swap3A_136] {strides = array<i32>} : memref<512xf32, #tpu.memory_space<vmem>>, vector<16xf32>,
    tpu.vector_store %arg14[%swap3A_136], %broadcast_in_dim3A_82 {strides = array<i32>} : memref<512xf32, #tpu.memory_space<vmem>>, vector<16xf32>,
    %swap3A_138 = arith.constant 48 : index
    %swap3A_139 = tpu.vector_load %arg9[%swap3A_138] {strides = array<i32>} : memref<512xf32, #tpu.memory_space<vmem>>, vector<16xf32>,
    tpu.vector_store %arg9[%swap3A_138], %broadcast_in_dim3A_82 {strides = array<i32>} : memref<512xf32, #tpu.memory_space<vmem>>, vector<16xf32>,
    %swap3A_140 = arith.constant 48 : index
    %swap3A_141 = tpu.vector_load %arg11[%swap3A_140] {strides = array<i32>} : memref<512xf32, #tpu.memory_space<vmem>>, vector<16xf32>,
    tpu.vector_store %arg11[%swap3A_140], %broadcast_in_dim3A_82 {strides = array<i32>} : memref<512xf32, #tpu.memory_space<vmem>>, vector<16xf32>,
    %swap3A_142 = arith.constant 48 : index
    %swap3A_143 = tpu.vector_load %arg13[%swap3A_142] {strides = array<i32>} : memref<512xf32, #tpu.memory_space<vmem>>, vector<16xf32>,
    tpu.vector_store %arg13[%swap3A_142], %broadcast_in_dim3A_82 {strides = array<i32>} : memref<512xf32, #tpu.memory_space<vmem>>, vector<16xf32>,
    %swap3A_144 = arith.constant 48 : index
    %swap3A_145 = tpu.vector_load %arg15[%swap3A_144] {strides = array<i32>} : memref<512xf32, #tpu.memory_space<vmem>>, vector<16xf32>,
    tpu.vector_store %arg15[%swap3A_144], %broadcast_in_dim3A_82 {strides = array<i32>} : memref<512xf32, #tpu.memory_space<vmem>>, vector<16xf32>,
    %swap3A_146 = arith.constant 64 : index
    %swap3A_147 = tpu.vector_load %arg8[%swap3A_146] {strides = array<i32>} : memref<512xf32, #tpu.memory_space<vmem>>, vector<16xf32>,
    tpu.vector_store %arg8[%swap3A_146], %broadcast_in_dim3A_82 {strides = array<i32>} : memref<512xf32, #tpu.memory_space<vmem>>, vector<16xf32>,
    %swap3A_148 = arith.constant 64 : index
    %swap3A_149 = tpu.vector_load %arg10[%swap3A_148] {strides = array<i32>} : memref<512xf32, #tpu.memory_space<vmem>>, vector<16xf32>,
    tpu.vector_store %arg10[%swap3A_148], %broadcast_in_dim3A_82 {strides = array<i32>} : memref<512xf32, #tpu.memory_space<vmem>>, vector<16xf32>,
    %swap3A_150 = arith.constant 64 : index
    %swap3A_151 = tpu.vector_load %arg12[%swap3A_150] {strides = array<i32>} : memref<512xf32, #tpu.memory_space<vmem>>, vector<16xf32>,
    tpu.vector_store %arg12[%swap3A_150], %broadcast_in_dim3A_82 {strides = array<i32>} : memref<512xf32, #tpu.memory_space<vmem>>, vector<16xf32>,
    %swap3A_152 = arith.constant 64 : index
    %swap3A_153 = tpu.vector_load %arg14[%swap3A_152] {strides = array<i32>} : memref<512xf32, #tpu.memory_space<vmem>>, vector<16xf32>,
    tpu.vector_store %arg14[%swap3A_152], %broadcast_in_dim3A_82 {strides = array<i32>} : memref<512xf32, #tpu.memory_space<vmem>>, vector<16xf32>,
    %swap3A_154 = arith.constant 64 : index
    %swap3A_155 = tpu.vector_load %arg9[%swap3A_154] {strides = array<i32>} : memref<512xf32, #tpu.memory_space<vmem>>, vector<16xf32>,
    tpu.vector_store %arg9[%swap3A_154], %broadcast_in_dim3A_82 {strides = array<i32>} : memref<512xf32, #tpu.memory_space<vmem>>, vector<16xf32>,
    %swap3A_156 = arith.constant 64 : index
    %swap3A_157 = tpu.vector_load %arg11[%swap3A_156] {strides = array<i32>} : memref<512xf32, #tpu.memory_space<vmem>>, vector<16xf32>,
    tpu.vector_store %arg11[%swap3A_156], %broadcast_in_dim3A_82 {strides = array<i32>} : memref<512xf32, #tpu.memory_space<vmem>>, vector<16xf32>,
    %swap3A_158 = arith.constant 64 : index
    %swap3A_159 = tpu.vector_load %arg13[%swap3A_158] {strides = array<i32>} : memref<512xf32, #tpu.memory_space<vmem>>, vector<16xf32>,
    tpu.vector_store %arg13[%swap3A_158], %broadcast_in_dim3A_82 {strides = array<i32>} : memref<512xf32, #tpu.memory_space<vmem>>, vector<16xf32>,
    %swap3A_160 = arith.constant 64 : index
    %swap3A_161 = tpu.vector_load %arg15[%swap3A_160] {strides = array<i32>} : memref<512xf32, #tpu.memory_space<vmem>>, vector<16xf32>,
    tpu.vector_store %arg15[%swap3A_160], %broadcast_in_dim3A_82 {strides = array<i32>} : memref<512xf32, #tpu.memory_space<vmem>>, vector<16xf32>,
    %swap3A_162 = arith.constant 80 : index
    %swap3A_163 = tpu.vector_load %arg8[%swap3A_162] {strides = array<i32>} : memref<512xf32, #tpu.memory_space<vmem>>, vector<16xf32>,
    tpu.vector_store %arg8[%swap3A_162], %broadcast_in_dim3A_82 {strides = array<i32>} : memref<512xf32, #tpu.memory_space<vmem>>, vector<16xf32>,
    %swap3A_164 = arith.constant 80 : index
    %swap3A_165 = tpu.vector_load %arg10[%swap3A_164] {strides = array<i32>} : memref<512xf32, #tpu.memory_space<vmem>>, vector<16xf32>,
    tpu.vector_store %arg10[%swap3A_164], %broadcast_in_dim3A_82 {strides = array<i32>} : memref<512xf32, #tpu.memory_space<vmem>>, vector<16xf32>,
    %swap3A_166 = arith.constant 80 : index
    %swap3A_167 = tpu.vector_load %arg12[%swap3A_166] {strides = array<i32>} : memref<512xf32, #tpu.memory_space<vmem>>, vector<16xf32>,
    tpu.vector_store %arg12[%swap3A_166], %broadcast_in_dim3A_82 {strides = array<i32>} : memref<512xf32, #tpu.memory_space<vmem>>, vector<16xf32>,
    %swap3A_168 = arith.constant 80 : index
    %swap3A_169 = tpu.vector_load %arg14[%swap3A_168] {strides = array<i32>} : memref<512xf32, #tpu.memory_space<vmem>>, vector<16xf32>,
    tpu.vector_store %arg14[%swap3A_168], %broadcast_in_dim3A_82 {strides = array<i32>} : memref<512xf32, #tpu.memory_space<vmem>>, vector<16xf32>,
    %swap3A_170 = arith.constant 80 : index
    %swap3A_171 = tpu.vector_load %arg9[%swap3A_170] {strides = array<i32>} : memref<512xf32, #tpu.memory_space<vmem>>, vector<16xf32>,
    tpu.vector_store %arg9[%swap3A_170], %broadcast_in_dim3A_82 {strides = array<i32>} : memref<512xf32, #tpu.memory_space<vmem>>, vector<16xf32>,
    %swap3A_172 = arith.constant 80 : index
    %swap3A_173 = tpu.vector_load %arg11[%swap3A_172] {strides = array<i32>} : memref<512xf32, #tpu.memory_space<vmem>>, vector<16xf32>,
    tpu.vector_store %arg11[%swap3A_172], %broadcast_in_dim3A_82 {strides = array<i32>} : memref<512xf32, #tpu.memory_space<vmem>>, vector<16xf32>,
    %swap3A_174 = arith.constant 80 : index
    %swap3A_175 = tpu.vector_load %arg13[%swap3A_174] {strides = array<i32>} : memref<512xf32, #tpu.memory_space<vmem>>, vector<16xf32>,
    tpu.vector_store %arg13[%swap3A_174], %broadcast_in_dim3A_82 {strides = array<i32>} : memref<512xf32, #tpu.memory_space<vmem>>, vector<16xf32>,
    %swap3A_176 = arith.constant 80 : index
    %swap3A_177 = tpu.vector_load %arg15[%swap3A_176] {strides = array<i32>} : memref<512xf32, #tpu.memory_space<vmem>>, vector<16xf32>,
    tpu.vector_store %arg15[%swap3A_176], %broadcast_in_dim3A_82 {strides = array<i32>} : memref<512xf32, #tpu.memory_space<vmem>>, vector<16xf32>,
    %swap3A_178 = arith.constant 96 : index
    %swap3A_179 = tpu.vector_load %arg8[%swap3A_178] {strides = array<i32>} : memref<512xf32, #tpu.memory_space<vmem>>, vector<16xf32>,
    tpu.vector_store %arg8[%swap3A_178], %broadcast_in_dim3A_82 {strides = array<i32>} : memref<512xf32, #tpu.memory_space<vmem>>, vector<16xf32>,
    %swap3A_180 = arith.constant 96 : index
    %swap3A_181 = tpu.vector_load %arg10[%swap3A_180] {strides = array<i32>} : memref<512xf32, #tpu.memory_space<vmem>>, vector<16xf32>,
    tpu.vector_store %arg10[%swap3A_180], %broadcast_in_dim3A_82 {strides = array<i32>} : memref<512xf32, #tpu.memory_space<vmem>>, vector<16xf32>,
    %swap3A_182 = arith.constant 96 : index
    %swap3A_183 = tpu.vector_load %arg12[%swap3A_182] {strides = array<i32>} : memref<512xf32, #tpu.memory_space<vmem>>, vector<16xf32>,
    tpu.vector_store %arg12[%swap3A_182], %broadcast_in_dim3A_82 {strides = array<i32>} : memref<512xf32, #tpu.memory_space<vmem>>, vector<16xf32>,
    %swap3A_184 = arith.constant 96 : index
    %swap3A_185 = tpu.vector_load %arg14[%swap3A_184] {strides = array<i32>} : memref<512xf32, #tpu.memory_space<vmem>>, vector<16xf32>,
    tpu.vector_store %arg14[%swap3A_184], %broadcast_in_dim3A_82 {strides = array<i32>} : memref<512xf32, #tpu.memory_space<vmem>>, vector<16xf32>,
    %swap3A_186 = arith.constant 96 : index
    %swap3A_187 = tpu.vector_load %arg9[%swap3A_186] {strides = array<i32>} : memref<512xf32, #tpu.memory_space<vmem>>, vector<16xf32>,
    tpu.vector_store %arg9[%swap3A_186], %broadcast_in_dim3A_82 {strides = array<i32>} : memref<512xf32, #tpu.memory_space<vmem>>, vector<16xf32>,
    %swap3A_188 = arith.constant 96 : index
    %swap3A_189 = tpu.vector_load %arg11[%swap3A_188] {strides = array<i32>} : memref<512xf32, #tpu.memory_space<vmem>>, vector<16xf32>,
    tpu.vector_store %arg11[%swap3A_188], %broadcast_in_dim3A_82 {strides = array<i32>} : memref<512xf32, #tpu.memory_space<vmem>>, vector<16xf32>,
    %swap3A_190 = arith.constant 96 : index
    %swap3A_191 = tpu.vector_load %arg13[%swap3A_190] {strides = array<i32>} : memref<512xf32, #tpu.memory_space<vmem>>, vector<16xf32>,
    tpu.vector_store %arg13[%swap3A_190], %broadcast_in_dim3A_82 {strides = array<i32>} : memref<512xf32, #tpu.memory_space<vmem>>, vector<16xf32>,
    %swap3A_192 = arith.constant 96 : index
    %swap3A_193 = tpu.vector_load %arg15[%swap3A_192] {strides = array<i32>} : memref<512xf32, #tpu.memory_space<vmem>>, vector<16xf32>,
    tpu.vector_store %arg15[%swap3A_192], %broadcast_in_dim3A_82 {strides = array<i32>} : memref<512xf32, #tpu.memory_space<vmem>>, vector<16xf32>,
    %swap3A_194 = arith.constant 112 : index
    %swap3A_195 = tpu.vector_load %arg8[%swap3A_194] {strides = array<i32>} : memref<512xf32, #tpu.memory_space<vmem>>, vector<16xf32>,
    tpu.vector_store %arg8[%swap3A_194], %broadcast_in_dim3A_82 {strides = array<i32>} : memref<512xf32, #tpu.memory_space<vmem>>, vector<16xf32>,
    %swap3A_196 = arith.constant 112 : index
    %swap3A_197 = tpu.vector_load %arg10[%swap3A_196] {strides = array<i32>} : memref<512xf32, #tpu.memory_space<vmem>>, vector<16xf32>,
    tpu.vector_store %arg10[%swap3A_196], %broadcast_in_dim3A_82 {strides = array<i32>} : memref<512xf32, #tpu.memory_space<vmem>>, vector<16xf32>,
    %swap3A_198 = arith.constant 112 : index
    %swap3A_199 = tpu.vector_load %arg12[%swap3A_198] {strides = array<i32>} : memref<512xf32, #tpu.memory_space<vmem>>, vector<16xf32>,
    tpu.vector_store %arg12[%swap3A_198], %broadcast_in_dim3A_82 {strides = array<i32>} : memref<512xf32, #tpu.memory_space<vmem>>, vector<16xf32>,
    %swap3A_200 = arith.constant 112 : index
    %swap3A_201 = tpu.vector_load %arg14[%swap3A_200] {strides = array<i32>} : memref<512xf32, #tpu.memory_space<vmem>>, vector<16xf32>,
    tpu.vector_store %arg14[%swap3A_200], %broadcast_in_dim3A_82 {strides = array<i32>} : memref<512xf32, #tpu.memory_space<vmem>>, vector<16xf32>,
    %swap3A_202 = arith.constant 112 : index
    %swap3A_203 = tpu.vector_load %arg9[%swap3A_202] {strides = array<i32>} : memref<512xf32, #tpu.memory_space<vmem>>, vector<16xf32>,
    tpu.vector_store %arg9[%swap3A_202], %broadcast_in_dim3A_82 {strides = array<i32>} : memref<512xf32, #tpu.memory_space<vmem>>, vector<16xf32>,
    %swap3A_204 = arith.constant 112 : index
    %swap3A_205 = tpu.vector_load %arg11[%swap3A_204] {strides = array<i32>} : memref<512xf32, #tpu.memory_space<vmem>>, vector<16xf32>,
    tpu.vector_store %arg11[%swap3A_204], %broadcast_in_dim3A_82 {strides = array<i32>} : memref<512xf32, #tpu.memory_space<vmem>>, vector<16xf32>,
    %swap3A_206 = arith.constant 112 : index
    %swap3A_207 = tpu.vector_load %arg13[%swap3A_206] {strides = array<i32>} : memref<512xf32, #tpu.memory_space<vmem>>, vector<16xf32>,
    tpu.vector_store %arg13[%swap3A_206], %broadcast_in_dim3A_82 {strides = array<i32>} : memref<512xf32, #tpu.memory_space<vmem>>, vector<16xf32>,
    %swap3A_208 = arith.constant 112 : index
    %swap3A_209 = tpu.vector_load %arg15[%swap3A_208] {strides = array<i32>} : memref<512xf32, #tpu.memory_space<vmem>>, vector<16xf32>,
    tpu.vector_store %arg15[%swap3A_208], %broadcast_in_dim3A_82 {strides = array<i32>} : memref<512xf32, #tpu.memory_space<vmem>>, vector<16xf32>,
    %swap3A_210 = arith.constant 128 : index
    %swap3A_211 = tpu.vector_load %arg8[%swap3A_210] {strides = array<i32>} : memref<512xf32, #tpu.memory_space<vmem>>, vector<16xf32>,
    tpu.vector_store %arg8[%swap3A_210], %broadcast_in_dim3A_82 {strides = array<i32>} : memref<512xf32, #tpu.memory_space<vmem>>, vector<16xf32>,
    %swap3A_212 = arith.constant 128 : index
    %swap3A_213 = tpu.vector_load %arg10[%swap3A_212] {strides = array<i32>} : memref<512xf32, #tpu.memory_space<vmem>>, vector<16xf32>,
    tpu.vector_store %arg10[%swap3A_212], %broadcast_in_dim3A_82 {strides = array<i32>} : memref<512xf32, #tpu.memory_space<vmem>>, vector<16xf32>,
    %swap3A_214 = arith.constant 128 : index
    %swap3A_215 = tpu.vector_load %arg12[%swap3A_214] {strides = array<i32>} : memref<512xf32, #tpu.memory_space<vmem>>, vector<16xf32>,
    tpu.vector_store %arg12[%swap3A_214], %broadcast_in_dim3A_82 {strides = array<i32>} : memref<512xf32, #tpu.memory_space<vmem>>, vector<16xf32>,
    %swap3A_216 = arith.constant 128 : index
    %swap3A_217 = tpu.vector_load %arg14[%swap3A_216] {strides = array<i32>} : memref<512xf32, #tpu.memory_space<vmem>>, vector<16xf32>,
    tpu.vector_store %arg14[%swap3A_216], %broadcast_in_dim3A_82 {strides = array<i32>} : memref<512xf32, #tpu.memory_space<vmem>>, vector<16xf32>,
    %swap3A_218 = arith.constant 128 : index
    %swap3A_219 = tpu.vector_load %arg9[%swap3A_218] {strides = array<i32>} : memref<512xf32, #tpu.memory_space<vmem>>, vector<16xf32>,
    tpu.vector_store %arg9[%swap3A_218], %broadcast_in_dim3A_82 {strides = array<i32>} : memref<512xf32, #tpu.memory_space<vmem>>, vector<16xf32>,
    %swap3A_220 = arith.constant 128 : index
    %swap3A_221 = tpu.vector_load %arg11[%swap3A_220] {strides = array<i32>} : memref<512xf32, #tpu.memory_space<vmem>>, vector<16xf32>,
    tpu.vector_store %arg11[%swap3A_220], %broadcast_in_dim3A_82 {strides = array<i32>} : memref<512xf32, #tpu.memory_space<vmem>>, vector<16xf32>,
    %swap3A_222 = arith.constant 128 : index
    %swap3A_223 = tpu.vector_load %arg13[%swap3A_222] {strides = array<i32>} : memref<512xf32, #tpu.memory_space<vmem>>, vector<16xf32>,
    tpu.vector_store %arg13[%swap3A_222], %broadcast_in_dim3A_82 {strides = array<i32>} : memref<512xf32, #tpu.memory_space<vmem>>, vector<16xf32>,
    %swap3A_224 = arith.constant 128 : index
    %swap3A_225 = tpu.vector_load %arg15[%swap3A_224] {strides = array<i32>} : memref<512xf32, #tpu.memory_space<vmem>>, vector<16xf32>,
    tpu.vector_store %arg15[%swap3A_224], %broadcast_in_dim3A_82 {strides = array<i32>} : memref<512xf32, #tpu.memory_space<vmem>>, vector<16xf32>,
    %swap3A_226 = arith.constant 144 : index
    %swap3A_227 = tpu.vector_load %arg8[%swap3A_226] {strides = array<i32>} : memref<512xf32, #tpu.memory_space<vmem>>, vector<16xf32>,
    tpu.vector_store %arg8[%swap3A_226], %broadcast_in_dim3A_82 {strides = array<i32>} : memref<512xf32, #tpu.memory_space<vmem>>, vector<16xf32>,
    %swap3A_228 = arith.constant 144 : index
    %swap3A_229 = tpu.vector_load %arg10[%swap3A_228] {strides = array<i32>} : memref<512xf32, #tpu.memory_space<vmem>>, vector<16xf32>,
    tpu.vector_store %arg10[%swap3A_228], %broadcast_in_dim3A_82 {strides = array<i32>} : memref<512xf32, #tpu.memory_space<vmem>>, vector<16xf32>,
    %swap3A_230 = arith.constant 144 : index
    %swap3A_231 = tpu.vector_load %arg12[%swap3A_230] {strides = array<i32>} : memref<512xf32, #tpu.memory_space<vmem>>, vector<16xf32>,
    tpu.vector_store %arg12[%swap3A_230], %broadcast_in_dim3A_82 {strides = array<i32>} : memref<512xf32, #tpu.memory_space<vmem>>, vector<16xf32>,
    %swap3A_232 = arith.constant 144 : index
    %swap3A_233 = tpu.vector_load %arg14[%swap3A_232] {strides = array<i32>} : memref<512xf32, #tpu.memory_space<vmem>>, vector<16xf32>,
    tpu.vector_store %arg14[%swap3A_232], %broadcast_in_dim3A_82 {strides = array<i32>} : memref<512xf32, #tpu.memory_space<vmem>>, vector<16xf32>,
    %swap3A_234 = arith.constant 144 : index
    %swap3A_235 = tpu.vector_load %arg9[%swap3A_234] {strides = array<i32>} : memref<512xf32, #tpu.memory_space<vmem>>, vector<16xf32>,
    tpu.vector_store %arg9[%swap3A_234], %broadcast_in_dim3A_82 {strides = array<i32>} : memref<512xf32, #tpu.memory_space<vmem>>, vector<16xf32>,
    %swap3A_236 = arith.constant 144 : index
    %swap3A_237 = tpu.vector_load %arg11[%swap3A_236] {strides = array<i32>} : memref<512xf32, #tpu.memory_space<vmem>>, vector<16xf32>,
    tpu.vector_store %arg11[%swap3A_236], %broadcast_in_dim3A_82 {strides = array<i32>} : memref<512xf32, #tpu.memory_space<vmem>>, vector<16xf32>,
    %swap3A_238 = arith.constant 144 : index
    %swap3A_239 = tpu.vector_load %arg13[%swap3A_238] {strides = array<i32>} : memref<512xf32, #tpu.memory_space<vmem>>, vector<16xf32>,
    tpu.vector_store %arg13[%swap3A_238], %broadcast_in_dim3A_82 {strides = array<i32>} : memref<512xf32, #tpu.memory_space<vmem>>, vector<16xf32>,
    %swap3A_240 = arith.constant 144 : index
    %swap3A_241 = tpu.vector_load %arg15[%swap3A_240] {strides = array<i32>} : memref<512xf32, #tpu.memory_space<vmem>>, vector<16xf32>,
    tpu.vector_store %arg15[%swap3A_240], %broadcast_in_dim3A_82 {strides = array<i32>} : memref<512xf32, #tpu.memory_space<vmem>>, vector<16xf32>,
    %swap3A_242 = arith.constant 160 : index
    %swap3A_243 = tpu.vector_load %arg8[%swap3A_242] {strides = array<i32>} : memref<512xf32, #tpu.memory_space<vmem>>, vector<16xf32>,
    tpu.vector_store %arg8[%swap3A_242], %broadcast_in_dim3A_82 {strides = array<i32>} : memref<512xf32, #tpu.memory_space<vmem>>, vector<16xf32>,
    %swap3A_244 = arith.constant 160 : index
    %swap3A_245 = tpu.vector_load %arg10[%swap3A_244] {strides = array<i32>} : memref<512xf32, #tpu.memory_space<vmem>>, vector<16xf32>,
    tpu.vector_store %arg10[%swap3A_244], %broadcast_in_dim3A_82 {strides = array<i32>} : memref<512xf32, #tpu.memory_space<vmem>>, vector<16xf32>,
    %swap3A_246 = arith.constant 160 : index
    %swap3A_247 = tpu.vector_load %arg12[%swap3A_246] {strides = array<i32>} : memref<512xf32, #tpu.memory_space<vmem>>, vector<16xf32>,
    tpu.vector_store %arg12[%swap3A_246], %broadcast_in_dim3A_82 {strides = array<i32>} : memref<512xf32, #tpu.memory_space<vmem>>, vector<16xf32>,
    %swap3A_248 = arith.constant 160 : index
    %swap3A_249 = tpu.vector_load %arg14[%swap3A_248] {strides = array<i32>} : memref<512xf32, #tpu.memory_space<vmem>>, vector<16xf32>,
    tpu.vector_store %arg14[%swap3A_248], %broadcast_in_dim3A_82 {strides = array<i32>} : memref<512xf32, #tpu.memory_space<vmem>>, vector<16xf32>,
    %swap3A_250 = arith.constant 160 : index
    %swap3A_251 = tpu.vector_load %arg9[%swap3A_250] {strides = array<i32>} : memref<512xf32, #tpu.memory_space<vmem>>, vector<16xf32>,
    tpu.vector_store %arg9[%swap3A_250], %broadcast_in_dim3A_82 {strides = array<i32>} : memref<512xf32, #tpu.memory_space<vmem>>, vector<16xf32>,
    %swap3A_252 = arith.constant 160 : index
    %swap3A_253 = tpu.vector_load %arg11[%swap3A_252] {strides = array<i32>} : memref<512xf32, #tpu.memory_space<vmem>>, vector<16xf32>,
    tpu.vector_store %arg11[%swap3A_252], %broadcast_in_dim3A_82 {strides = array<i32>} : memref<512xf32, #tpu.memory_space<vmem>>, vector<16xf32>,
    %swap3A_254 = arith.constant 160 : index
    %swap3A_255 = tpu.vector_load %arg13[%swap3A_254] {strides = array<i32>} : memref<512xf32, #tpu.memory_space<vmem>>, vector<16xf32>,
    tpu.vector_store %arg13[%swap3A_254], %broadcast_in_dim3A_82 {strides = array<i32>} : memref<512xf32, #tpu.memory_space<vmem>>, vector<16xf32>,
    %swap3A_256 = arith.constant 160 : index
    %swap3A_257 = tpu.vector_load %arg15[%swap3A_256] {strides = array<i32>} : memref<512xf32, #tpu.memory_space<vmem>>, vector<16xf32>,
    tpu.vector_store %arg15[%swap3A_256], %broadcast_in_dim3A_82 {strides = array<i32>} : memref<512xf32, #tpu.memory_space<vmem>>, vector<16xf32>,
    %swap3A_258 = arith.constant 176 : index
    %swap3A_259 = tpu.vector_load %arg8[%swap3A_258] {strides = array<i32>} : memref<512xf32, #tpu.memory_space<vmem>>, vector<16xf32>,
    tpu.vector_store %arg8[%swap3A_258], %broadcast_in_dim3A_82 {strides = array<i32>} : memref<512xf32, #tpu.memory_space<vmem>>, vector<16xf32>,
    %swap3A_260 = arith.constant 176 : index
    %swap3A_261 = tpu.vector_load %arg10[%swap3A_260] {strides = array<i32>} : memref<512xf32, #tpu.memory_space<vmem>>, vector<16xf32>,
    tpu.vector_store %arg10[%swap3A_260], %broadcast_in_dim3A_82 {strides = array<i32>} : memref<512xf32, #tpu.memory_space<vmem>>, vector<16xf32>,
    %swap3A_262 = arith.constant 176 : index
    %swap3A_263 = tpu.vector_load %arg12[%swap3A_262] {strides = array<i32>} : memref<512xf32, #tpu.memory_space<vmem>>, vector<16xf32>,
    tpu.vector_store %arg12[%swap3A_262], %broadcast_in_dim3A_82 {strides = array<i32>} : memref<512xf32, #tpu.memory_space<vmem>>, vector<16xf32>,
    %swap3A_264 = arith.constant 176 : index
    %swap3A_265 = tpu.vector_load %arg14[%swap3A_264] {strides = array<i32>} : memref<512xf32, #tpu.memory_space<vmem>>, vector<16xf32>,
    tpu.vector_store %arg14[%swap3A_264], %broadcast_in_dim3A_82 {strides = array<i32>} : memref<512xf32, #tpu.memory_space<vmem>>, vector<16xf32>,
    %swap3A_266 = arith.constant 176 : index
    %swap3A_267 = tpu.vector_load %arg9[%swap3A_266] {strides = array<i32>} : memref<512xf32, #tpu.memory_space<vmem>>, vector<16xf32>,
    tpu.vector_store %arg9[%swap3A_266], %broadcast_in_dim3A_82 {strides = array<i32>} : memref<512xf32, #tpu.memory_space<vmem>>, vector<16xf32>,
    %swap3A_268 = arith.constant 176 : index
    %swap3A_269 = tpu.vector_load %arg11[%swap3A_268] {strides = array<i32>} : memref<512xf32, #tpu.memory_space<vmem>>, vector<16xf32>,
    tpu.vector_store %arg11[%swap3A_268], %broadcast_in_dim3A_82 {strides = array<i32>} : memref<512xf32, #tpu.memory_space<vmem>>, vector<16xf32>,
    %swap3A_270 = arith.constant 176 : index
    %swap3A_271 = tpu.vector_load %arg13[%swap3A_270] {strides = array<i32>} : memref<512xf32, #tpu.memory_space<vmem>>, vector<16xf32>,
    tpu.vector_store %arg13[%swap3A_270], %broadcast_in_dim3A_82 {strides = array<i32>} : memref<512xf32, #tpu.memory_space<vmem>>, vector<16xf32>,
    %swap3A_272 = arith.constant 176 : index
    %swap3A_273 = tpu.vector_load %arg15[%swap3A_272] {strides = array<i32>} : memref<512xf32, #tpu.memory_space<vmem>>, vector<16xf32>,
    tpu.vector_store %arg15[%swap3A_272], %broadcast_in_dim3A_82 {strides = array<i32>} : memref<512xf32, #tpu.memory_space<vmem>>, vector<16xf32>,
    %swap3A_274 = arith.constant 192 : index
    %swap3A_275 = tpu.vector_load %arg8[%swap3A_274] {strides = array<i32>} : memref<512xf32, #tpu.memory_space<vmem>>, vector<16xf32>,
    tpu.vector_store %arg8[%swap3A_274], %broadcast_in_dim3A_82 {strides = array<i32>} : memref<512xf32, #tpu.memory_space<vmem>>, vector<16xf32>,
    %swap3A_276 = arith.constant 192 : index
    %swap3A_277 = tpu.vector_load %arg10[%swap3A_276] {strides = array<i32>} : memref<512xf32, #tpu.memory_space<vmem>>, vector<16xf32>,
    tpu.vector_store %arg10[%swap3A_276], %broadcast_in_dim3A_82 {strides = array<i32>} : memref<512xf32, #tpu.memory_space<vmem>>, vector<16xf32>,
    %swap3A_278 = arith.constant 192 : index
    %swap3A_279 = tpu.vector_load %arg12[%swap3A_278] {strides = array<i32>} : memref<512xf32, #tpu.memory_space<vmem>>, vector<16xf32>,
    tpu.vector_store %arg12[%swap3A_278], %broadcast_in_dim3A_82 {strides = array<i32>} : memref<512xf32, #tpu.memory_space<vmem>>, vector<16xf32>,
    %swap3A_280 = arith.constant 192 : index
    %swap3A_281 = tpu.vector_load %arg14[%swap3A_280] {strides = array<i32>} : memref<512xf32, #tpu.memory_space<vmem>>, vector<16xf32>,
    tpu.vector_store %arg14[%swap3A_280], %broadcast_in_dim3A_82 {strides = array<i32>} : memref<512xf32, #tpu.memory_space<vmem>>, vector<16xf32>,
    %swap3A_282 = arith.constant 192 : index
    %swap3A_283 = tpu.vector_load %arg9[%swap3A_282] {strides = array<i32>} : memref<512xf32, #tpu.memory_space<vmem>>, vector<16xf32>,
    tpu.vector_store %arg9[%swap3A_282], %broadcast_in_dim3A_82 {strides = array<i32>} : memref<512xf32, #tpu.memory_space<vmem>>, vector<16xf32>,
    %swap3A_284 = arith.constant 192 : index
    %swap3A_285 = tpu.vector_load %arg11[%swap3A_284] {strides = array<i32>} : memref<512xf32, #tpu.memory_space<vmem>>, vector<16xf32>,
    tpu.vector_store %arg11[%swap3A_284], %broadcast_in_dim3A_82 {strides = array<i32>} : memref<512xf32, #tpu.memory_space<vmem>>, vector<16xf32>,
    %swap3A_286 = arith.constant 192 : index
    %swap3A_287 = tpu.vector_load %arg13[%swap3A_286] {strides = array<i32>} : memref<512xf32, #tpu.memory_space<vmem>>, vector<16xf32>,
    tpu.vector_store %arg13[%swap3A_286], %broadcast_in_dim3A_82 {strides = array<i32>} : memref<512xf32, #tpu.memory_space<vmem>>, vector<16xf32>,
    %swap3A_288 = arith.constant 192 : index
    %swap3A_289 = tpu.vector_load %arg15[%swap3A_288] {strides = array<i32>} : memref<512xf32, #tpu.memory_space<vmem>>, vector<16xf32>,
    tpu.vector_store %arg15[%swap3A_288], %broadcast_in_dim3A_82 {strides = array<i32>} : memref<512xf32, #tpu.memory_space<vmem>>, vector<16xf32>,
    %swap3A_290 = arith.constant 208 : index
    %swap3A_291 = tpu.vector_load %arg8[%swap3A_290] {strides = array<i32>} : memref<512xf32, #tpu.memory_space<vmem>>, vector<16xf32>,
    tpu.vector_store %arg8[%swap3A_290], %broadcast_in_dim3A_82 {strides = array<i32>} : memref<512xf32, #tpu.memory_space<vmem>>, vector<16xf32>,
    %swap3A_292 = arith.constant 208 : index
    %swap3A_293 = tpu.vector_load %arg10[%swap3A_292] {strides = array<i32>} : memref<512xf32, #tpu.memory_space<vmem>>, vector<16xf32>,
    tpu.vector_store %arg10[%swap3A_292], %broadcast_in_dim3A_82 {strides = array<i32>} : memref<512xf32, #tpu.memory_space<vmem>>, vector<16xf32>,
    %swap3A_294 = arith.constant 208 : index
    %swap3A_295 = tpu.vector_load %arg12[%swap3A_294] {strides = array<i32>} : memref<512xf32, #tpu.memory_space<vmem>>, vector<16xf32>,
    tpu.vector_store %arg12[%swap3A_294], %broadcast_in_dim3A_82 {strides = array<i32>} : memref<512xf32, #tpu.memory_space<vmem>>, vector<16xf32>,
    %swap3A_296 = arith.constant 208 : index
    %swap3A_297 = tpu.vector_load %arg14[%swap3A_296] {strides = array<i32>} : memref<512xf32, #tpu.memory_space<vmem>>, vector<16xf32>,
    tpu.vector_store %arg14[%swap3A_296], %broadcast_in_dim3A_82 {strides = array<i32>} : memref<512xf32, #tpu.memory_space<vmem>>, vector<16xf32>,
    %swap3A_298 = arith.constant 208 : index
    %swap3A_299 = tpu.vector_load %arg9[%swap3A_298] {strides = array<i32>} : memref<512xf32, #tpu.memory_space<vmem>>, vector<16xf32>,
    tpu.vector_store %arg9[%swap3A_298], %broadcast_in_dim3A_82 {strides = array<i32>} : memref<512xf32, #tpu.memory_space<vmem>>, vector<16xf32>,
    %swap3A_300 = arith.constant 208 : index
    %swap3A_301 = tpu.vector_load %arg11[%swap3A_300] {strides = array<i32>} : memref<512xf32, #tpu.memory_space<vmem>>, vector<16xf32>,
    tpu.vector_store %arg11[%swap3A_300], %broadcast_in_dim3A_82 {strides = array<i32>} : memref<512xf32, #tpu.memory_space<vmem>>, vector<16xf32>,
    %swap3A_302 = arith.constant 208 : index
    %swap3A_303 = tpu.vector_load %arg13[%swap3A_302] {strides = array<i32>} : memref<512xf32, #tpu.memory_space<vmem>>, vector<16xf32>,
    tpu.vector_store %arg13[%swap3A_302], %broadcast_in_dim3A_82 {strides = array<i32>} : memref<512xf32, #tpu.memory_space<vmem>>, vector<16xf32>,
    %swap3A_304 = arith.constant 208 : index
    %swap3A_305 = tpu.vector_load %arg15[%swap3A_304] {strides = array<i32>} : memref<512xf32, #tpu.memory_space<vmem>>, vector<16xf32>,
    tpu.vector_store %arg15[%swap3A_304], %broadcast_in_dim3A_82 {strides = array<i32>} : memref<512xf32, #tpu.memory_space<vmem>>, vector<16xf32>,
    %swap3A_306 = arith.constant 224 : index
    %swap3A_307 = tpu.vector_load %arg8[%swap3A_306] {strides = array<i32>} : memref<512xf32, #tpu.memory_space<vmem>>, vector<16xf32>,
    tpu.vector_store %arg8[%swap3A_306], %broadcast_in_dim3A_82 {strides = array<i32>} : memref<512xf32, #tpu.memory_space<vmem>>, vector<16xf32>,
    %swap3A_308 = arith.constant 224 : index
    %swap3A_309 = tpu.vector_load %arg10[%swap3A_308] {strides = array<i32>} : memref<512xf32, #tpu.memory_space<vmem>>, vector<16xf32>,
    tpu.vector_store %arg10[%swap3A_308], %broadcast_in_dim3A_82 {strides = array<i32>} : memref<512xf32, #tpu.memory_space<vmem>>, vector<16xf32>,
    %swap3A_310 = arith.constant 224 : index
    %swap3A_311 = tpu.vector_load %arg12[%swap3A_310] {strides = array<i32>} : memref<512xf32, #tpu.memory_space<vmem>>, vector<16xf32>,
    tpu.vector_store %arg12[%swap3A_310], %broadcast_in_dim3A_82 {strides = array<i32>} : memref<512xf32, #tpu.memory_space<vmem>>, vector<16xf32>,
    %swap3A_312 = arith.constant 224 : index
    %swap3A_313 = tpu.vector_load %arg14[%swap3A_312] {strides = array<i32>} : memref<512xf32, #tpu.memory_space<vmem>>, vector<16xf32>,
    tpu.vector_store %arg14[%swap3A_312], %broadcast_in_dim3A_82 {strides = array<i32>} : memref<512xf32, #tpu.memory_space<vmem>>, vector<16xf32>,
    %swap3A_314 = arith.constant 224 : index
    %swap3A_315 = tpu.vector_load %arg9[%swap3A_314] {strides = array<i32>} : memref<512xf32, #tpu.memory_space<vmem>>, vector<16xf32>,
    tpu.vector_store %arg9[%swap3A_314], %broadcast_in_dim3A_82 {strides = array<i32>} : memref<512xf32, #tpu.memory_space<vmem>>, vector<16xf32>,
    %swap3A_316 = arith.constant 224 : index
    %swap3A_317 = tpu.vector_load %arg11[%swap3A_316] {strides = array<i32>} : memref<512xf32, #tpu.memory_space<vmem>>, vector<16xf32>,
    tpu.vector_store %arg11[%swap3A_316], %broadcast_in_dim3A_82 {strides = array<i32>} : memref<512xf32, #tpu.memory_space<vmem>>, vector<16xf32>,
    %swap3A_318 = arith.constant 224 : index
    %swap3A_319 = tpu.vector_load %arg13[%swap3A_318] {strides = array<i32>} : memref<512xf32, #tpu.memory_space<vmem>>, vector<16xf32>,
    tpu.vector_store %arg13[%swap3A_318], %broadcast_in_dim3A_82 {strides = array<i32>} : memref<512xf32, #tpu.memory_space<vmem>>, vector<16xf32>,
    %swap3A_320 = arith.constant 224 : index
    %swap3A_321 = tpu.vector_load %arg15[%swap3A_320] {strides = array<i32>} : memref<512xf32, #tpu.memory_space<vmem>>, vector<16xf32>,
    tpu.vector_store %arg15[%swap3A_320], %broadcast_in_dim3A_82 {strides = array<i32>} : memref<512xf32, #tpu.memory_space<vmem>>, vector<16xf32>,
    %swap3A_322 = arith.constant 240 : index
    %swap3A_323 = tpu.vector_load %arg8[%swap3A_322] {strides = array<i32>} : memref<512xf32, #tpu.memory_space<vmem>>, vector<16xf32>,
    tpu.vector_store %arg8[%swap3A_322], %broadcast_in_dim3A_82 {strides = array<i32>} : memref<512xf32, #tpu.memory_space<vmem>>, vector<16xf32>,
    %swap3A_324 = arith.constant 240 : index
    %swap3A_325 = tpu.vector_load %arg10[%swap3A_324] {strides = array<i32>} : memref<512xf32, #tpu.memory_space<vmem>>, vector<16xf32>,
    tpu.vector_store %arg10[%swap3A_324], %broadcast_in_dim3A_82 {strides = array<i32>} : memref<512xf32, #tpu.memory_space<vmem>>, vector<16xf32>,
    %swap3A_326 = arith.constant 240 : index
    %swap3A_327 = tpu.vector_load %arg12[%swap3A_326] {strides = array<i32>} : memref<512xf32, #tpu.memory_space<vmem>>, vector<16xf32>,
    tpu.vector_store %arg12[%swap3A_326], %broadcast_in_dim3A_82 {strides = array<i32>} : memref<512xf32, #tpu.memory_space<vmem>>, vector<16xf32>,
    %swap3A_328 = arith.constant 240 : index
    %swap3A_329 = tpu.vector_load %arg14[%swap3A_328] {strides = array<i32>} : memref<512xf32, #tpu.memory_space<vmem>>, vector<16xf32>,
    tpu.vector_store %arg14[%swap3A_328], %broadcast_in_dim3A_82 {strides = array<i32>} : memref<512xf32, #tpu.memory_space<vmem>>, vector<16xf32>,
    %swap3A_330 = arith.constant 240 : index
    %swap3A_331 = tpu.vector_load %arg9[%swap3A_330] {strides = array<i32>} : memref<512xf32, #tpu.memory_space<vmem>>, vector<16xf32>,
    tpu.vector_store %arg9[%swap3A_330], %broadcast_in_dim3A_82 {strides = array<i32>} : memref<512xf32, #tpu.memory_space<vmem>>, vector<16xf32>,
    %swap3A_332 = arith.constant 240 : index
    %swap3A_333 = tpu.vector_load %arg11[%swap3A_332] {strides = array<i32>} : memref<512xf32, #tpu.memory_space<vmem>>, vector<16xf32>,
    tpu.vector_store %arg11[%swap3A_332], %broadcast_in_dim3A_82 {strides = array<i32>} : memref<512xf32, #tpu.memory_space<vmem>>, vector<16xf32>,
    %swap3A_334 = arith.constant 240 : index
    %swap3A_335 = tpu.vector_load %arg13[%swap3A_334] {strides = array<i32>} : memref<512xf32, #tpu.memory_space<vmem>>, vector<16xf32>,
    tpu.vector_store %arg13[%swap3A_334], %broadcast_in_dim3A_82 {strides = array<i32>} : memref<512xf32, #tpu.memory_space<vmem>>, vector<16xf32>,
    %swap3A_336 = arith.constant 240 : index
    %swap3A_337 = tpu.vector_load %arg15[%swap3A_336] {strides = array<i32>} : memref<512xf32, #tpu.memory_space<vmem>>, vector<16xf32>,
    tpu.vector_store %arg15[%swap3A_336], %broadcast_in_dim3A_82 {strides = array<i32>} : memref<512xf32, #tpu.memory_space<vmem>>, vector<16xf32>,
    %swap3A_338 = arith.constant 256 : index
    %swap3A_339 = tpu.vector_load %arg8[%swap3A_338] {strides = array<i32>} : memref<512xf32, #tpu.memory_space<vmem>>, vector<16xf32>,
    tpu.vector_store %arg8[%swap3A_338], %broadcast_in_dim3A_82 {strides = array<i32>} : memref<512xf32, #tpu.memory_space<vmem>>, vector<16xf32>,
    %swap3A_340 = arith.constant 256 : index
    %swap3A_341 = tpu.vector_load %arg10[%swap3A_340] {strides = array<i32>} : memref<512xf32, #tpu.memory_space<vmem>>, vector<16xf32>,
    tpu.vector_store %arg10[%swap3A_340], %broadcast_in_dim3A_82 {strides = array<i32>} : memref<512xf32, #tpu.memory_space<vmem>>, vector<16xf32>,
    %swap3A_342 = arith.constant 256 : index
    %swap3A_343 = tpu.vector_load %arg12[%swap3A_342] {strides = array<i32>} : memref<512xf32, #tpu.memory_space<vmem>>, vector<16xf32>,
    tpu.vector_store %arg12[%swap3A_342], %broadcast_in_dim3A_82 {strides = array<i32>} : memref<512xf32, #tpu.memory_space<vmem>>, vector<16xf32>,
    %swap3A_344 = arith.constant 256 : index
    %swap3A_345 = tpu.vector_load %arg14[%swap3A_344] {strides = array<i32>} : memref<512xf32, #tpu.memory_space<vmem>>, vector<16xf32>,
    tpu.vector_store %arg14[%swap3A_344], %broadcast_in_dim3A_82 {strides = array<i32>} : memref<512xf32, #tpu.memory_space<vmem>>, vector<16xf32>,
    %swap3A_346 = arith.constant 256 : index
    %swap3A_347 = tpu.vector_load %arg9[%swap3A_346] {strides = array<i32>} : memref<512xf32, #tpu.memory_space<vmem>>, vector<16xf32>,
    tpu.vector_store %arg9[%swap3A_346], %broadcast_in_dim3A_82 {strides = array<i32>} : memref<512xf32, #tpu.memory_space<vmem>>, vector<16xf32>,
    %swap3A_348 = arith.constant 256 : index
    %swap3A_349 = tpu.vector_load %arg11[%swap3A_348] {strides = array<i32>} : memref<512xf32, #tpu.memory_space<vmem>>, vector<16xf32>,
    tpu.vector_store %arg11[%swap3A_348], %broadcast_in_dim3A_82 {strides = array<i32>} : memref<512xf32, #tpu.memory_space<vmem>>, vector<16xf32>,
    %swap3A_350 = arith.constant 256 : index
    %swap3A_351 = tpu.vector_load %arg13[%swap3A_350] {strides = array<i32>} : memref<512xf32, #tpu.memory_space<vmem>>, vector<16xf32>,
    tpu.vector_store %arg13[%swap3A_350], %broadcast_in_dim3A_82 {strides = array<i32>} : memref<512xf32, #tpu.memory_space<vmem>>, vector<16xf32>,
    %swap3A_352 = arith.constant 256 : index
    %swap3A_353 = tpu.vector_load %arg15[%swap3A_352] {strides = array<i32>} : memref<512xf32, #tpu.memory_space<vmem>>, vector<16xf32>,
    tpu.vector_store %arg15[%swap3A_352], %broadcast_in_dim3A_82 {strides = array<i32>} : memref<512xf32, #tpu.memory_space<vmem>>, vector<16xf32>,
    %swap3A_354 = arith.constant 272 : index
    %swap3A_355 = tpu.vector_load %arg8[%swap3A_354] {strides = array<i32>} : memref<512xf32, #tpu.memory_space<vmem>>, vector<16xf32>,
    tpu.vector_store %arg8[%swap3A_354], %broadcast_in_dim3A_82 {strides = array<i32>} : memref<512xf32, #tpu.memory_space<vmem>>, vector<16xf32>,
    %swap3A_356 = arith.constant 272 : index
    %swap3A_357 = tpu.vector_load %arg10[%swap3A_356] {strides = array<i32>} : memref<512xf32, #tpu.memory_space<vmem>>, vector<16xf32>,
    tpu.vector_store %arg10[%swap3A_356], %broadcast_in_dim3A_82 {strides = array<i32>} : memref<512xf32, #tpu.memory_space<vmem>>, vector<16xf32>,
    %swap3A_358 = arith.constant 272 : index
    %swap3A_359 = tpu.vector_load %arg12[%swap3A_358] {strides = array<i32>} : memref<512xf32, #tpu.memory_space<vmem>>, vector<16xf32>,
    tpu.vector_store %arg12[%swap3A_358], %broadcast_in_dim3A_82 {strides = array<i32>} : memref<512xf32, #tpu.memory_space<vmem>>, vector<16xf32>,
    %swap3A_360 = arith.constant 272 : index
    %swap3A_361 = tpu.vector_load %arg14[%swap3A_360] {strides = array<i32>} : memref<512xf32, #tpu.memory_space<vmem>>, vector<16xf32>,
    tpu.vector_store %arg14[%swap3A_360], %broadcast_in_dim3A_82 {strides = array<i32>} : memref<512xf32, #tpu.memory_space<vmem>>, vector<16xf32>,
    %swap3A_362 = arith.constant 272 : index
    %swap3A_363 = tpu.vector_load %arg9[%swap3A_362] {strides = array<i32>} : memref<512xf32, #tpu.memory_space<vmem>>, vector<16xf32>,
    tpu.vector_store %arg9[%swap3A_362], %broadcast_in_dim3A_82 {strides = array<i32>} : memref<512xf32, #tpu.memory_space<vmem>>, vector<16xf32>,
    %swap3A_364 = arith.constant 272 : index
    %swap3A_365 = tpu.vector_load %arg11[%swap3A_364] {strides = array<i32>} : memref<512xf32, #tpu.memory_space<vmem>>, vector<16xf32>,
    tpu.vector_store %arg11[%swap3A_364], %broadcast_in_dim3A_82 {strides = array<i32>} : memref<512xf32, #tpu.memory_space<vmem>>, vector<16xf32>,
    %swap3A_366 = arith.constant 272 : index
    %swap3A_367 = tpu.vector_load %arg13[%swap3A_366] {strides = array<i32>} : memref<512xf32, #tpu.memory_space<vmem>>, vector<16xf32>,
    tpu.vector_store %arg13[%swap3A_366], %broadcast_in_dim3A_82 {strides = array<i32>} : memref<512xf32, #tpu.memory_space<vmem>>, vector<16xf32>,
    %swap3A_368 = arith.constant 272 : index
    %swap3A_369 = tpu.vector_load %arg15[%swap3A_368] {strides = array<i32>} : memref<512xf32, #tpu.memory_space<vmem>>, vector<16xf32>,
    tpu.vector_store %arg15[%swap3A_368], %broadcast_in_dim3A_82 {strides = array<i32>} : memref<512xf32, #tpu.memory_space<vmem>>, vector<16xf32>,
    %swap3A_370 = arith.constant 288 : index
    %swap3A_371 = tpu.vector_load %arg8[%swap3A_370] {strides = array<i32>} : memref<512xf32, #tpu.memory_space<vmem>>, vector<16xf32>,
    tpu.vector_store %arg8[%swap3A_370], %broadcast_in_dim3A_82 {strides = array<i32>} : memref<512xf32, #tpu.memory_space<vmem>>, vector<16xf32>,
    %swap3A_372 = arith.constant 288 : index
    %swap3A_373 = tpu.vector_load %arg10[%swap3A_372] {strides = array<i32>} : memref<512xf32, #tpu.memory_space<vmem>>, vector<16xf32>,
    tpu.vector_store %arg10[%swap3A_372], %broadcast_in_dim3A_82 {strides = array<i32>} : memref<512xf32, #tpu.memory_space<vmem>>, vector<16xf32>,
    %swap3A_374 = arith.constant 288 : index
    %swap3A_375 = tpu.vector_load %arg12[%swap3A_374] {strides = array<i32>} : memref<512xf32, #tpu.memory_space<vmem>>, vector<16xf32>,
    tpu.vector_store %arg12[%swap3A_374], %broadcast_in_dim3A_82 {strides = array<i32>} : memref<512xf32, #tpu.memory_space<vmem>>, vector<16xf32>,
    %swap3A_376 = arith.constant 288 : index
    %swap3A_377 = tpu.vector_load %arg14[%swap3A_376] {strides = array<i32>} : memref<512xf32, #tpu.memory_space<vmem>>, vector<16xf32>,
    tpu.vector_store %arg14[%swap3A_376], %broadcast_in_dim3A_82 {strides = array<i32>} : memref<512xf32, #tpu.memory_space<vmem>>, vector<16xf32>,
    %swap3A_378 = arith.constant 288 : index
    %swap3A_379 = tpu.vector_load %arg9[%swap3A_378] {strides = array<i32>} : memref<512xf32, #tpu.memory_space<vmem>>, vector<16xf32>,
    tpu.vector_store %arg9[%swap3A_378], %broadcast_in_dim3A_82 {strides = array<i32>} : memref<512xf32, #tpu.memory_space<vmem>>, vector<16xf32>,
    %swap3A_380 = arith.constant 288 : index
    %swap3A_381 = tpu.vector_load %arg11[%swap3A_380] {strides = array<i32>} : memref<512xf32, #tpu.memory_space<vmem>>, vector<16xf32>,
    tpu.vector_store %arg11[%swap3A_380], %broadcast_in_dim3A_82 {strides = array<i32>} : memref<512xf32, #tpu.memory_space<vmem>>, vector<16xf32>,
    %swap3A_382 = arith.constant 288 : index
    %swap3A_383 = tpu.vector_load %arg13[%swap3A_382] {strides = array<i32>} : memref<512xf32, #tpu.memory_space<vmem>>, vector<16xf32>,
    tpu.vector_store %arg13[%swap3A_382], %broadcast_in_dim3A_82 {strides = array<i32>} : memref<512xf32, #tpu.memory_space<vmem>>, vector<16xf32>,
    %swap3A_384 = arith.constant 288 : index
    %swap3A_385 = tpu.vector_load %arg15[%swap3A_384] {strides = array<i32>} : memref<512xf32, #tpu.memory_space<vmem>>, vector<16xf32>,
    tpu.vector_store %arg15[%swap3A_384], %broadcast_in_dim3A_82 {strides = array<i32>} : memref<512xf32, #tpu.memory_space<vmem>>, vector<16xf32>,
    %swap3A_386 = arith.constant 304 : index
    %swap3A_387 = tpu.vector_load %arg8[%swap3A_386] {strides = array<i32>} : memref<512xf32, #tpu.memory_space<vmem>>, vector<16xf32>,
    tpu.vector_store %arg8[%swap3A_386], %broadcast_in_dim3A_82 {strides = array<i32>} : memref<512xf32, #tpu.memory_space<vmem>>, vector<16xf32>,
    %swap3A_388 = arith.constant 304 : index
    %swap3A_389 = tpu.vector_load %arg10[%swap3A_388] {strides = array<i32>} : memref<512xf32, #tpu.memory_space<vmem>>, vector<16xf32>,
    tpu.vector_store %arg10[%swap3A_388], %broadcast_in_dim3A_82 {strides = array<i32>} : memref<512xf32, #tpu.memory_space<vmem>>, vector<16xf32>,
    %swap3A_390 = arith.constant 304 : index
    %swap3A_391 = tpu.vector_load %arg12[%swap3A_390] {strides = array<i32>} : memref<512xf32, #tpu.memory_space<vmem>>, vector<16xf32>,
    tpu.vector_store %arg12[%swap3A_390], %broadcast_in_dim3A_82 {strides = array<i32>} : memref<512xf32, #tpu.memory_space<vmem>>, vector<16xf32>,
    %swap3A_392 = arith.constant 304 : index
    %swap3A_393 = tpu.vector_load %arg14[%swap3A_392] {strides = array<i32>} : memref<512xf32, #tpu.memory_space<vmem>>, vector<16xf32>,
    tpu.vector_store %arg14[%swap3A_392], %broadcast_in_dim3A_82 {strides = array<i32>} : memref<512xf32, #tpu.memory_space<vmem>>, vector<16xf32>,
    %swap3A_394 = arith.constant 304 : index
    %swap3A_395 = tpu.vector_load %arg9[%swap3A_394] {strides = array<i32>} : memref<512xf32, #tpu.memory_space<vmem>>, vector<16xf32>,
    tpu.vector_store %arg9[%swap3A_394], %broadcast_in_dim3A_82 {strides = array<i32>} : memref<512xf32, #tpu.memory_space<vmem>>, vector<16xf32>,
    %swap3A_396 = arith.constant 304 : index
    %swap3A_397 = tpu.vector_load %arg11[%swap3A_396] {strides = array<i32>} : memref<512xf32, #tpu.memory_space<vmem>>, vector<16xf32>,
    tpu.vector_store %arg11[%swap3A_396], %broadcast_in_dim3A_82 {strides = array<i32>} : memref<512xf32, #tpu.memory_space<vmem>>, vector<16xf32>,
    %swap3A_398 = arith.constant 304 : index
    %swap3A_399 = tpu.vector_load %arg13[%swap3A_398] {strides = array<i32>} : memref<512xf32, #tpu.memory_space<vmem>>, vector<16xf32>,
    tpu.vector_store %arg13[%swap3A_398], %broadcast_in_dim3A_82 {strides = array<i32>} : memref<512xf32, #tpu.memory_space<vmem>>, vector<16xf32>,
    %swap3A_400 = arith.constant 304 : index
    %swap3A_401 = tpu.vector_load %arg15[%swap3A_400] {strides = array<i32>} : memref<512xf32, #tpu.memory_space<vmem>>, vector<16xf32>,
    tpu.vector_store %arg15[%swap3A_400], %broadcast_in_dim3A_82 {strides = array<i32>} : memref<512xf32, #tpu.memory_space<vmem>>, vector<16xf32>,
    %swap3A_402 = arith.constant 320 : index
    %swap3A_403 = tpu.vector_load %arg8[%swap3A_402] {strides = array<i32>} : memref<512xf32, #tpu.memory_space<vmem>>, vector<16xf32>,
    tpu.vector_store %arg8[%swap3A_402], %broadcast_in_dim3A_82 {strides = array<i32>} : memref<512xf32, #tpu.memory_space<vmem>>, vector<16xf32>,
    %swap3A_404 = arith.constant 320 : index
    %swap3A_405 = tpu.vector_load %arg10[%swap3A_404] {strides = array<i32>} : memref<512xf32, #tpu.memory_space<vmem>>, vector<16xf32>,
    tpu.vector_store %arg10[%swap3A_404], %broadcast_in_dim3A_82 {strides = array<i32>} : memref<512xf32, #tpu.memory_space<vmem>>, vector<16xf32>,
    %swap3A_406 = arith.constant 320 : index
    %swap3A_407 = tpu.vector_load %arg12[%swap3A_406] {strides = array<i32>} : memref<512xf32, #tpu.memory_space<vmem>>, vector<16xf32>,
    tpu.vector_store %arg12[%swap3A_406], %broadcast_in_dim3A_82 {strides = array<i32>} : memref<512xf32, #tpu.memory_space<vmem>>, vector<16xf32>,
    %swap3A_408 = arith.constant 320 : index
    %swap3A_409 = tpu.vector_load %arg14[%swap3A_408] {strides = array<i32>} : memref<512xf32, #tpu.memory_space<vmem>>, vector<16xf32>,
    tpu.vector_store %arg14[%swap3A_408], %broadcast_in_dim3A_82 {strides = array<i32>} : memref<512xf32, #tpu.memory_space<vmem>>, vector<16xf32>,
    %swap3A_410 = arith.constant 320 : index
    %swap3A_411 = tpu.vector_load %arg9[%swap3A_410] {strides = array<i32>} : memref<512xf32, #tpu.memory_space<vmem>>, vector<16xf32>,
    tpu.vector_store %arg9[%swap3A_410], %broadcast_in_dim3A_82 {strides = array<i32>} : memref<512xf32, #tpu.memory_space<vmem>>, vector<16xf32>,
    %swap3A_412 = arith.constant 320 : index
    %swap3A_413 = tpu.vector_load %arg11[%swap3A_412] {strides = array<i32>} : memref<512xf32, #tpu.memory_space<vmem>>, vector<16xf32>,
    tpu.vector_store %arg11[%swap3A_412], %broadcast_in_dim3A_82 {strides = array<i32>} : memref<512xf32, #tpu.memory_space<vmem>>, vector<16xf32>,
    %swap3A_414 = arith.constant 320 : index
    %swap3A_415 = tpu.vector_load %arg13[%swap3A_414] {strides = array<i32>} : memref<512xf32, #tpu.memory_space<vmem>>, vector<16xf32>,
    tpu.vector_store %arg13[%swap3A_414], %broadcast_in_dim3A_82 {strides = array<i32>} : memref<512xf32, #tpu.memory_space<vmem>>, vector<16xf32>,
    %swap3A_416 = arith.constant 320 : index
    %swap3A_417 = tpu.vector_load %arg15[%swap3A_416] {strides = array<i32>} : memref<512xf32, #tpu.memory_space<vmem>>, vector<16xf32>,
    tpu.vector_store %arg15[%swap3A_416], %broadcast_in_dim3A_82 {strides = array<i32>} : memref<512xf32, #tpu.memory_space<vmem>>, vector<16xf32>,
    %swap3A_418 = arith.constant 336 : index
    %swap3A_419 = tpu.vector_load %arg8[%swap3A_418] {strides = array<i32>} : memref<512xf32, #tpu.memory_space<vmem>>, vector<16xf32>,
    tpu.vector_store %arg8[%swap3A_418], %broadcast_in_dim3A_82 {strides = array<i32>} : memref<512xf32, #tpu.memory_space<vmem>>, vector<16xf32>,
    %swap3A_420 = arith.constant 336 : index
    %swap3A_421 = tpu.vector_load %arg10[%swap3A_420] {strides = array<i32>} : memref<512xf32, #tpu.memory_space<vmem>>, vector<16xf32>,
    tpu.vector_store %arg10[%swap3A_420], %broadcast_in_dim3A_82 {strides = array<i32>} : memref<512xf32, #tpu.memory_space<vmem>>, vector<16xf32>,
    %swap3A_422 = arith.constant 336 : index
    %swap3A_423 = tpu.vector_load %arg12[%swap3A_422] {strides = array<i32>} : memref<512xf32, #tpu.memory_space<vmem>>, vector<16xf32>,
    tpu.vector_store %arg12[%swap3A_422], %broadcast_in_dim3A_82 {strides = array<i32>} : memref<512xf32, #tpu.memory_space<vmem>>, vector<16xf32>,
    %swap3A_424 = arith.constant 336 : index
    %swap3A_425 = tpu.vector_load %arg14[%swap3A_424] {strides = array<i32>} : memref<512xf32, #tpu.memory_space<vmem>>, vector<16xf32>,
    tpu.vector_store %arg14[%swap3A_424], %broadcast_in_dim3A_82 {strides = array<i32>} : memref<512xf32, #tpu.memory_space<vmem>>, vector<16xf32>,
    %swap3A_426 = arith.constant 336 : index
    %swap3A_427 = tpu.vector_load %arg9[%swap3A_426] {strides = array<i32>} : memref<512xf32, #tpu.memory_space<vmem>>, vector<16xf32>,
    tpu.vector_store %arg9[%swap3A_426], %broadcast_in_dim3A_82 {strides = array<i32>} : memref<512xf32, #tpu.memory_space<vmem>>, vector<16xf32>,
    %swap3A_428 = arith.constant 336 : index
    %swap3A_429 = tpu.vector_load %arg11[%swap3A_428] {strides = array<i32>} : memref<512xf32, #tpu.memory_space<vmem>>, vector<16xf32>,
    tpu.vector_store %arg11[%swap3A_428], %broadcast_in_dim3A_82 {strides = array<i32>} : memref<512xf32, #tpu.memory_space<vmem>>, vector<16xf32>,
    %swap3A_430 = arith.constant 336 : index
    %swap3A_431 = tpu.vector_load %arg13[%swap3A_430] {strides = array<i32>} : memref<512xf32, #tpu.memory_space<vmem>>, vector<16xf32>,
    tpu.vector_store %arg13[%swap3A_430], %broadcast_in_dim3A_82 {strides = array<i32>} : memref<512xf32, #tpu.memory_space<vmem>>, vector<16xf32>,
    %swap3A_432 = arith.constant 336 : index
    %swap3A_433 = tpu.vector_load %arg15[%swap3A_432] {strides = array<i32>} : memref<512xf32, #tpu.memory_space<vmem>>, vector<16xf32>,
    tpu.vector_store %arg15[%swap3A_432], %broadcast_in_dim3A_82 {strides = array<i32>} : memref<512xf32, #tpu.memory_space<vmem>>, vector<16xf32>,
    %swap3A_434 = arith.constant 352 : index
    %swap3A_435 = tpu.vector_load %arg8[%swap3A_434] {strides = array<i32>} : memref<512xf32, #tpu.memory_space<vmem>>, vector<16xf32>,
    tpu.vector_store %arg8[%swap3A_434], %broadcast_in_dim3A_82 {strides = array<i32>} : memref<512xf32, #tpu.memory_space<vmem>>, vector<16xf32>,
    %swap3A_436 = arith.constant 352 : index
    %swap3A_437 = tpu.vector_load %arg10[%swap3A_436] {strides = array<i32>} : memref<512xf32, #tpu.memory_space<vmem>>, vector<16xf32>,
    tpu.vector_store %arg10[%swap3A_436], %broadcast_in_dim3A_82 {strides = array<i32>} : memref<512xf32, #tpu.memory_space<vmem>>, vector<16xf32>,
    %swap3A_438 = arith.constant 352 : index
    %swap3A_439 = tpu.vector_load %arg12[%swap3A_438] {strides = array<i32>} : memref<512xf32, #tpu.memory_space<vmem>>, vector<16xf32>,
    tpu.vector_store %arg12[%swap3A_438], %broadcast_in_dim3A_82 {strides = array<i32>} : memref<512xf32, #tpu.memory_space<vmem>>, vector<16xf32>,
    %swap3A_440 = arith.constant 352 : index
    %swap3A_441 = tpu.vector_load %arg14[%swap3A_440] {strides = array<i32>} : memref<512xf32, #tpu.memory_space<vmem>>, vector<16xf32>,
    tpu.vector_store %arg14[%swap3A_440], %broadcast_in_dim3A_82 {strides = array<i32>} : memref<512xf32, #tpu.memory_space<vmem>>, vector<16xf32>,
    %swap3A_442 = arith.constant 352 : index
    %swap3A_443 = tpu.vector_load %arg9[%swap3A_442] {strides = array<i32>} : memref<512xf32, #tpu.memory_space<vmem>>, vector<16xf32>,
    tpu.vector_store %arg9[%swap3A_442], %broadcast_in_dim3A_82 {strides = array<i32>} : memref<512xf32, #tpu.memory_space<vmem>>, vector<16xf32>,
    %swap3A_444 = arith.constant 352 : index
    %swap3A_445 = tpu.vector_load %arg11[%swap3A_444] {strides = array<i32>} : memref<512xf32, #tpu.memory_space<vmem>>, vector<16xf32>,
    tpu.vector_store %arg11[%swap3A_444], %broadcast_in_dim3A_82 {strides = array<i32>} : memref<512xf32, #tpu.memory_space<vmem>>, vector<16xf32>,
    %swap3A_446 = arith.constant 352 : index
    %swap3A_447 = tpu.vector_load %arg13[%swap3A_446] {strides = array<i32>} : memref<512xf32, #tpu.memory_space<vmem>>, vector<16xf32>,
    tpu.vector_store %arg13[%swap3A_446], %broadcast_in_dim3A_82 {strides = array<i32>} : memref<512xf32, #tpu.memory_space<vmem>>, vector<16xf32>,
    %swap3A_448 = arith.constant 352 : index
    %swap3A_449 = tpu.vector_load %arg15[%swap3A_448] {strides = array<i32>} : memref<512xf32, #tpu.memory_space<vmem>>, vector<16xf32>,
    tpu.vector_store %arg15[%swap3A_448], %broadcast_in_dim3A_82 {strides = array<i32>} : memref<512xf32, #tpu.memory_space<vmem>>, vector<16xf32>,
    %swap3A_450 = arith.constant 368 : index
    %swap3A_451 = tpu.vector_load %arg8[%swap3A_450] {strides = array<i32>} : memref<512xf32, #tpu.memory_space<vmem>>, vector<16xf32>,
    tpu.vector_store %arg8[%swap3A_450], %broadcast_in_dim3A_82 {strides = array<i32>} : memref<512xf32, #tpu.memory_space<vmem>>, vector<16xf32>,
    %swap3A_452 = arith.constant 368 : index
    %swap3A_453 = tpu.vector_load %arg10[%swap3A_452] {strides = array<i32>} : memref<512xf32, #tpu.memory_space<vmem>>, vector<16xf32>,
    tpu.vector_store %arg10[%swap3A_452], %broadcast_in_dim3A_82 {strides = array<i32>} : memref<512xf32, #tpu.memory_space<vmem>>, vector<16xf32>,
    %swap3A_454 = arith.constant 368 : index
    %swap3A_455 = tpu.vector_load %arg12[%swap3A_454] {strides = array<i32>} : memref<512xf32, #tpu.memory_space<vmem>>, vector<16xf32>,
    tpu.vector_store %arg12[%swap3A_454], %broadcast_in_dim3A_82 {strides = array<i32>} : memref<512xf32, #tpu.memory_space<vmem>>, vector<16xf32>,
    %swap3A_456 = arith.constant 368 : index
    %swap3A_457 = tpu.vector_load %arg14[%swap3A_456] {strides = array<i32>} : memref<512xf32, #tpu.memory_space<vmem>>, vector<16xf32>,
    tpu.vector_store %arg14[%swap3A_456], %broadcast_in_dim3A_82 {strides = array<i32>} : memref<512xf32, #tpu.memory_space<vmem>>, vector<16xf32>,
    %swap3A_458 = arith.constant 368 : index
    %swap3A_459 = tpu.vector_load %arg9[%swap3A_458] {strides = array<i32>} : memref<512xf32, #tpu.memory_space<vmem>>, vector<16xf32>,
    tpu.vector_store %arg9[%swap3A_458], %broadcast_in_dim3A_82 {strides = array<i32>} : memref<512xf32, #tpu.memory_space<vmem>>, vector<16xf32>,
    %swap3A_460 = arith.constant 368 : index
    %swap3A_461 = tpu.vector_load %arg11[%swap3A_460] {strides = array<i32>} : memref<512xf32, #tpu.memory_space<vmem>>, vector<16xf32>,
    tpu.vector_store %arg11[%swap3A_460], %broadcast_in_dim3A_82 {strides = array<i32>} : memref<512xf32, #tpu.memory_space<vmem>>, vector<16xf32>,
    %swap3A_462 = arith.constant 368 : index
    %swap3A_463 = tpu.vector_load %arg13[%swap3A_462] {strides = array<i32>} : memref<512xf32, #tpu.memory_space<vmem>>, vector<16xf32>,
    tpu.vector_store %arg13[%swap3A_462], %broadcast_in_dim3A_82 {strides = array<i32>} : memref<512xf32, #tpu.memory_space<vmem>>, vector<16xf32>,
    %swap3A_464 = arith.constant 368 : index
    %swap3A_465 = tpu.vector_load %arg15[%swap3A_464] {strides = array<i32>} : memref<512xf32, #tpu.memory_space<vmem>>, vector<16xf32>,
    tpu.vector_store %arg15[%swap3A_464], %broadcast_in_dim3A_82 {strides = array<i32>} : memref<512xf32, #tpu.memory_space<vmem>>, vector<16xf32>,
    %swap3A_466 = arith.constant 384 : index
    %swap3A_467 = tpu.vector_load %arg8[%swap3A_466] {strides = array<i32>} : memref<512xf32, #tpu.memory_space<vmem>>, vector<16xf32>,
    tpu.vector_store %arg8[%swap3A_466], %broadcast_in_dim3A_82 {strides = array<i32>} : memref<512xf32, #tpu.memory_space<vmem>>, vector<16xf32>,
    %swap3A_468 = arith.constant 384 : index
    %swap3A_469 = tpu.vector_load %arg10[%swap3A_468] {strides = array<i32>} : memref<512xf32, #tpu.memory_space<vmem>>, vector<16xf32>,
    tpu.vector_store %arg10[%swap3A_468], %broadcast_in_dim3A_82 {strides = array<i32>} : memref<512xf32, #tpu.memory_space<vmem>>, vector<16xf32>,
    %swap3A_470 = arith.constant 384 : index
    %swap3A_471 = tpu.vector_load %arg12[%swap3A_470] {strides = array<i32>} : memref<512xf32, #tpu.memory_space<vmem>>, vector<16xf32>,
    tpu.vector_store %arg12[%swap3A_470], %broadcast_in_dim3A_82 {strides = array<i32>} : memref<512xf32, #tpu.memory_space<vmem>>, vector<16xf32>,
    %swap3A_472 = arith.constant 384 : index
    %swap3A_473 = tpu.vector_load %arg14[%swap3A_472] {strides = array<i32>} : memref<512xf32, #tpu.memory_space<vmem>>, vector<16xf32>,
    tpu.vector_store %arg14[%swap3A_472], %broadcast_in_dim3A_82 {strides = array<i32>} : memref<512xf32, #tpu.memory_space<vmem>>, vector<16xf32>,
    %swap3A_474 = arith.constant 384 : index
    %swap3A_475 = tpu.vector_load %arg9[%swap3A_474] {strides = array<i32>} : memref<512xf32, #tpu.memory_space<vmem>>, vector<16xf32>,
    tpu.vector_store %arg9[%swap3A_474], %broadcast_in_dim3A_82 {strides = array<i32>} : memref<512xf32, #tpu.memory_space<vmem>>, vector<16xf32>,
    %swap3A_476 = arith.constant 384 : index
    %swap3A_477 = tpu.vector_load %arg11[%swap3A_476] {strides = array<i32>} : memref<512xf32, #tpu.memory_space<vmem>>, vector<16xf32>,
    tpu.vector_store %arg11[%swap3A_476], %broadcast_in_dim3A_82 {strides = array<i32>} : memref<512xf32, #tpu.memory_space<vmem>>, vector<16xf32>,
    %swap3A_478 = arith.constant 384 : index
    %swap3A_479 = tpu.vector_load %arg13[%swap3A_478] {strides = array<i32>} : memref<512xf32, #tpu.memory_space<vmem>>, vector<16xf32>,
    tpu.vector_store %arg13[%swap3A_478], %broadcast_in_dim3A_82 {strides = array<i32>} : memref<512xf32, #tpu.memory_space<vmem>>, vector<16xf32>,
    %swap3A_480 = arith.constant 384 : index
    %swap3A_481 = tpu.vector_load %arg15[%swap3A_480] {strides = array<i32>} : memref<512xf32, #tpu.memory_space<vmem>>, vector<16xf32>,
    tpu.vector_store %arg15[%swap3A_480], %broadcast_in_dim3A_82 {strides = array<i32>} : memref<512xf32, #tpu.memory_space<vmem>>, vector<16xf32>,
    %swap3A_482 = arith.constant 400 : index
    %swap3A_483 = tpu.vector_load %arg8[%swap3A_482] {strides = array<i32>} : memref<512xf32, #tpu.memory_space<vmem>>, vector<16xf32>,
    tpu.vector_store %arg8[%swap3A_482], %broadcast_in_dim3A_82 {strides = array<i32>} : memref<512xf32, #tpu.memory_space<vmem>>, vector<16xf32>,
    %swap3A_484 = arith.constant 400 : index
    %swap3A_485 = tpu.vector_load %arg10[%swap3A_484] {strides = array<i32>} : memref<512xf32, #tpu.memory_space<vmem>>, vector<16xf32>,
    tpu.vector_store %arg10[%swap3A_484], %broadcast_in_dim3A_82 {strides = array<i32>} : memref<512xf32, #tpu.memory_space<vmem>>, vector<16xf32>,
    %swap3A_486 = arith.constant 400 : index
    %swap3A_487 = tpu.vector_load %arg12[%swap3A_486] {strides = array<i32>} : memref<512xf32, #tpu.memory_space<vmem>>, vector<16xf32>,
    tpu.vector_store %arg12[%swap3A_486], %broadcast_in_dim3A_82 {strides = array<i32>} : memref<512xf32, #tpu.memory_space<vmem>>, vector<16xf32>,
    %swap3A_488 = arith.constant 400 : index
    %swap3A_489 = tpu.vector_load %arg14[%swap3A_488] {strides = array<i32>} : memref<512xf32, #tpu.memory_space<vmem>>, vector<16xf32>,
    tpu.vector_store %arg14[%swap3A_488], %broadcast_in_dim3A_82 {strides = array<i32>} : memref<512xf32, #tpu.memory_space<vmem>>, vector<16xf32>,
    %swap3A_490 = arith.constant 400 : index
    %swap3A_491 = tpu.vector_load %arg9[%swap3A_490] {strides = array<i32>} : memref<512xf32, #tpu.memory_space<vmem>>, vector<16xf32>,
    tpu.vector_store %arg9[%swap3A_490], %broadcast_in_dim3A_82 {strides = array<i32>} : memref<512xf32, #tpu.memory_space<vmem>>, vector<16xf32>,
    %swap3A_492 = arith.constant 400 : index
    %swap3A_493 = tpu.vector_load %arg11[%swap3A_492] {strides = array<i32>} : memref<512xf32, #tpu.memory_space<vmem>>, vector<16xf32>,
    tpu.vector_store %arg11[%swap3A_492], %broadcast_in_dim3A_82 {strides = array<i32>} : memref<512xf32, #tpu.memory_space<vmem>>, vector<16xf32>,
    %swap3A_494 = arith.constant 400 : index
    %swap3A_495 = tpu.vector_load %arg13[%swap3A_494] {strides = array<i32>} : memref<512xf32, #tpu.memory_space<vmem>>, vector<16xf32>,
    tpu.vector_store %arg13[%swap3A_494], %broadcast_in_dim3A_82 {strides = array<i32>} : memref<512xf32, #tpu.memory_space<vmem>>, vector<16xf32>,
    %swap3A_496 = arith.constant 400 : index
    %swap3A_497 = tpu.vector_load %arg15[%swap3A_496] {strides = array<i32>} : memref<512xf32, #tpu.memory_space<vmem>>, vector<16xf32>,
    tpu.vector_store %arg15[%swap3A_496], %broadcast_in_dim3A_82 {strides = array<i32>} : memref<512xf32, #tpu.memory_space<vmem>>, vector<16xf32>,
    %swap3A_498 = arith.constant 416 : index
    %swap3A_499 = tpu.vector_load %arg8[%swap3A_498] {strides = array<i32>} : memref<512xf32, #tpu.memory_space<vmem>>, vector<16xf32>,
    tpu.vector_store %arg8[%swap3A_498], %broadcast_in_dim3A_82 {strides = array<i32>} : memref<512xf32, #tpu.memory_space<vmem>>, vector<16xf32>,
    %swap3A_500 = arith.constant 416 : index
    %swap3A_501 = tpu.vector_load %arg10[%swap3A_500] {strides = array<i32>} : memref<512xf32, #tpu.memory_space<vmem>>, vector<16xf32>,
    tpu.vector_store %arg10[%swap3A_500], %broadcast_in_dim3A_82 {strides = array<i32>} : memref<512xf32, #tpu.memory_space<vmem>>, vector<16xf32>,
    %swap3A_502 = arith.constant 416 : index
    %swap3A_503 = tpu.vector_load %arg12[%swap3A_502] {strides = array<i32>} : memref<512xf32, #tpu.memory_space<vmem>>, vector<16xf32>,
    tpu.vector_store %arg12[%swap3A_502], %broadcast_in_dim3A_82 {strides = array<i32>} : memref<512xf32, #tpu.memory_space<vmem>>, vector<16xf32>,
    %swap3A_504 = arith.constant 416 : index
    %swap3A_505 = tpu.vector_load %arg14[%swap3A_504] {strides = array<i32>} : memref<512xf32, #tpu.memory_space<vmem>>, vector<16xf32>,
    tpu.vector_store %arg14[%swap3A_504], %broadcast_in_dim3A_82 {strides = array<i32>} : memref<512xf32, #tpu.memory_space<vmem>>, vector<16xf32>,
    %swap3A_506 = arith.constant 416 : index
    %swap3A_507 = tpu.vector_load %arg9[%swap3A_506] {strides = array<i32>} : memref<512xf32, #tpu.memory_space<vmem>>, vector<16xf32>,
    tpu.vector_store %arg9[%swap3A_506], %broadcast_in_dim3A_82 {strides = array<i32>} : memref<512xf32, #tpu.memory_space<vmem>>, vector<16xf32>,
    %swap3A_508 = arith.constant 416 : index
    %swap3A_509 = tpu.vector_load %arg11[%swap3A_508] {strides = array<i32>} : memref<512xf32, #tpu.memory_space<vmem>>, vector<16xf32>,
    tpu.vector_store %arg11[%swap3A_508], %broadcast_in_dim3A_82 {strides = array<i32>} : memref<512xf32, #tpu.memory_space<vmem>>, vector<16xf32>,
    %swap3A_510 = arith.constant 416 : index
    %swap3A_511 = tpu.vector_load %arg13[%swap3A_510] {strides = array<i32>} : memref<512xf32, #tpu.memory_space<vmem>>, vector<16xf32>,
    tpu.vector_store %arg13[%swap3A_510], %broadcast_in_dim3A_82 {strides = array<i32>} : memref<512xf32, #tpu.memory_space<vmem>>, vector<16xf32>,
    %swap3A_512 = arith.constant 416 : index
    %swap3A_513 = tpu.vector_load %arg15[%swap3A_512] {strides = array<i32>} : memref<512xf32, #tpu.memory_space<vmem>>, vector<16xf32>,
    tpu.vector_store %arg15[%swap3A_512], %broadcast_in_dim3A_82 {strides = array<i32>} : memref<512xf32, #tpu.memory_space<vmem>>, vector<16xf32>,
    %swap3A_514 = arith.constant 432 : index
    %swap3A_515 = tpu.vector_load %arg8[%swap3A_514] {strides = array<i32>} : memref<512xf32, #tpu.memory_space<vmem>>, vector<16xf32>,
    tpu.vector_store %arg8[%swap3A_514], %broadcast_in_dim3A_82 {strides = array<i32>} : memref<512xf32, #tpu.memory_space<vmem>>, vector<16xf32>,
    %swap3A_516 = arith.constant 432 : index
    %swap3A_517 = tpu.vector_load %arg10[%swap3A_516] {strides = array<i32>} : memref<512xf32, #tpu.memory_space<vmem>>, vector<16xf32>,
    tpu.vector_store %arg10[%swap3A_516], %broadcast_in_dim3A_82 {strides = array<i32>} : memref<512xf32, #tpu.memory_space<vmem>>, vector<16xf32>,
    %swap3A_518 = arith.constant 432 : index
    %swap3A_519 = tpu.vector_load %arg12[%swap3A_518] {strides = array<i32>} : memref<512xf32, #tpu.memory_space<vmem>>, vector<16xf32>,
    tpu.vector_store %arg12[%swap3A_518], %broadcast_in_dim3A_82 {strides = array<i32>} : memref<512xf32, #tpu.memory_space<vmem>>, vector<16xf32>,
    %swap3A_520 = arith.constant 432 : index
    %swap3A_521 = tpu.vector_load %arg14[%swap3A_520] {strides = array<i32>} : memref<512xf32, #tpu.memory_space<vmem>>, vector<16xf32>,
    tpu.vector_store %arg14[%swap3A_520], %broadcast_in_dim3A_82 {strides = array<i32>} : memref<512xf32, #tpu.memory_space<vmem>>, vector<16xf32>,
    %swap3A_522 = arith.constant 432 : index
    %swap3A_523 = tpu.vector_load %arg9[%swap3A_522] {strides = array<i32>} : memref<512xf32, #tpu.memory_space<vmem>>, vector<16xf32>,
    tpu.vector_store %arg9[%swap3A_522], %broadcast_in_dim3A_82 {strides = array<i32>} : memref<512xf32, #tpu.memory_space<vmem>>, vector<16xf32>,
    %swap3A_524 = arith.constant 432 : index
    %swap3A_525 = tpu.vector_load %arg11[%swap3A_524] {strides = array<i32>} : memref<512xf32, #tpu.memory_space<vmem>>, vector<16xf32>,
    tpu.vector_store %arg11[%swap3A_524], %broadcast_in_dim3A_82 {strides = array<i32>} : memref<512xf32, #tpu.memory_space<vmem>>, vector<16xf32>,
    %swap3A_526 = arith.constant 432 : index
    %swap3A_527 = tpu.vector_load %arg13[%swap3A_526] {strides = array<i32>} : memref<512xf32, #tpu.memory_space<vmem>>, vector<16xf32>,
    tpu.vector_store %arg13[%swap3A_526], %broadcast_in_dim3A_82 {strides = array<i32>} : memref<512xf32, #tpu.memory_space<vmem>>, vector<16xf32>,
    %swap3A_528 = arith.constant 432 : index
    %swap3A_529 = tpu.vector_load %arg15[%swap3A_528] {strides = array<i32>} : memref<512xf32, #tpu.memory_space<vmem>>, vector<16xf32>,
    tpu.vector_store %arg15[%swap3A_528], %broadcast_in_dim3A_82 {strides = array<i32>} : memref<512xf32, #tpu.memory_space<vmem>>, vector<16xf32>,
    %swap3A_530 = arith.constant 448 : index
    %swap3A_531 = tpu.vector_load %arg8[%swap3A_530] {strides = array<i32>} : memref<512xf32, #tpu.memory_space<vmem>>, vector<16xf32>,
    tpu.vector_store %arg8[%swap3A_530], %broadcast_in_dim3A_82 {strides = array<i32>} : memref<512xf32, #tpu.memory_space<vmem>>, vector<16xf32>,
    %swap3A_532 = arith.constant 448 : index
    %swap3A_533 = tpu.vector_load %arg10[%swap3A_532] {strides = array<i32>} : memref<512xf32, #tpu.memory_space<vmem>>, vector<16xf32>,
    tpu.vector_store %arg10[%swap3A_532], %broadcast_in_dim3A_82 {strides = array<i32>} : memref<512xf32, #tpu.memory_space<vmem>>, vector<16xf32>,
    %swap3A_534 = arith.constant 448 : index
    %swap3A_535 = tpu.vector_load %arg12[%swap3A_534] {strides = array<i32>} : memref<512xf32, #tpu.memory_space<vmem>>, vector<16xf32>,
    tpu.vector_store %arg12[%swap3A_534], %broadcast_in_dim3A_82 {strides = array<i32>} : memref<512xf32, #tpu.memory_space<vmem>>, vector<16xf32>,
    %swap3A_536 = arith.constant 448 : index
    %swap3A_537 = tpu.vector_load %arg14[%swap3A_536] {strides = array<i32>} : memref<512xf32, #tpu.memory_space<vmem>>, vector<16xf32>,
    tpu.vector_store %arg14[%swap3A_536], %broadcast_in_dim3A_82 {strides = array<i32>} : memref<512xf32, #tpu.memory_space<vmem>>, vector<16xf32>,
    %swap3A_538 = arith.constant 448 : index
    %swap3A_539 = tpu.vector_load %arg9[%swap3A_538] {strides = array<i32>} : memref<512xf32, #tpu.memory_space<vmem>>, vector<16xf32>,
    tpu.vector_store %arg9[%swap3A_538], %broadcast_in_dim3A_82 {strides = array<i32>} : memref<512xf32, #tpu.memory_space<vmem>>, vector<16xf32>,
    %swap3A_540 = arith.constant 448 : index
    %swap3A_541 = tpu.vector_load %arg11[%swap3A_540] {strides = array<i32>} : memref<512xf32, #tpu.memory_space<vmem>>, vector<16xf32>,
    tpu.vector_store %arg11[%swap3A_540], %broadcast_in_dim3A_82 {strides = array<i32>} : memref<512xf32, #tpu.memory_space<vmem>>, vector<16xf32>,
    %swap3A_542 = arith.constant 448 : index
    %swap3A_543 = tpu.vector_load %arg13[%swap3A_542] {strides = array<i32>} : memref<512xf32, #tpu.memory_space<vmem>>, vector<16xf32>,
    tpu.vector_store %arg13[%swap3A_542], %broadcast_in_dim3A_82 {strides = array<i32>} : memref<512xf32, #tpu.memory_space<vmem>>, vector<16xf32>,
    %swap3A_544 = arith.constant 448 : index
    %swap3A_545 = tpu.vector_load %arg15[%swap3A_544] {strides = array<i32>} : memref<512xf32, #tpu.memory_space<vmem>>, vector<16xf32>,
    tpu.vector_store %arg15[%swap3A_544], %broadcast_in_dim3A_82 {strides = array<i32>} : memref<512xf32, #tpu.memory_space<vmem>>, vector<16xf32>,
    %swap3A_546 = arith.constant 464 : index
    %swap3A_547 = tpu.vector_load %arg8[%swap3A_546] {strides = array<i32>} : memref<512xf32, #tpu.memory_space<vmem>>, vector<16xf32>,
    tpu.vector_store %arg8[%swap3A_546], %broadcast_in_dim3A_82 {strides = array<i32>} : memref<512xf32, #tpu.memory_space<vmem>>, vector<16xf32>,
    %swap3A_548 = arith.constant 464 : index
    %swap3A_549 = tpu.vector_load %arg10[%swap3A_548] {strides = array<i32>} : memref<512xf32, #tpu.memory_space<vmem>>, vector<16xf32>,
    tpu.vector_store %arg10[%swap3A_548], %broadcast_in_dim3A_82 {strides = array<i32>} : memref<512xf32, #tpu.memory_space<vmem>>, vector<16xf32>,
    %swap3A_550 = arith.constant 464 : index
    %swap3A_551 = tpu.vector_load %arg12[%swap3A_550] {strides = array<i32>} : memref<512xf32, #tpu.memory_space<vmem>>, vector<16xf32>,
    tpu.vector_store %arg12[%swap3A_550], %broadcast_in_dim3A_82 {strides = array<i32>} : memref<512xf32, #tpu.memory_space<vmem>>, vector<16xf32>,
    %swap3A_552 = arith.constant 464 : index
    %swap3A_553 = tpu.vector_load %arg14[%swap3A_552] {strides = array<i32>} : memref<512xf32, #tpu.memory_space<vmem>>, vector<16xf32>,
    tpu.vector_store %arg14[%swap3A_552], %broadcast_in_dim3A_82 {strides = array<i32>} : memref<512xf32, #tpu.memory_space<vmem>>, vector<16xf32>,
    %swap3A_554 = arith.constant 464 : index
    %swap3A_555 = tpu.vector_load %arg9[%swap3A_554] {strides = array<i32>} : memref<512xf32, #tpu.memory_space<vmem>>, vector<16xf32>,
    tpu.vector_store %arg9[%swap3A_554], %broadcast_in_dim3A_82 {strides = array<i32>} : memref<512xf32, #tpu.memory_space<vmem>>, vector<16xf32>,
    %swap3A_556 = arith.constant 464 : index
    %swap3A_557 = tpu.vector_load %arg11[%swap3A_556] {strides = array<i32>} : memref<512xf32, #tpu.memory_space<vmem>>, vector<16xf32>,
    tpu.vector_store %arg11[%swap3A_556], %broadcast_in_dim3A_82 {strides = array<i32>} : memref<512xf32, #tpu.memory_space<vmem>>, vector<16xf32>,
    %swap3A_558 = arith.constant 464 : index
    %swap3A_559 = tpu.vector_load %arg13[%swap3A_558] {strides = array<i32>} : memref<512xf32, #tpu.memory_space<vmem>>, vector<16xf32>,
    tpu.vector_store %arg13[%swap3A_558], %broadcast_in_dim3A_82 {strides = array<i32>} : memref<512xf32, #tpu.memory_space<vmem>>, vector<16xf32>,
    %swap3A_560 = arith.constant 464 : index
    %swap3A_561 = tpu.vector_load %arg15[%swap3A_560] {strides = array<i32>} : memref<512xf32, #tpu.memory_space<vmem>>, vector<16xf32>,
    tpu.vector_store %arg15[%swap3A_560], %broadcast_in_dim3A_82 {strides = array<i32>} : memref<512xf32, #tpu.memory_space<vmem>>, vector<16xf32>,
    %swap3A_562 = arith.constant 480 : index
    %swap3A_563 = tpu.vector_load %arg8[%swap3A_562] {strides = array<i32>} : memref<512xf32, #tpu.memory_space<vmem>>, vector<16xf32>,
    tpu.vector_store %arg8[%swap3A_562], %broadcast_in_dim3A_82 {strides = array<i32>} : memref<512xf32, #tpu.memory_space<vmem>>, vector<16xf32>,
    %swap3A_564 = arith.constant 480 : index
    %swap3A_565 = tpu.vector_load %arg10[%swap3A_564] {strides = array<i32>} : memref<512xf32, #tpu.memory_space<vmem>>, vector<16xf32>,
    tpu.vector_store %arg10[%swap3A_564], %broadcast_in_dim3A_82 {strides = array<i32>} : memref<512xf32, #tpu.memory_space<vmem>>, vector<16xf32>,
    %swap3A_566 = arith.constant 480 : index
    %swap3A_567 = tpu.vector_load %arg12[%swap3A_566] {strides = array<i32>} : memref<512xf32, #tpu.memory_space<vmem>>, vector<16xf32>,
    tpu.vector_store %arg12[%swap3A_566], %broadcast_in_dim3A_82 {strides = array<i32>} : memref<512xf32, #tpu.memory_space<vmem>>, vector<16xf32>,
    %swap3A_568 = arith.constant 480 : index
    %swap3A_569 = tpu.vector_load %arg14[%swap3A_568] {strides = array<i32>} : memref<512xf32, #tpu.memory_space<vmem>>, vector<16xf32>,
    tpu.vector_store %arg14[%swap3A_568], %broadcast_in_dim3A_82 {strides = array<i32>} : memref<512xf32, #tpu.memory_space<vmem>>, vector<16xf32>,
    %swap3A_570 = arith.constant 480 : index
    %swap3A_571 = tpu.vector_load %arg9[%swap3A_570] {strides = array<i32>} : memref<512xf32, #tpu.memory_space<vmem>>, vector<16xf32>,
    tpu.vector_store %arg9[%swap3A_570], %broadcast_in_dim3A_82 {strides = array<i32>} : memref<512xf32, #tpu.memory_space<vmem>>, vector<16xf32>,
    %swap3A_572 = arith.constant 480 : index
    %swap3A_573 = tpu.vector_load %arg11[%swap3A_572] {strides = array<i32>} : memref<512xf32, #tpu.memory_space<vmem>>, vector<16xf32>,
    tpu.vector_store %arg11[%swap3A_572], %broadcast_in_dim3A_82 {strides = array<i32>} : memref<512xf32, #tpu.memory_space<vmem>>, vector<16xf32>,
    %swap3A_574 = arith.constant 480 : index
    %swap3A_575 = tpu.vector_load %arg13[%swap3A_574] {strides = array<i32>} : memref<512xf32, #tpu.memory_space<vmem>>, vector<16xf32>,
    tpu.vector_store %arg13[%swap3A_574], %broadcast_in_dim3A_82 {strides = array<i32>} : memref<512xf32, #tpu.memory_space<vmem>>, vector<16xf32>,
    %swap3A_576 = arith.constant 480 : index
    %swap3A_577 = tpu.vector_load %arg15[%swap3A_576] {strides = array<i32>} : memref<512xf32, #tpu.memory_space<vmem>>, vector<16xf32>,
    tpu.vector_store %arg15[%swap3A_576], %broadcast_in_dim3A_82 {strides = array<i32>} : memref<512xf32, #tpu.memory_space<vmem>>, vector<16xf32>,
    %swap3A_578 = arith.constant 496 : index
    %swap3A_579 = tpu.vector_load %arg8[%swap3A_578] {strides = array<i32>} : memref<512xf32, #tpu.memory_space<vmem>>, vector<16xf32>,
    tpu.vector_store %arg8[%swap3A_578], %broadcast_in_dim3A_82 {strides = array<i32>} : memref<512xf32, #tpu.memory_space<vmem>>, vector<16xf32>,
    %swap3A_580 = arith.constant 496 : index
    %swap3A_581 = tpu.vector_load %arg10[%swap3A_580] {strides = array<i32>} : memref<512xf32, #tpu.memory_space<vmem>>, vector<16xf32>,
    tpu.vector_store %arg10[%swap3A_580], %broadcast_in_dim3A_82 {strides = array<i32>} : memref<512xf32, #tpu.memory_space<vmem>>, vector<16xf32>,
    %swap3A_582 = arith.constant 496 : index
    %swap3A_583 = tpu.vector_load %arg12[%swap3A_582] {strides = array<i32>} : memref<512xf32, #tpu.memory_space<vmem>>, vector<16xf32>,
    tpu.vector_store %arg12[%swap3A_582], %broadcast_in_dim3A_82 {strides = array<i32>} : memref<512xf32, #tpu.memory_space<vmem>>, vector<16xf32>,
    %swap3A_584 = arith.constant 496 : index
    %swap3A_585 = tpu.vector_load %arg14[%swap3A_584] {strides = array<i32>} : memref<512xf32, #tpu.memory_space<vmem>>, vector<16xf32>,
    tpu.vector_store %arg14[%swap3A_584], %broadcast_in_dim3A_82 {strides = array<i32>} : memref<512xf32, #tpu.memory_space<vmem>>, vector<16xf32>,
    %swap3A_586 = arith.constant 496 : index
    %swap3A_587 = tpu.vector_load %arg9[%swap3A_586] {strides = array<i32>} : memref<512xf32, #tpu.memory_space<vmem>>, vector<16xf32>,
    tpu.vector_store %arg9[%swap3A_586], %broadcast_in_dim3A_82 {strides = array<i32>} : memref<512xf32, #tpu.memory_space<vmem>>, vector<16xf32>,
    %swap3A_588 = arith.constant 496 : index
    %swap3A_589 = tpu.vector_load %arg11[%swap3A_588] {strides = array<i32>} : memref<512xf32, #tpu.memory_space<vmem>>, vector<16xf32>,
    tpu.vector_store %arg11[%swap3A_588], %broadcast_in_dim3A_82 {strides = array<i32>} : memref<512xf32, #tpu.memory_space<vmem>>, vector<16xf32>,
    %swap3A_590 = arith.constant 496 : index
    %swap3A_591 = tpu.vector_load %arg13[%swap3A_590] {strides = array<i32>} : memref<512xf32, #tpu.memory_space<vmem>>, vector<16xf32>,
    tpu.vector_store %arg13[%swap3A_590], %broadcast_in_dim3A_82 {strides = array<i32>} : memref<512xf32, #tpu.memory_space<vmem>>, vector<16xf32>,
    %swap3A_592 = arith.constant 496 : index
    %swap3A_593 = tpu.vector_load %arg15[%swap3A_592] {strides = array<i32>} : memref<512xf32, #tpu.memory_space<vmem>>, vector<16xf32>,
    tpu.vector_store %arg15[%swap3A_592], %broadcast_in_dim3A_82 {strides = array<i32>} : memref<512xf32, #tpu.memory_space<vmem>>, vector<16xf32>,
    %broadcast_in_dim3A_594 = arith.constant 1.000000e+00 : f32
    %broadcast_in_dim3A_595 = vector.broadcast %broadcast_in_dim3A_594 : f32 to vector<16xf32>
    %dma_wait3A = arith.constant 0 : i32
    %dma_wait3A_596 = tpu.memref_slice %arg6[%dma_wait3A] : memref<50000xf32, #tpu.memory_space<vmem>> -> memref<10000xf32, #tpu.memory_space<vmem>>
    %dma_wait3A_597 = tpu.memref_slice %arg2[%add3A_4] : memref<1600000xf32, #tpu.memory_space<hbm>> -> memref<10000xf32, #tpu.memory_space<hbm>>
    %dma_wait3A_598 = arith.constant 0 : i32
    %dma_wait3A_599 = tpu.memref_slice %arg6[%dma_wait3A_598] : memref<50000xf32, #tpu.memory_space<vmem>> -> memref<10000xf32, #tpu.memory_space<vmem>>
    %dma_wait3A_600 = tpu.memref_slice %arg2[%add3A_4] : memref<1600000xf32, #tpu.memory_space<hbm>> -> memref<10000xf32, #tpu.memory_space<hbm>>
    tpu.wait_dma2 semaphore(%arg16 : memref<!tpu.dma_semaphore, #tpu.memory_space<semaphore_mem>>) src(%dma_wait3A_600 : memref<10000xf32, #tpu.memory_space<hbm>>) dst(%dma_wait3A_599 : memref<10000xf32, #tpu.memory_space<vmem>>)
    %dma_wait3A_601 = arith.constant 0 : i32
    %dma_wait3A_602 = tpu.memref_slice %arg7[%dma_wait3A_601] : memref<50000xi32, #tpu.memory_space<vmem>> -> memref<10000xi32, #tpu.memory_space<vmem>>
    %dma_wait3A_603 = tpu.memref_slice %arg3[%add3A_6] : memref<1600000xi32, #tpu.memory_space<hbm>> -> memref<10000xi32, #tpu.memory_space<hbm>>
    %dma_wait3A_604 = arith.constant 0 : i32
    %dma_wait3A_605 = tpu.memref_slice %arg7[%dma_wait3A_604] : memref<50000xi32, #tpu.memory_space<vmem>> -> memref<10000xi32, #tpu.memory_space<vmem>>
    %dma_wait3A_606 = tpu.memref_slice %arg3[%add3A_6] : memref<1600000xi32, #tpu.memory_space<hbm>> -> memref<10000xi32, #tpu.memory_space<hbm>>
    tpu.wait_dma2 semaphore(%arg17 : memref<!tpu.dma_semaphore, #tpu.memory_space<semaphore_mem>>) src(%dma_wait3A_606 : memref<10000xi32, #tpu.memory_space<hbm>>) dst(%dma_wait3A_605 : memref<10000xi32, #tpu.memory_space<vmem>>)
    %scan3A = arith.constant 0 : i32
    %scan3A_607 = arith.constant 0 : i32
    %scan3A_608 = arith.constant 78 : i32
    %scan3A_609 = arith.addi %scan3A_607, %scan3A_608 : i32
    %scan3A_610 = arith.constant 2 : i32
    scf.for %scan3A_1535 = %scan3A_607 to %scan3A_609 step %scan3A_610  : i32 {
      %mul3A_1536 = arith.constant 128 : i32
      %mul3A_1537 = arith.muli %scan3A_1535, %mul3A_1536 : i32
      %add3A_1538 = arith.constant 0 : i32
      %add3A_1539 = arith.addi %add3A_1538, %mul3A_1537 : i32
      %multiple_of3A = tpu.assume_multiple %add3A_1539, 16 : i32
      %add3A_1540 = arith.constant 0 : i32
      %add3A_1541 = arith.addi %multiple_of3A, %add3A_1540 : i32
      %get3A_1542 = arith.index_cast %add3A_1541 : i32 to index
      %get3A_1543 = tpu.vector_load %arg7[%get3A_1542] {strides = array<i32>} : memref<50000xi32, #tpu.memory_space<vmem>>, vector<16xi32>,
      %add3A_1544 = arith.constant 16 : i32
      %add3A_1545 = arith.addi %multiple_of3A, %add3A_1544 : i32
      %get3A_1546 = arith.index_cast %add3A_1545 : i32 to index
      %get3A_1547 = tpu.vector_load %arg7[%get3A_1546] {strides = array<i32>} : memref<50000xi32, #tpu.memory_space<vmem>>, vector<16xi32>,
      %add3A_1548 = arith.constant 32 : i32
      %add3A_1549 = arith.addi %multiple_of3A, %add3A_1548 : i32
      %get3A_1550 = arith.index_cast %add3A_1549 : i32 to index
      %get3A_1551 = tpu.vector_load %arg7[%get3A_1550] {strides = array<i32>} : memref<50000xi32, #tpu.memory_space<vmem>>, vector<16xi32>,
      %add3A_1552 = arith.constant 48 : i32
      %add3A_1553 = arith.addi %multiple_of3A, %add3A_1552 : i32
      %get3A_1554 = arith.index_cast %add3A_1553 : i32 to index
      %get3A_1555 = tpu.vector_load %arg7[%get3A_1554] {strides = array<i32>} : memref<50000xi32, #tpu.memory_space<vmem>>, vector<16xi32>,
      %add3A_1556 = arith.constant 64 : i32
      %add3A_1557 = arith.addi %multiple_of3A, %add3A_1556 : i32
      %get3A_1558 = arith.index_cast %add3A_1557 : i32 to index
      %get3A_1559 = tpu.vector_load %arg7[%get3A_1558] {strides = array<i32>} : memref<50000xi32, #tpu.memory_space<vmem>>, vector<16xi32>,
      %add3A_1560 = arith.constant 80 : i32
      %add3A_1561 = arith.addi %multiple_of3A, %add3A_1560 : i32
      %get3A_1562 = arith.index_cast %add3A_1561 : i32 to index
      %get3A_1563 = tpu.vector_load %arg7[%get3A_1562] {strides = array<i32>} : memref<50000xi32, #tpu.memory_space<vmem>>, vector<16xi32>,
      %add3A_1564 = arith.constant 96 : i32
      %add3A_1565 = arith.addi %multiple_of3A, %add3A_1564 : i32
      %get3A_1566 = arith.index_cast %add3A_1565 : i32 to index
      %get3A_1567 = tpu.vector_load %arg7[%get3A_1566] {strides = array<i32>} : memref<50000xi32, #tpu.memory_space<vmem>>, vector<16xi32>,
      %add3A_1568 = arith.constant 112 : i32
      %add3A_1569 = arith.addi %multiple_of3A, %add3A_1568 : i32
      %get3A_1570 = arith.index_cast %add3A_1569 : i32 to index
      %get3A_1571 = tpu.vector_load %arg7[%get3A_1570] {strides = array<i32>} : memref<50000xi32, #tpu.memory_space<vmem>>, vector<16xi32>,
      %add3A_1572 = arith.constant 0 : i32
      %add3A_1573 = arith.addi %multiple_of3A, %add3A_1572 : i32
      %get3A_1574 = arith.index_cast %add3A_1573 : i32 to index
      %get3A_1575 = tpu.vector_load %arg6[%get3A_1574] {strides = array<i32>} : memref<50000xf32, #tpu.memory_space<vmem>>, vector<16xf32>,
      %add3A_1576 = arith.constant 16 : i32
      %add3A_1577 = arith.addi %multiple_of3A, %add3A_1576 : i32
      %get3A_1578 = arith.index_cast %add3A_1577 : i32 to index
      %get3A_1579 = tpu.vector_load %arg6[%get3A_1578] {strides = array<i32>} : memref<50000xf32, #tpu.memory_space<vmem>>, vector<16xf32>,
      %add3A_1580 = arith.constant 32 : i32
      %add3A_1581 = arith.addi %multiple_of3A, %add3A_1580 : i32
      %get3A_1582 = arith.index_cast %add3A_1581 : i32 to index
      %get3A_1583 = tpu.vector_load %arg6[%get3A_1582] {strides = array<i32>} : memref<50000xf32, #tpu.memory_space<vmem>>, vector<16xf32>,
      %add3A_1584 = arith.constant 48 : i32
      %add3A_1585 = arith.addi %multiple_of3A, %add3A_1584 : i32
      %get3A_1586 = arith.index_cast %add3A_1585 : i32 to index
      %get3A_1587 = tpu.vector_load %arg6[%get3A_1586] {strides = array<i32>} : memref<50000xf32, #tpu.memory_space<vmem>>, vector<16xf32>,
      %add3A_1588 = arith.constant 64 : i32
      %add3A_1589 = arith.addi %multiple_of3A, %add3A_1588 : i32
      %get3A_1590 = arith.index_cast %add3A_1589 : i32 to index
      %get3A_1591 = tpu.vector_load %arg6[%get3A_1590] {strides = array<i32>} : memref<50000xf32, #tpu.memory_space<vmem>>, vector<16xf32>,
      %add3A_1592 = arith.constant 80 : i32
      %add3A_1593 = arith.addi %multiple_of3A, %add3A_1592 : i32
      %get3A_1594 = arith.index_cast %add3A_1593 : i32 to index
      %get3A_1595 = tpu.vector_load %arg6[%get3A_1594] {strides = array<i32>} : memref<50000xf32, #tpu.memory_space<vmem>>, vector<16xf32>,
      %add3A_1596 = arith.constant 96 : i32
      %add3A_1597 = arith.addi %multiple_of3A, %add3A_1596 : i32
      %get3A_1598 = arith.index_cast %add3A_1597 : i32 to index
      %get3A_1599 = tpu.vector_load %arg6[%get3A_1598] {strides = array<i32>} : memref<50000xf32, #tpu.memory_space<vmem>>, vector<16xf32>,
      %add3A_1600 = arith.constant 112 : i32
      %add3A_1601 = arith.addi %multiple_of3A, %add3A_1600 : i32
      %get3A_1602 = arith.index_cast %add3A_1601 : i32 to index
      %get3A_1603 = tpu.vector_load %arg6[%get3A_1602] {strides = array<i32>} : memref<50000xf32, #tpu.memory_space<vmem>>, vector<16xf32>,
      tpu.vector_store_idx %arg8[%get3A_1543], %get3A_1575 {add = true} : memref<512xf32, #tpu.memory_space<vmem>>[vector<16xi32>], vector<16xf32>,
      tpu.vector_store_idx %arg9[%get3A_1543], %broadcast_in_dim3A_595 {add = true} : memref<512xf32, #tpu.memory_space<vmem>>[vector<16xi32>], vector<16xf32>,
      tpu.vector_store_idx %arg10[%get3A_1547], %get3A_1579 {add = true} : memref<512xf32, #tpu.memory_space<vmem>>[vector<16xi32>], vector<16xf32>,
      tpu.vector_store_idx %arg11[%get3A_1547], %broadcast_in_dim3A_595 {add = true} : memref<512xf32, #tpu.memory_space<vmem>>[vector<16xi32>], vector<16xf32>,
      tpu.vector_store_idx %arg12[%get3A_1551], %get3A_1583 {add = true} : memref<512xf32, #tpu.memory_space<vmem>>[vector<16xi32>], vector<16xf32>,
      tpu.vector_store_idx %arg13[%get3A_1551], %broadcast_in_dim3A_595 {add = true} : memref<512xf32, #tpu.memory_space<vmem>>[vector<16xi32>], vector<16xf32>,
      tpu.vector_store_idx %arg14[%get3A_1555], %get3A_1587 {add = true} : memref<512xf32, #tpu.memory_space<vmem>>[vector<16xi32>], vector<16xf32>,
      tpu.vector_store_idx %arg15[%get3A_1555], %broadcast_in_dim3A_595 {add = true} : memref<512xf32, #tpu.memory_space<vmem>>[vector<16xi32>], vector<16xf32>,
      tpu.vector_store_idx %arg8[%get3A_1559], %get3A_1591 {add = true} : memref<512xf32, #tpu.memory_space<vmem>>[vector<16xi32>], vector<16xf32>,
      tpu.vector_store_idx %arg9[%get3A_1559], %broadcast_in_dim3A_595 {add = true} : memref<512xf32, #tpu.memory_space<vmem>>[vector<16xi32>], vector<16xf32>,
      tpu.vector_store_idx %arg10[%get3A_1563], %get3A_1595 {add = true} : memref<512xf32, #tpu.memory_space<vmem>>[vector<16xi32>], vector<16xf32>,
      tpu.vector_store_idx %arg11[%get3A_1563], %broadcast_in_dim3A_595 {add = true} : memref<512xf32, #tpu.memory_space<vmem>>[vector<16xi32>], vector<16xf32>,
      tpu.vector_store_idx %arg12[%get3A_1567], %get3A_1599 {add = true} : memref<512xf32, #tpu.memory_space<vmem>>[vector<16xi32>], vector<16xf32>,
      tpu.vector_store_idx %arg13[%get3A_1567], %broadcast_in_dim3A_595 {add = true} : memref<512xf32, #tpu.memory_space<vmem>>[vector<16xi32>], vector<16xf32>,
      tpu.vector_store_idx %arg14[%get3A_1571], %get3A_1603 {add = true} : memref<512xf32, #tpu.memory_space<vmem>>[vector<16xi32>], vector<16xf32>,
      tpu.vector_store_idx %arg15[%get3A_1571], %broadcast_in_dim3A_595 {add = true} : memref<512xf32, #tpu.memory_space<vmem>>[vector<16xi32>], vector<16xf32>,
      %scan3A_1604 = arith.constant 1 : i32
      %scan3A_1605 = arith.addi %scan3A_1535, %scan3A_1604 : i32
      %mul3A_1606 = arith.constant 128 : i32
      %mul3A_1607 = arith.muli %scan3A_1605, %mul3A_1606 : i32
      %add3A_1608 = arith.constant 0 : i32
      %add3A_1609 = arith.addi %add3A_1608, %mul3A_1607 : i32
      %multiple_of3A_1610 = tpu.assume_multiple %add3A_1609, 16 : i32
      %add3A_1611 = arith.constant 0 : i32
      %add3A_1612 = arith.addi %multiple_of3A_1610, %add3A_1611 : i32
      %get3A_1613 = arith.index_cast %add3A_1612 : i32 to index
      %get3A_1614 = tpu.vector_load %arg7[%get3A_1613] {strides = array<i32>} : memref<50000xi32, #tpu.memory_space<vmem>>, vector<16xi32>,
      %add3A_1615 = arith.constant 16 : i32
      %add3A_1616 = arith.addi %multiple_of3A_1610, %add3A_1615 : i32
      %get3A_1617 = arith.index_cast %add3A_1616 : i32 to index
      %get3A_1618 = tpu.vector_load %arg7[%get3A_1617] {strides = array<i32>} : memref<50000xi32, #tpu.memory_space<vmem>>, vector<16xi32>,
      %add3A_1619 = arith.constant 32 : i32
      %add3A_1620 = arith.addi %multiple_of3A_1610, %add3A_1619 : i32
      %get3A_1621 = arith.index_cast %add3A_1620 : i32 to index
      %get3A_1622 = tpu.vector_load %arg7[%get3A_1621] {strides = array<i32>} : memref<50000xi32, #tpu.memory_space<vmem>>, vector<16xi32>,
      %add3A_1623 = arith.constant 48 : i32
      %add3A_1624 = arith.addi %multiple_of3A_1610, %add3A_1623 : i32
      %get3A_1625 = arith.index_cast %add3A_1624 : i32 to index
      %get3A_1626 = tpu.vector_load %arg7[%get3A_1625] {strides = array<i32>} : memref<50000xi32, #tpu.memory_space<vmem>>, vector<16xi32>,
      %add3A_1627 = arith.constant 64 : i32
      %add3A_1628 = arith.addi %multiple_of3A_1610, %add3A_1627 : i32
      %get3A_1629 = arith.index_cast %add3A_1628 : i32 to index
      %get3A_1630 = tpu.vector_load %arg7[%get3A_1629] {strides = array<i32>} : memref<50000xi32, #tpu.memory_space<vmem>>, vector<16xi32>,
      %add3A_1631 = arith.constant 80 : i32
      %add3A_1632 = arith.addi %multiple_of3A_1610, %add3A_1631 : i32
      %get3A_1633 = arith.index_cast %add3A_1632 : i32 to index
      %get3A_1634 = tpu.vector_load %arg7[%get3A_1633] {strides = array<i32>} : memref<50000xi32, #tpu.memory_space<vmem>>, vector<16xi32>,
      %add3A_1635 = arith.constant 96 : i32
      %add3A_1636 = arith.addi %multiple_of3A_1610, %add3A_1635 : i32
      %get3A_1637 = arith.index_cast %add3A_1636 : i32 to index
      %get3A_1638 = tpu.vector_load %arg7[%get3A_1637] {strides = array<i32>} : memref<50000xi32, #tpu.memory_space<vmem>>, vector<16xi32>,
      %add3A_1639 = arith.constant 112 : i32
      %add3A_1640 = arith.addi %multiple_of3A_1610, %add3A_1639 : i32
      %get3A_1641 = arith.index_cast %add3A_1640 : i32 to index
      %get3A_1642 = tpu.vector_load %arg7[%get3A_1641] {strides = array<i32>} : memref<50000xi32, #tpu.memory_space<vmem>>, vector<16xi32>,
      %add3A_1643 = arith.constant 0 : i32
      %add3A_1644 = arith.addi %multiple_of3A_1610, %add3A_1643 : i32
      %get3A_1645 = arith.index_cast %add3A_1644 : i32 to index
      %get3A_1646 = tpu.vector_load %arg6[%get3A_1645] {strides = array<i32>} : memref<50000xf32, #tpu.memory_space<vmem>>, vector<16xf32>,
      %add3A_1647 = arith.constant 16 : i32
      %add3A_1648 = arith.addi %multiple_of3A_1610, %add3A_1647 : i32
      %get3A_1649 = arith.index_cast %add3A_1648 : i32 to index
      %get3A_1650 = tpu.vector_load %arg6[%get3A_1649] {strides = array<i32>} : memref<50000xf32, #tpu.memory_space<vmem>>, vector<16xf32>,
      %add3A_1651 = arith.constant 32 : i32
      %add3A_1652 = arith.addi %multiple_of3A_1610, %add3A_1651 : i32
      %get3A_1653 = arith.index_cast %add3A_1652 : i32 to index
      %get3A_1654 = tpu.vector_load %arg6[%get3A_1653] {strides = array<i32>} : memref<50000xf32, #tpu.memory_space<vmem>>, vector<16xf32>,
      %add3A_1655 = arith.constant 48 : i32
      %add3A_1656 = arith.addi %multiple_of3A_1610, %add3A_1655 : i32
      %get3A_1657 = arith.index_cast %add3A_1656 : i32 to index
      %get3A_1658 = tpu.vector_load %arg6[%get3A_1657] {strides = array<i32>} : memref<50000xf32, #tpu.memory_space<vmem>>, vector<16xf32>,
      %add3A_1659 = arith.constant 64 : i32
      %add3A_1660 = arith.addi %multiple_of3A_1610, %add3A_1659 : i32
      %get3A_1661 = arith.index_cast %add3A_1660 : i32 to index
      %get3A_1662 = tpu.vector_load %arg6[%get3A_1661] {strides = array<i32>} : memref<50000xf32, #tpu.memory_space<vmem>>, vector<16xf32>,
      %add3A_1663 = arith.constant 80 : i32
      %add3A_1664 = arith.addi %multiple_of3A_1610, %add3A_1663 : i32
      %get3A_1665 = arith.index_cast %add3A_1664 : i32 to index
      %get3A_1666 = tpu.vector_load %arg6[%get3A_1665] {strides = array<i32>} : memref<50000xf32, #tpu.memory_space<vmem>>, vector<16xf32>,
      %add3A_1667 = arith.constant 96 : i32
      %add3A_1668 = arith.addi %multiple_of3A_1610, %add3A_1667 : i32
      %get3A_1669 = arith.index_cast %add3A_1668 : i32 to index
      %get3A_1670 = tpu.vector_load %arg6[%get3A_1669] {strides = array<i32>} : memref<50000xf32, #tpu.memory_space<vmem>>, vector<16xf32>,
      %add3A_1671 = arith.constant 112 : i32
      %add3A_1672 = arith.addi %multiple_of3A_1610, %add3A_1671 : i32
      %get3A_1673 = arith.index_cast %add3A_1672 : i32 to index
      %get3A_1674 = tpu.vector_load %arg6[%get3A_1673] {strides = array<i32>} : memref<50000xf32, #tpu.memory_space<vmem>>, vector<16xf32>,
      tpu.vector_store_idx %arg8[%get3A_1614], %get3A_1646 {add = true} : memref<512xf32, #tpu.memory_space<vmem>>[vector<16xi32>], vector<16xf32>,
      tpu.vector_store_idx %arg9[%get3A_1614], %broadcast_in_dim3A_595 {add = true} : memref<512xf32, #tpu.memory_space<vmem>>[vector<16xi32>], vector<16xf32>,
      tpu.vector_store_idx %arg10[%get3A_1618], %get3A_1650 {add = true} : memref<512xf32, #tpu.memory_space<vmem>>[vector<16xi32>], vector<16xf32>,
      tpu.vector_store_idx %arg11[%get3A_1618], %broadcast_in_dim3A_595 {add = true} : memref<512xf32, #tpu.memory_space<vmem>>[vector<16xi32>], vector<16xf32>,
      tpu.vector_store_idx %arg12[%get3A_1622], %get3A_1654 {add = true} : memref<512xf32, #tpu.memory_space<vmem>>[vector<16xi32>], vector<16xf32>,
      tpu.vector_store_idx %arg13[%get3A_1622], %broadcast_in_dim3A_595 {add = true} : memref<512xf32, #tpu.memory_space<vmem>>[vector<16xi32>], vector<16xf32>,
      tpu.vector_store_idx %arg14[%get3A_1626], %get3A_1658 {add = true} : memref<512xf32, #tpu.memory_space<vmem>>[vector<16xi32>], vector<16xf32>,
      tpu.vector_store_idx %arg15[%get3A_1626], %broadcast_in_dim3A_595 {add = true} : memref<512xf32, #tpu.memory_space<vmem>>[vector<16xi32>], vector<16xf32>,
      tpu.vector_store_idx %arg8[%get3A_1630], %get3A_1662 {add = true} : memref<512xf32, #tpu.memory_space<vmem>>[vector<16xi32>], vector<16xf32>,
      tpu.vector_store_idx %arg9[%get3A_1630], %broadcast_in_dim3A_595 {add = true} : memref<512xf32, #tpu.memory_space<vmem>>[vector<16xi32>], vector<16xf32>,
      tpu.vector_store_idx %arg10[%get3A_1634], %get3A_1666 {add = true} : memref<512xf32, #tpu.memory_space<vmem>>[vector<16xi32>], vector<16xf32>,
      tpu.vector_store_idx %arg11[%get3A_1634], %broadcast_in_dim3A_595 {add = true} : memref<512xf32, #tpu.memory_space<vmem>>[vector<16xi32>], vector<16xf32>,
      tpu.vector_store_idx %arg12[%get3A_1638], %get3A_1670 {add = true} : memref<512xf32, #tpu.memory_space<vmem>>[vector<16xi32>], vector<16xf32>,
      tpu.vector_store_idx %arg13[%get3A_1638], %broadcast_in_dim3A_595 {add = true} : memref<512xf32, #tpu.memory_space<vmem>>[vector<16xi32>], vector<16xf32>,
      tpu.vector_store_idx %arg14[%get3A_1642], %get3A_1674 {add = true} : memref<512xf32, #tpu.memory_space<vmem>>[vector<16xi32>], vector<16xf32>,
      tpu.vector_store_idx %arg15[%get3A_1642], %broadcast_in_dim3A_595 {add = true} : memref<512xf32, #tpu.memory_space<vmem>>[vector<16xi32>], vector<16xf32>,
    }
    %scan3A_611 = arith.constant 78 : i32
    %get3A = arith.constant 9984 : index
    %get3A_612 = tpu.vector_load %arg7[%get3A] {strides = array<i32>} : memref<50000xi32, #tpu.memory_space<vmem>>, vector<16xi32>,
    %get3A_613 = arith.constant 9984 : index
    %get3A_614 = tpu.vector_load %arg6[%get3A_613] {strides = array<i32>} : memref<50000xf32, #tpu.memory_space<vmem>>, vector<16xf32>,
    tpu.vector_store_idx %arg8[%get3A_612], %get3A_614 {add = true} : memref<512xf32, #tpu.memory_space<vmem>>[vector<16xi32>], vector<16xf32>,
    tpu.vector_store_idx %arg9[%get3A_612], %broadcast_in_dim3A_595 {add = true} : memref<512xf32, #tpu.memory_space<vmem>>[vector<16xi32>], vector<16xf32>,
    %dma_wait3A_615 = arith.constant 10000 : i32
    %dma_wait3A_616 = tpu.memref_slice %arg6[%dma_wait3A_615] : memref<50000xf32, #tpu.memory_space<vmem>> -> memref<10000xf32, #tpu.memory_space<vmem>>
    %dma_wait3A_617 = tpu.memref_slice %arg2[%add3A_19] : memref<1600000xf32, #tpu.memory_space<hbm>> -> memref<10000xf32, #tpu.memory_space<hbm>>
    %dma_wait3A_618 = arith.constant 10000 : i32
    %dma_wait3A_619 = tpu.memref_slice %arg6[%dma_wait3A_618] : memref<50000xf32, #tpu.memory_space<vmem>> -> memref<10000xf32, #tpu.memory_space<vmem>>
    %dma_wait3A_620 = tpu.memref_slice %arg2[%add3A_19] : memref<1600000xf32, #tpu.memory_space<hbm>> -> memref<10000xf32, #tpu.memory_space<hbm>>
    tpu.wait_dma2 semaphore(%arg16 : memref<!tpu.dma_semaphore, #tpu.memory_space<semaphore_mem>>) src(%dma_wait3A_620 : memref<10000xf32, #tpu.memory_space<hbm>>) dst(%dma_wait3A_619 : memref<10000xf32, #tpu.memory_space<vmem>>)
    %dma_wait3A_621 = arith.constant 10000 : i32
    %dma_wait3A_622 = tpu.memref_slice %arg7[%dma_wait3A_621] : memref<50000xi32, #tpu.memory_space<vmem>> -> memref<10000xi32, #tpu.memory_space<vmem>>
    %dma_wait3A_623 = tpu.memref_slice %arg3[%add3A_21] : memref<1600000xi32, #tpu.memory_space<hbm>> -> memref<10000xi32, #tpu.memory_space<hbm>>
    %dma_wait3A_624 = arith.constant 10000 : i32
    %dma_wait3A_625 = tpu.memref_slice %arg7[%dma_wait3A_624] : memref<50000xi32, #tpu.memory_space<vmem>> -> memref<10000xi32, #tpu.memory_space<vmem>>
    %dma_wait3A_626 = tpu.memref_slice %arg3[%add3A_21] : memref<1600000xi32, #tpu.memory_space<hbm>> -> memref<10000xi32, #tpu.memory_space<hbm>>
    tpu.wait_dma2 semaphore(%arg17 : memref<!tpu.dma_semaphore, #tpu.memory_space<semaphore_mem>>) src(%dma_wait3A_626 : memref<10000xi32, #tpu.memory_space<hbm>>) dst(%dma_wait3A_625 : memref<10000xi32, #tpu.memory_space<vmem>>)
    %scan3A_627 = arith.constant 0 : i32
    %scan3A_628 = arith.constant 0 : i32
    %scan3A_629 = arith.constant 78 : i32
    %scan3A_630 = arith.addi %scan3A_628, %scan3A_629 : i32
    %scan3A_631 = arith.constant 2 : i32
    scf.for %scan3A_1535 = %scan3A_628 to %scan3A_630 step %scan3A_631  : i32 {
      %mul3A_1536 = arith.constant 128 : i32
      %mul3A_1537 = arith.muli %scan3A_1535, %mul3A_1536 : i32
      %add3A_1538 = arith.constant 10000 : i32
      %add3A_1539 = arith.addi %add3A_1538, %mul3A_1537 : i32
      %multiple_of3A = tpu.assume_multiple %add3A_1539, 16 : i32
      %add3A_1540 = arith.constant 0 : i32
      %add3A_1541 = arith.addi %multiple_of3A, %add3A_1540 : i32
      %get3A_1542 = arith.index_cast %add3A_1541 : i32 to index
      %get3A_1543 = tpu.vector_load %arg7[%get3A_1542] {strides = array<i32>} : memref<50000xi32, #tpu.memory_space<vmem>>, vector<16xi32>,
      %add3A_1544 = arith.constant 16 : i32
      %add3A_1545 = arith.addi %multiple_of3A, %add3A_1544 : i32
      %get3A_1546 = arith.index_cast %add3A_1545 : i32 to index
      %get3A_1547 = tpu.vector_load %arg7[%get3A_1546] {strides = array<i32>} : memref<50000xi32, #tpu.memory_space<vmem>>, vector<16xi32>,
      %add3A_1548 = arith.constant 32 : i32
      %add3A_1549 = arith.addi %multiple_of3A, %add3A_1548 : i32
      %get3A_1550 = arith.index_cast %add3A_1549 : i32 to index
      %get3A_1551 = tpu.vector_load %arg7[%get3A_1550] {strides = array<i32>} : memref<50000xi32, #tpu.memory_space<vmem>>, vector<16xi32>,
      %add3A_1552 = arith.constant 48 : i32
      %add3A_1553 = arith.addi %multiple_of3A, %add3A_1552 : i32
      %get3A_1554 = arith.index_cast %add3A_1553 : i32 to index
      %get3A_1555 = tpu.vector_load %arg7[%get3A_1554] {strides = array<i32>} : memref<50000xi32, #tpu.memory_space<vmem>>, vector<16xi32>,
      %add3A_1556 = arith.constant 64 : i32
      %add3A_1557 = arith.addi %multiple_of3A, %add3A_1556 : i32
      %get3A_1558 = arith.index_cast %add3A_1557 : i32 to index
      %get3A_1559 = tpu.vector_load %arg7[%get3A_1558] {strides = array<i32>} : memref<50000xi32, #tpu.memory_space<vmem>>, vector<16xi32>,
      %add3A_1560 = arith.constant 80 : i32
      %add3A_1561 = arith.addi %multiple_of3A, %add3A_1560 : i32
      %get3A_1562 = arith.index_cast %add3A_1561 : i32 to index
      %get3A_1563 = tpu.vector_load %arg7[%get3A_1562] {strides = array<i32>} : memref<50000xi32, #tpu.memory_space<vmem>>, vector<16xi32>,
      %add3A_1564 = arith.constant 96 : i32
      %add3A_1565 = arith.addi %multiple_of3A, %add3A_1564 : i32
      %get3A_1566 = arith.index_cast %add3A_1565 : i32 to index
      %get3A_1567 = tpu.vector_load %arg7[%get3A_1566] {strides = array<i32>} : memref<50000xi32, #tpu.memory_space<vmem>>, vector<16xi32>,
      %add3A_1568 = arith.constant 112 : i32
      %add3A_1569 = arith.addi %multiple_of3A, %add3A_1568 : i32
      %get3A_1570 = arith.index_cast %add3A_1569 : i32 to index
      %get3A_1571 = tpu.vector_load %arg7[%get3A_1570] {strides = array<i32>} : memref<50000xi32, #tpu.memory_space<vmem>>, vector<16xi32>,
      %add3A_1572 = arith.constant 0 : i32
      %add3A_1573 = arith.addi %multiple_of3A, %add3A_1572 : i32
      %get3A_1574 = arith.index_cast %add3A_1573 : i32 to index
      %get3A_1575 = tpu.vector_load %arg6[%get3A_1574] {strides = array<i32>} : memref<50000xf32, #tpu.memory_space<vmem>>, vector<16xf32>,
      %add3A_1576 = arith.constant 16 : i32
      %add3A_1577 = arith.addi %multiple_of3A, %add3A_1576 : i32
      %get3A_1578 = arith.index_cast %add3A_1577 : i32 to index
      %get3A_1579 = tpu.vector_load %arg6[%get3A_1578] {strides = array<i32>} : memref<50000xf32, #tpu.memory_space<vmem>>, vector<16xf32>,
      %add3A_1580 = arith.constant 32 : i32
      %add3A_1581 = arith.addi %multiple_of3A, %add3A_1580 : i32
      %get3A_1582 = arith.index_cast %add3A_1581 : i32 to index
      %get3A_1583 = tpu.vector_load %arg6[%get3A_1582] {strides = array<i32>} : memref<50000xf32, #tpu.memory_space<vmem>>, vector<16xf32>,
      %add3A_1584 = arith.constant 48 : i32
      %add3A_1585 = arith.addi %multiple_of3A, %add3A_1584 : i32
      %get3A_1586 = arith.index_cast %add3A_1585 : i32 to index
      %get3A_1587 = tpu.vector_load %arg6[%get3A_1586] {strides = array<i32>} : memref<50000xf32, #tpu.memory_space<vmem>>, vector<16xf32>,
      %add3A_1588 = arith.constant 64 : i32
      %add3A_1589 = arith.addi %multiple_of3A, %add3A_1588 : i32
      %get3A_1590 = arith.index_cast %add3A_1589 : i32 to index
      %get3A_1591 = tpu.vector_load %arg6[%get3A_1590] {strides = array<i32>} : memref<50000xf32, #tpu.memory_space<vmem>>, vector<16xf32>,
      %add3A_1592 = arith.constant 80 : i32
      %add3A_1593 = arith.addi %multiple_of3A, %add3A_1592 : i32
      %get3A_1594 = arith.index_cast %add3A_1593 : i32 to index
      %get3A_1595 = tpu.vector_load %arg6[%get3A_1594] {strides = array<i32>} : memref<50000xf32, #tpu.memory_space<vmem>>, vector<16xf32>,
      %add3A_1596 = arith.constant 96 : i32
      %add3A_1597 = arith.addi %multiple_of3A, %add3A_1596 : i32
      %get3A_1598 = arith.index_cast %add3A_1597 : i32 to index
      %get3A_1599 = tpu.vector_load %arg6[%get3A_1598] {strides = array<i32>} : memref<50000xf32, #tpu.memory_space<vmem>>, vector<16xf32>,
      %add3A_1600 = arith.constant 112 : i32
      %add3A_1601 = arith.addi %multiple_of3A, %add3A_1600 : i32
      %get3A_1602 = arith.index_cast %add3A_1601 : i32 to index
      %get3A_1603 = tpu.vector_load %arg6[%get3A_1602] {strides = array<i32>} : memref<50000xf32, #tpu.memory_space<vmem>>, vector<16xf32>,
      tpu.vector_store_idx %arg8[%get3A_1543], %get3A_1575 {add = true} : memref<512xf32, #tpu.memory_space<vmem>>[vector<16xi32>], vector<16xf32>,
      tpu.vector_store_idx %arg9[%get3A_1543], %broadcast_in_dim3A_595 {add = true} : memref<512xf32, #tpu.memory_space<vmem>>[vector<16xi32>], vector<16xf32>,
      tpu.vector_store_idx %arg10[%get3A_1547], %get3A_1579 {add = true} : memref<512xf32, #tpu.memory_space<vmem>>[vector<16xi32>], vector<16xf32>,
      tpu.vector_store_idx %arg11[%get3A_1547], %broadcast_in_dim3A_595 {add = true} : memref<512xf32, #tpu.memory_space<vmem>>[vector<16xi32>], vector<16xf32>,
      tpu.vector_store_idx %arg12[%get3A_1551], %get3A_1583 {add = true} : memref<512xf32, #tpu.memory_space<vmem>>[vector<16xi32>], vector<16xf32>,
      tpu.vector_store_idx %arg13[%get3A_1551], %broadcast_in_dim3A_595 {add = true} : memref<512xf32, #tpu.memory_space<vmem>>[vector<16xi32>], vector<16xf32>,
      tpu.vector_store_idx %arg14[%get3A_1555], %get3A_1587 {add = true} : memref<512xf32, #tpu.memory_space<vmem>>[vector<16xi32>], vector<16xf32>,
      tpu.vector_store_idx %arg15[%get3A_1555], %broadcast_in_dim3A_595 {add = true} : memref<512xf32, #tpu.memory_space<vmem>>[vector<16xi32>], vector<16xf32>,
      tpu.vector_store_idx %arg8[%get3A_1559], %get3A_1591 {add = true} : memref<512xf32, #tpu.memory_space<vmem>>[vector<16xi32>], vector<16xf32>,
      tpu.vector_store_idx %arg9[%get3A_1559], %broadcast_in_dim3A_595 {add = true} : memref<512xf32, #tpu.memory_space<vmem>>[vector<16xi32>], vector<16xf32>,
      tpu.vector_store_idx %arg10[%get3A_1563], %get3A_1595 {add = true} : memref<512xf32, #tpu.memory_space<vmem>>[vector<16xi32>], vector<16xf32>,
      tpu.vector_store_idx %arg11[%get3A_1563], %broadcast_in_dim3A_595 {add = true} : memref<512xf32, #tpu.memory_space<vmem>>[vector<16xi32>], vector<16xf32>,
      tpu.vector_store_idx %arg12[%get3A_1567], %get3A_1599 {add = true} : memref<512xf32, #tpu.memory_space<vmem>>[vector<16xi32>], vector<16xf32>,
      tpu.vector_store_idx %arg13[%get3A_1567], %broadcast_in_dim3A_595 {add = true} : memref<512xf32, #tpu.memory_space<vmem>>[vector<16xi32>], vector<16xf32>,
      tpu.vector_store_idx %arg14[%get3A_1571], %get3A_1603 {add = true} : memref<512xf32, #tpu.memory_space<vmem>>[vector<16xi32>], vector<16xf32>,
      tpu.vector_store_idx %arg15[%get3A_1571], %broadcast_in_dim3A_595 {add = true} : memref<512xf32, #tpu.memory_space<vmem>>[vector<16xi32>], vector<16xf32>,
      %scan3A_1604 = arith.constant 1 : i32
      %scan3A_1605 = arith.addi %scan3A_1535, %scan3A_1604 : i32
      %mul3A_1606 = arith.constant 128 : i32
      %mul3A_1607 = arith.muli %scan3A_1605, %mul3A_1606 : i32
      %add3A_1608 = arith.constant 10000 : i32
      %add3A_1609 = arith.addi %add3A_1608, %mul3A_1607 : i32
      %multiple_of3A_1610 = tpu.assume_multiple %add3A_1609, 16 : i32
      %add3A_1611 = arith.constant 0 : i32
      %add3A_1612 = arith.addi %multiple_of3A_1610, %add3A_1611 : i32
      %get3A_1613 = arith.index_cast %add3A_1612 : i32 to index
      %get3A_1614 = tpu.vector_load %arg7[%get3A_1613] {strides = array<i32>} : memref<50000xi32, #tpu.memory_space<vmem>>, vector<16xi32>,
      %add3A_1615 = arith.constant 16 : i32
      %add3A_1616 = arith.addi %multiple_of3A_1610, %add3A_1615 : i32
      %get3A_1617 = arith.index_cast %add3A_1616 : i32 to index
      %get3A_1618 = tpu.vector_load %arg7[%get3A_1617] {strides = array<i32>} : memref<50000xi32, #tpu.memory_space<vmem>>, vector<16xi32>,
      %add3A_1619 = arith.constant 32 : i32
      %add3A_1620 = arith.addi %multiple_of3A_1610, %add3A_1619 : i32
      %get3A_1621 = arith.index_cast %add3A_1620 : i32 to index
      %get3A_1622 = tpu.vector_load %arg7[%get3A_1621] {strides = array<i32>} : memref<50000xi32, #tpu.memory_space<vmem>>, vector<16xi32>,
      %add3A_1623 = arith.constant 48 : i32
      %add3A_1624 = arith.addi %multiple_of3A_1610, %add3A_1623 : i32
      %get3A_1625 = arith.index_cast %add3A_1624 : i32 to index
      %get3A_1626 = tpu.vector_load %arg7[%get3A_1625] {strides = array<i32>} : memref<50000xi32, #tpu.memory_space<vmem>>, vector<16xi32>,
      %add3A_1627 = arith.constant 64 : i32
      %add3A_1628 = arith.addi %multiple_of3A_1610, %add3A_1627 : i32
      %get3A_1629 = arith.index_cast %add3A_1628 : i32 to index
      %get3A_1630 = tpu.vector_load %arg7[%get3A_1629] {strides = array<i32>} : memref<50000xi32, #tpu.memory_space<vmem>>, vector<16xi32>,
      %add3A_1631 = arith.constant 80 : i32
      %add3A_1632 = arith.addi %multiple_of3A_1610, %add3A_1631 : i32
      %get3A_1633 = arith.index_cast %add3A_1632 : i32 to index
      %get3A_1634 = tpu.vector_load %arg7[%get3A_1633] {strides = array<i32>} : memref<50000xi32, #tpu.memory_space<vmem>>, vector<16xi32>,
      %add3A_1635 = arith.constant 96 : i32
      %add3A_1636 = arith.addi %multiple_of3A_1610, %add3A_1635 : i32
      %get3A_1637 = arith.index_cast %add3A_1636 : i32 to index
      %get3A_1638 = tpu.vector_load %arg7[%get3A_1637] {strides = array<i32>} : memref<50000xi32, #tpu.memory_space<vmem>>, vector<16xi32>,
      %add3A_1639 = arith.constant 112 : i32
      %add3A_1640 = arith.addi %multiple_of3A_1610, %add3A_1639 : i32
      %get3A_1641 = arith.index_cast %add3A_1640 : i32 to index
      %get3A_1642 = tpu.vector_load %arg7[%get3A_1641] {strides = array<i32>} : memref<50000xi32, #tpu.memory_space<vmem>>, vector<16xi32>,
      %add3A_1643 = arith.constant 0 : i32
      %add3A_1644 = arith.addi %multiple_of3A_1610, %add3A_1643 : i32
      %get3A_1645 = arith.index_cast %add3A_1644 : i32 to index
      %get3A_1646 = tpu.vector_load %arg6[%get3A_1645] {strides = array<i32>} : memref<50000xf32, #tpu.memory_space<vmem>>, vector<16xf32>,
      %add3A_1647 = arith.constant 16 : i32
      %add3A_1648 = arith.addi %multiple_of3A_1610, %add3A_1647 : i32
      %get3A_1649 = arith.index_cast %add3A_1648 : i32 to index
      %get3A_1650 = tpu.vector_load %arg6[%get3A_1649] {strides = array<i32>} : memref<50000xf32, #tpu.memory_space<vmem>>, vector<16xf32>,
      %add3A_1651 = arith.constant 32 : i32
      %add3A_1652 = arith.addi %multiple_of3A_1610, %add3A_1651 : i32
      %get3A_1653 = arith.index_cast %add3A_1652 : i32 to index
      %get3A_1654 = tpu.vector_load %arg6[%get3A_1653] {strides = array<i32>} : memref<50000xf32, #tpu.memory_space<vmem>>, vector<16xf32>,
      %add3A_1655 = arith.constant 48 : i32
      %add3A_1656 = arith.addi %multiple_of3A_1610, %add3A_1655 : i32
      %get3A_1657 = arith.index_cast %add3A_1656 : i32 to index
      %get3A_1658 = tpu.vector_load %arg6[%get3A_1657] {strides = array<i32>} : memref<50000xf32, #tpu.memory_space<vmem>>, vector<16xf32>,
      %add3A_1659 = arith.constant 64 : i32
      %add3A_1660 = arith.addi %multiple_of3A_1610, %add3A_1659 : i32
      %get3A_1661 = arith.index_cast %add3A_1660 : i32 to index
      %get3A_1662 = tpu.vector_load %arg6[%get3A_1661] {strides = array<i32>} : memref<50000xf32, #tpu.memory_space<vmem>>, vector<16xf32>,
      %add3A_1663 = arith.constant 80 : i32
      %add3A_1664 = arith.addi %multiple_of3A_1610, %add3A_1663 : i32
      %get3A_1665 = arith.index_cast %add3A_1664 : i32 to index
      %get3A_1666 = tpu.vector_load %arg6[%get3A_1665] {strides = array<i32>} : memref<50000xf32, #tpu.memory_space<vmem>>, vector<16xf32>,
      %add3A_1667 = arith.constant 96 : i32
      %add3A_1668 = arith.addi %multiple_of3A_1610, %add3A_1667 : i32
      %get3A_1669 = arith.index_cast %add3A_1668 : i32 to index
      %get3A_1670 = tpu.vector_load %arg6[%get3A_1669] {strides = array<i32>} : memref<50000xf32, #tpu.memory_space<vmem>>, vector<16xf32>,
      %add3A_1671 = arith.constant 112 : i32
      %add3A_1672 = arith.addi %multiple_of3A_1610, %add3A_1671 : i32
      %get3A_1673 = arith.index_cast %add3A_1672 : i32 to index
      %get3A_1674 = tpu.vector_load %arg6[%get3A_1673] {strides = array<i32>} : memref<50000xf32, #tpu.memory_space<vmem>>, vector<16xf32>,
      tpu.vector_store_idx %arg8[%get3A_1614], %get3A_1646 {add = true} : memref<512xf32, #tpu.memory_space<vmem>>[vector<16xi32>], vector<16xf32>,
      tpu.vector_store_idx %arg9[%get3A_1614], %broadcast_in_dim3A_595 {add = true} : memref<512xf32, #tpu.memory_space<vmem>>[vector<16xi32>], vector<16xf32>,
      tpu.vector_store_idx %arg10[%get3A_1618], %get3A_1650 {add = true} : memref<512xf32, #tpu.memory_space<vmem>>[vector<16xi32>], vector<16xf32>,
      tpu.vector_store_idx %arg11[%get3A_1618], %broadcast_in_dim3A_595 {add = true} : memref<512xf32, #tpu.memory_space<vmem>>[vector<16xi32>], vector<16xf32>,
      tpu.vector_store_idx %arg12[%get3A_1622], %get3A_1654 {add = true} : memref<512xf32, #tpu.memory_space<vmem>>[vector<16xi32>], vector<16xf32>,
      tpu.vector_store_idx %arg13[%get3A_1622], %broadcast_in_dim3A_595 {add = true} : memref<512xf32, #tpu.memory_space<vmem>>[vector<16xi32>], vector<16xf32>,
      tpu.vector_store_idx %arg14[%get3A_1626], %get3A_1658 {add = true} : memref<512xf32, #tpu.memory_space<vmem>>[vector<16xi32>], vector<16xf32>,
      tpu.vector_store_idx %arg15[%get3A_1626], %broadcast_in_dim3A_595 {add = true} : memref<512xf32, #tpu.memory_space<vmem>>[vector<16xi32>], vector<16xf32>,
      tpu.vector_store_idx %arg8[%get3A_1630], %get3A_1662 {add = true} : memref<512xf32, #tpu.memory_space<vmem>>[vector<16xi32>], vector<16xf32>,
      tpu.vector_store_idx %arg9[%get3A_1630], %broadcast_in_dim3A_595 {add = true} : memref<512xf32, #tpu.memory_space<vmem>>[vector<16xi32>], vector<16xf32>,
      tpu.vector_store_idx %arg10[%get3A_1634], %get3A_1666 {add = true} : memref<512xf32, #tpu.memory_space<vmem>>[vector<16xi32>], vector<16xf32>,
      tpu.vector_store_idx %arg11[%get3A_1634], %broadcast_in_dim3A_595 {add = true} : memref<512xf32, #tpu.memory_space<vmem>>[vector<16xi32>], vector<16xf32>,
      tpu.vector_store_idx %arg12[%get3A_1638], %get3A_1670 {add = true} : memref<512xf32, #tpu.memory_space<vmem>>[vector<16xi32>], vector<16xf32>,
      tpu.vector_store_idx %arg13[%get3A_1638], %broadcast_in_dim3A_595 {add = true} : memref<512xf32, #tpu.memory_space<vmem>>[vector<16xi32>], vector<16xf32>,
      tpu.vector_store_idx %arg14[%get3A_1642], %get3A_1674 {add = true} : memref<512xf32, #tpu.memory_space<vmem>>[vector<16xi32>], vector<16xf32>,
      tpu.vector_store_idx %arg15[%get3A_1642], %broadcast_in_dim3A_595 {add = true} : memref<512xf32, #tpu.memory_space<vmem>>[vector<16xi32>], vector<16xf32>,
    }
    %scan3A_632 = arith.constant 78 : i32
    %get3A_633 = arith.constant 19984 : index
    %get3A_634 = tpu.vector_load %arg7[%get3A_633] {strides = array<i32>} : memref<50000xi32, #tpu.memory_space<vmem>>, vector<16xi32>,
    %get3A_635 = arith.constant 19984 : index
    %get3A_636 = tpu.vector_load %arg6[%get3A_635] {strides = array<i32>} : memref<50000xf32, #tpu.memory_space<vmem>>, vector<16xf32>,
    tpu.vector_store_idx %arg8[%get3A_634], %get3A_636 {add = true} : memref<512xf32, #tpu.memory_space<vmem>>[vector<16xi32>], vector<16xf32>,
    tpu.vector_store_idx %arg9[%get3A_634], %broadcast_in_dim3A_595 {add = true} : memref<512xf32, #tpu.memory_space<vmem>>[vector<16xi32>], vector<16xf32>,
    %dma_wait3A_637 = arith.constant 20000 : i32
    %dma_wait3A_638 = tpu.memref_slice %arg6[%dma_wait3A_637] : memref<50000xf32, #tpu.memory_space<vmem>> -> memref<10000xf32, #tpu.memory_space<vmem>>
    %dma_wait3A_639 = tpu.memref_slice %arg2[%add3A_35] : memref<1600000xf32, #tpu.memory_space<hbm>> -> memref<10000xf32, #tpu.memory_space<hbm>>
    %dma_wait3A_640 = arith.constant 20000 : i32
    %dma_wait3A_641 = tpu.memref_slice %arg6[%dma_wait3A_640] : memref<50000xf32, #tpu.memory_space<vmem>> -> memref<10000xf32, #tpu.memory_space<vmem>>
    %dma_wait3A_642 = tpu.memref_slice %arg2[%add3A_35] : memref<1600000xf32, #tpu.memory_space<hbm>> -> memref<10000xf32, #tpu.memory_space<hbm>>
    tpu.wait_dma2 semaphore(%arg16 : memref<!tpu.dma_semaphore, #tpu.memory_space<semaphore_mem>>) src(%dma_wait3A_642 : memref<10000xf32, #tpu.memory_space<hbm>>) dst(%dma_wait3A_641 : memref<10000xf32, #tpu.memory_space<vmem>>)
    %dma_wait3A_643 = arith.constant 20000 : i32
    %dma_wait3A_644 = tpu.memref_slice %arg7[%dma_wait3A_643] : memref<50000xi32, #tpu.memory_space<vmem>> -> memref<10000xi32, #tpu.memory_space<vmem>>
    %dma_wait3A_645 = tpu.memref_slice %arg3[%add3A_37] : memref<1600000xi32, #tpu.memory_space<hbm>> -> memref<10000xi32, #tpu.memory_space<hbm>>
    %dma_wait3A_646 = arith.constant 20000 : i32
    %dma_wait3A_647 = tpu.memref_slice %arg7[%dma_wait3A_646] : memref<50000xi32, #tpu.memory_space<vmem>> -> memref<10000xi32, #tpu.memory_space<vmem>>
    %dma_wait3A_648 = tpu.memref_slice %arg3[%add3A_37] : memref<1600000xi32, #tpu.memory_space<hbm>> -> memref<10000xi32, #tpu.memory_space<hbm>>
    tpu.wait_dma2 semaphore(%arg17 : memref<!tpu.dma_semaphore, #tpu.memory_space<semaphore_mem>>) src(%dma_wait3A_648 : memref<10000xi32, #tpu.memory_space<hbm>>) dst(%dma_wait3A_647 : memref<10000xi32, #tpu.memory_space<vmem>>)
    %scan3A_649 = arith.constant 0 : i32
    %scan3A_650 = arith.constant 0 : i32
    %scan3A_651 = arith.constant 78 : i32
    %scan3A_652 = arith.addi %scan3A_650, %scan3A_651 : i32
    %scan3A_653 = arith.constant 2 : i32
    scf.for %scan3A_1535 = %scan3A_650 to %scan3A_652 step %scan3A_653  : i32 {
      %mul3A_1536 = arith.constant 128 : i32
      %mul3A_1537 = arith.muli %scan3A_1535, %mul3A_1536 : i32
      %add3A_1538 = arith.constant 20000 : i32
      %add3A_1539 = arith.addi %add3A_1538, %mul3A_1537 : i32
      %multiple_of3A = tpu.assume_multiple %add3A_1539, 16 : i32
      %add3A_1540 = arith.constant 0 : i32
      %add3A_1541 = arith.addi %multiple_of3A, %add3A_1540 : i32
      %get3A_1542 = arith.index_cast %add3A_1541 : i32 to index
      %get3A_1543 = tpu.vector_load %arg7[%get3A_1542] {strides = array<i32>} : memref<50000xi32, #tpu.memory_space<vmem>>, vector<16xi32>,
      %add3A_1544 = arith.constant 16 : i32
      %add3A_1545 = arith.addi %multiple_of3A, %add3A_1544 : i32
      %get3A_1546 = arith.index_cast %add3A_1545 : i32 to index
      %get3A_1547 = tpu.vector_load %arg7[%get3A_1546] {strides = array<i32>} : memref<50000xi32, #tpu.memory_space<vmem>>, vector<16xi32>,
      %add3A_1548 = arith.constant 32 : i32
      %add3A_1549 = arith.addi %multiple_of3A, %add3A_1548 : i32
      %get3A_1550 = arith.index_cast %add3A_1549 : i32 to index
      %get3A_1551 = tpu.vector_load %arg7[%get3A_1550] {strides = array<i32>} : memref<50000xi32, #tpu.memory_space<vmem>>, vector<16xi32>,
      %add3A_1552 = arith.constant 48 : i32
      %add3A_1553 = arith.addi %multiple_of3A, %add3A_1552 : i32
      %get3A_1554 = arith.index_cast %add3A_1553 : i32 to index
      %get3A_1555 = tpu.vector_load %arg7[%get3A_1554] {strides = array<i32>} : memref<50000xi32, #tpu.memory_space<vmem>>, vector<16xi32>,
      %add3A_1556 = arith.constant 64 : i32
      %add3A_1557 = arith.addi %multiple_of3A, %add3A_1556 : i32
      %get3A_1558 = arith.index_cast %add3A_1557 : i32 to index
      %get3A_1559 = tpu.vector_load %arg7[%get3A_1558] {strides = array<i32>} : memref<50000xi32, #tpu.memory_space<vmem>>, vector<16xi32>,
      %add3A_1560 = arith.constant 80 : i32
      %add3A_1561 = arith.addi %multiple_of3A, %add3A_1560 : i32
      %get3A_1562 = arith.index_cast %add3A_1561 : i32 to index
      %get3A_1563 = tpu.vector_load %arg7[%get3A_1562] {strides = array<i32>} : memref<50000xi32, #tpu.memory_space<vmem>>, vector<16xi32>,
      %add3A_1564 = arith.constant 96 : i32
      %add3A_1565 = arith.addi %multiple_of3A, %add3A_1564 : i32
      %get3A_1566 = arith.index_cast %add3A_1565 : i32 to index
      %get3A_1567 = tpu.vector_load %arg7[%get3A_1566] {strides = array<i32>} : memref<50000xi32, #tpu.memory_space<vmem>>, vector<16xi32>,
      %add3A_1568 = arith.constant 112 : i32
      %add3A_1569 = arith.addi %multiple_of3A, %add3A_1568 : i32
      %get3A_1570 = arith.index_cast %add3A_1569 : i32 to index
      %get3A_1571 = tpu.vector_load %arg7[%get3A_1570] {strides = array<i32>} : memref<50000xi32, #tpu.memory_space<vmem>>, vector<16xi32>,
      %add3A_1572 = arith.constant 0 : i32
      %add3A_1573 = arith.addi %multiple_of3A, %add3A_1572 : i32
      %get3A_1574 = arith.index_cast %add3A_1573 : i32 to index
      %get3A_1575 = tpu.vector_load %arg6[%get3A_1574] {strides = array<i32>} : memref<50000xf32, #tpu.memory_space<vmem>>, vector<16xf32>,
      %add3A_1576 = arith.constant 16 : i32
      %add3A_1577 = arith.addi %multiple_of3A, %add3A_1576 : i32
      %get3A_1578 = arith.index_cast %add3A_1577 : i32 to index
      %get3A_1579 = tpu.vector_load %arg6[%get3A_1578] {strides = array<i32>} : memref<50000xf32, #tpu.memory_space<vmem>>, vector<16xf32>,
      %add3A_1580 = arith.constant 32 : i32
      %add3A_1581 = arith.addi %multiple_of3A, %add3A_1580 : i32
      %get3A_1582 = arith.index_cast %add3A_1581 : i32 to index
      %get3A_1583 = tpu.vector_load %arg6[%get3A_1582] {strides = array<i32>} : memref<50000xf32, #tpu.memory_space<vmem>>, vector<16xf32>,
      %add3A_1584 = arith.constant 48 : i32
      %add3A_1585 = arith.addi %multiple_of3A, %add3A_1584 : i32
      %get3A_1586 = arith.index_cast %add3A_1585 : i32 to index
      %get3A_1587 = tpu.vector_load %arg6[%get3A_1586] {strides = array<i32>} : memref<50000xf32, #tpu.memory_space<vmem>>, vector<16xf32>,
      %add3A_1588 = arith.constant 64 : i32
      %add3A_1589 = arith.addi %multiple_of3A, %add3A_1588 : i32
      %get3A_1590 = arith.index_cast %add3A_1589 : i32 to index
      %get3A_1591 = tpu.vector_load %arg6[%get3A_1590] {strides = array<i32>} : memref<50000xf32, #tpu.memory_space<vmem>>, vector<16xf32>,
      %add3A_1592 = arith.constant 80 : i32
      %add3A_1593 = arith.addi %multiple_of3A, %add3A_1592 : i32
      %get3A_1594 = arith.index_cast %add3A_1593 : i32 to index
      %get3A_1595 = tpu.vector_load %arg6[%get3A_1594] {strides = array<i32>} : memref<50000xf32, #tpu.memory_space<vmem>>, vector<16xf32>,
      %add3A_1596 = arith.constant 96 : i32
      %add3A_1597 = arith.addi %multiple_of3A, %add3A_1596 : i32
      %get3A_1598 = arith.index_cast %add3A_1597 : i32 to index
      %get3A_1599 = tpu.vector_load %arg6[%get3A_1598] {strides = array<i32>} : memref<50000xf32, #tpu.memory_space<vmem>>, vector<16xf32>,
      %add3A_1600 = arith.constant 112 : i32
      %add3A_1601 = arith.addi %multiple_of3A, %add3A_1600 : i32
      %get3A_1602 = arith.index_cast %add3A_1601 : i32 to index
      %get3A_1603 = tpu.vector_load %arg6[%get3A_1602] {strides = array<i32>} : memref<50000xf32, #tpu.memory_space<vmem>>, vector<16xf32>,
      tpu.vector_store_idx %arg8[%get3A_1543], %get3A_1575 {add = true} : memref<512xf32, #tpu.memory_space<vmem>>[vector<16xi32>], vector<16xf32>,
      tpu.vector_store_idx %arg9[%get3A_1543], %broadcast_in_dim3A_595 {add = true} : memref<512xf32, #tpu.memory_space<vmem>>[vector<16xi32>], vector<16xf32>,
      tpu.vector_store_idx %arg10[%get3A_1547], %get3A_1579 {add = true} : memref<512xf32, #tpu.memory_space<vmem>>[vector<16xi32>], vector<16xf32>,
      tpu.vector_store_idx %arg11[%get3A_1547], %broadcast_in_dim3A_595 {add = true} : memref<512xf32, #tpu.memory_space<vmem>>[vector<16xi32>], vector<16xf32>,
      tpu.vector_store_idx %arg12[%get3A_1551], %get3A_1583 {add = true} : memref<512xf32, #tpu.memory_space<vmem>>[vector<16xi32>], vector<16xf32>,
      tpu.vector_store_idx %arg13[%get3A_1551], %broadcast_in_dim3A_595 {add = true} : memref<512xf32, #tpu.memory_space<vmem>>[vector<16xi32>], vector<16xf32>,
      tpu.vector_store_idx %arg14[%get3A_1555], %get3A_1587 {add = true} : memref<512xf32, #tpu.memory_space<vmem>>[vector<16xi32>], vector<16xf32>,
      tpu.vector_store_idx %arg15[%get3A_1555], %broadcast_in_dim3A_595 {add = true} : memref<512xf32, #tpu.memory_space<vmem>>[vector<16xi32>], vector<16xf32>,
      tpu.vector_store_idx %arg8[%get3A_1559], %get3A_1591 {add = true} : memref<512xf32, #tpu.memory_space<vmem>>[vector<16xi32>], vector<16xf32>,
      tpu.vector_store_idx %arg9[%get3A_1559], %broadcast_in_dim3A_595 {add = true} : memref<512xf32, #tpu.memory_space<vmem>>[vector<16xi32>], vector<16xf32>,
      tpu.vector_store_idx %arg10[%get3A_1563], %get3A_1595 {add = true} : memref<512xf32, #tpu.memory_space<vmem>>[vector<16xi32>], vector<16xf32>,
      tpu.vector_store_idx %arg11[%get3A_1563], %broadcast_in_dim3A_595 {add = true} : memref<512xf32, #tpu.memory_space<vmem>>[vector<16xi32>], vector<16xf32>,
      tpu.vector_store_idx %arg12[%get3A_1567], %get3A_1599 {add = true} : memref<512xf32, #tpu.memory_space<vmem>>[vector<16xi32>], vector<16xf32>,
      tpu.vector_store_idx %arg13[%get3A_1567], %broadcast_in_dim3A_595 {add = true} : memref<512xf32, #tpu.memory_space<vmem>>[vector<16xi32>], vector<16xf32>,
      tpu.vector_store_idx %arg14[%get3A_1571], %get3A_1603 {add = true} : memref<512xf32, #tpu.memory_space<vmem>>[vector<16xi32>], vector<16xf32>,
      tpu.vector_store_idx %arg15[%get3A_1571], %broadcast_in_dim3A_595 {add = true} : memref<512xf32, #tpu.memory_space<vmem>>[vector<16xi32>], vector<16xf32>,
      %scan3A_1604 = arith.constant 1 : i32
      %scan3A_1605 = arith.addi %scan3A_1535, %scan3A_1604 : i32
      %mul3A_1606 = arith.constant 128 : i32
      %mul3A_1607 = arith.muli %scan3A_1605, %mul3A_1606 : i32
      %add3A_1608 = arith.constant 20000 : i32
      %add3A_1609 = arith.addi %add3A_1608, %mul3A_1607 : i32
      %multiple_of3A_1610 = tpu.assume_multiple %add3A_1609, 16 : i32
      %add3A_1611 = arith.constant 0 : i32
      %add3A_1612 = arith.addi %multiple_of3A_1610, %add3A_1611 : i32
      %get3A_1613 = arith.index_cast %add3A_1612 : i32 to index
      %get3A_1614 = tpu.vector_load %arg7[%get3A_1613] {strides = array<i32>} : memref<50000xi32, #tpu.memory_space<vmem>>, vector<16xi32>,
      %add3A_1615 = arith.constant 16 : i32
      %add3A_1616 = arith.addi %multiple_of3A_1610, %add3A_1615 : i32
      %get3A_1617 = arith.index_cast %add3A_1616 : i32 to index
      %get3A_1618 = tpu.vector_load %arg7[%get3A_1617] {strides = array<i32>} : memref<50000xi32, #tpu.memory_space<vmem>>, vector<16xi32>,
      %add3A_1619 = arith.constant 32 : i32
      %add3A_1620 = arith.addi %multiple_of3A_1610, %add3A_1619 : i32
      %get3A_1621 = arith.index_cast %add3A_1620 : i32 to index
      %get3A_1622 = tpu.vector_load %arg7[%get3A_1621] {strides = array<i32>} : memref<50000xi32, #tpu.memory_space<vmem>>, vector<16xi32>,
      %add3A_1623 = arith.constant 48 : i32
      %add3A_1624 = arith.addi %multiple_of3A_1610, %add3A_1623 : i32
      %get3A_1625 = arith.index_cast %add3A_1624 : i32 to index
      %get3A_1626 = tpu.vector_load %arg7[%get3A_1625] {strides = array<i32>} : memref<50000xi32, #tpu.memory_space<vmem>>, vector<16xi32>,
      %add3A_1627 = arith.constant 64 : i32
      %add3A_1628 = arith.addi %multiple_of3A_1610, %add3A_1627 : i32
      %get3A_1629 = arith.index_cast %add3A_1628 : i32 to index
      %get3A_1630 = tpu.vector_load %arg7[%get3A_1629] {strides = array<i32>} : memref<50000xi32, #tpu.memory_space<vmem>>, vector<16xi32>,
      %add3A_1631 = arith.constant 80 : i32
      %add3A_1632 = arith.addi %multiple_of3A_1610, %add3A_1631 : i32
      %get3A_1633 = arith.index_cast %add3A_1632 : i32 to index
      %get3A_1634 = tpu.vector_load %arg7[%get3A_1633] {strides = array<i32>} : memref<50000xi32, #tpu.memory_space<vmem>>, vector<16xi32>,
      %add3A_1635 = arith.constant 96 : i32
      %add3A_1636 = arith.addi %multiple_of3A_1610, %add3A_1635 : i32
      %get3A_1637 = arith.index_cast %add3A_1636 : i32 to index
      %get3A_1638 = tpu.vector_load %arg7[%get3A_1637] {strides = array<i32>} : memref<50000xi32, #tpu.memory_space<vmem>>, vector<16xi32>,
      %add3A_1639 = arith.constant 112 : i32
      %add3A_1640 = arith.addi %multiple_of3A_1610, %add3A_1639 : i32
      %get3A_1641 = arith.index_cast %add3A_1640 : i32 to index
      %get3A_1642 = tpu.vector_load %arg7[%get3A_1641] {strides = array<i32>} : memref<50000xi32, #tpu.memory_space<vmem>>, vector<16xi32>,
      %add3A_1643 = arith.constant 0 : i32
      %add3A_1644 = arith.addi %multiple_of3A_1610, %add3A_1643 : i32
      %get3A_1645 = arith.index_cast %add3A_1644 : i32 to index
      %get3A_1646 = tpu.vector_load %arg6[%get3A_1645] {strides = array<i32>} : memref<50000xf32, #tpu.memory_space<vmem>>, vector<16xf32>,
      %add3A_1647 = arith.constant 16 : i32
      %add3A_1648 = arith.addi %multiple_of3A_1610, %add3A_1647 : i32
      %get3A_1649 = arith.index_cast %add3A_1648 : i32 to index
      %get3A_1650 = tpu.vector_load %arg6[%get3A_1649] {strides = array<i32>} : memref<50000xf32, #tpu.memory_space<vmem>>, vector<16xf32>,
      %add3A_1651 = arith.constant 32 : i32
      %add3A_1652 = arith.addi %multiple_of3A_1610, %add3A_1651 : i32
      %get3A_1653 = arith.index_cast %add3A_1652 : i32 to index
      %get3A_1654 = tpu.vector_load %arg6[%get3A_1653] {strides = array<i32>} : memref<50000xf32, #tpu.memory_space<vmem>>, vector<16xf32>,
      %add3A_1655 = arith.constant 48 : i32
      %add3A_1656 = arith.addi %multiple_of3A_1610, %add3A_1655 : i32
      %get3A_1657 = arith.index_cast %add3A_1656 : i32 to index
      %get3A_1658 = tpu.vector_load %arg6[%get3A_1657] {strides = array<i32>} : memref<50000xf32, #tpu.memory_space<vmem>>, vector<16xf32>,
      %add3A_1659 = arith.constant 64 : i32
      %add3A_1660 = arith.addi %multiple_of3A_1610, %add3A_1659 : i32
      %get3A_1661 = arith.index_cast %add3A_1660 : i32 to index
      %get3A_1662 = tpu.vector_load %arg6[%get3A_1661] {strides = array<i32>} : memref<50000xf32, #tpu.memory_space<vmem>>, vector<16xf32>,
      %add3A_1663 = arith.constant 80 : i32
      %add3A_1664 = arith.addi %multiple_of3A_1610, %add3A_1663 : i32
      %get3A_1665 = arith.index_cast %add3A_1664 : i32 to index
      %get3A_1666 = tpu.vector_load %arg6[%get3A_1665] {strides = array<i32>} : memref<50000xf32, #tpu.memory_space<vmem>>, vector<16xf32>,
      %add3A_1667 = arith.constant 96 : i32
      %add3A_1668 = arith.addi %multiple_of3A_1610, %add3A_1667 : i32
      %get3A_1669 = arith.index_cast %add3A_1668 : i32 to index
      %get3A_1670 = tpu.vector_load %arg6[%get3A_1669] {strides = array<i32>} : memref<50000xf32, #tpu.memory_space<vmem>>, vector<16xf32>,
      %add3A_1671 = arith.constant 112 : i32
      %add3A_1672 = arith.addi %multiple_of3A_1610, %add3A_1671 : i32
      %get3A_1673 = arith.index_cast %add3A_1672 : i32 to index
      %get3A_1674 = tpu.vector_load %arg6[%get3A_1673] {strides = array<i32>} : memref<50000xf32, #tpu.memory_space<vmem>>, vector<16xf32>,
      tpu.vector_store_idx %arg8[%get3A_1614], %get3A_1646 {add = true} : memref<512xf32, #tpu.memory_space<vmem>>[vector<16xi32>], vector<16xf32>,
      tpu.vector_store_idx %arg9[%get3A_1614], %broadcast_in_dim3A_595 {add = true} : memref<512xf32, #tpu.memory_space<vmem>>[vector<16xi32>], vector<16xf32>,
      tpu.vector_store_idx %arg10[%get3A_1618], %get3A_1650 {add = true} : memref<512xf32, #tpu.memory_space<vmem>>[vector<16xi32>], vector<16xf32>,
      tpu.vector_store_idx %arg11[%get3A_1618], %broadcast_in_dim3A_595 {add = true} : memref<512xf32, #tpu.memory_space<vmem>>[vector<16xi32>], vector<16xf32>,
      tpu.vector_store_idx %arg12[%get3A_1622], %get3A_1654 {add = true} : memref<512xf32, #tpu.memory_space<vmem>>[vector<16xi32>], vector<16xf32>,
      tpu.vector_store_idx %arg13[%get3A_1622], %broadcast_in_dim3A_595 {add = true} : memref<512xf32, #tpu.memory_space<vmem>>[vector<16xi32>], vector<16xf32>,
      tpu.vector_store_idx %arg14[%get3A_1626], %get3A_1658 {add = true} : memref<512xf32, #tpu.memory_space<vmem>>[vector<16xi32>], vector<16xf32>,
      tpu.vector_store_idx %arg15[%get3A_1626], %broadcast_in_dim3A_595 {add = true} : memref<512xf32, #tpu.memory_space<vmem>>[vector<16xi32>], vector<16xf32>,
      tpu.vector_store_idx %arg8[%get3A_1630], %get3A_1662 {add = true} : memref<512xf32, #tpu.memory_space<vmem>>[vector<16xi32>], vector<16xf32>,
      tpu.vector_store_idx %arg9[%get3A_1630], %broadcast_in_dim3A_595 {add = true} : memref<512xf32, #tpu.memory_space<vmem>>[vector<16xi32>], vector<16xf32>,
      tpu.vector_store_idx %arg10[%get3A_1634], %get3A_1666 {add = true} : memref<512xf32, #tpu.memory_space<vmem>>[vector<16xi32>], vector<16xf32>,
      tpu.vector_store_idx %arg11[%get3A_1634], %broadcast_in_dim3A_595 {add = true} : memref<512xf32, #tpu.memory_space<vmem>>[vector<16xi32>], vector<16xf32>,
      tpu.vector_store_idx %arg12[%get3A_1638], %get3A_1670 {add = true} : memref<512xf32, #tpu.memory_space<vmem>>[vector<16xi32>], vector<16xf32>,
      tpu.vector_store_idx %arg13[%get3A_1638], %broadcast_in_dim3A_595 {add = true} : memref<512xf32, #tpu.memory_space<vmem>>[vector<16xi32>], vector<16xf32>,
      tpu.vector_store_idx %arg14[%get3A_1642], %get3A_1674 {add = true} : memref<512xf32, #tpu.memory_space<vmem>>[vector<16xi32>], vector<16xf32>,
      tpu.vector_store_idx %arg15[%get3A_1642], %broadcast_in_dim3A_595 {add = true} : memref<512xf32, #tpu.memory_space<vmem>>[vector<16xi32>], vector<16xf32>,
    }
    %scan3A_654 = arith.constant 78 : i32
    %get3A_655 = arith.constant 29984 : index
    %get3A_656 = tpu.vector_load %arg7[%get3A_655] {strides = array<i32>} : memref<50000xi32, #tpu.memory_space<vmem>>, vector<16xi32>,
    %get3A_657 = arith.constant 29984 : index
    %get3A_658 = tpu.vector_load %arg6[%get3A_657] {strides = array<i32>} : memref<50000xf32, #tpu.memory_space<vmem>>, vector<16xf32>,
    tpu.vector_store_idx %arg8[%get3A_656], %get3A_658 {add = true} : memref<512xf32, #tpu.memory_space<vmem>>[vector<16xi32>], vector<16xf32>,
    tpu.vector_store_idx %arg9[%get3A_656], %broadcast_in_dim3A_595 {add = true} : memref<512xf32, #tpu.memory_space<vmem>>[vector<16xi32>], vector<16xf32>,
    %dma_wait3A_659 = arith.constant 30000 : i32
    %dma_wait3A_660 = tpu.memref_slice %arg6[%dma_wait3A_659] : memref<50000xf32, #tpu.memory_space<vmem>> -> memref<10000xf32, #tpu.memory_space<vmem>>
    %dma_wait3A_661 = tpu.memref_slice %arg2[%add3A_51] : memref<1600000xf32, #tpu.memory_space<hbm>> -> memref<10000xf32, #tpu.memory_space<hbm>>
    %dma_wait3A_662 = arith.constant 30000 : i32
    %dma_wait3A_663 = tpu.memref_slice %arg6[%dma_wait3A_662] : memref<50000xf32, #tpu.memory_space<vmem>> -> memref<10000xf32, #tpu.memory_space<vmem>>
    %dma_wait3A_664 = tpu.memref_slice %arg2[%add3A_51] : memref<1600000xf32, #tpu.memory_space<hbm>> -> memref<10000xf32, #tpu.memory_space<hbm>>
    tpu.wait_dma2 semaphore(%arg16 : memref<!tpu.dma_semaphore, #tpu.memory_space<semaphore_mem>>) src(%dma_wait3A_664 : memref<10000xf32, #tpu.memory_space<hbm>>) dst(%dma_wait3A_663 : memref<10000xf32, #tpu.memory_space<vmem>>)
    %dma_wait3A_665 = arith.constant 30000 : i32
    %dma_wait3A_666 = tpu.memref_slice %arg7[%dma_wait3A_665] : memref<50000xi32, #tpu.memory_space<vmem>> -> memref<10000xi32, #tpu.memory_space<vmem>>
    %dma_wait3A_667 = tpu.memref_slice %arg3[%add3A_53] : memref<1600000xi32, #tpu.memory_space<hbm>> -> memref<10000xi32, #tpu.memory_space<hbm>>
    %dma_wait3A_668 = arith.constant 30000 : i32
    %dma_wait3A_669 = tpu.memref_slice %arg7[%dma_wait3A_668] : memref<50000xi32, #tpu.memory_space<vmem>> -> memref<10000xi32, #tpu.memory_space<vmem>>
    %dma_wait3A_670 = tpu.memref_slice %arg3[%add3A_53] : memref<1600000xi32, #tpu.memory_space<hbm>> -> memref<10000xi32, #tpu.memory_space<hbm>>
    tpu.wait_dma2 semaphore(%arg17 : memref<!tpu.dma_semaphore, #tpu.memory_space<semaphore_mem>>) src(%dma_wait3A_670 : memref<10000xi32, #tpu.memory_space<hbm>>) dst(%dma_wait3A_669 : memref<10000xi32, #tpu.memory_space<vmem>>)
    %scan3A_671 = arith.constant 0 : i32
    %scan3A_672 = arith.constant 0 : i32
    %scan3A_673 = arith.constant 78 : i32
    %scan3A_674 = arith.addi %scan3A_672, %scan3A_673 : i32
    %scan3A_675 = arith.constant 2 : i32
    scf.for %scan3A_1535 = %scan3A_672 to %scan3A_674 step %scan3A_675  : i32 {
      %mul3A_1536 = arith.constant 128 : i32
      %mul3A_1537 = arith.muli %scan3A_1535, %mul3A_1536 : i32
      %add3A_1538 = arith.constant 30000 : i32
      %add3A_1539 = arith.addi %add3A_1538, %mul3A_1537 : i32
      %multiple_of3A = tpu.assume_multiple %add3A_1539, 16 : i32
      %add3A_1540 = arith.constant 0 : i32
      %add3A_1541 = arith.addi %multiple_of3A, %add3A_1540 : i32
      %get3A_1542 = arith.index_cast %add3A_1541 : i32 to index
      %get3A_1543 = tpu.vector_load %arg7[%get3A_1542] {strides = array<i32>} : memref<50000xi32, #tpu.memory_space<vmem>>, vector<16xi32>,
      %add3A_1544 = arith.constant 16 : i32
      %add3A_1545 = arith.addi %multiple_of3A, %add3A_1544 : i32
      %get3A_1546 = arith.index_cast %add3A_1545 : i32 to index
      %get3A_1547 = tpu.vector_load %arg7[%get3A_1546] {strides = array<i32>} : memref<50000xi32, #tpu.memory_space<vmem>>, vector<16xi32>,
      %add3A_1548 = arith.constant 32 : i32
      %add3A_1549 = arith.addi %multiple_of3A, %add3A_1548 : i32
      %get3A_1550 = arith.index_cast %add3A_1549 : i32 to index
      %get3A_1551 = tpu.vector_load %arg7[%get3A_1550] {strides = array<i32>} : memref<50000xi32, #tpu.memory_space<vmem>>, vector<16xi32>,
      %add3A_1552 = arith.constant 48 : i32
      %add3A_1553 = arith.addi %multiple_of3A, %add3A_1552 : i32
      %get3A_1554 = arith.index_cast %add3A_1553 : i32 to index
      %get3A_1555 = tpu.vector_load %arg7[%get3A_1554] {strides = array<i32>} : memref<50000xi32, #tpu.memory_space<vmem>>, vector<16xi32>,
      %add3A_1556 = arith.constant 64 : i32
      %add3A_1557 = arith.addi %multiple_of3A, %add3A_1556 : i32
      %get3A_1558 = arith.index_cast %add3A_1557 : i32 to index
      %get3A_1559 = tpu.vector_load %arg7[%get3A_1558] {strides = array<i32>} : memref<50000xi32, #tpu.memory_space<vmem>>, vector<16xi32>,
      %add3A_1560 = arith.constant 80 : i32
      %add3A_1561 = arith.addi %multiple_of3A, %add3A_1560 : i32
      %get3A_1562 = arith.index_cast %add3A_1561 : i32 to index
      %get3A_1563 = tpu.vector_load %arg7[%get3A_1562] {strides = array<i32>} : memref<50000xi32, #tpu.memory_space<vmem>>, vector<16xi32>,
      %add3A_1564 = arith.constant 96 : i32
      %add3A_1565 = arith.addi %multiple_of3A, %add3A_1564 : i32
      %get3A_1566 = arith.index_cast %add3A_1565 : i32 to index
      %get3A_1567 = tpu.vector_load %arg7[%get3A_1566] {strides = array<i32>} : memref<50000xi32, #tpu.memory_space<vmem>>, vector<16xi32>,
      %add3A_1568 = arith.constant 112 : i32
      %add3A_1569 = arith.addi %multiple_of3A, %add3A_1568 : i32
      %get3A_1570 = arith.index_cast %add3A_1569 : i32 to index
      %get3A_1571 = tpu.vector_load %arg7[%get3A_1570] {strides = array<i32>} : memref<50000xi32, #tpu.memory_space<vmem>>, vector<16xi32>,
      %add3A_1572 = arith.constant 0 : i32
      %add3A_1573 = arith.addi %multiple_of3A, %add3A_1572 : i32
      %get3A_1574 = arith.index_cast %add3A_1573 : i32 to index
      %get3A_1575 = tpu.vector_load %arg6[%get3A_1574] {strides = array<i32>} : memref<50000xf32, #tpu.memory_space<vmem>>, vector<16xf32>,
      %add3A_1576 = arith.constant 16 : i32
      %add3A_1577 = arith.addi %multiple_of3A, %add3A_1576 : i32
      %get3A_1578 = arith.index_cast %add3A_1577 : i32 to index
      %get3A_1579 = tpu.vector_load %arg6[%get3A_1578] {strides = array<i32>} : memref<50000xf32, #tpu.memory_space<vmem>>, vector<16xf32>,
      %add3A_1580 = arith.constant 32 : i32
      %add3A_1581 = arith.addi %multiple_of3A, %add3A_1580 : i32
      %get3A_1582 = arith.index_cast %add3A_1581 : i32 to index
      %get3A_1583 = tpu.vector_load %arg6[%get3A_1582] {strides = array<i32>} : memref<50000xf32, #tpu.memory_space<vmem>>, vector<16xf32>,
      %add3A_1584 = arith.constant 48 : i32
      %add3A_1585 = arith.addi %multiple_of3A, %add3A_1584 : i32
      %get3A_1586 = arith.index_cast %add3A_1585 : i32 to index
      %get3A_1587 = tpu.vector_load %arg6[%get3A_1586] {strides = array<i32>} : memref<50000xf32, #tpu.memory_space<vmem>>, vector<16xf32>,
      %add3A_1588 = arith.constant 64 : i32
      %add3A_1589 = arith.addi %multiple_of3A, %add3A_1588 : i32
      %get3A_1590 = arith.index_cast %add3A_1589 : i32 to index
      %get3A_1591 = tpu.vector_load %arg6[%get3A_1590] {strides = array<i32>} : memref<50000xf32, #tpu.memory_space<vmem>>, vector<16xf32>,
      %add3A_1592 = arith.constant 80 : i32
      %add3A_1593 = arith.addi %multiple_of3A, %add3A_1592 : i32
      %get3A_1594 = arith.index_cast %add3A_1593 : i32 to index
      %get3A_1595 = tpu.vector_load %arg6[%get3A_1594] {strides = array<i32>} : memref<50000xf32, #tpu.memory_space<vmem>>, vector<16xf32>,
      %add3A_1596 = arith.constant 96 : i32
      %add3A_1597 = arith.addi %multiple_of3A, %add3A_1596 : i32
      %get3A_1598 = arith.index_cast %add3A_1597 : i32 to index
      %get3A_1599 = tpu.vector_load %arg6[%get3A_1598] {strides = array<i32>} : memref<50000xf32, #tpu.memory_space<vmem>>, vector<16xf32>,
      %add3A_1600 = arith.constant 112 : i32
      %add3A_1601 = arith.addi %multiple_of3A, %add3A_1600 : i32
      %get3A_1602 = arith.index_cast %add3A_1601 : i32 to index
      %get3A_1603 = tpu.vector_load %arg6[%get3A_1602] {strides = array<i32>} : memref<50000xf32, #tpu.memory_space<vmem>>, vector<16xf32>,
      tpu.vector_store_idx %arg8[%get3A_1543], %get3A_1575 {add = true} : memref<512xf32, #tpu.memory_space<vmem>>[vector<16xi32>], vector<16xf32>,
      tpu.vector_store_idx %arg9[%get3A_1543], %broadcast_in_dim3A_595 {add = true} : memref<512xf32, #tpu.memory_space<vmem>>[vector<16xi32>], vector<16xf32>,
      tpu.vector_store_idx %arg10[%get3A_1547], %get3A_1579 {add = true} : memref<512xf32, #tpu.memory_space<vmem>>[vector<16xi32>], vector<16xf32>,
      tpu.vector_store_idx %arg11[%get3A_1547], %broadcast_in_dim3A_595 {add = true} : memref<512xf32, #tpu.memory_space<vmem>>[vector<16xi32>], vector<16xf32>,
      tpu.vector_store_idx %arg12[%get3A_1551], %get3A_1583 {add = true} : memref<512xf32, #tpu.memory_space<vmem>>[vector<16xi32>], vector<16xf32>,
      tpu.vector_store_idx %arg13[%get3A_1551], %broadcast_in_dim3A_595 {add = true} : memref<512xf32, #tpu.memory_space<vmem>>[vector<16xi32>], vector<16xf32>,
      tpu.vector_store_idx %arg14[%get3A_1555], %get3A_1587 {add = true} : memref<512xf32, #tpu.memory_space<vmem>>[vector<16xi32>], vector<16xf32>,
      tpu.vector_store_idx %arg15[%get3A_1555], %broadcast_in_dim3A_595 {add = true} : memref<512xf32, #tpu.memory_space<vmem>>[vector<16xi32>], vector<16xf32>,
      tpu.vector_store_idx %arg8[%get3A_1559], %get3A_1591 {add = true} : memref<512xf32, #tpu.memory_space<vmem>>[vector<16xi32>], vector<16xf32>,
      tpu.vector_store_idx %arg9[%get3A_1559], %broadcast_in_dim3A_595 {add = true} : memref<512xf32, #tpu.memory_space<vmem>>[vector<16xi32>], vector<16xf32>,
      tpu.vector_store_idx %arg10[%get3A_1563], %get3A_1595 {add = true} : memref<512xf32, #tpu.memory_space<vmem>>[vector<16xi32>], vector<16xf32>,
      tpu.vector_store_idx %arg11[%get3A_1563], %broadcast_in_dim3A_595 {add = true} : memref<512xf32, #tpu.memory_space<vmem>>[vector<16xi32>], vector<16xf32>,
      tpu.vector_store_idx %arg12[%get3A_1567], %get3A_1599 {add = true} : memref<512xf32, #tpu.memory_space<vmem>>[vector<16xi32>], vector<16xf32>,
      tpu.vector_store_idx %arg13[%get3A_1567], %broadcast_in_dim3A_595 {add = true} : memref<512xf32, #tpu.memory_space<vmem>>[vector<16xi32>], vector<16xf32>,
      tpu.vector_store_idx %arg14[%get3A_1571], %get3A_1603 {add = true} : memref<512xf32, #tpu.memory_space<vmem>>[vector<16xi32>], vector<16xf32>,
      tpu.vector_store_idx %arg15[%get3A_1571], %broadcast_in_dim3A_595 {add = true} : memref<512xf32, #tpu.memory_space<vmem>>[vector<16xi32>], vector<16xf32>,
      %scan3A_1604 = arith.constant 1 : i32
      %scan3A_1605 = arith.addi %scan3A_1535, %scan3A_1604 : i32
      %mul3A_1606 = arith.constant 128 : i32
      %mul3A_1607 = arith.muli %scan3A_1605, %mul3A_1606 : i32
      %add3A_1608 = arith.constant 30000 : i32
      %add3A_1609 = arith.addi %add3A_1608, %mul3A_1607 : i32
      %multiple_of3A_1610 = tpu.assume_multiple %add3A_1609, 16 : i32
      %add3A_1611 = arith.constant 0 : i32
      %add3A_1612 = arith.addi %multiple_of3A_1610, %add3A_1611 : i32
      %get3A_1613 = arith.index_cast %add3A_1612 : i32 to index
      %get3A_1614 = tpu.vector_load %arg7[%get3A_1613] {strides = array<i32>} : memref<50000xi32, #tpu.memory_space<vmem>>, vector<16xi32>,
      %add3A_1615 = arith.constant 16 : i32
      %add3A_1616 = arith.addi %multiple_of3A_1610, %add3A_1615 : i32
      %get3A_1617 = arith.index_cast %add3A_1616 : i32 to index
      %get3A_1618 = tpu.vector_load %arg7[%get3A_1617] {strides = array<i32>} : memref<50000xi32, #tpu.memory_space<vmem>>, vector<16xi32>,
      %add3A_1619 = arith.constant 32 : i32
      %add3A_1620 = arith.addi %multiple_of3A_1610, %add3A_1619 : i32
      %get3A_1621 = arith.index_cast %add3A_1620 : i32 to index
      %get3A_1622 = tpu.vector_load %arg7[%get3A_1621] {strides = array<i32>} : memref<50000xi32, #tpu.memory_space<vmem>>, vector<16xi32>,
      %add3A_1623 = arith.constant 48 : i32
      %add3A_1624 = arith.addi %multiple_of3A_1610, %add3A_1623 : i32
      %get3A_1625 = arith.index_cast %add3A_1624 : i32 to index
      %get3A_1626 = tpu.vector_load %arg7[%get3A_1625] {strides = array<i32>} : memref<50000xi32, #tpu.memory_space<vmem>>, vector<16xi32>,
      %add3A_1627 = arith.constant 64 : i32
      %add3A_1628 = arith.addi %multiple_of3A_1610, %add3A_1627 : i32
      %get3A_1629 = arith.index_cast %add3A_1628 : i32 to index
      %get3A_1630 = tpu.vector_load %arg7[%get3A_1629] {strides = array<i32>} : memref<50000xi32, #tpu.memory_space<vmem>>, vector<16xi32>,
      %add3A_1631 = arith.constant 80 : i32
      %add3A_1632 = arith.addi %multiple_of3A_1610, %add3A_1631 : i32
      %get3A_1633 = arith.index_cast %add3A_1632 : i32 to index
      %get3A_1634 = tpu.vector_load %arg7[%get3A_1633] {strides = array<i32>} : memref<50000xi32, #tpu.memory_space<vmem>>, vector<16xi32>,
      %add3A_1635 = arith.constant 96 : i32
      %add3A_1636 = arith.addi %multiple_of3A_1610, %add3A_1635 : i32
      %get3A_1637 = arith.index_cast %add3A_1636 : i32 to index
      %get3A_1638 = tpu.vector_load %arg7[%get3A_1637] {strides = array<i32>} : memref<50000xi32, #tpu.memory_space<vmem>>, vector<16xi32>,
      %add3A_1639 = arith.constant 112 : i32
      %add3A_1640 = arith.addi %multiple_of3A_1610, %add3A_1639 : i32
      %get3A_1641 = arith.index_cast %add3A_1640 : i32 to index
      %get3A_1642 = tpu.vector_load %arg7[%get3A_1641] {strides = array<i32>} : memref<50000xi32, #tpu.memory_space<vmem>>, vector<16xi32>,
      %add3A_1643 = arith.constant 0 : i32
      %add3A_1644 = arith.addi %multiple_of3A_1610, %add3A_1643 : i32
      %get3A_1645 = arith.index_cast %add3A_1644 : i32 to index
      %get3A_1646 = tpu.vector_load %arg6[%get3A_1645] {strides = array<i32>} : memref<50000xf32, #tpu.memory_space<vmem>>, vector<16xf32>,
      %add3A_1647 = arith.constant 16 : i32
      %add3A_1648 = arith.addi %multiple_of3A_1610, %add3A_1647 : i32
      %get3A_1649 = arith.index_cast %add3A_1648 : i32 to index
      %get3A_1650 = tpu.vector_load %arg6[%get3A_1649] {strides = array<i32>} : memref<50000xf32, #tpu.memory_space<vmem>>, vector<16xf32>,
      %add3A_1651 = arith.constant 32 : i32
      %add3A_1652 = arith.addi %multiple_of3A_1610, %add3A_1651 : i32
      %get3A_1653 = arith.index_cast %add3A_1652 : i32 to index
      %get3A_1654 = tpu.vector_load %arg6[%get3A_1653] {strides = array<i32>} : memref<50000xf32, #tpu.memory_space<vmem>>, vector<16xf32>,
      %add3A_1655 = arith.constant 48 : i32
      %add3A_1656 = arith.addi %multiple_of3A_1610, %add3A_1655 : i32
      %get3A_1657 = arith.index_cast %add3A_1656 : i32 to index
      %get3A_1658 = tpu.vector_load %arg6[%get3A_1657] {strides = array<i32>} : memref<50000xf32, #tpu.memory_space<vmem>>, vector<16xf32>,
      %add3A_1659 = arith.constant 64 : i32
      %add3A_1660 = arith.addi %multiple_of3A_1610, %add3A_1659 : i32
      %get3A_1661 = arith.index_cast %add3A_1660 : i32 to index
      %get3A_1662 = tpu.vector_load %arg6[%get3A_1661] {strides = array<i32>} : memref<50000xf32, #tpu.memory_space<vmem>>, vector<16xf32>,
      %add3A_1663 = arith.constant 80 : i32
      %add3A_1664 = arith.addi %multiple_of3A_1610, %add3A_1663 : i32
      %get3A_1665 = arith.index_cast %add3A_1664 : i32 to index
      %get3A_1666 = tpu.vector_load %arg6[%get3A_1665] {strides = array<i32>} : memref<50000xf32, #tpu.memory_space<vmem>>, vector<16xf32>,
      %add3A_1667 = arith.constant 96 : i32
      %add3A_1668 = arith.addi %multiple_of3A_1610, %add3A_1667 : i32
      %get3A_1669 = arith.index_cast %add3A_1668 : i32 to index
      %get3A_1670 = tpu.vector_load %arg6[%get3A_1669] {strides = array<i32>} : memref<50000xf32, #tpu.memory_space<vmem>>, vector<16xf32>,
      %add3A_1671 = arith.constant 112 : i32
      %add3A_1672 = arith.addi %multiple_of3A_1610, %add3A_1671 : i32
      %get3A_1673 = arith.index_cast %add3A_1672 : i32 to index
      %get3A_1674 = tpu.vector_load %arg6[%get3A_1673] {strides = array<i32>} : memref<50000xf32, #tpu.memory_space<vmem>>, vector<16xf32>,
      tpu.vector_store_idx %arg8[%get3A_1614], %get3A_1646 {add = true} : memref<512xf32, #tpu.memory_space<vmem>>[vector<16xi32>], vector<16xf32>,
      tpu.vector_store_idx %arg9[%get3A_1614], %broadcast_in_dim3A_595 {add = true} : memref<512xf32, #tpu.memory_space<vmem>>[vector<16xi32>], vector<16xf32>,
      tpu.vector_store_idx %arg10[%get3A_1618], %get3A_1650 {add = true} : memref<512xf32, #tpu.memory_space<vmem>>[vector<16xi32>], vector<16xf32>,
      tpu.vector_store_idx %arg11[%get3A_1618], %broadcast_in_dim3A_595 {add = true} : memref<512xf32, #tpu.memory_space<vmem>>[vector<16xi32>], vector<16xf32>,
      tpu.vector_store_idx %arg12[%get3A_1622], %get3A_1654 {add = true} : memref<512xf32, #tpu.memory_space<vmem>>[vector<16xi32>], vector<16xf32>,
      tpu.vector_store_idx %arg13[%get3A_1622], %broadcast_in_dim3A_595 {add = true} : memref<512xf32, #tpu.memory_space<vmem>>[vector<16xi32>], vector<16xf32>,
      tpu.vector_store_idx %arg14[%get3A_1626], %get3A_1658 {add = true} : memref<512xf32, #tpu.memory_space<vmem>>[vector<16xi32>], vector<16xf32>,
      tpu.vector_store_idx %arg15[%get3A_1626], %broadcast_in_dim3A_595 {add = true} : memref<512xf32, #tpu.memory_space<vmem>>[vector<16xi32>], vector<16xf32>,
      tpu.vector_store_idx %arg8[%get3A_1630], %get3A_1662 {add = true} : memref<512xf32, #tpu.memory_space<vmem>>[vector<16xi32>], vector<16xf32>,
      tpu.vector_store_idx %arg9[%get3A_1630], %broadcast_in_dim3A_595 {add = true} : memref<512xf32, #tpu.memory_space<vmem>>[vector<16xi32>], vector<16xf32>,
      tpu.vector_store_idx %arg10[%get3A_1634], %get3A_1666 {add = true} : memref<512xf32, #tpu.memory_space<vmem>>[vector<16xi32>], vector<16xf32>,
      tpu.vector_store_idx %arg11[%get3A_1634], %broadcast_in_dim3A_595 {add = true} : memref<512xf32, #tpu.memory_space<vmem>>[vector<16xi32>], vector<16xf32>,
      tpu.vector_store_idx %arg12[%get3A_1638], %get3A_1670 {add = true} : memref<512xf32, #tpu.memory_space<vmem>>[vector<16xi32>], vector<16xf32>,
      tpu.vector_store_idx %arg13[%get3A_1638], %broadcast_in_dim3A_595 {add = true} : memref<512xf32, #tpu.memory_space<vmem>>[vector<16xi32>], vector<16xf32>,
      tpu.vector_store_idx %arg14[%get3A_1642], %get3A_1674 {add = true} : memref<512xf32, #tpu.memory_space<vmem>>[vector<16xi32>], vector<16xf32>,
      tpu.vector_store_idx %arg15[%get3A_1642], %broadcast_in_dim3A_595 {add = true} : memref<512xf32, #tpu.memory_space<vmem>>[vector<16xi32>], vector<16xf32>,
    }
    %scan3A_676 = arith.constant 78 : i32
    %get3A_677 = arith.constant 39984 : index
    %get3A_678 = tpu.vector_load %arg7[%get3A_677] {strides = array<i32>} : memref<50000xi32, #tpu.memory_space<vmem>>, vector<16xi32>,
    %get3A_679 = arith.constant 39984 : index
    %get3A_680 = tpu.vector_load %arg6[%get3A_679] {strides = array<i32>} : memref<50000xf32, #tpu.memory_space<vmem>>, vector<16xf32>,
    tpu.vector_store_idx %arg8[%get3A_678], %get3A_680 {add = true} : memref<512xf32, #tpu.memory_space<vmem>>[vector<16xi32>], vector<16xf32>,
    tpu.vector_store_idx %arg9[%get3A_678], %broadcast_in_dim3A_595 {add = true} : memref<512xf32, #tpu.memory_space<vmem>>[vector<16xi32>], vector<16xf32>,
    %dma_wait3A_681 = arith.constant 40000 : i32
    %dma_wait3A_682 = tpu.memref_slice %arg6[%dma_wait3A_681] : memref<50000xf32, #tpu.memory_space<vmem>> -> memref<10000xf32, #tpu.memory_space<vmem>>
    %dma_wait3A_683 = tpu.memref_slice %arg2[%add3A_67] : memref<1600000xf32, #tpu.memory_space<hbm>> -> memref<10000xf32, #tpu.memory_space<hbm>>
    %dma_wait3A_684 = arith.constant 40000 : i32
    %dma_wait3A_685 = tpu.memref_slice %arg6[%dma_wait3A_684] : memref<50000xf32, #tpu.memory_space<vmem>> -> memref<10000xf32, #tpu.memory_space<vmem>>
    %dma_wait3A_686 = tpu.memref_slice %arg2[%add3A_67] : memref<1600000xf32, #tpu.memory_space<hbm>> -> memref<10000xf32, #tpu.memory_space<hbm>>
    tpu.wait_dma2 semaphore(%arg16 : memref<!tpu.dma_semaphore, #tpu.memory_space<semaphore_mem>>) src(%dma_wait3A_686 : memref<10000xf32, #tpu.memory_space<hbm>>) dst(%dma_wait3A_685 : memref<10000xf32, #tpu.memory_space<vmem>>)
    %dma_wait3A_687 = arith.constant 40000 : i32
    %dma_wait3A_688 = tpu.memref_slice %arg7[%dma_wait3A_687] : memref<50000xi32, #tpu.memory_space<vmem>> -> memref<10000xi32, #tpu.memory_space<vmem>>
    %dma_wait3A_689 = tpu.memref_slice %arg3[%add3A_69] : memref<1600000xi32, #tpu.memory_space<hbm>> -> memref<10000xi32, #tpu.memory_space<hbm>>
    %dma_wait3A_690 = arith.constant 40000 : i32
    %dma_wait3A_691 = tpu.memref_slice %arg7[%dma_wait3A_690] : memref<50000xi32, #tpu.memory_space<vmem>> -> memref<10000xi32, #tpu.memory_space<vmem>>
    %dma_wait3A_692 = tpu.memref_slice %arg3[%add3A_69] : memref<1600000xi32, #tpu.memory_space<hbm>> -> memref<10000xi32, #tpu.memory_space<hbm>>
    tpu.wait_dma2 semaphore(%arg17 : memref<!tpu.dma_semaphore, #tpu.memory_space<semaphore_mem>>) src(%dma_wait3A_692 : memref<10000xi32, #tpu.memory_space<hbm>>) dst(%dma_wait3A_691 : memref<10000xi32, #tpu.memory_space<vmem>>)
    %scan3A_693 = arith.constant 0 : i32
    %scan3A_694 = arith.constant 0 : i32
    %scan3A_695 = arith.constant 78 : i32
    %scan3A_696 = arith.addi %scan3A_694, %scan3A_695 : i32
    %scan3A_697 = arith.constant 2 : i32
    scf.for %scan3A_1535 = %scan3A_694 to %scan3A_696 step %scan3A_697  : i32 {
      %mul3A_1536 = arith.constant 128 : i32
      %mul3A_1537 = arith.muli %scan3A_1535, %mul3A_1536 : i32
      %add3A_1538 = arith.constant 40000 : i32
      %add3A_1539 = arith.addi %add3A_1538, %mul3A_1537 : i32
      %multiple_of3A = tpu.assume_multiple %add3A_1539, 16 : i32
      %add3A_1540 = arith.constant 0 : i32
      %add3A_1541 = arith.addi %multiple_of3A, %add3A_1540 : i32
      %get3A_1542 = arith.index_cast %add3A_1541 : i32 to index
      %get3A_1543 = tpu.vector_load %arg7[%get3A_1542] {strides = array<i32>} : memref<50000xi32, #tpu.memory_space<vmem>>, vector<16xi32>,
      %add3A_1544 = arith.constant 16 : i32
      %add3A_1545 = arith.addi %multiple_of3A, %add3A_1544 : i32
      %get3A_1546 = arith.index_cast %add3A_1545 : i32 to index
      %get3A_1547 = tpu.vector_load %arg7[%get3A_1546] {strides = array<i32>} : memref<50000xi32, #tpu.memory_space<vmem>>, vector<16xi32>,
      %add3A_1548 = arith.constant 32 : i32
      %add3A_1549 = arith.addi %multiple_of3A, %add3A_1548 : i32
      %get3A_1550 = arith.index_cast %add3A_1549 : i32 to index
      %get3A_1551 = tpu.vector_load %arg7[%get3A_1550] {strides = array<i32>} : memref<50000xi32, #tpu.memory_space<vmem>>, vector<16xi32>,
      %add3A_1552 = arith.constant 48 : i32
      %add3A_1553 = arith.addi %multiple_of3A, %add3A_1552 : i32
      %get3A_1554 = arith.index_cast %add3A_1553 : i32 to index
      %get3A_1555 = tpu.vector_load %arg7[%get3A_1554] {strides = array<i32>} : memref<50000xi32, #tpu.memory_space<vmem>>, vector<16xi32>,
      %add3A_1556 = arith.constant 64 : i32
      %add3A_1557 = arith.addi %multiple_of3A, %add3A_1556 : i32
      %get3A_1558 = arith.index_cast %add3A_1557 : i32 to index
      %get3A_1559 = tpu.vector_load %arg7[%get3A_1558] {strides = array<i32>} : memref<50000xi32, #tpu.memory_space<vmem>>, vector<16xi32>,
      %add3A_1560 = arith.constant 80 : i32
      %add3A_1561 = arith.addi %multiple_of3A, %add3A_1560 : i32
      %get3A_1562 = arith.index_cast %add3A_1561 : i32 to index
      %get3A_1563 = tpu.vector_load %arg7[%get3A_1562] {strides = array<i32>} : memref<50000xi32, #tpu.memory_space<vmem>>, vector<16xi32>,
      %add3A_1564 = arith.constant 96 : i32
      %add3A_1565 = arith.addi %multiple_of3A, %add3A_1564 : i32
      %get3A_1566 = arith.index_cast %add3A_1565 : i32 to index
      %get3A_1567 = tpu.vector_load %arg7[%get3A_1566] {strides = array<i32>} : memref<50000xi32, #tpu.memory_space<vmem>>, vector<16xi32>,
      %add3A_1568 = arith.constant 112 : i32
      %add3A_1569 = arith.addi %multiple_of3A, %add3A_1568 : i32
      %get3A_1570 = arith.index_cast %add3A_1569 : i32 to index
      %get3A_1571 = tpu.vector_load %arg7[%get3A_1570] {strides = array<i32>} : memref<50000xi32, #tpu.memory_space<vmem>>, vector<16xi32>,
      %add3A_1572 = arith.constant 0 : i32
      %add3A_1573 = arith.addi %multiple_of3A, %add3A_1572 : i32
      %get3A_1574 = arith.index_cast %add3A_1573 : i32 to index
      %get3A_1575 = tpu.vector_load %arg6[%get3A_1574] {strides = array<i32>} : memref<50000xf32, #tpu.memory_space<vmem>>, vector<16xf32>,
      %add3A_1576 = arith.constant 16 : i32
      %add3A_1577 = arith.addi %multiple_of3A, %add3A_1576 : i32
      %get3A_1578 = arith.index_cast %add3A_1577 : i32 to index
      %get3A_1579 = tpu.vector_load %arg6[%get3A_1578] {strides = array<i32>} : memref<50000xf32, #tpu.memory_space<vmem>>, vector<16xf32>,
      %add3A_1580 = arith.constant 32 : i32
      %add3A_1581 = arith.addi %multiple_of3A, %add3A_1580 : i32
      %get3A_1582 = arith.index_cast %add3A_1581 : i32 to index
      %get3A_1583 = tpu.vector_load %arg6[%get3A_1582] {strides = array<i32>} : memref<50000xf32, #tpu.memory_space<vmem>>, vector<16xf32>,
      %add3A_1584 = arith.constant 48 : i32
      %add3A_1585 = arith.addi %multiple_of3A, %add3A_1584 : i32
      %get3A_1586 = arith.index_cast %add3A_1585 : i32 to index
      %get3A_1587 = tpu.vector_load %arg6[%get3A_1586] {strides = array<i32>} : memref<50000xf32, #tpu.memory_space<vmem>>, vector<16xf32>,
      %add3A_1588 = arith.constant 64 : i32
      %add3A_1589 = arith.addi %multiple_of3A, %add3A_1588 : i32
      %get3A_1590 = arith.index_cast %add3A_1589 : i32 to index
      %get3A_1591 = tpu.vector_load %arg6[%get3A_1590] {strides = array<i32>} : memref<50000xf32, #tpu.memory_space<vmem>>, vector<16xf32>,
      %add3A_1592 = arith.constant 80 : i32
      %add3A_1593 = arith.addi %multiple_of3A, %add3A_1592 : i32
      %get3A_1594 = arith.index_cast %add3A_1593 : i32 to index
      %get3A_1595 = tpu.vector_load %arg6[%get3A_1594] {strides = array<i32>} : memref<50000xf32, #tpu.memory_space<vmem>>, vector<16xf32>,
      %add3A_1596 = arith.constant 96 : i32
      %add3A_1597 = arith.addi %multiple_of3A, %add3A_1596 : i32
      %get3A_1598 = arith.index_cast %add3A_1597 : i32 to index
      %get3A_1599 = tpu.vector_load %arg6[%get3A_1598] {strides = array<i32>} : memref<50000xf32, #tpu.memory_space<vmem>>, vector<16xf32>,
      %add3A_1600 = arith.constant 112 : i32
      %add3A_1601 = arith.addi %multiple_of3A, %add3A_1600 : i32
      %get3A_1602 = arith.index_cast %add3A_1601 : i32 to index
      %get3A_1603 = tpu.vector_load %arg6[%get3A_1602] {strides = array<i32>} : memref<50000xf32, #tpu.memory_space<vmem>>, vector<16xf32>,
      tpu.vector_store_idx %arg8[%get3A_1543], %get3A_1575 {add = true} : memref<512xf32, #tpu.memory_space<vmem>>[vector<16xi32>], vector<16xf32>,
      tpu.vector_store_idx %arg9[%get3A_1543], %broadcast_in_dim3A_595 {add = true} : memref<512xf32, #tpu.memory_space<vmem>>[vector<16xi32>], vector<16xf32>,
      tpu.vector_store_idx %arg10[%get3A_1547], %get3A_1579 {add = true} : memref<512xf32, #tpu.memory_space<vmem>>[vector<16xi32>], vector<16xf32>,
      tpu.vector_store_idx %arg11[%get3A_1547], %broadcast_in_dim3A_595 {add = true} : memref<512xf32, #tpu.memory_space<vmem>>[vector<16xi32>], vector<16xf32>,
      tpu.vector_store_idx %arg12[%get3A_1551], %get3A_1583 {add = true} : memref<512xf32, #tpu.memory_space<vmem>>[vector<16xi32>], vector<16xf32>,
      tpu.vector_store_idx %arg13[%get3A_1551], %broadcast_in_dim3A_595 {add = true} : memref<512xf32, #tpu.memory_space<vmem>>[vector<16xi32>], vector<16xf32>,
      tpu.vector_store_idx %arg14[%get3A_1555], %get3A_1587 {add = true} : memref<512xf32, #tpu.memory_space<vmem>>[vector<16xi32>], vector<16xf32>,
      tpu.vector_store_idx %arg15[%get3A_1555], %broadcast_in_dim3A_595 {add = true} : memref<512xf32, #tpu.memory_space<vmem>>[vector<16xi32>], vector<16xf32>,
      tpu.vector_store_idx %arg8[%get3A_1559], %get3A_1591 {add = true} : memref<512xf32, #tpu.memory_space<vmem>>[vector<16xi32>], vector<16xf32>,
      tpu.vector_store_idx %arg9[%get3A_1559], %broadcast_in_dim3A_595 {add = true} : memref<512xf32, #tpu.memory_space<vmem>>[vector<16xi32>], vector<16xf32>,
      tpu.vector_store_idx %arg10[%get3A_1563], %get3A_1595 {add = true} : memref<512xf32, #tpu.memory_space<vmem>>[vector<16xi32>], vector<16xf32>,
      tpu.vector_store_idx %arg11[%get3A_1563], %broadcast_in_dim3A_595 {add = true} : memref<512xf32, #tpu.memory_space<vmem>>[vector<16xi32>], vector<16xf32>,
      tpu.vector_store_idx %arg12[%get3A_1567], %get3A_1599 {add = true} : memref<512xf32, #tpu.memory_space<vmem>>[vector<16xi32>], vector<16xf32>,
      tpu.vector_store_idx %arg13[%get3A_1567], %broadcast_in_dim3A_595 {add = true} : memref<512xf32, #tpu.memory_space<vmem>>[vector<16xi32>], vector<16xf32>,
      tpu.vector_store_idx %arg14[%get3A_1571], %get3A_1603 {add = true} : memref<512xf32, #tpu.memory_space<vmem>>[vector<16xi32>], vector<16xf32>,
      tpu.vector_store_idx %arg15[%get3A_1571], %broadcast_in_dim3A_595 {add = true} : memref<512xf32, #tpu.memory_space<vmem>>[vector<16xi32>], vector<16xf32>,
      %scan3A_1604 = arith.constant 1 : i32
      %scan3A_1605 = arith.addi %scan3A_1535, %scan3A_1604 : i32
      %mul3A_1606 = arith.constant 128 : i32
      %mul3A_1607 = arith.muli %scan3A_1605, %mul3A_1606 : i32
      %add3A_1608 = arith.constant 40000 : i32
      %add3A_1609 = arith.addi %add3A_1608, %mul3A_1607 : i32
      %multiple_of3A_1610 = tpu.assume_multiple %add3A_1609, 16 : i32
      %add3A_1611 = arith.constant 0 : i32
      %add3A_1612 = arith.addi %multiple_of3A_1610, %add3A_1611 : i32
      %get3A_1613 = arith.index_cast %add3A_1612 : i32 to index
      %get3A_1614 = tpu.vector_load %arg7[%get3A_1613] {strides = array<i32>} : memref<50000xi32, #tpu.memory_space<vmem>>, vector<16xi32>,
      %add3A_1615 = arith.constant 16 : i32
      %add3A_1616 = arith.addi %multiple_of3A_1610, %add3A_1615 : i32
      %get3A_1617 = arith.index_cast %add3A_1616 : i32 to index
      %get3A_1618 = tpu.vector_load %arg7[%get3A_1617] {strides = array<i32>} : memref<50000xi32, #tpu.memory_space<vmem>>, vector<16xi32>,
      %add3A_1619 = arith.constant 32 : i32
      %add3A_1620 = arith.addi %multiple_of3A_1610, %add3A_1619 : i32
      %get3A_1621 = arith.index_cast %add3A_1620 : i32 to index
      %get3A_1622 = tpu.vector_load %arg7[%get3A_1621] {strides = array<i32>} : memref<50000xi32, #tpu.memory_space<vmem>>, vector<16xi32>,
      %add3A_1623 = arith.constant 48 : i32
      %add3A_1624 = arith.addi %multiple_of3A_1610, %add3A_1623 : i32
      %get3A_1625 = arith.index_cast %add3A_1624 : i32 to index
      %get3A_1626 = tpu.vector_load %arg7[%get3A_1625] {strides = array<i32>} : memref<50000xi32, #tpu.memory_space<vmem>>, vector<16xi32>,
      %add3A_1627 = arith.constant 64 : i32
      %add3A_1628 = arith.addi %multiple_of3A_1610, %add3A_1627 : i32
      %get3A_1629 = arith.index_cast %add3A_1628 : i32 to index
      %get3A_1630 = tpu.vector_load %arg7[%get3A_1629] {strides = array<i32>} : memref<50000xi32, #tpu.memory_space<vmem>>, vector<16xi32>,
      %add3A_1631 = arith.constant 80 : i32
      %add3A_1632 = arith.addi %multiple_of3A_1610, %add3A_1631 : i32
      %get3A_1633 = arith.index_cast %add3A_1632 : i32 to index
      %get3A_1634 = tpu.vector_load %arg7[%get3A_1633] {strides = array<i32>} : memref<50000xi32, #tpu.memory_space<vmem>>, vector<16xi32>,
      %add3A_1635 = arith.constant 96 : i32
      %add3A_1636 = arith.addi %multiple_of3A_1610, %add3A_1635 : i32
      %get3A_1637 = arith.index_cast %add3A_1636 : i32 to index
      %get3A_1638 = tpu.vector_load %arg7[%get3A_1637] {strides = array<i32>} : memref<50000xi32, #tpu.memory_space<vmem>>, vector<16xi32>,
      %add3A_1639 = arith.constant 112 : i32
      %add3A_1640 = arith.addi %multiple_of3A_1610, %add3A_1639 : i32
      %get3A_1641 = arith.index_cast %add3A_1640 : i32 to index
      %get3A_1642 = tpu.vector_load %arg7[%get3A_1641] {strides = array<i32>} : memref<50000xi32, #tpu.memory_space<vmem>>, vector<16xi32>,
      %add3A_1643 = arith.constant 0 : i32
      %add3A_1644 = arith.addi %multiple_of3A_1610, %add3A_1643 : i32
      %get3A_1645 = arith.index_cast %add3A_1644 : i32 to index
      %get3A_1646 = tpu.vector_load %arg6[%get3A_1645] {strides = array<i32>} : memref<50000xf32, #tpu.memory_space<vmem>>, vector<16xf32>,
      %add3A_1647 = arith.constant 16 : i32
      %add3A_1648 = arith.addi %multiple_of3A_1610, %add3A_1647 : i32
      %get3A_1649 = arith.index_cast %add3A_1648 : i32 to index
      %get3A_1650 = tpu.vector_load %arg6[%get3A_1649] {strides = array<i32>} : memref<50000xf32, #tpu.memory_space<vmem>>, vector<16xf32>,
      %add3A_1651 = arith.constant 32 : i32
      %add3A_1652 = arith.addi %multiple_of3A_1610, %add3A_1651 : i32
      %get3A_1653 = arith.index_cast %add3A_1652 : i32 to index
      %get3A_1654 = tpu.vector_load %arg6[%get3A_1653] {strides = array<i32>} : memref<50000xf32, #tpu.memory_space<vmem>>, vector<16xf32>,
      %add3A_1655 = arith.constant 48 : i32
      %add3A_1656 = arith.addi %multiple_of3A_1610, %add3A_1655 : i32
      %get3A_1657 = arith.index_cast %add3A_1656 : i32 to index
      %get3A_1658 = tpu.vector_load %arg6[%get3A_1657] {strides = array<i32>} : memref<50000xf32, #tpu.memory_space<vmem>>, vector<16xf32>,
      %add3A_1659 = arith.constant 64 : i32
      %add3A_1660 = arith.addi %multiple_of3A_1610, %add3A_1659 : i32
      %get3A_1661 = arith.index_cast %add3A_1660 : i32 to index
      %get3A_1662 = tpu.vector_load %arg6[%get3A_1661] {strides = array<i32>} : memref<50000xf32, #tpu.memory_space<vmem>>, vector<16xf32>,
      %add3A_1663 = arith.constant 80 : i32
      %add3A_1664 = arith.addi %multiple_of3A_1610, %add3A_1663 : i32
      %get3A_1665 = arith.index_cast %add3A_1664 : i32 to index
      %get3A_1666 = tpu.vector_load %arg6[%get3A_1665] {strides = array<i32>} : memref<50000xf32, #tpu.memory_space<vmem>>, vector<16xf32>,
      %add3A_1667 = arith.constant 96 : i32
      %add3A_1668 = arith.addi %multiple_of3A_1610, %add3A_1667 : i32
      %get3A_1669 = arith.index_cast %add3A_1668 : i32 to index
      %get3A_1670 = tpu.vector_load %arg6[%get3A_1669] {strides = array<i32>} : memref<50000xf32, #tpu.memory_space<vmem>>, vector<16xf32>,
      %add3A_1671 = arith.constant 112 : i32
      %add3A_1672 = arith.addi %multiple_of3A_1610, %add3A_1671 : i32
      %get3A_1673 = arith.index_cast %add3A_1672 : i32 to index
      %get3A_1674 = tpu.vector_load %arg6[%get3A_1673] {strides = array<i32>} : memref<50000xf32, #tpu.memory_space<vmem>>, vector<16xf32>,
      tpu.vector_store_idx %arg8[%get3A_1614], %get3A_1646 {add = true} : memref<512xf32, #tpu.memory_space<vmem>>[vector<16xi32>], vector<16xf32>,
      tpu.vector_store_idx %arg9[%get3A_1614], %broadcast_in_dim3A_595 {add = true} : memref<512xf32, #tpu.memory_space<vmem>>[vector<16xi32>], vector<16xf32>,
      tpu.vector_store_idx %arg10[%get3A_1618], %get3A_1650 {add = true} : memref<512xf32, #tpu.memory_space<vmem>>[vector<16xi32>], vector<16xf32>,
      tpu.vector_store_idx %arg11[%get3A_1618], %broadcast_in_dim3A_595 {add = true} : memref<512xf32, #tpu.memory_space<vmem>>[vector<16xi32>], vector<16xf32>,
      tpu.vector_store_idx %arg12[%get3A_1622], %get3A_1654 {add = true} : memref<512xf32, #tpu.memory_space<vmem>>[vector<16xi32>], vector<16xf32>,
      tpu.vector_store_idx %arg13[%get3A_1622], %broadcast_in_dim3A_595 {add = true} : memref<512xf32, #tpu.memory_space<vmem>>[vector<16xi32>], vector<16xf32>,
      tpu.vector_store_idx %arg14[%get3A_1626], %get3A_1658 {add = true} : memref<512xf32, #tpu.memory_space<vmem>>[vector<16xi32>], vector<16xf32>,
      tpu.vector_store_idx %arg15[%get3A_1626], %broadcast_in_dim3A_595 {add = true} : memref<512xf32, #tpu.memory_space<vmem>>[vector<16xi32>], vector<16xf32>,
      tpu.vector_store_idx %arg8[%get3A_1630], %get3A_1662 {add = true} : memref<512xf32, #tpu.memory_space<vmem>>[vector<16xi32>], vector<16xf32>,
      tpu.vector_store_idx %arg9[%get3A_1630], %broadcast_in_dim3A_595 {add = true} : memref<512xf32, #tpu.memory_space<vmem>>[vector<16xi32>], vector<16xf32>,
      tpu.vector_store_idx %arg10[%get3A_1634], %get3A_1666 {add = true} : memref<512xf32, #tpu.memory_space<vmem>>[vector<16xi32>], vector<16xf32>,
      tpu.vector_store_idx %arg11[%get3A_1634], %broadcast_in_dim3A_595 {add = true} : memref<512xf32, #tpu.memory_space<vmem>>[vector<16xi32>], vector<16xf32>,
      tpu.vector_store_idx %arg12[%get3A_1638], %get3A_1670 {add = true} : memref<512xf32, #tpu.memory_space<vmem>>[vector<16xi32>], vector<16xf32>,
      tpu.vector_store_idx %arg13[%get3A_1638], %broadcast_in_dim3A_595 {add = true} : memref<512xf32, #tpu.memory_space<vmem>>[vector<16xi32>], vector<16xf32>,
      tpu.vector_store_idx %arg14[%get3A_1642], %get3A_1674 {add = true} : memref<512xf32, #tpu.memory_space<vmem>>[vector<16xi32>], vector<16xf32>,
      tpu.vector_store_idx %arg15[%get3A_1642], %broadcast_in_dim3A_595 {add = true} : memref<512xf32, #tpu.memory_space<vmem>>[vector<16xi32>], vector<16xf32>,
    }
    %scan3A_698 = arith.constant 78 : i32
    %get3A_699 = arith.constant 49984 : index
    %get3A_700 = tpu.vector_load %arg7[%get3A_699] {strides = array<i32>} : memref<50000xi32, #tpu.memory_space<vmem>>, vector<16xi32>,
    %get3A_701 = arith.constant 49984 : index
    %get3A_702 = tpu.vector_load %arg6[%get3A_701] {strides = array<i32>} : memref<50000xf32, #tpu.memory_space<vmem>>, vector<16xf32>,
    tpu.vector_store_idx %arg8[%get3A_700], %get3A_702 {add = true} : memref<512xf32, #tpu.memory_space<vmem>>[vector<16xi32>], vector<16xf32>,
    tpu.vector_store_idx %arg9[%get3A_700], %broadcast_in_dim3A_595 {add = true} : memref<512xf32, #tpu.memory_space<vmem>>[vector<16xi32>], vector<16xf32>,
    %get3A_703 = arith.constant 0 : index
    %get3A_704 = tpu.vector_load %arg8[%get3A_703] {strides = array<i32>} : memref<512xf32, #tpu.memory_space<vmem>>, vector<16xf32>,
    %get3A_705 = arith.constant 0 : index
    %get3A_706 = tpu.vector_load %arg10[%get3A_705] {strides = array<i32>} : memref<512xf32, #tpu.memory_space<vmem>>, vector<16xf32>,
    %add3A_707 = arith.addf %get3A_704, %get3A_706 : vector<16xf32>
    %get3A_708 = arith.constant 0 : index
    %get3A_709 = tpu.vector_load %arg12[%get3A_708] {strides = array<i32>} : memref<512xf32, #tpu.memory_space<vmem>>, vector<16xf32>,
    %get3A_710 = arith.constant 0 : index
    %get3A_711 = tpu.vector_load %arg14[%get3A_710] {strides = array<i32>} : memref<512xf32, #tpu.memory_space<vmem>>, vector<16xf32>,
    %add3A_712 = arith.addf %get3A_709, %get3A_711 : vector<16xf32>
    %add3A_713 = arith.addf %add3A_707, %add3A_712 : vector<16xf32>
    %swap3A_714 = arith.constant 0 : index
    %swap3A_715 = tpu.vector_load %arg8[%swap3A_714] {strides = array<i32>} : memref<512xf32, #tpu.memory_space<vmem>>, vector<16xf32>,
    tpu.vector_store %arg8[%swap3A_714], %add3A_713 {strides = array<i32>} : memref<512xf32, #tpu.memory_space<vmem>>, vector<16xf32>,
    %get3A_716 = arith.constant 0 : index
    %get3A_717 = tpu.vector_load %arg9[%get3A_716] {strides = array<i32>} : memref<512xf32, #tpu.memory_space<vmem>>, vector<16xf32>,
    %get3A_718 = arith.constant 0 : index
    %get3A_719 = tpu.vector_load %arg11[%get3A_718] {strides = array<i32>} : memref<512xf32, #tpu.memory_space<vmem>>, vector<16xf32>,
    %add3A_720 = arith.addf %get3A_717, %get3A_719 : vector<16xf32>
    %get3A_721 = arith.constant 0 : index
    %get3A_722 = tpu.vector_load %arg13[%get3A_721] {strides = array<i32>} : memref<512xf32, #tpu.memory_space<vmem>>, vector<16xf32>,
    %get3A_723 = arith.constant 0 : index
    %get3A_724 = tpu.vector_load %arg15[%get3A_723] {strides = array<i32>} : memref<512xf32, #tpu.memory_space<vmem>>, vector<16xf32>,
    %add3A_725 = arith.addf %get3A_722, %get3A_724 : vector<16xf32>
    %add3A_726 = arith.addf %add3A_720, %add3A_725 : vector<16xf32>
    %swap3A_727 = arith.constant 0 : index
    %swap3A_728 = tpu.vector_load %arg9[%swap3A_727] {strides = array<i32>} : memref<512xf32, #tpu.memory_space<vmem>>, vector<16xf32>,
    tpu.vector_store %arg9[%swap3A_727], %add3A_726 {strides = array<i32>} : memref<512xf32, #tpu.memory_space<vmem>>, vector<16xf32>,
    %get3A_729 = arith.constant 16 : index
    %get3A_730 = tpu.vector_load %arg8[%get3A_729] {strides = array<i32>} : memref<512xf32, #tpu.memory_space<vmem>>, vector<16xf32>,
    %get3A_731 = arith.constant 16 : index
    %get3A_732 = tpu.vector_load %arg10[%get3A_731] {strides = array<i32>} : memref<512xf32, #tpu.memory_space<vmem>>, vector<16xf32>,
    %add3A_733 = arith.addf %get3A_730, %get3A_732 : vector<16xf32>
    %get3A_734 = arith.constant 16 : index
    %get3A_735 = tpu.vector_load %arg12[%get3A_734] {strides = array<i32>} : memref<512xf32, #tpu.memory_space<vmem>>, vector<16xf32>,
    %get3A_736 = arith.constant 16 : index
    %get3A_737 = tpu.vector_load %arg14[%get3A_736] {strides = array<i32>} : memref<512xf32, #tpu.memory_space<vmem>>, vector<16xf32>,
    %add3A_738 = arith.addf %get3A_735, %get3A_737 : vector<16xf32>
    %add3A_739 = arith.addf %add3A_733, %add3A_738 : vector<16xf32>
    %swap3A_740 = arith.constant 16 : index
    %swap3A_741 = tpu.vector_load %arg8[%swap3A_740] {strides = array<i32>} : memref<512xf32, #tpu.memory_space<vmem>>, vector<16xf32>,
    tpu.vector_store %arg8[%swap3A_740], %add3A_739 {strides = array<i32>} : memref<512xf32, #tpu.memory_space<vmem>>, vector<16xf32>,
    %get3A_742 = arith.constant 16 : index
    %get3A_743 = tpu.vector_load %arg9[%get3A_742] {strides = array<i32>} : memref<512xf32, #tpu.memory_space<vmem>>, vector<16xf32>,
    %get3A_744 = arith.constant 16 : index
    %get3A_745 = tpu.vector_load %arg11[%get3A_744] {strides = array<i32>} : memref<512xf32, #tpu.memory_space<vmem>>, vector<16xf32>,
    %add3A_746 = arith.addf %get3A_743, %get3A_745 : vector<16xf32>
    %get3A_747 = arith.constant 16 : index
    %get3A_748 = tpu.vector_load %arg13[%get3A_747] {strides = array<i32>} : memref<512xf32, #tpu.memory_space<vmem>>, vector<16xf32>,
    %get3A_749 = arith.constant 16 : index
    %get3A_750 = tpu.vector_load %arg15[%get3A_749] {strides = array<i32>} : memref<512xf32, #tpu.memory_space<vmem>>, vector<16xf32>,
    %add3A_751 = arith.addf %get3A_748, %get3A_750 : vector<16xf32>
    %add3A_752 = arith.addf %add3A_746, %add3A_751 : vector<16xf32>
    %swap3A_753 = arith.constant 16 : index
    %swap3A_754 = tpu.vector_load %arg9[%swap3A_753] {strides = array<i32>} : memref<512xf32, #tpu.memory_space<vmem>>, vector<16xf32>,
    tpu.vector_store %arg9[%swap3A_753], %add3A_752 {strides = array<i32>} : memref<512xf32, #tpu.memory_space<vmem>>, vector<16xf32>,
    %get3A_755 = arith.constant 32 : index
    %get3A_756 = tpu.vector_load %arg8[%get3A_755] {strides = array<i32>} : memref<512xf32, #tpu.memory_space<vmem>>, vector<16xf32>,
    %get3A_757 = arith.constant 32 : index
    %get3A_758 = tpu.vector_load %arg10[%get3A_757] {strides = array<i32>} : memref<512xf32, #tpu.memory_space<vmem>>, vector<16xf32>,
    %add3A_759 = arith.addf %get3A_756, %get3A_758 : vector<16xf32>
    %get3A_760 = arith.constant 32 : index
    %get3A_761 = tpu.vector_load %arg12[%get3A_760] {strides = array<i32>} : memref<512xf32, #tpu.memory_space<vmem>>, vector<16xf32>,
    %get3A_762 = arith.constant 32 : index
    %get3A_763 = tpu.vector_load %arg14[%get3A_762] {strides = array<i32>} : memref<512xf32, #tpu.memory_space<vmem>>, vector<16xf32>,
    %add3A_764 = arith.addf %get3A_761, %get3A_763 : vector<16xf32>
    %add3A_765 = arith.addf %add3A_759, %add3A_764 : vector<16xf32>
    %swap3A_766 = arith.constant 32 : index
    %swap3A_767 = tpu.vector_load %arg8[%swap3A_766] {strides = array<i32>} : memref<512xf32, #tpu.memory_space<vmem>>, vector<16xf32>,
    tpu.vector_store %arg8[%swap3A_766], %add3A_765 {strides = array<i32>} : memref<512xf32, #tpu.memory_space<vmem>>, vector<16xf32>,
    %get3A_768 = arith.constant 32 : index
    %get3A_769 = tpu.vector_load %arg9[%get3A_768] {strides = array<i32>} : memref<512xf32, #tpu.memory_space<vmem>>, vector<16xf32>,
    %get3A_770 = arith.constant 32 : index
    %get3A_771 = tpu.vector_load %arg11[%get3A_770] {strides = array<i32>} : memref<512xf32, #tpu.memory_space<vmem>>, vector<16xf32>,
    %add3A_772 = arith.addf %get3A_769, %get3A_771 : vector<16xf32>
    %get3A_773 = arith.constant 32 : index
    %get3A_774 = tpu.vector_load %arg13[%get3A_773] {strides = array<i32>} : memref<512xf32, #tpu.memory_space<vmem>>, vector<16xf32>,
    %get3A_775 = arith.constant 32 : index
    %get3A_776 = tpu.vector_load %arg15[%get3A_775] {strides = array<i32>} : memref<512xf32, #tpu.memory_space<vmem>>, vector<16xf32>,
    %add3A_777 = arith.addf %get3A_774, %get3A_776 : vector<16xf32>
    %add3A_778 = arith.addf %add3A_772, %add3A_777 : vector<16xf32>
    %swap3A_779 = arith.constant 32 : index
    %swap3A_780 = tpu.vector_load %arg9[%swap3A_779] {strides = array<i32>} : memref<512xf32, #tpu.memory_space<vmem>>, vector<16xf32>,
    tpu.vector_store %arg9[%swap3A_779], %add3A_778 {strides = array<i32>} : memref<512xf32, #tpu.memory_space<vmem>>, vector<16xf32>,
    %get3A_781 = arith.constant 48 : index
    %get3A_782 = tpu.vector_load %arg8[%get3A_781] {strides = array<i32>} : memref<512xf32, #tpu.memory_space<vmem>>, vector<16xf32>,
    %get3A_783 = arith.constant 48 : index
    %get3A_784 = tpu.vector_load %arg10[%get3A_783] {strides = array<i32>} : memref<512xf32, #tpu.memory_space<vmem>>, vector<16xf32>,
    %add3A_785 = arith.addf %get3A_782, %get3A_784 : vector<16xf32>
    %get3A_786 = arith.constant 48 : index
    %get3A_787 = tpu.vector_load %arg12[%get3A_786] {strides = array<i32>} : memref<512xf32, #tpu.memory_space<vmem>>, vector<16xf32>,
    %get3A_788 = arith.constant 48 : index
    %get3A_789 = tpu.vector_load %arg14[%get3A_788] {strides = array<i32>} : memref<512xf32, #tpu.memory_space<vmem>>, vector<16xf32>,
    %add3A_790 = arith.addf %get3A_787, %get3A_789 : vector<16xf32>
    %add3A_791 = arith.addf %add3A_785, %add3A_790 : vector<16xf32>
    %swap3A_792 = arith.constant 48 : index
    %swap3A_793 = tpu.vector_load %arg8[%swap3A_792] {strides = array<i32>} : memref<512xf32, #tpu.memory_space<vmem>>, vector<16xf32>,
    tpu.vector_store %arg8[%swap3A_792], %add3A_791 {strides = array<i32>} : memref<512xf32, #tpu.memory_space<vmem>>, vector<16xf32>,
    %get3A_794 = arith.constant 48 : index
    %get3A_795 = tpu.vector_load %arg9[%get3A_794] {strides = array<i32>} : memref<512xf32, #tpu.memory_space<vmem>>, vector<16xf32>,
    %get3A_796 = arith.constant 48 : index
    %get3A_797 = tpu.vector_load %arg11[%get3A_796] {strides = array<i32>} : memref<512xf32, #tpu.memory_space<vmem>>, vector<16xf32>,
    %add3A_798 = arith.addf %get3A_795, %get3A_797 : vector<16xf32>
    %get3A_799 = arith.constant 48 : index
    %get3A_800 = tpu.vector_load %arg13[%get3A_799] {strides = array<i32>} : memref<512xf32, #tpu.memory_space<vmem>>, vector<16xf32>,
    %get3A_801 = arith.constant 48 : index
    %get3A_802 = tpu.vector_load %arg15[%get3A_801] {strides = array<i32>} : memref<512xf32, #tpu.memory_space<vmem>>, vector<16xf32>,
    %add3A_803 = arith.addf %get3A_800, %get3A_802 : vector<16xf32>
    %add3A_804 = arith.addf %add3A_798, %add3A_803 : vector<16xf32>
    %swap3A_805 = arith.constant 48 : index
    %swap3A_806 = tpu.vector_load %arg9[%swap3A_805] {strides = array<i32>} : memref<512xf32, #tpu.memory_space<vmem>>, vector<16xf32>,
    tpu.vector_store %arg9[%swap3A_805], %add3A_804 {strides = array<i32>} : memref<512xf32, #tpu.memory_space<vmem>>, vector<16xf32>,
    %get3A_807 = arith.constant 64 : index
    %get3A_808 = tpu.vector_load %arg8[%get3A_807] {strides = array<i32>} : memref<512xf32, #tpu.memory_space<vmem>>, vector<16xf32>,
    %get3A_809 = arith.constant 64 : index
    %get3A_810 = tpu.vector_load %arg10[%get3A_809] {strides = array<i32>} : memref<512xf32, #tpu.memory_space<vmem>>, vector<16xf32>,
    %add3A_811 = arith.addf %get3A_808, %get3A_810 : vector<16xf32>
    %get3A_812 = arith.constant 64 : index
    %get3A_813 = tpu.vector_load %arg12[%get3A_812] {strides = array<i32>} : memref<512xf32, #tpu.memory_space<vmem>>, vector<16xf32>,
    %get3A_814 = arith.constant 64 : index
    %get3A_815 = tpu.vector_load %arg14[%get3A_814] {strides = array<i32>} : memref<512xf32, #tpu.memory_space<vmem>>, vector<16xf32>,
    %add3A_816 = arith.addf %get3A_813, %get3A_815 : vector<16xf32>
    %add3A_817 = arith.addf %add3A_811, %add3A_816 : vector<16xf32>
    %swap3A_818 = arith.constant 64 : index
    %swap3A_819 = tpu.vector_load %arg8[%swap3A_818] {strides = array<i32>} : memref<512xf32, #tpu.memory_space<vmem>>, vector<16xf32>,
    tpu.vector_store %arg8[%swap3A_818], %add3A_817 {strides = array<i32>} : memref<512xf32, #tpu.memory_space<vmem>>, vector<16xf32>,
    %get3A_820 = arith.constant 64 : index
    %get3A_821 = tpu.vector_load %arg9[%get3A_820] {strides = array<i32>} : memref<512xf32, #tpu.memory_space<vmem>>, vector<16xf32>,
    %get3A_822 = arith.constant 64 : index
    %get3A_823 = tpu.vector_load %arg11[%get3A_822] {strides = array<i32>} : memref<512xf32, #tpu.memory_space<vmem>>, vector<16xf32>,
    %add3A_824 = arith.addf %get3A_821, %get3A_823 : vector<16xf32>
    %get3A_825 = arith.constant 64 : index
    %get3A_826 = tpu.vector_load %arg13[%get3A_825] {strides = array<i32>} : memref<512xf32, #tpu.memory_space<vmem>>, vector<16xf32>,
    %get3A_827 = arith.constant 64 : index
    %get3A_828 = tpu.vector_load %arg15[%get3A_827] {strides = array<i32>} : memref<512xf32, #tpu.memory_space<vmem>>, vector<16xf32>,
    %add3A_829 = arith.addf %get3A_826, %get3A_828 : vector<16xf32>
    %add3A_830 = arith.addf %add3A_824, %add3A_829 : vector<16xf32>
    %swap3A_831 = arith.constant 64 : index
    %swap3A_832 = tpu.vector_load %arg9[%swap3A_831] {strides = array<i32>} : memref<512xf32, #tpu.memory_space<vmem>>, vector<16xf32>,
    tpu.vector_store %arg9[%swap3A_831], %add3A_830 {strides = array<i32>} : memref<512xf32, #tpu.memory_space<vmem>>, vector<16xf32>,
    %get3A_833 = arith.constant 80 : index
    %get3A_834 = tpu.vector_load %arg8[%get3A_833] {strides = array<i32>} : memref<512xf32, #tpu.memory_space<vmem>>, vector<16xf32>,
    %get3A_835 = arith.constant 80 : index
    %get3A_836 = tpu.vector_load %arg10[%get3A_835] {strides = array<i32>} : memref<512xf32, #tpu.memory_space<vmem>>, vector<16xf32>,
    %add3A_837 = arith.addf %get3A_834, %get3A_836 : vector<16xf32>
    %get3A_838 = arith.constant 80 : index
    %get3A_839 = tpu.vector_load %arg12[%get3A_838] {strides = array<i32>} : memref<512xf32, #tpu.memory_space<vmem>>, vector<16xf32>,
    %get3A_840 = arith.constant 80 : index
    %get3A_841 = tpu.vector_load %arg14[%get3A_840] {strides = array<i32>} : memref<512xf32, #tpu.memory_space<vmem>>, vector<16xf32>,
    %add3A_842 = arith.addf %get3A_839, %get3A_841 : vector<16xf32>
    %add3A_843 = arith.addf %add3A_837, %add3A_842 : vector<16xf32>
    %swap3A_844 = arith.constant 80 : index
    %swap3A_845 = tpu.vector_load %arg8[%swap3A_844] {strides = array<i32>} : memref<512xf32, #tpu.memory_space<vmem>>, vector<16xf32>,
    tpu.vector_store %arg8[%swap3A_844], %add3A_843 {strides = array<i32>} : memref<512xf32, #tpu.memory_space<vmem>>, vector<16xf32>,
    %get3A_846 = arith.constant 80 : index
    %get3A_847 = tpu.vector_load %arg9[%get3A_846] {strides = array<i32>} : memref<512xf32, #tpu.memory_space<vmem>>, vector<16xf32>,
    %get3A_848 = arith.constant 80 : index
    %get3A_849 = tpu.vector_load %arg11[%get3A_848] {strides = array<i32>} : memref<512xf32, #tpu.memory_space<vmem>>, vector<16xf32>,
    %add3A_850 = arith.addf %get3A_847, %get3A_849 : vector<16xf32>
    %get3A_851 = arith.constant 80 : index
    %get3A_852 = tpu.vector_load %arg13[%get3A_851] {strides = array<i32>} : memref<512xf32, #tpu.memory_space<vmem>>, vector<16xf32>,
    %get3A_853 = arith.constant 80 : index
    %get3A_854 = tpu.vector_load %arg15[%get3A_853] {strides = array<i32>} : memref<512xf32, #tpu.memory_space<vmem>>, vector<16xf32>,
    %add3A_855 = arith.addf %get3A_852, %get3A_854 : vector<16xf32>
    %add3A_856 = arith.addf %add3A_850, %add3A_855 : vector<16xf32>
    %swap3A_857 = arith.constant 80 : index
    %swap3A_858 = tpu.vector_load %arg9[%swap3A_857] {strides = array<i32>} : memref<512xf32, #tpu.memory_space<vmem>>, vector<16xf32>,
    tpu.vector_store %arg9[%swap3A_857], %add3A_856 {strides = array<i32>} : memref<512xf32, #tpu.memory_space<vmem>>, vector<16xf32>,
    %get3A_859 = arith.constant 96 : index
    %get3A_860 = tpu.vector_load %arg8[%get3A_859] {strides = array<i32>} : memref<512xf32, #tpu.memory_space<vmem>>, vector<16xf32>,
    %get3A_861 = arith.constant 96 : index
    %get3A_862 = tpu.vector_load %arg10[%get3A_861] {strides = array<i32>} : memref<512xf32, #tpu.memory_space<vmem>>, vector<16xf32>,
    %add3A_863 = arith.addf %get3A_860, %get3A_862 : vector<16xf32>
    %get3A_864 = arith.constant 96 : index
    %get3A_865 = tpu.vector_load %arg12[%get3A_864] {strides = array<i32>} : memref<512xf32, #tpu.memory_space<vmem>>, vector<16xf32>,
    %get3A_866 = arith.constant 96 : index
    %get3A_867 = tpu.vector_load %arg14[%get3A_866] {strides = array<i32>} : memref<512xf32, #tpu.memory_space<vmem>>, vector<16xf32>,
    %add3A_868 = arith.addf %get3A_865, %get3A_867 : vector<16xf32>
    %add3A_869 = arith.addf %add3A_863, %add3A_868 : vector<16xf32>
    %swap3A_870 = arith.constant 96 : index
    %swap3A_871 = tpu.vector_load %arg8[%swap3A_870] {strides = array<i32>} : memref<512xf32, #tpu.memory_space<vmem>>, vector<16xf32>,
    tpu.vector_store %arg8[%swap3A_870], %add3A_869 {strides = array<i32>} : memref<512xf32, #tpu.memory_space<vmem>>, vector<16xf32>,
    %get3A_872 = arith.constant 96 : index
    %get3A_873 = tpu.vector_load %arg9[%get3A_872] {strides = array<i32>} : memref<512xf32, #tpu.memory_space<vmem>>, vector<16xf32>,
    %get3A_874 = arith.constant 96 : index
    %get3A_875 = tpu.vector_load %arg11[%get3A_874] {strides = array<i32>} : memref<512xf32, #tpu.memory_space<vmem>>, vector<16xf32>,
    %add3A_876 = arith.addf %get3A_873, %get3A_875 : vector<16xf32>
    %get3A_877 = arith.constant 96 : index
    %get3A_878 = tpu.vector_load %arg13[%get3A_877] {strides = array<i32>} : memref<512xf32, #tpu.memory_space<vmem>>, vector<16xf32>,
    %get3A_879 = arith.constant 96 : index
    %get3A_880 = tpu.vector_load %arg15[%get3A_879] {strides = array<i32>} : memref<512xf32, #tpu.memory_space<vmem>>, vector<16xf32>,
    %add3A_881 = arith.addf %get3A_878, %get3A_880 : vector<16xf32>
    %add3A_882 = arith.addf %add3A_876, %add3A_881 : vector<16xf32>
    %swap3A_883 = arith.constant 96 : index
    %swap3A_884 = tpu.vector_load %arg9[%swap3A_883] {strides = array<i32>} : memref<512xf32, #tpu.memory_space<vmem>>, vector<16xf32>,
    tpu.vector_store %arg9[%swap3A_883], %add3A_882 {strides = array<i32>} : memref<512xf32, #tpu.memory_space<vmem>>, vector<16xf32>,
    %get3A_885 = arith.constant 112 : index
    %get3A_886 = tpu.vector_load %arg8[%get3A_885] {strides = array<i32>} : memref<512xf32, #tpu.memory_space<vmem>>, vector<16xf32>,
    %get3A_887 = arith.constant 112 : index
    %get3A_888 = tpu.vector_load %arg10[%get3A_887] {strides = array<i32>} : memref<512xf32, #tpu.memory_space<vmem>>, vector<16xf32>,
    %add3A_889 = arith.addf %get3A_886, %get3A_888 : vector<16xf32>
    %get3A_890 = arith.constant 112 : index
    %get3A_891 = tpu.vector_load %arg12[%get3A_890] {strides = array<i32>} : memref<512xf32, #tpu.memory_space<vmem>>, vector<16xf32>,
    %get3A_892 = arith.constant 112 : index
    %get3A_893 = tpu.vector_load %arg14[%get3A_892] {strides = array<i32>} : memref<512xf32, #tpu.memory_space<vmem>>, vector<16xf32>,
    %add3A_894 = arith.addf %get3A_891, %get3A_893 : vector<16xf32>
    %add3A_895 = arith.addf %add3A_889, %add3A_894 : vector<16xf32>
    %swap3A_896 = arith.constant 112 : index
    %swap3A_897 = tpu.vector_load %arg8[%swap3A_896] {strides = array<i32>} : memref<512xf32, #tpu.memory_space<vmem>>, vector<16xf32>,
    tpu.vector_store %arg8[%swap3A_896], %add3A_895 {strides = array<i32>} : memref<512xf32, #tpu.memory_space<vmem>>, vector<16xf32>,
    %get3A_898 = arith.constant 112 : index
    %get3A_899 = tpu.vector_load %arg9[%get3A_898] {strides = array<i32>} : memref<512xf32, #tpu.memory_space<vmem>>, vector<16xf32>,
    %get3A_900 = arith.constant 112 : index
    %get3A_901 = tpu.vector_load %arg11[%get3A_900] {strides = array<i32>} : memref<512xf32, #tpu.memory_space<vmem>>, vector<16xf32>,
    %add3A_902 = arith.addf %get3A_899, %get3A_901 : vector<16xf32>
    %get3A_903 = arith.constant 112 : index
    %get3A_904 = tpu.vector_load %arg13[%get3A_903] {strides = array<i32>} : memref<512xf32, #tpu.memory_space<vmem>>, vector<16xf32>,
    %get3A_905 = arith.constant 112 : index
    %get3A_906 = tpu.vector_load %arg15[%get3A_905] {strides = array<i32>} : memref<512xf32, #tpu.memory_space<vmem>>, vector<16xf32>,
    %add3A_907 = arith.addf %get3A_904, %get3A_906 : vector<16xf32>
    %add3A_908 = arith.addf %add3A_902, %add3A_907 : vector<16xf32>
    %swap3A_909 = arith.constant 112 : index
    %swap3A_910 = tpu.vector_load %arg9[%swap3A_909] {strides = array<i32>} : memref<512xf32, #tpu.memory_space<vmem>>, vector<16xf32>,
    tpu.vector_store %arg9[%swap3A_909], %add3A_908 {strides = array<i32>} : memref<512xf32, #tpu.memory_space<vmem>>, vector<16xf32>,
    %get3A_911 = arith.constant 128 : index
    %get3A_912 = tpu.vector_load %arg8[%get3A_911] {strides = array<i32>} : memref<512xf32, #tpu.memory_space<vmem>>, vector<16xf32>,
    %get3A_913 = arith.constant 128 : index
    %get3A_914 = tpu.vector_load %arg10[%get3A_913] {strides = array<i32>} : memref<512xf32, #tpu.memory_space<vmem>>, vector<16xf32>,
    %add3A_915 = arith.addf %get3A_912, %get3A_914 : vector<16xf32>
    %get3A_916 = arith.constant 128 : index
    %get3A_917 = tpu.vector_load %arg12[%get3A_916] {strides = array<i32>} : memref<512xf32, #tpu.memory_space<vmem>>, vector<16xf32>,
    %get3A_918 = arith.constant 128 : index
    %get3A_919 = tpu.vector_load %arg14[%get3A_918] {strides = array<i32>} : memref<512xf32, #tpu.memory_space<vmem>>, vector<16xf32>,
    %add3A_920 = arith.addf %get3A_917, %get3A_919 : vector<16xf32>
    %add3A_921 = arith.addf %add3A_915, %add3A_920 : vector<16xf32>
    %swap3A_922 = arith.constant 128 : index
    %swap3A_923 = tpu.vector_load %arg8[%swap3A_922] {strides = array<i32>} : memref<512xf32, #tpu.memory_space<vmem>>, vector<16xf32>,
    tpu.vector_store %arg8[%swap3A_922], %add3A_921 {strides = array<i32>} : memref<512xf32, #tpu.memory_space<vmem>>, vector<16xf32>,
    %get3A_924 = arith.constant 128 : index
    %get3A_925 = tpu.vector_load %arg9[%get3A_924] {strides = array<i32>} : memref<512xf32, #tpu.memory_space<vmem>>, vector<16xf32>,
    %get3A_926 = arith.constant 128 : index
    %get3A_927 = tpu.vector_load %arg11[%get3A_926] {strides = array<i32>} : memref<512xf32, #tpu.memory_space<vmem>>, vector<16xf32>,
    %add3A_928 = arith.addf %get3A_925, %get3A_927 : vector<16xf32>
    %get3A_929 = arith.constant 128 : index
    %get3A_930 = tpu.vector_load %arg13[%get3A_929] {strides = array<i32>} : memref<512xf32, #tpu.memory_space<vmem>>, vector<16xf32>,
    %get3A_931 = arith.constant 128 : index
    %get3A_932 = tpu.vector_load %arg15[%get3A_931] {strides = array<i32>} : memref<512xf32, #tpu.memory_space<vmem>>, vector<16xf32>,
    %add3A_933 = arith.addf %get3A_930, %get3A_932 : vector<16xf32>
    %add3A_934 = arith.addf %add3A_928, %add3A_933 : vector<16xf32>
    %swap3A_935 = arith.constant 128 : index
    %swap3A_936 = tpu.vector_load %arg9[%swap3A_935] {strides = array<i32>} : memref<512xf32, #tpu.memory_space<vmem>>, vector<16xf32>,
    tpu.vector_store %arg9[%swap3A_935], %add3A_934 {strides = array<i32>} : memref<512xf32, #tpu.memory_space<vmem>>, vector<16xf32>,
    %get3A_937 = arith.constant 144 : index
    %get3A_938 = tpu.vector_load %arg8[%get3A_937] {strides = array<i32>} : memref<512xf32, #tpu.memory_space<vmem>>, vector<16xf32>,
    %get3A_939 = arith.constant 144 : index
    %get3A_940 = tpu.vector_load %arg10[%get3A_939] {strides = array<i32>} : memref<512xf32, #tpu.memory_space<vmem>>, vector<16xf32>,
    %add3A_941 = arith.addf %get3A_938, %get3A_940 : vector<16xf32>
    %get3A_942 = arith.constant 144 : index
    %get3A_943 = tpu.vector_load %arg12[%get3A_942] {strides = array<i32>} : memref<512xf32, #tpu.memory_space<vmem>>, vector<16xf32>,
    %get3A_944 = arith.constant 144 : index
    %get3A_945 = tpu.vector_load %arg14[%get3A_944] {strides = array<i32>} : memref<512xf32, #tpu.memory_space<vmem>>, vector<16xf32>,
    %add3A_946 = arith.addf %get3A_943, %get3A_945 : vector<16xf32>
    %add3A_947 = arith.addf %add3A_941, %add3A_946 : vector<16xf32>
    %swap3A_948 = arith.constant 144 : index
    %swap3A_949 = tpu.vector_load %arg8[%swap3A_948] {strides = array<i32>} : memref<512xf32, #tpu.memory_space<vmem>>, vector<16xf32>,
    tpu.vector_store %arg8[%swap3A_948], %add3A_947 {strides = array<i32>} : memref<512xf32, #tpu.memory_space<vmem>>, vector<16xf32>,
    %get3A_950 = arith.constant 144 : index
    %get3A_951 = tpu.vector_load %arg9[%get3A_950] {strides = array<i32>} : memref<512xf32, #tpu.memory_space<vmem>>, vector<16xf32>,
    %get3A_952 = arith.constant 144 : index
    %get3A_953 = tpu.vector_load %arg11[%get3A_952] {strides = array<i32>} : memref<512xf32, #tpu.memory_space<vmem>>, vector<16xf32>,
    %add3A_954 = arith.addf %get3A_951, %get3A_953 : vector<16xf32>
    %get3A_955 = arith.constant 144 : index
    %get3A_956 = tpu.vector_load %arg13[%get3A_955] {strides = array<i32>} : memref<512xf32, #tpu.memory_space<vmem>>, vector<16xf32>,
    %get3A_957 = arith.constant 144 : index
    %get3A_958 = tpu.vector_load %arg15[%get3A_957] {strides = array<i32>} : memref<512xf32, #tpu.memory_space<vmem>>, vector<16xf32>,
    %add3A_959 = arith.addf %get3A_956, %get3A_958 : vector<16xf32>
    %add3A_960 = arith.addf %add3A_954, %add3A_959 : vector<16xf32>
    %swap3A_961 = arith.constant 144 : index
    %swap3A_962 = tpu.vector_load %arg9[%swap3A_961] {strides = array<i32>} : memref<512xf32, #tpu.memory_space<vmem>>, vector<16xf32>,
    tpu.vector_store %arg9[%swap3A_961], %add3A_960 {strides = array<i32>} : memref<512xf32, #tpu.memory_space<vmem>>, vector<16xf32>,
    %get3A_963 = arith.constant 160 : index
    %get3A_964 = tpu.vector_load %arg8[%get3A_963] {strides = array<i32>} : memref<512xf32, #tpu.memory_space<vmem>>, vector<16xf32>,
    %get3A_965 = arith.constant 160 : index
    %get3A_966 = tpu.vector_load %arg10[%get3A_965] {strides = array<i32>} : memref<512xf32, #tpu.memory_space<vmem>>, vector<16xf32>,
    %add3A_967 = arith.addf %get3A_964, %get3A_966 : vector<16xf32>
    %get3A_968 = arith.constant 160 : index
    %get3A_969 = tpu.vector_load %arg12[%get3A_968] {strides = array<i32>} : memref<512xf32, #tpu.memory_space<vmem>>, vector<16xf32>,
    %get3A_970 = arith.constant 160 : index
    %get3A_971 = tpu.vector_load %arg14[%get3A_970] {strides = array<i32>} : memref<512xf32, #tpu.memory_space<vmem>>, vector<16xf32>,
    %add3A_972 = arith.addf %get3A_969, %get3A_971 : vector<16xf32>
    %add3A_973 = arith.addf %add3A_967, %add3A_972 : vector<16xf32>
    %swap3A_974 = arith.constant 160 : index
    %swap3A_975 = tpu.vector_load %arg8[%swap3A_974] {strides = array<i32>} : memref<512xf32, #tpu.memory_space<vmem>>, vector<16xf32>,
    tpu.vector_store %arg8[%swap3A_974], %add3A_973 {strides = array<i32>} : memref<512xf32, #tpu.memory_space<vmem>>, vector<16xf32>,
    %get3A_976 = arith.constant 160 : index
    %get3A_977 = tpu.vector_load %arg9[%get3A_976] {strides = array<i32>} : memref<512xf32, #tpu.memory_space<vmem>>, vector<16xf32>,
    %get3A_978 = arith.constant 160 : index
    %get3A_979 = tpu.vector_load %arg11[%get3A_978] {strides = array<i32>} : memref<512xf32, #tpu.memory_space<vmem>>, vector<16xf32>,
    %add3A_980 = arith.addf %get3A_977, %get3A_979 : vector<16xf32>
    %get3A_981 = arith.constant 160 : index
    %get3A_982 = tpu.vector_load %arg13[%get3A_981] {strides = array<i32>} : memref<512xf32, #tpu.memory_space<vmem>>, vector<16xf32>,
    %get3A_983 = arith.constant 160 : index
    %get3A_984 = tpu.vector_load %arg15[%get3A_983] {strides = array<i32>} : memref<512xf32, #tpu.memory_space<vmem>>, vector<16xf32>,
    %add3A_985 = arith.addf %get3A_982, %get3A_984 : vector<16xf32>
    %add3A_986 = arith.addf %add3A_980, %add3A_985 : vector<16xf32>
    %swap3A_987 = arith.constant 160 : index
    %swap3A_988 = tpu.vector_load %arg9[%swap3A_987] {strides = array<i32>} : memref<512xf32, #tpu.memory_space<vmem>>, vector<16xf32>,
    tpu.vector_store %arg9[%swap3A_987], %add3A_986 {strides = array<i32>} : memref<512xf32, #tpu.memory_space<vmem>>, vector<16xf32>,
    %get3A_989 = arith.constant 176 : index
    %get3A_990 = tpu.vector_load %arg8[%get3A_989] {strides = array<i32>} : memref<512xf32, #tpu.memory_space<vmem>>, vector<16xf32>,
    %get3A_991 = arith.constant 176 : index
    %get3A_992 = tpu.vector_load %arg10[%get3A_991] {strides = array<i32>} : memref<512xf32, #tpu.memory_space<vmem>>, vector<16xf32>,
    %add3A_993 = arith.addf %get3A_990, %get3A_992 : vector<16xf32>
    %get3A_994 = arith.constant 176 : index
    %get3A_995 = tpu.vector_load %arg12[%get3A_994] {strides = array<i32>} : memref<512xf32, #tpu.memory_space<vmem>>, vector<16xf32>,
    %get3A_996 = arith.constant 176 : index
    %get3A_997 = tpu.vector_load %arg14[%get3A_996] {strides = array<i32>} : memref<512xf32, #tpu.memory_space<vmem>>, vector<16xf32>,
    %add3A_998 = arith.addf %get3A_995, %get3A_997 : vector<16xf32>
    %add3A_999 = arith.addf %add3A_993, %add3A_998 : vector<16xf32>
    %swap3A_1000 = arith.constant 176 : index
    %swap3A_1001 = tpu.vector_load %arg8[%swap3A_1000] {strides = array<i32>} : memref<512xf32, #tpu.memory_space<vmem>>, vector<16xf32>,
    tpu.vector_store %arg8[%swap3A_1000], %add3A_999 {strides = array<i32>} : memref<512xf32, #tpu.memory_space<vmem>>, vector<16xf32>,
    %get3A_1002 = arith.constant 176 : index
    %get3A_1003 = tpu.vector_load %arg9[%get3A_1002] {strides = array<i32>} : memref<512xf32, #tpu.memory_space<vmem>>, vector<16xf32>,
    %get3A_1004 = arith.constant 176 : index
    %get3A_1005 = tpu.vector_load %arg11[%get3A_1004] {strides = array<i32>} : memref<512xf32, #tpu.memory_space<vmem>>, vector<16xf32>,
    %add3A_1006 = arith.addf %get3A_1003, %get3A_1005 : vector<16xf32>
    %get3A_1007 = arith.constant 176 : index
    %get3A_1008 = tpu.vector_load %arg13[%get3A_1007] {strides = array<i32>} : memref<512xf32, #tpu.memory_space<vmem>>, vector<16xf32>,
    %get3A_1009 = arith.constant 176 : index
    %get3A_1010 = tpu.vector_load %arg15[%get3A_1009] {strides = array<i32>} : memref<512xf32, #tpu.memory_space<vmem>>, vector<16xf32>,
    %add3A_1011 = arith.addf %get3A_1008, %get3A_1010 : vector<16xf32>
    %add3A_1012 = arith.addf %add3A_1006, %add3A_1011 : vector<16xf32>
    %swap3A_1013 = arith.constant 176 : index
    %swap3A_1014 = tpu.vector_load %arg9[%swap3A_1013] {strides = array<i32>} : memref<512xf32, #tpu.memory_space<vmem>>, vector<16xf32>,
    tpu.vector_store %arg9[%swap3A_1013], %add3A_1012 {strides = array<i32>} : memref<512xf32, #tpu.memory_space<vmem>>, vector<16xf32>,
    %get3A_1015 = arith.constant 192 : index
    %get3A_1016 = tpu.vector_load %arg8[%get3A_1015] {strides = array<i32>} : memref<512xf32, #tpu.memory_space<vmem>>, vector<16xf32>,
    %get3A_1017 = arith.constant 192 : index
    %get3A_1018 = tpu.vector_load %arg10[%get3A_1017] {strides = array<i32>} : memref<512xf32, #tpu.memory_space<vmem>>, vector<16xf32>,
    %add3A_1019 = arith.addf %get3A_1016, %get3A_1018 : vector<16xf32>
    %get3A_1020 = arith.constant 192 : index
    %get3A_1021 = tpu.vector_load %arg12[%get3A_1020] {strides = array<i32>} : memref<512xf32, #tpu.memory_space<vmem>>, vector<16xf32>,
    %get3A_1022 = arith.constant 192 : index
    %get3A_1023 = tpu.vector_load %arg14[%get3A_1022] {strides = array<i32>} : memref<512xf32, #tpu.memory_space<vmem>>, vector<16xf32>,
    %add3A_1024 = arith.addf %get3A_1021, %get3A_1023 : vector<16xf32>
    %add3A_1025 = arith.addf %add3A_1019, %add3A_1024 : vector<16xf32>
    %swap3A_1026 = arith.constant 192 : index
    %swap3A_1027 = tpu.vector_load %arg8[%swap3A_1026] {strides = array<i32>} : memref<512xf32, #tpu.memory_space<vmem>>, vector<16xf32>,
    tpu.vector_store %arg8[%swap3A_1026], %add3A_1025 {strides = array<i32>} : memref<512xf32, #tpu.memory_space<vmem>>, vector<16xf32>,
    %get3A_1028 = arith.constant 192 : index
    %get3A_1029 = tpu.vector_load %arg9[%get3A_1028] {strides = array<i32>} : memref<512xf32, #tpu.memory_space<vmem>>, vector<16xf32>,
    %get3A_1030 = arith.constant 192 : index
    %get3A_1031 = tpu.vector_load %arg11[%get3A_1030] {strides = array<i32>} : memref<512xf32, #tpu.memory_space<vmem>>, vector<16xf32>,
    %add3A_1032 = arith.addf %get3A_1029, %get3A_1031 : vector<16xf32>
    %get3A_1033 = arith.constant 192 : index
    %get3A_1034 = tpu.vector_load %arg13[%get3A_1033] {strides = array<i32>} : memref<512xf32, #tpu.memory_space<vmem>>, vector<16xf32>,
    %get3A_1035 = arith.constant 192 : index
    %get3A_1036 = tpu.vector_load %arg15[%get3A_1035] {strides = array<i32>} : memref<512xf32, #tpu.memory_space<vmem>>, vector<16xf32>,
    %add3A_1037 = arith.addf %get3A_1034, %get3A_1036 : vector<16xf32>
    %add3A_1038 = arith.addf %add3A_1032, %add3A_1037 : vector<16xf32>
    %swap3A_1039 = arith.constant 192 : index
    %swap3A_1040 = tpu.vector_load %arg9[%swap3A_1039] {strides = array<i32>} : memref<512xf32, #tpu.memory_space<vmem>>, vector<16xf32>,
    tpu.vector_store %arg9[%swap3A_1039], %add3A_1038 {strides = array<i32>} : memref<512xf32, #tpu.memory_space<vmem>>, vector<16xf32>,
    %get3A_1041 = arith.constant 208 : index
    %get3A_1042 = tpu.vector_load %arg8[%get3A_1041] {strides = array<i32>} : memref<512xf32, #tpu.memory_space<vmem>>, vector<16xf32>,
    %get3A_1043 = arith.constant 208 : index
    %get3A_1044 = tpu.vector_load %arg10[%get3A_1043] {strides = array<i32>} : memref<512xf32, #tpu.memory_space<vmem>>, vector<16xf32>,
    %add3A_1045 = arith.addf %get3A_1042, %get3A_1044 : vector<16xf32>
    %get3A_1046 = arith.constant 208 : index
    %get3A_1047 = tpu.vector_load %arg12[%get3A_1046] {strides = array<i32>} : memref<512xf32, #tpu.memory_space<vmem>>, vector<16xf32>,
    %get3A_1048 = arith.constant 208 : index
    %get3A_1049 = tpu.vector_load %arg14[%get3A_1048] {strides = array<i32>} : memref<512xf32, #tpu.memory_space<vmem>>, vector<16xf32>,
    %add3A_1050 = arith.addf %get3A_1047, %get3A_1049 : vector<16xf32>
    %add3A_1051 = arith.addf %add3A_1045, %add3A_1050 : vector<16xf32>
    %swap3A_1052 = arith.constant 208 : index
    %swap3A_1053 = tpu.vector_load %arg8[%swap3A_1052] {strides = array<i32>} : memref<512xf32, #tpu.memory_space<vmem>>, vector<16xf32>,
    tpu.vector_store %arg8[%swap3A_1052], %add3A_1051 {strides = array<i32>} : memref<512xf32, #tpu.memory_space<vmem>>, vector<16xf32>,
    %get3A_1054 = arith.constant 208 : index
    %get3A_1055 = tpu.vector_load %arg9[%get3A_1054] {strides = array<i32>} : memref<512xf32, #tpu.memory_space<vmem>>, vector<16xf32>,
    %get3A_1056 = arith.constant 208 : index
    %get3A_1057 = tpu.vector_load %arg11[%get3A_1056] {strides = array<i32>} : memref<512xf32, #tpu.memory_space<vmem>>, vector<16xf32>,
    %add3A_1058 = arith.addf %get3A_1055, %get3A_1057 : vector<16xf32>
    %get3A_1059 = arith.constant 208 : index
    %get3A_1060 = tpu.vector_load %arg13[%get3A_1059] {strides = array<i32>} : memref<512xf32, #tpu.memory_space<vmem>>, vector<16xf32>,
    %get3A_1061 = arith.constant 208 : index
    %get3A_1062 = tpu.vector_load %arg15[%get3A_1061] {strides = array<i32>} : memref<512xf32, #tpu.memory_space<vmem>>, vector<16xf32>,
    %add3A_1063 = arith.addf %get3A_1060, %get3A_1062 : vector<16xf32>
    %add3A_1064 = arith.addf %add3A_1058, %add3A_1063 : vector<16xf32>
    %swap3A_1065 = arith.constant 208 : index
    %swap3A_1066 = tpu.vector_load %arg9[%swap3A_1065] {strides = array<i32>} : memref<512xf32, #tpu.memory_space<vmem>>, vector<16xf32>,
    tpu.vector_store %arg9[%swap3A_1065], %add3A_1064 {strides = array<i32>} : memref<512xf32, #tpu.memory_space<vmem>>, vector<16xf32>,
    %get3A_1067 = arith.constant 224 : index
    %get3A_1068 = tpu.vector_load %arg8[%get3A_1067] {strides = array<i32>} : memref<512xf32, #tpu.memory_space<vmem>>, vector<16xf32>,
    %get3A_1069 = arith.constant 224 : index
    %get3A_1070 = tpu.vector_load %arg10[%get3A_1069] {strides = array<i32>} : memref<512xf32, #tpu.memory_space<vmem>>, vector<16xf32>,
    %add3A_1071 = arith.addf %get3A_1068, %get3A_1070 : vector<16xf32>
    %get3A_1072 = arith.constant 224 : index
    %get3A_1073 = tpu.vector_load %arg12[%get3A_1072] {strides = array<i32>} : memref<512xf32, #tpu.memory_space<vmem>>, vector<16xf32>,
    %get3A_1074 = arith.constant 224 : index
    %get3A_1075 = tpu.vector_load %arg14[%get3A_1074] {strides = array<i32>} : memref<512xf32, #tpu.memory_space<vmem>>, vector<16xf32>,
    %add3A_1076 = arith.addf %get3A_1073, %get3A_1075 : vector<16xf32>
    %add3A_1077 = arith.addf %add3A_1071, %add3A_1076 : vector<16xf32>
    %swap3A_1078 = arith.constant 224 : index
    %swap3A_1079 = tpu.vector_load %arg8[%swap3A_1078] {strides = array<i32>} : memref<512xf32, #tpu.memory_space<vmem>>, vector<16xf32>,
    tpu.vector_store %arg8[%swap3A_1078], %add3A_1077 {strides = array<i32>} : memref<512xf32, #tpu.memory_space<vmem>>, vector<16xf32>,
    %get3A_1080 = arith.constant 224 : index
    %get3A_1081 = tpu.vector_load %arg9[%get3A_1080] {strides = array<i32>} : memref<512xf32, #tpu.memory_space<vmem>>, vector<16xf32>,
    %get3A_1082 = arith.constant 224 : index
    %get3A_1083 = tpu.vector_load %arg11[%get3A_1082] {strides = array<i32>} : memref<512xf32, #tpu.memory_space<vmem>>, vector<16xf32>,
    %add3A_1084 = arith.addf %get3A_1081, %get3A_1083 : vector<16xf32>
    %get3A_1085 = arith.constant 224 : index
    %get3A_1086 = tpu.vector_load %arg13[%get3A_1085] {strides = array<i32>} : memref<512xf32, #tpu.memory_space<vmem>>, vector<16xf32>,
    %get3A_1087 = arith.constant 224 : index
    %get3A_1088 = tpu.vector_load %arg15[%get3A_1087] {strides = array<i32>} : memref<512xf32, #tpu.memory_space<vmem>>, vector<16xf32>,
    %add3A_1089 = arith.addf %get3A_1086, %get3A_1088 : vector<16xf32>
    %add3A_1090 = arith.addf %add3A_1084, %add3A_1089 : vector<16xf32>
    %swap3A_1091 = arith.constant 224 : index
    %swap3A_1092 = tpu.vector_load %arg9[%swap3A_1091] {strides = array<i32>} : memref<512xf32, #tpu.memory_space<vmem>>, vector<16xf32>,
    tpu.vector_store %arg9[%swap3A_1091], %add3A_1090 {strides = array<i32>} : memref<512xf32, #tpu.memory_space<vmem>>, vector<16xf32>,
    %get3A_1093 = arith.constant 240 : index
    %get3A_1094 = tpu.vector_load %arg8[%get3A_1093] {strides = array<i32>} : memref<512xf32, #tpu.memory_space<vmem>>, vector<16xf32>,
    %get3A_1095 = arith.constant 240 : index
    %get3A_1096 = tpu.vector_load %arg10[%get3A_1095] {strides = array<i32>} : memref<512xf32, #tpu.memory_space<vmem>>, vector<16xf32>,
    %add3A_1097 = arith.addf %get3A_1094, %get3A_1096 : vector<16xf32>
    %get3A_1098 = arith.constant 240 : index
    %get3A_1099 = tpu.vector_load %arg12[%get3A_1098] {strides = array<i32>} : memref<512xf32, #tpu.memory_space<vmem>>, vector<16xf32>,
    %get3A_1100 = arith.constant 240 : index
    %get3A_1101 = tpu.vector_load %arg14[%get3A_1100] {strides = array<i32>} : memref<512xf32, #tpu.memory_space<vmem>>, vector<16xf32>,
    %add3A_1102 = arith.addf %get3A_1099, %get3A_1101 : vector<16xf32>
    %add3A_1103 = arith.addf %add3A_1097, %add3A_1102 : vector<16xf32>
    %swap3A_1104 = arith.constant 240 : index
    %swap3A_1105 = tpu.vector_load %arg8[%swap3A_1104] {strides = array<i32>} : memref<512xf32, #tpu.memory_space<vmem>>, vector<16xf32>,
    tpu.vector_store %arg8[%swap3A_1104], %add3A_1103 {strides = array<i32>} : memref<512xf32, #tpu.memory_space<vmem>>, vector<16xf32>,
    %get3A_1106 = arith.constant 240 : index
    %get3A_1107 = tpu.vector_load %arg9[%get3A_1106] {strides = array<i32>} : memref<512xf32, #tpu.memory_space<vmem>>, vector<16xf32>,
    %get3A_1108 = arith.constant 240 : index
    %get3A_1109 = tpu.vector_load %arg11[%get3A_1108] {strides = array<i32>} : memref<512xf32, #tpu.memory_space<vmem>>, vector<16xf32>,
    %add3A_1110 = arith.addf %get3A_1107, %get3A_1109 : vector<16xf32>
    %get3A_1111 = arith.constant 240 : index
    %get3A_1112 = tpu.vector_load %arg13[%get3A_1111] {strides = array<i32>} : memref<512xf32, #tpu.memory_space<vmem>>, vector<16xf32>,
    %get3A_1113 = arith.constant 240 : index
    %get3A_1114 = tpu.vector_load %arg15[%get3A_1113] {strides = array<i32>} : memref<512xf32, #tpu.memory_space<vmem>>, vector<16xf32>,
    %add3A_1115 = arith.addf %get3A_1112, %get3A_1114 : vector<16xf32>
    %add3A_1116 = arith.addf %add3A_1110, %add3A_1115 : vector<16xf32>
    %swap3A_1117 = arith.constant 240 : index
    %swap3A_1118 = tpu.vector_load %arg9[%swap3A_1117] {strides = array<i32>} : memref<512xf32, #tpu.memory_space<vmem>>, vector<16xf32>,
    tpu.vector_store %arg9[%swap3A_1117], %add3A_1116 {strides = array<i32>} : memref<512xf32, #tpu.memory_space<vmem>>, vector<16xf32>,
    %get3A_1119 = arith.constant 256 : index
    %get3A_1120 = tpu.vector_load %arg8[%get3A_1119] {strides = array<i32>} : memref<512xf32, #tpu.memory_space<vmem>>, vector<16xf32>,
    %get3A_1121 = arith.constant 256 : index
    %get3A_1122 = tpu.vector_load %arg10[%get3A_1121] {strides = array<i32>} : memref<512xf32, #tpu.memory_space<vmem>>, vector<16xf32>,
    %add3A_1123 = arith.addf %get3A_1120, %get3A_1122 : vector<16xf32>
    %get3A_1124 = arith.constant 256 : index
    %get3A_1125 = tpu.vector_load %arg12[%get3A_1124] {strides = array<i32>} : memref<512xf32, #tpu.memory_space<vmem>>, vector<16xf32>,
    %get3A_1126 = arith.constant 256 : index
    %get3A_1127 = tpu.vector_load %arg14[%get3A_1126] {strides = array<i32>} : memref<512xf32, #tpu.memory_space<vmem>>, vector<16xf32>,
    %add3A_1128 = arith.addf %get3A_1125, %get3A_1127 : vector<16xf32>
    %add3A_1129 = arith.addf %add3A_1123, %add3A_1128 : vector<16xf32>
    %swap3A_1130 = arith.constant 256 : index
    %swap3A_1131 = tpu.vector_load %arg8[%swap3A_1130] {strides = array<i32>} : memref<512xf32, #tpu.memory_space<vmem>>, vector<16xf32>,
    tpu.vector_store %arg8[%swap3A_1130], %add3A_1129 {strides = array<i32>} : memref<512xf32, #tpu.memory_space<vmem>>, vector<16xf32>,
    %get3A_1132 = arith.constant 256 : index
    %get3A_1133 = tpu.vector_load %arg9[%get3A_1132] {strides = array<i32>} : memref<512xf32, #tpu.memory_space<vmem>>, vector<16xf32>,
    %get3A_1134 = arith.constant 256 : index
    %get3A_1135 = tpu.vector_load %arg11[%get3A_1134] {strides = array<i32>} : memref<512xf32, #tpu.memory_space<vmem>>, vector<16xf32>,
    %add3A_1136 = arith.addf %get3A_1133, %get3A_1135 : vector<16xf32>
    %get3A_1137 = arith.constant 256 : index
    %get3A_1138 = tpu.vector_load %arg13[%get3A_1137] {strides = array<i32>} : memref<512xf32, #tpu.memory_space<vmem>>, vector<16xf32>,
    %get3A_1139 = arith.constant 256 : index
    %get3A_1140 = tpu.vector_load %arg15[%get3A_1139] {strides = array<i32>} : memref<512xf32, #tpu.memory_space<vmem>>, vector<16xf32>,
    %add3A_1141 = arith.addf %get3A_1138, %get3A_1140 : vector<16xf32>
    %add3A_1142 = arith.addf %add3A_1136, %add3A_1141 : vector<16xf32>
    %swap3A_1143 = arith.constant 256 : index
    %swap3A_1144 = tpu.vector_load %arg9[%swap3A_1143] {strides = array<i32>} : memref<512xf32, #tpu.memory_space<vmem>>, vector<16xf32>,
    tpu.vector_store %arg9[%swap3A_1143], %add3A_1142 {strides = array<i32>} : memref<512xf32, #tpu.memory_space<vmem>>, vector<16xf32>,
    %get3A_1145 = arith.constant 272 : index
    %get3A_1146 = tpu.vector_load %arg8[%get3A_1145] {strides = array<i32>} : memref<512xf32, #tpu.memory_space<vmem>>, vector<16xf32>,
    %get3A_1147 = arith.constant 272 : index
    %get3A_1148 = tpu.vector_load %arg10[%get3A_1147] {strides = array<i32>} : memref<512xf32, #tpu.memory_space<vmem>>, vector<16xf32>,
    %add3A_1149 = arith.addf %get3A_1146, %get3A_1148 : vector<16xf32>
    %get3A_1150 = arith.constant 272 : index
    %get3A_1151 = tpu.vector_load %arg12[%get3A_1150] {strides = array<i32>} : memref<512xf32, #tpu.memory_space<vmem>>, vector<16xf32>,
    %get3A_1152 = arith.constant 272 : index
    %get3A_1153 = tpu.vector_load %arg14[%get3A_1152] {strides = array<i32>} : memref<512xf32, #tpu.memory_space<vmem>>, vector<16xf32>,
    %add3A_1154 = arith.addf %get3A_1151, %get3A_1153 : vector<16xf32>
    %add3A_1155 = arith.addf %add3A_1149, %add3A_1154 : vector<16xf32>
    %swap3A_1156 = arith.constant 272 : index
    %swap3A_1157 = tpu.vector_load %arg8[%swap3A_1156] {strides = array<i32>} : memref<512xf32, #tpu.memory_space<vmem>>, vector<16xf32>,
    tpu.vector_store %arg8[%swap3A_1156], %add3A_1155 {strides = array<i32>} : memref<512xf32, #tpu.memory_space<vmem>>, vector<16xf32>,
    %get3A_1158 = arith.constant 272 : index
    %get3A_1159 = tpu.vector_load %arg9[%get3A_1158] {strides = array<i32>} : memref<512xf32, #tpu.memory_space<vmem>>, vector<16xf32>,
    %get3A_1160 = arith.constant 272 : index
    %get3A_1161 = tpu.vector_load %arg11[%get3A_1160] {strides = array<i32>} : memref<512xf32, #tpu.memory_space<vmem>>, vector<16xf32>,
    %add3A_1162 = arith.addf %get3A_1159, %get3A_1161 : vector<16xf32>
    %get3A_1163 = arith.constant 272 : index
    %get3A_1164 = tpu.vector_load %arg13[%get3A_1163] {strides = array<i32>} : memref<512xf32, #tpu.memory_space<vmem>>, vector<16xf32>,
    %get3A_1165 = arith.constant 272 : index
    %get3A_1166 = tpu.vector_load %arg15[%get3A_1165] {strides = array<i32>} : memref<512xf32, #tpu.memory_space<vmem>>, vector<16xf32>,
    %add3A_1167 = arith.addf %get3A_1164, %get3A_1166 : vector<16xf32>
    %add3A_1168 = arith.addf %add3A_1162, %add3A_1167 : vector<16xf32>
    %swap3A_1169 = arith.constant 272 : index
    %swap3A_1170 = tpu.vector_load %arg9[%swap3A_1169] {strides = array<i32>} : memref<512xf32, #tpu.memory_space<vmem>>, vector<16xf32>,
    tpu.vector_store %arg9[%swap3A_1169], %add3A_1168 {strides = array<i32>} : memref<512xf32, #tpu.memory_space<vmem>>, vector<16xf32>,
    %get3A_1171 = arith.constant 288 : index
    %get3A_1172 = tpu.vector_load %arg8[%get3A_1171] {strides = array<i32>} : memref<512xf32, #tpu.memory_space<vmem>>, vector<16xf32>,
    %get3A_1173 = arith.constant 288 : index
    %get3A_1174 = tpu.vector_load %arg10[%get3A_1173] {strides = array<i32>} : memref<512xf32, #tpu.memory_space<vmem>>, vector<16xf32>,
    %add3A_1175 = arith.addf %get3A_1172, %get3A_1174 : vector<16xf32>
    %get3A_1176 = arith.constant 288 : index
    %get3A_1177 = tpu.vector_load %arg12[%get3A_1176] {strides = array<i32>} : memref<512xf32, #tpu.memory_space<vmem>>, vector<16xf32>,
    %get3A_1178 = arith.constant 288 : index
    %get3A_1179 = tpu.vector_load %arg14[%get3A_1178] {strides = array<i32>} : memref<512xf32, #tpu.memory_space<vmem>>, vector<16xf32>,
    %add3A_1180 = arith.addf %get3A_1177, %get3A_1179 : vector<16xf32>
    %add3A_1181 = arith.addf %add3A_1175, %add3A_1180 : vector<16xf32>
    %swap3A_1182 = arith.constant 288 : index
    %swap3A_1183 = tpu.vector_load %arg8[%swap3A_1182] {strides = array<i32>} : memref<512xf32, #tpu.memory_space<vmem>>, vector<16xf32>,
    tpu.vector_store %arg8[%swap3A_1182], %add3A_1181 {strides = array<i32>} : memref<512xf32, #tpu.memory_space<vmem>>, vector<16xf32>,
    %get3A_1184 = arith.constant 288 : index
    %get3A_1185 = tpu.vector_load %arg9[%get3A_1184] {strides = array<i32>} : memref<512xf32, #tpu.memory_space<vmem>>, vector<16xf32>,
    %get3A_1186 = arith.constant 288 : index
    %get3A_1187 = tpu.vector_load %arg11[%get3A_1186] {strides = array<i32>} : memref<512xf32, #tpu.memory_space<vmem>>, vector<16xf32>,
    %add3A_1188 = arith.addf %get3A_1185, %get3A_1187 : vector<16xf32>
    %get3A_1189 = arith.constant 288 : index
    %get3A_1190 = tpu.vector_load %arg13[%get3A_1189] {strides = array<i32>} : memref<512xf32, #tpu.memory_space<vmem>>, vector<16xf32>,
    %get3A_1191 = arith.constant 288 : index
    %get3A_1192 = tpu.vector_load %arg15[%get3A_1191] {strides = array<i32>} : memref<512xf32, #tpu.memory_space<vmem>>, vector<16xf32>,
    %add3A_1193 = arith.addf %get3A_1190, %get3A_1192 : vector<16xf32>
    %add3A_1194 = arith.addf %add3A_1188, %add3A_1193 : vector<16xf32>
    %swap3A_1195 = arith.constant 288 : index
    %swap3A_1196 = tpu.vector_load %arg9[%swap3A_1195] {strides = array<i32>} : memref<512xf32, #tpu.memory_space<vmem>>, vector<16xf32>,
    tpu.vector_store %arg9[%swap3A_1195], %add3A_1194 {strides = array<i32>} : memref<512xf32, #tpu.memory_space<vmem>>, vector<16xf32>,
    %get3A_1197 = arith.constant 304 : index
    %get3A_1198 = tpu.vector_load %arg8[%get3A_1197] {strides = array<i32>} : memref<512xf32, #tpu.memory_space<vmem>>, vector<16xf32>,
    %get3A_1199 = arith.constant 304 : index
    %get3A_1200 = tpu.vector_load %arg10[%get3A_1199] {strides = array<i32>} : memref<512xf32, #tpu.memory_space<vmem>>, vector<16xf32>,
    %add3A_1201 = arith.addf %get3A_1198, %get3A_1200 : vector<16xf32>
    %get3A_1202 = arith.constant 304 : index
    %get3A_1203 = tpu.vector_load %arg12[%get3A_1202] {strides = array<i32>} : memref<512xf32, #tpu.memory_space<vmem>>, vector<16xf32>,
    %get3A_1204 = arith.constant 304 : index
    %get3A_1205 = tpu.vector_load %arg14[%get3A_1204] {strides = array<i32>} : memref<512xf32, #tpu.memory_space<vmem>>, vector<16xf32>,
    %add3A_1206 = arith.addf %get3A_1203, %get3A_1205 : vector<16xf32>
    %add3A_1207 = arith.addf %add3A_1201, %add3A_1206 : vector<16xf32>
    %swap3A_1208 = arith.constant 304 : index
    %swap3A_1209 = tpu.vector_load %arg8[%swap3A_1208] {strides = array<i32>} : memref<512xf32, #tpu.memory_space<vmem>>, vector<16xf32>,
    tpu.vector_store %arg8[%swap3A_1208], %add3A_1207 {strides = array<i32>} : memref<512xf32, #tpu.memory_space<vmem>>, vector<16xf32>,
    %get3A_1210 = arith.constant 304 : index
    %get3A_1211 = tpu.vector_load %arg9[%get3A_1210] {strides = array<i32>} : memref<512xf32, #tpu.memory_space<vmem>>, vector<16xf32>,
    %get3A_1212 = arith.constant 304 : index
    %get3A_1213 = tpu.vector_load %arg11[%get3A_1212] {strides = array<i32>} : memref<512xf32, #tpu.memory_space<vmem>>, vector<16xf32>,
    %add3A_1214 = arith.addf %get3A_1211, %get3A_1213 : vector<16xf32>
    %get3A_1215 = arith.constant 304 : index
    %get3A_1216 = tpu.vector_load %arg13[%get3A_1215] {strides = array<i32>} : memref<512xf32, #tpu.memory_space<vmem>>, vector<16xf32>,
    %get3A_1217 = arith.constant 304 : index
    %get3A_1218 = tpu.vector_load %arg15[%get3A_1217] {strides = array<i32>} : memref<512xf32, #tpu.memory_space<vmem>>, vector<16xf32>,
    %add3A_1219 = arith.addf %get3A_1216, %get3A_1218 : vector<16xf32>
    %add3A_1220 = arith.addf %add3A_1214, %add3A_1219 : vector<16xf32>
    %swap3A_1221 = arith.constant 304 : index
    %swap3A_1222 = tpu.vector_load %arg9[%swap3A_1221] {strides = array<i32>} : memref<512xf32, #tpu.memory_space<vmem>>, vector<16xf32>,
    tpu.vector_store %arg9[%swap3A_1221], %add3A_1220 {strides = array<i32>} : memref<512xf32, #tpu.memory_space<vmem>>, vector<16xf32>,
    %get3A_1223 = arith.constant 320 : index
    %get3A_1224 = tpu.vector_load %arg8[%get3A_1223] {strides = array<i32>} : memref<512xf32, #tpu.memory_space<vmem>>, vector<16xf32>,
    %get3A_1225 = arith.constant 320 : index
    %get3A_1226 = tpu.vector_load %arg10[%get3A_1225] {strides = array<i32>} : memref<512xf32, #tpu.memory_space<vmem>>, vector<16xf32>,
    %add3A_1227 = arith.addf %get3A_1224, %get3A_1226 : vector<16xf32>
    %get3A_1228 = arith.constant 320 : index
    %get3A_1229 = tpu.vector_load %arg12[%get3A_1228] {strides = array<i32>} : memref<512xf32, #tpu.memory_space<vmem>>, vector<16xf32>,
    %get3A_1230 = arith.constant 320 : index
    %get3A_1231 = tpu.vector_load %arg14[%get3A_1230] {strides = array<i32>} : memref<512xf32, #tpu.memory_space<vmem>>, vector<16xf32>,
    %add3A_1232 = arith.addf %get3A_1229, %get3A_1231 : vector<16xf32>
    %add3A_1233 = arith.addf %add3A_1227, %add3A_1232 : vector<16xf32>
    %swap3A_1234 = arith.constant 320 : index
    %swap3A_1235 = tpu.vector_load %arg8[%swap3A_1234] {strides = array<i32>} : memref<512xf32, #tpu.memory_space<vmem>>, vector<16xf32>,
    tpu.vector_store %arg8[%swap3A_1234], %add3A_1233 {strides = array<i32>} : memref<512xf32, #tpu.memory_space<vmem>>, vector<16xf32>,
    %get3A_1236 = arith.constant 320 : index
    %get3A_1237 = tpu.vector_load %arg9[%get3A_1236] {strides = array<i32>} : memref<512xf32, #tpu.memory_space<vmem>>, vector<16xf32>,
    %get3A_1238 = arith.constant 320 : index
    %get3A_1239 = tpu.vector_load %arg11[%get3A_1238] {strides = array<i32>} : memref<512xf32, #tpu.memory_space<vmem>>, vector<16xf32>,
    %add3A_1240 = arith.addf %get3A_1237, %get3A_1239 : vector<16xf32>
    %get3A_1241 = arith.constant 320 : index
    %get3A_1242 = tpu.vector_load %arg13[%get3A_1241] {strides = array<i32>} : memref<512xf32, #tpu.memory_space<vmem>>, vector<16xf32>,
    %get3A_1243 = arith.constant 320 : index
    %get3A_1244 = tpu.vector_load %arg15[%get3A_1243] {strides = array<i32>} : memref<512xf32, #tpu.memory_space<vmem>>, vector<16xf32>,
    %add3A_1245 = arith.addf %get3A_1242, %get3A_1244 : vector<16xf32>
    %add3A_1246 = arith.addf %add3A_1240, %add3A_1245 : vector<16xf32>
    %swap3A_1247 = arith.constant 320 : index
    %swap3A_1248 = tpu.vector_load %arg9[%swap3A_1247] {strides = array<i32>} : memref<512xf32, #tpu.memory_space<vmem>>, vector<16xf32>,
    tpu.vector_store %arg9[%swap3A_1247], %add3A_1246 {strides = array<i32>} : memref<512xf32, #tpu.memory_space<vmem>>, vector<16xf32>,
    %get3A_1249 = arith.constant 336 : index
    %get3A_1250 = tpu.vector_load %arg8[%get3A_1249] {strides = array<i32>} : memref<512xf32, #tpu.memory_space<vmem>>, vector<16xf32>,
    %get3A_1251 = arith.constant 336 : index
    %get3A_1252 = tpu.vector_load %arg10[%get3A_1251] {strides = array<i32>} : memref<512xf32, #tpu.memory_space<vmem>>, vector<16xf32>,
    %add3A_1253 = arith.addf %get3A_1250, %get3A_1252 : vector<16xf32>
    %get3A_1254 = arith.constant 336 : index
    %get3A_1255 = tpu.vector_load %arg12[%get3A_1254] {strides = array<i32>} : memref<512xf32, #tpu.memory_space<vmem>>, vector<16xf32>,
    %get3A_1256 = arith.constant 336 : index
    %get3A_1257 = tpu.vector_load %arg14[%get3A_1256] {strides = array<i32>} : memref<512xf32, #tpu.memory_space<vmem>>, vector<16xf32>,
    %add3A_1258 = arith.addf %get3A_1255, %get3A_1257 : vector<16xf32>
    %add3A_1259 = arith.addf %add3A_1253, %add3A_1258 : vector<16xf32>
    %swap3A_1260 = arith.constant 336 : index
    %swap3A_1261 = tpu.vector_load %arg8[%swap3A_1260] {strides = array<i32>} : memref<512xf32, #tpu.memory_space<vmem>>, vector<16xf32>,
    tpu.vector_store %arg8[%swap3A_1260], %add3A_1259 {strides = array<i32>} : memref<512xf32, #tpu.memory_space<vmem>>, vector<16xf32>,
    %get3A_1262 = arith.constant 336 : index
    %get3A_1263 = tpu.vector_load %arg9[%get3A_1262] {strides = array<i32>} : memref<512xf32, #tpu.memory_space<vmem>>, vector<16xf32>,
    %get3A_1264 = arith.constant 336 : index
    %get3A_1265 = tpu.vector_load %arg11[%get3A_1264] {strides = array<i32>} : memref<512xf32, #tpu.memory_space<vmem>>, vector<16xf32>,
    %add3A_1266 = arith.addf %get3A_1263, %get3A_1265 : vector<16xf32>
    %get3A_1267 = arith.constant 336 : index
    %get3A_1268 = tpu.vector_load %arg13[%get3A_1267] {strides = array<i32>} : memref<512xf32, #tpu.memory_space<vmem>>, vector<16xf32>,
    %get3A_1269 = arith.constant 336 : index
    %get3A_1270 = tpu.vector_load %arg15[%get3A_1269] {strides = array<i32>} : memref<512xf32, #tpu.memory_space<vmem>>, vector<16xf32>,
    %add3A_1271 = arith.addf %get3A_1268, %get3A_1270 : vector<16xf32>
    %add3A_1272 = arith.addf %add3A_1266, %add3A_1271 : vector<16xf32>
    %swap3A_1273 = arith.constant 336 : index
    %swap3A_1274 = tpu.vector_load %arg9[%swap3A_1273] {strides = array<i32>} : memref<512xf32, #tpu.memory_space<vmem>>, vector<16xf32>,
    tpu.vector_store %arg9[%swap3A_1273], %add3A_1272 {strides = array<i32>} : memref<512xf32, #tpu.memory_space<vmem>>, vector<16xf32>,
    %get3A_1275 = arith.constant 352 : index
    %get3A_1276 = tpu.vector_load %arg8[%get3A_1275] {strides = array<i32>} : memref<512xf32, #tpu.memory_space<vmem>>, vector<16xf32>,
    %get3A_1277 = arith.constant 352 : index
    %get3A_1278 = tpu.vector_load %arg10[%get3A_1277] {strides = array<i32>} : memref<512xf32, #tpu.memory_space<vmem>>, vector<16xf32>,
    %add3A_1279 = arith.addf %get3A_1276, %get3A_1278 : vector<16xf32>
    %get3A_1280 = arith.constant 352 : index
    %get3A_1281 = tpu.vector_load %arg12[%get3A_1280] {strides = array<i32>} : memref<512xf32, #tpu.memory_space<vmem>>, vector<16xf32>,
    %get3A_1282 = arith.constant 352 : index
    %get3A_1283 = tpu.vector_load %arg14[%get3A_1282] {strides = array<i32>} : memref<512xf32, #tpu.memory_space<vmem>>, vector<16xf32>,
    %add3A_1284 = arith.addf %get3A_1281, %get3A_1283 : vector<16xf32>
    %add3A_1285 = arith.addf %add3A_1279, %add3A_1284 : vector<16xf32>
    %swap3A_1286 = arith.constant 352 : index
    %swap3A_1287 = tpu.vector_load %arg8[%swap3A_1286] {strides = array<i32>} : memref<512xf32, #tpu.memory_space<vmem>>, vector<16xf32>,
    tpu.vector_store %arg8[%swap3A_1286], %add3A_1285 {strides = array<i32>} : memref<512xf32, #tpu.memory_space<vmem>>, vector<16xf32>,
    %get3A_1288 = arith.constant 352 : index
    %get3A_1289 = tpu.vector_load %arg9[%get3A_1288] {strides = array<i32>} : memref<512xf32, #tpu.memory_space<vmem>>, vector<16xf32>,
    %get3A_1290 = arith.constant 352 : index
    %get3A_1291 = tpu.vector_load %arg11[%get3A_1290] {strides = array<i32>} : memref<512xf32, #tpu.memory_space<vmem>>, vector<16xf32>,
    %add3A_1292 = arith.addf %get3A_1289, %get3A_1291 : vector<16xf32>
    %get3A_1293 = arith.constant 352 : index
    %get3A_1294 = tpu.vector_load %arg13[%get3A_1293] {strides = array<i32>} : memref<512xf32, #tpu.memory_space<vmem>>, vector<16xf32>,
    %get3A_1295 = arith.constant 352 : index
    %get3A_1296 = tpu.vector_load %arg15[%get3A_1295] {strides = array<i32>} : memref<512xf32, #tpu.memory_space<vmem>>, vector<16xf32>,
    %add3A_1297 = arith.addf %get3A_1294, %get3A_1296 : vector<16xf32>
    %add3A_1298 = arith.addf %add3A_1292, %add3A_1297 : vector<16xf32>
    %swap3A_1299 = arith.constant 352 : index
    %swap3A_1300 = tpu.vector_load %arg9[%swap3A_1299] {strides = array<i32>} : memref<512xf32, #tpu.memory_space<vmem>>, vector<16xf32>,
    tpu.vector_store %arg9[%swap3A_1299], %add3A_1298 {strides = array<i32>} : memref<512xf32, #tpu.memory_space<vmem>>, vector<16xf32>,
    %get3A_1301 = arith.constant 368 : index
    %get3A_1302 = tpu.vector_load %arg8[%get3A_1301] {strides = array<i32>} : memref<512xf32, #tpu.memory_space<vmem>>, vector<16xf32>,
    %get3A_1303 = arith.constant 368 : index
    %get3A_1304 = tpu.vector_load %arg10[%get3A_1303] {strides = array<i32>} : memref<512xf32, #tpu.memory_space<vmem>>, vector<16xf32>,
    %add3A_1305 = arith.addf %get3A_1302, %get3A_1304 : vector<16xf32>
    %get3A_1306 = arith.constant 368 : index
    %get3A_1307 = tpu.vector_load %arg12[%get3A_1306] {strides = array<i32>} : memref<512xf32, #tpu.memory_space<vmem>>, vector<16xf32>,
    %get3A_1308 = arith.constant 368 : index
    %get3A_1309 = tpu.vector_load %arg14[%get3A_1308] {strides = array<i32>} : memref<512xf32, #tpu.memory_space<vmem>>, vector<16xf32>,
    %add3A_1310 = arith.addf %get3A_1307, %get3A_1309 : vector<16xf32>
    %add3A_1311 = arith.addf %add3A_1305, %add3A_1310 : vector<16xf32>
    %swap3A_1312 = arith.constant 368 : index
    %swap3A_1313 = tpu.vector_load %arg8[%swap3A_1312] {strides = array<i32>} : memref<512xf32, #tpu.memory_space<vmem>>, vector<16xf32>,
    tpu.vector_store %arg8[%swap3A_1312], %add3A_1311 {strides = array<i32>} : memref<512xf32, #tpu.memory_space<vmem>>, vector<16xf32>,
    %get3A_1314 = arith.constant 368 : index
    %get3A_1315 = tpu.vector_load %arg9[%get3A_1314] {strides = array<i32>} : memref<512xf32, #tpu.memory_space<vmem>>, vector<16xf32>,
    %get3A_1316 = arith.constant 368 : index
    %get3A_1317 = tpu.vector_load %arg11[%get3A_1316] {strides = array<i32>} : memref<512xf32, #tpu.memory_space<vmem>>, vector<16xf32>,
    %add3A_1318 = arith.addf %get3A_1315, %get3A_1317 : vector<16xf32>
    %get3A_1319 = arith.constant 368 : index
    %get3A_1320 = tpu.vector_load %arg13[%get3A_1319] {strides = array<i32>} : memref<512xf32, #tpu.memory_space<vmem>>, vector<16xf32>,
    %get3A_1321 = arith.constant 368 : index
    %get3A_1322 = tpu.vector_load %arg15[%get3A_1321] {strides = array<i32>} : memref<512xf32, #tpu.memory_space<vmem>>, vector<16xf32>,
    %add3A_1323 = arith.addf %get3A_1320, %get3A_1322 : vector<16xf32>
    %add3A_1324 = arith.addf %add3A_1318, %add3A_1323 : vector<16xf32>
    %swap3A_1325 = arith.constant 368 : index
    %swap3A_1326 = tpu.vector_load %arg9[%swap3A_1325] {strides = array<i32>} : memref<512xf32, #tpu.memory_space<vmem>>, vector<16xf32>,
    tpu.vector_store %arg9[%swap3A_1325], %add3A_1324 {strides = array<i32>} : memref<512xf32, #tpu.memory_space<vmem>>, vector<16xf32>,
    %get3A_1327 = arith.constant 384 : index
    %get3A_1328 = tpu.vector_load %arg8[%get3A_1327] {strides = array<i32>} : memref<512xf32, #tpu.memory_space<vmem>>, vector<16xf32>,
    %get3A_1329 = arith.constant 384 : index
    %get3A_1330 = tpu.vector_load %arg10[%get3A_1329] {strides = array<i32>} : memref<512xf32, #tpu.memory_space<vmem>>, vector<16xf32>,
    %add3A_1331 = arith.addf %get3A_1328, %get3A_1330 : vector<16xf32>
    %get3A_1332 = arith.constant 384 : index
    %get3A_1333 = tpu.vector_load %arg12[%get3A_1332] {strides = array<i32>} : memref<512xf32, #tpu.memory_space<vmem>>, vector<16xf32>,
    %get3A_1334 = arith.constant 384 : index
    %get3A_1335 = tpu.vector_load %arg14[%get3A_1334] {strides = array<i32>} : memref<512xf32, #tpu.memory_space<vmem>>, vector<16xf32>,
    %add3A_1336 = arith.addf %get3A_1333, %get3A_1335 : vector<16xf32>
    %add3A_1337 = arith.addf %add3A_1331, %add3A_1336 : vector<16xf32>
    %swap3A_1338 = arith.constant 384 : index
    %swap3A_1339 = tpu.vector_load %arg8[%swap3A_1338] {strides = array<i32>} : memref<512xf32, #tpu.memory_space<vmem>>, vector<16xf32>,
    tpu.vector_store %arg8[%swap3A_1338], %add3A_1337 {strides = array<i32>} : memref<512xf32, #tpu.memory_space<vmem>>, vector<16xf32>,
    %get3A_1340 = arith.constant 384 : index
    %get3A_1341 = tpu.vector_load %arg9[%get3A_1340] {strides = array<i32>} : memref<512xf32, #tpu.memory_space<vmem>>, vector<16xf32>,
    %get3A_1342 = arith.constant 384 : index
    %get3A_1343 = tpu.vector_load %arg11[%get3A_1342] {strides = array<i32>} : memref<512xf32, #tpu.memory_space<vmem>>, vector<16xf32>,
    %add3A_1344 = arith.addf %get3A_1341, %get3A_1343 : vector<16xf32>
    %get3A_1345 = arith.constant 384 : index
    %get3A_1346 = tpu.vector_load %arg13[%get3A_1345] {strides = array<i32>} : memref<512xf32, #tpu.memory_space<vmem>>, vector<16xf32>,
    %get3A_1347 = arith.constant 384 : index
    %get3A_1348 = tpu.vector_load %arg15[%get3A_1347] {strides = array<i32>} : memref<512xf32, #tpu.memory_space<vmem>>, vector<16xf32>,
    %add3A_1349 = arith.addf %get3A_1346, %get3A_1348 : vector<16xf32>
    %add3A_1350 = arith.addf %add3A_1344, %add3A_1349 : vector<16xf32>
    %swap3A_1351 = arith.constant 384 : index
    %swap3A_1352 = tpu.vector_load %arg9[%swap3A_1351] {strides = array<i32>} : memref<512xf32, #tpu.memory_space<vmem>>, vector<16xf32>,
    tpu.vector_store %arg9[%swap3A_1351], %add3A_1350 {strides = array<i32>} : memref<512xf32, #tpu.memory_space<vmem>>, vector<16xf32>,
    %get3A_1353 = arith.constant 400 : index
    %get3A_1354 = tpu.vector_load %arg8[%get3A_1353] {strides = array<i32>} : memref<512xf32, #tpu.memory_space<vmem>>, vector<16xf32>,
    %get3A_1355 = arith.constant 400 : index
    %get3A_1356 = tpu.vector_load %arg10[%get3A_1355] {strides = array<i32>} : memref<512xf32, #tpu.memory_space<vmem>>, vector<16xf32>,
    %add3A_1357 = arith.addf %get3A_1354, %get3A_1356 : vector<16xf32>
    %get3A_1358 = arith.constant 400 : index
    %get3A_1359 = tpu.vector_load %arg12[%get3A_1358] {strides = array<i32>} : memref<512xf32, #tpu.memory_space<vmem>>, vector<16xf32>,
    %get3A_1360 = arith.constant 400 : index
    %get3A_1361 = tpu.vector_load %arg14[%get3A_1360] {strides = array<i32>} : memref<512xf32, #tpu.memory_space<vmem>>, vector<16xf32>,
    %add3A_1362 = arith.addf %get3A_1359, %get3A_1361 : vector<16xf32>
    %add3A_1363 = arith.addf %add3A_1357, %add3A_1362 : vector<16xf32>
    %swap3A_1364 = arith.constant 400 : index
    %swap3A_1365 = tpu.vector_load %arg8[%swap3A_1364] {strides = array<i32>} : memref<512xf32, #tpu.memory_space<vmem>>, vector<16xf32>,
    tpu.vector_store %arg8[%swap3A_1364], %add3A_1363 {strides = array<i32>} : memref<512xf32, #tpu.memory_space<vmem>>, vector<16xf32>,
    %get3A_1366 = arith.constant 400 : index
    %get3A_1367 = tpu.vector_load %arg9[%get3A_1366] {strides = array<i32>} : memref<512xf32, #tpu.memory_space<vmem>>, vector<16xf32>,
    %get3A_1368 = arith.constant 400 : index
    %get3A_1369 = tpu.vector_load %arg11[%get3A_1368] {strides = array<i32>} : memref<512xf32, #tpu.memory_space<vmem>>, vector<16xf32>,
    %add3A_1370 = arith.addf %get3A_1367, %get3A_1369 : vector<16xf32>
    %get3A_1371 = arith.constant 400 : index
    %get3A_1372 = tpu.vector_load %arg13[%get3A_1371] {strides = array<i32>} : memref<512xf32, #tpu.memory_space<vmem>>, vector<16xf32>,
    %get3A_1373 = arith.constant 400 : index
    %get3A_1374 = tpu.vector_load %arg15[%get3A_1373] {strides = array<i32>} : memref<512xf32, #tpu.memory_space<vmem>>, vector<16xf32>,
    %add3A_1375 = arith.addf %get3A_1372, %get3A_1374 : vector<16xf32>
    %add3A_1376 = arith.addf %add3A_1370, %add3A_1375 : vector<16xf32>
    %swap3A_1377 = arith.constant 400 : index
    %swap3A_1378 = tpu.vector_load %arg9[%swap3A_1377] {strides = array<i32>} : memref<512xf32, #tpu.memory_space<vmem>>, vector<16xf32>,
    tpu.vector_store %arg9[%swap3A_1377], %add3A_1376 {strides = array<i32>} : memref<512xf32, #tpu.memory_space<vmem>>, vector<16xf32>,
    %get3A_1379 = arith.constant 416 : index
    %get3A_1380 = tpu.vector_load %arg8[%get3A_1379] {strides = array<i32>} : memref<512xf32, #tpu.memory_space<vmem>>, vector<16xf32>,
    %get3A_1381 = arith.constant 416 : index
    %get3A_1382 = tpu.vector_load %arg10[%get3A_1381] {strides = array<i32>} : memref<512xf32, #tpu.memory_space<vmem>>, vector<16xf32>,
    %add3A_1383 = arith.addf %get3A_1380, %get3A_1382 : vector<16xf32>
    %get3A_1384 = arith.constant 416 : index
    %get3A_1385 = tpu.vector_load %arg12[%get3A_1384] {strides = array<i32>} : memref<512xf32, #tpu.memory_space<vmem>>, vector<16xf32>,
    %get3A_1386 = arith.constant 416 : index
    %get3A_1387 = tpu.vector_load %arg14[%get3A_1386] {strides = array<i32>} : memref<512xf32, #tpu.memory_space<vmem>>, vector<16xf32>,
    %add3A_1388 = arith.addf %get3A_1385, %get3A_1387 : vector<16xf32>
    %add3A_1389 = arith.addf %add3A_1383, %add3A_1388 : vector<16xf32>
    %swap3A_1390 = arith.constant 416 : index
    %swap3A_1391 = tpu.vector_load %arg8[%swap3A_1390] {strides = array<i32>} : memref<512xf32, #tpu.memory_space<vmem>>, vector<16xf32>,
    tpu.vector_store %arg8[%swap3A_1390], %add3A_1389 {strides = array<i32>} : memref<512xf32, #tpu.memory_space<vmem>>, vector<16xf32>,
    %get3A_1392 = arith.constant 416 : index
    %get3A_1393 = tpu.vector_load %arg9[%get3A_1392] {strides = array<i32>} : memref<512xf32, #tpu.memory_space<vmem>>, vector<16xf32>,
    %get3A_1394 = arith.constant 416 : index
    %get3A_1395 = tpu.vector_load %arg11[%get3A_1394] {strides = array<i32>} : memref<512xf32, #tpu.memory_space<vmem>>, vector<16xf32>,
    %add3A_1396 = arith.addf %get3A_1393, %get3A_1395 : vector<16xf32>
    %get3A_1397 = arith.constant 416 : index
    %get3A_1398 = tpu.vector_load %arg13[%get3A_1397] {strides = array<i32>} : memref<512xf32, #tpu.memory_space<vmem>>, vector<16xf32>,
    %get3A_1399 = arith.constant 416 : index
    %get3A_1400 = tpu.vector_load %arg15[%get3A_1399] {strides = array<i32>} : memref<512xf32, #tpu.memory_space<vmem>>, vector<16xf32>,
    %add3A_1401 = arith.addf %get3A_1398, %get3A_1400 : vector<16xf32>
    %add3A_1402 = arith.addf %add3A_1396, %add3A_1401 : vector<16xf32>
    %swap3A_1403 = arith.constant 416 : index
    %swap3A_1404 = tpu.vector_load %arg9[%swap3A_1403] {strides = array<i32>} : memref<512xf32, #tpu.memory_space<vmem>>, vector<16xf32>,
    tpu.vector_store %arg9[%swap3A_1403], %add3A_1402 {strides = array<i32>} : memref<512xf32, #tpu.memory_space<vmem>>, vector<16xf32>,
    %get3A_1405 = arith.constant 432 : index
    %get3A_1406 = tpu.vector_load %arg8[%get3A_1405] {strides = array<i32>} : memref<512xf32, #tpu.memory_space<vmem>>, vector<16xf32>,
    %get3A_1407 = arith.constant 432 : index
    %get3A_1408 = tpu.vector_load %arg10[%get3A_1407] {strides = array<i32>} : memref<512xf32, #tpu.memory_space<vmem>>, vector<16xf32>,
    %add3A_1409 = arith.addf %get3A_1406, %get3A_1408 : vector<16xf32>
    %get3A_1410 = arith.constant 432 : index
    %get3A_1411 = tpu.vector_load %arg12[%get3A_1410] {strides = array<i32>} : memref<512xf32, #tpu.memory_space<vmem>>, vector<16xf32>,
    %get3A_1412 = arith.constant 432 : index
    %get3A_1413 = tpu.vector_load %arg14[%get3A_1412] {strides = array<i32>} : memref<512xf32, #tpu.memory_space<vmem>>, vector<16xf32>,
    %add3A_1414 = arith.addf %get3A_1411, %get3A_1413 : vector<16xf32>
    %add3A_1415 = arith.addf %add3A_1409, %add3A_1414 : vector<16xf32>
    %swap3A_1416 = arith.constant 432 : index
    %swap3A_1417 = tpu.vector_load %arg8[%swap3A_1416] {strides = array<i32>} : memref<512xf32, #tpu.memory_space<vmem>>, vector<16xf32>,
    tpu.vector_store %arg8[%swap3A_1416], %add3A_1415 {strides = array<i32>} : memref<512xf32, #tpu.memory_space<vmem>>, vector<16xf32>,
    %get3A_1418 = arith.constant 432 : index
    %get3A_1419 = tpu.vector_load %arg9[%get3A_1418] {strides = array<i32>} : memref<512xf32, #tpu.memory_space<vmem>>, vector<16xf32>,
    %get3A_1420 = arith.constant 432 : index
    %get3A_1421 = tpu.vector_load %arg11[%get3A_1420] {strides = array<i32>} : memref<512xf32, #tpu.memory_space<vmem>>, vector<16xf32>,
    %add3A_1422 = arith.addf %get3A_1419, %get3A_1421 : vector<16xf32>
    %get3A_1423 = arith.constant 432 : index
    %get3A_1424 = tpu.vector_load %arg13[%get3A_1423] {strides = array<i32>} : memref<512xf32, #tpu.memory_space<vmem>>, vector<16xf32>,
    %get3A_1425 = arith.constant 432 : index
    %get3A_1426 = tpu.vector_load %arg15[%get3A_1425] {strides = array<i32>} : memref<512xf32, #tpu.memory_space<vmem>>, vector<16xf32>,
    %add3A_1427 = arith.addf %get3A_1424, %get3A_1426 : vector<16xf32>
    %add3A_1428 = arith.addf %add3A_1422, %add3A_1427 : vector<16xf32>
    %swap3A_1429 = arith.constant 432 : index
    %swap3A_1430 = tpu.vector_load %arg9[%swap3A_1429] {strides = array<i32>} : memref<512xf32, #tpu.memory_space<vmem>>, vector<16xf32>,
    tpu.vector_store %arg9[%swap3A_1429], %add3A_1428 {strides = array<i32>} : memref<512xf32, #tpu.memory_space<vmem>>, vector<16xf32>,
    %get3A_1431 = arith.constant 448 : index
    %get3A_1432 = tpu.vector_load %arg8[%get3A_1431] {strides = array<i32>} : memref<512xf32, #tpu.memory_space<vmem>>, vector<16xf32>,
    %get3A_1433 = arith.constant 448 : index
    %get3A_1434 = tpu.vector_load %arg10[%get3A_1433] {strides = array<i32>} : memref<512xf32, #tpu.memory_space<vmem>>, vector<16xf32>,
    %add3A_1435 = arith.addf %get3A_1432, %get3A_1434 : vector<16xf32>
    %get3A_1436 = arith.constant 448 : index
    %get3A_1437 = tpu.vector_load %arg12[%get3A_1436] {strides = array<i32>} : memref<512xf32, #tpu.memory_space<vmem>>, vector<16xf32>,
    %get3A_1438 = arith.constant 448 : index
    %get3A_1439 = tpu.vector_load %arg14[%get3A_1438] {strides = array<i32>} : memref<512xf32, #tpu.memory_space<vmem>>, vector<16xf32>,
    %add3A_1440 = arith.addf %get3A_1437, %get3A_1439 : vector<16xf32>
    %add3A_1441 = arith.addf %add3A_1435, %add3A_1440 : vector<16xf32>
    %swap3A_1442 = arith.constant 448 : index
    %swap3A_1443 = tpu.vector_load %arg8[%swap3A_1442] {strides = array<i32>} : memref<512xf32, #tpu.memory_space<vmem>>, vector<16xf32>,
    tpu.vector_store %arg8[%swap3A_1442], %add3A_1441 {strides = array<i32>} : memref<512xf32, #tpu.memory_space<vmem>>, vector<16xf32>,
    %get3A_1444 = arith.constant 448 : index
    %get3A_1445 = tpu.vector_load %arg9[%get3A_1444] {strides = array<i32>} : memref<512xf32, #tpu.memory_space<vmem>>, vector<16xf32>,
    %get3A_1446 = arith.constant 448 : index
    %get3A_1447 = tpu.vector_load %arg11[%get3A_1446] {strides = array<i32>} : memref<512xf32, #tpu.memory_space<vmem>>, vector<16xf32>,
    %add3A_1448 = arith.addf %get3A_1445, %get3A_1447 : vector<16xf32>
    %get3A_1449 = arith.constant 448 : index
    %get3A_1450 = tpu.vector_load %arg13[%get3A_1449] {strides = array<i32>} : memref<512xf32, #tpu.memory_space<vmem>>, vector<16xf32>,
    %get3A_1451 = arith.constant 448 : index
    %get3A_1452 = tpu.vector_load %arg15[%get3A_1451] {strides = array<i32>} : memref<512xf32, #tpu.memory_space<vmem>>, vector<16xf32>,
    %add3A_1453 = arith.addf %get3A_1450, %get3A_1452 : vector<16xf32>
    %add3A_1454 = arith.addf %add3A_1448, %add3A_1453 : vector<16xf32>
    %swap3A_1455 = arith.constant 448 : index
    %swap3A_1456 = tpu.vector_load %arg9[%swap3A_1455] {strides = array<i32>} : memref<512xf32, #tpu.memory_space<vmem>>, vector<16xf32>,
    tpu.vector_store %arg9[%swap3A_1455], %add3A_1454 {strides = array<i32>} : memref<512xf32, #tpu.memory_space<vmem>>, vector<16xf32>,
    %get3A_1457 = arith.constant 464 : index
    %get3A_1458 = tpu.vector_load %arg8[%get3A_1457] {strides = array<i32>} : memref<512xf32, #tpu.memory_space<vmem>>, vector<16xf32>,
    %get3A_1459 = arith.constant 464 : index
    %get3A_1460 = tpu.vector_load %arg10[%get3A_1459] {strides = array<i32>} : memref<512xf32, #tpu.memory_space<vmem>>, vector<16xf32>,
    %add3A_1461 = arith.addf %get3A_1458, %get3A_1460 : vector<16xf32>
    %get3A_1462 = arith.constant 464 : index
    %get3A_1463 = tpu.vector_load %arg12[%get3A_1462] {strides = array<i32>} : memref<512xf32, #tpu.memory_space<vmem>>, vector<16xf32>,
    %get3A_1464 = arith.constant 464 : index
    %get3A_1465 = tpu.vector_load %arg14[%get3A_1464] {strides = array<i32>} : memref<512xf32, #tpu.memory_space<vmem>>, vector<16xf32>,
    %add3A_1466 = arith.addf %get3A_1463, %get3A_1465 : vector<16xf32>
    %add3A_1467 = arith.addf %add3A_1461, %add3A_1466 : vector<16xf32>
    %swap3A_1468 = arith.constant 464 : index
    %swap3A_1469 = tpu.vector_load %arg8[%swap3A_1468] {strides = array<i32>} : memref<512xf32, #tpu.memory_space<vmem>>, vector<16xf32>,
    tpu.vector_store %arg8[%swap3A_1468], %add3A_1467 {strides = array<i32>} : memref<512xf32, #tpu.memory_space<vmem>>, vector<16xf32>,
    %get3A_1470 = arith.constant 464 : index
    %get3A_1471 = tpu.vector_load %arg9[%get3A_1470] {strides = array<i32>} : memref<512xf32, #tpu.memory_space<vmem>>, vector<16xf32>,
    %get3A_1472 = arith.constant 464 : index
    %get3A_1473 = tpu.vector_load %arg11[%get3A_1472] {strides = array<i32>} : memref<512xf32, #tpu.memory_space<vmem>>, vector<16xf32>,
    %add3A_1474 = arith.addf %get3A_1471, %get3A_1473 : vector<16xf32>
    %get3A_1475 = arith.constant 464 : index
    %get3A_1476 = tpu.vector_load %arg13[%get3A_1475] {strides = array<i32>} : memref<512xf32, #tpu.memory_space<vmem>>, vector<16xf32>,
    %get3A_1477 = arith.constant 464 : index
    %get3A_1478 = tpu.vector_load %arg15[%get3A_1477] {strides = array<i32>} : memref<512xf32, #tpu.memory_space<vmem>>, vector<16xf32>,
    %add3A_1479 = arith.addf %get3A_1476, %get3A_1478 : vector<16xf32>
    %add3A_1480 = arith.addf %add3A_1474, %add3A_1479 : vector<16xf32>
    %swap3A_1481 = arith.constant 464 : index
    %swap3A_1482 = tpu.vector_load %arg9[%swap3A_1481] {strides = array<i32>} : memref<512xf32, #tpu.memory_space<vmem>>, vector<16xf32>,
    tpu.vector_store %arg9[%swap3A_1481], %add3A_1480 {strides = array<i32>} : memref<512xf32, #tpu.memory_space<vmem>>, vector<16xf32>,
    %get3A_1483 = arith.constant 480 : index
    %get3A_1484 = tpu.vector_load %arg8[%get3A_1483] {strides = array<i32>} : memref<512xf32, #tpu.memory_space<vmem>>, vector<16xf32>,
    %get3A_1485 = arith.constant 480 : index
    %get3A_1486 = tpu.vector_load %arg10[%get3A_1485] {strides = array<i32>} : memref<512xf32, #tpu.memory_space<vmem>>, vector<16xf32>,
    %add3A_1487 = arith.addf %get3A_1484, %get3A_1486 : vector<16xf32>
    %get3A_1488 = arith.constant 480 : index
    %get3A_1489 = tpu.vector_load %arg12[%get3A_1488] {strides = array<i32>} : memref<512xf32, #tpu.memory_space<vmem>>, vector<16xf32>,
    %get3A_1490 = arith.constant 480 : index
    %get3A_1491 = tpu.vector_load %arg14[%get3A_1490] {strides = array<i32>} : memref<512xf32, #tpu.memory_space<vmem>>, vector<16xf32>,
    %add3A_1492 = arith.addf %get3A_1489, %get3A_1491 : vector<16xf32>
    %add3A_1493 = arith.addf %add3A_1487, %add3A_1492 : vector<16xf32>
    %swap3A_1494 = arith.constant 480 : index
    %swap3A_1495 = tpu.vector_load %arg8[%swap3A_1494] {strides = array<i32>} : memref<512xf32, #tpu.memory_space<vmem>>, vector<16xf32>,
    tpu.vector_store %arg8[%swap3A_1494], %add3A_1493 {strides = array<i32>} : memref<512xf32, #tpu.memory_space<vmem>>, vector<16xf32>,
    %get3A_1496 = arith.constant 480 : index
    %get3A_1497 = tpu.vector_load %arg9[%get3A_1496] {strides = array<i32>} : memref<512xf32, #tpu.memory_space<vmem>>, vector<16xf32>,
    %get3A_1498 = arith.constant 480 : index
    %get3A_1499 = tpu.vector_load %arg11[%get3A_1498] {strides = array<i32>} : memref<512xf32, #tpu.memory_space<vmem>>, vector<16xf32>,
    %add3A_1500 = arith.addf %get3A_1497, %get3A_1499 : vector<16xf32>
    %get3A_1501 = arith.constant 480 : index
    %get3A_1502 = tpu.vector_load %arg13[%get3A_1501] {strides = array<i32>} : memref<512xf32, #tpu.memory_space<vmem>>, vector<16xf32>,
    %get3A_1503 = arith.constant 480 : index
    %get3A_1504 = tpu.vector_load %arg15[%get3A_1503] {strides = array<i32>} : memref<512xf32, #tpu.memory_space<vmem>>, vector<16xf32>,
    %add3A_1505 = arith.addf %get3A_1502, %get3A_1504 : vector<16xf32>
    %add3A_1506 = arith.addf %add3A_1500, %add3A_1505 : vector<16xf32>
    %swap3A_1507 = arith.constant 480 : index
    %swap3A_1508 = tpu.vector_load %arg9[%swap3A_1507] {strides = array<i32>} : memref<512xf32, #tpu.memory_space<vmem>>, vector<16xf32>,
    tpu.vector_store %arg9[%swap3A_1507], %add3A_1506 {strides = array<i32>} : memref<512xf32, #tpu.memory_space<vmem>>, vector<16xf32>,
    %get3A_1509 = arith.constant 496 : index
    %get3A_1510 = tpu.vector_load %arg8[%get3A_1509] {strides = array<i32>} : memref<512xf32, #tpu.memory_space<vmem>>, vector<16xf32>,
    %get3A_1511 = arith.constant 496 : index
    %get3A_1512 = tpu.vector_load %arg10[%get3A_1511] {strides = array<i32>} : memref<512xf32, #tpu.memory_space<vmem>>, vector<16xf32>,
    %add3A_1513 = arith.addf %get3A_1510, %get3A_1512 : vector<16xf32>
    %get3A_1514 = arith.constant 496 : index
    %get3A_1515 = tpu.vector_load %arg12[%get3A_1514] {strides = array<i32>} : memref<512xf32, #tpu.memory_space<vmem>>, vector<16xf32>,
    %get3A_1516 = arith.constant 496 : index
    %get3A_1517 = tpu.vector_load %arg14[%get3A_1516] {strides = array<i32>} : memref<512xf32, #tpu.memory_space<vmem>>, vector<16xf32>,
    %add3A_1518 = arith.addf %get3A_1515, %get3A_1517 : vector<16xf32>
    %add3A_1519 = arith.addf %add3A_1513, %add3A_1518 : vector<16xf32>
    %swap3A_1520 = arith.constant 496 : index
    %swap3A_1521 = tpu.vector_load %arg8[%swap3A_1520] {strides = array<i32>} : memref<512xf32, #tpu.memory_space<vmem>>, vector<16xf32>,
    tpu.vector_store %arg8[%swap3A_1520], %add3A_1519 {strides = array<i32>} : memref<512xf32, #tpu.memory_space<vmem>>, vector<16xf32>,
    %get3A_1522 = arith.constant 496 : index
    %get3A_1523 = tpu.vector_load %arg9[%get3A_1522] {strides = array<i32>} : memref<512xf32, #tpu.memory_space<vmem>>, vector<16xf32>,
    %get3A_1524 = arith.constant 496 : index
    %get3A_1525 = tpu.vector_load %arg11[%get3A_1524] {strides = array<i32>} : memref<512xf32, #tpu.memory_space<vmem>>, vector<16xf32>,
    %add3A_1526 = arith.addf %get3A_1523, %get3A_1525 : vector<16xf32>
    %get3A_1527 = arith.constant 496 : index
    %get3A_1528 = tpu.vector_load %arg13[%get3A_1527] {strides = array<i32>} : memref<512xf32, #tpu.memory_space<vmem>>, vector<16xf32>,
    %get3A_1529 = arith.constant 496 : index
    %get3A_1530 = tpu.vector_load %arg15[%get3A_1529] {strides = array<i32>} : memref<512xf32, #tpu.memory_space<vmem>>, vector<16xf32>,
    %add3A_1531 = arith.addf %get3A_1528, %get3A_1530 : vector<16xf32>
    %add3A_1532 = arith.addf %add3A_1526, %add3A_1531 : vector<16xf32>
    %swap3A_1533 = arith.constant 496 : index
    %swap3A_1534 = tpu.vector_load %arg9[%swap3A_1533] {strides = array<i32>} : memref<512xf32, #tpu.memory_space<vmem>>, vector<16xf32>,
    tpu.vector_store %arg9[%swap3A_1533], %add3A_1532 {strides = array<i32>} : memref<512xf32, #tpu.memory_space<vmem>>, vector<16xf32>,
    "tpu.region"() ({
      %run_scoped3A = tpu.sem_alloc : memref<!tpu.dma_semaphore, #tpu.memory_space<semaphore_mem>>
      %dma_start3A_1535 = arith.constant 0 : i32
      %dma_start3A_1536 = tpu.memref_slice %arg4[%add3A, %dma_start3A_1535] : memref<32x512xf32, #tpu.memory_space<hbm>> -> memref<1x512xf32, #tpu.memory_space<hbm>>
      %dma_start3A_1537 = tpu.memref_squeeze %dma_start3A_1536 : memref<1x512xf32, #tpu.memory_space<hbm>> -> memref<512xf32, #tpu.memory_space<hbm>>
      %dma_start3A_1538 = arith.constant 0 : i32
      %dma_start3A_1539 = tpu.memref_slice %arg4[%add3A, %dma_start3A_1538] : memref<32x512xf32, #tpu.memory_space<hbm>> -> memref<1x512xf32, #tpu.memory_space<hbm>>
      %dma_start3A_1540 = tpu.memref_squeeze %dma_start3A_1539 : memref<1x512xf32, #tpu.memory_space<hbm>> -> memref<512xf32, #tpu.memory_space<hbm>>
      tpu.enqueue_dma source(%arg8 : memref<512xf32, #tpu.memory_space<vmem>>) target(%dma_start3A_1540 : memref<512xf32, #tpu.memory_space<hbm>>) target_semaphore(%run_scoped3A : memref<!tpu.dma_semaphore, #tpu.memory_space<semaphore_mem>>)
      %dma_wait3A_1541 = arith.constant 0 : i32
      %dma_wait3A_1542 = tpu.memref_slice %arg4[%add3A, %dma_wait3A_1541] : memref<32x512xf32, #tpu.memory_space<hbm>> -> memref<1x512xf32, #tpu.memory_space<hbm>>
      %dma_wait3A_1543 = tpu.memref_squeeze %dma_wait3A_1542 : memref<1x512xf32, #tpu.memory_space<hbm>> -> memref<512xf32, #tpu.memory_space<hbm>>
      %dma_wait3A_1544 = arith.constant 0 : i32
      %dma_wait3A_1545 = tpu.memref_slice %arg4[%add3A, %dma_wait3A_1544] : memref<32x512xf32, #tpu.memory_space<hbm>> -> memref<1x512xf32, #tpu.memory_space<hbm>>
      %dma_wait3A_1546 = tpu.memref_squeeze %dma_wait3A_1545 : memref<1x512xf32, #tpu.memory_space<hbm>> -> memref<512xf32, #tpu.memory_space<hbm>>
      tpu.wait_dma2 semaphore(%run_scoped3A : memref<!tpu.dma_semaphore, #tpu.memory_space<semaphore_mem>>) src(%arg8 : memref<512xf32, #tpu.memory_space<vmem>>) dst(%dma_wait3A_1546 : memref<512xf32, #tpu.memory_space<hbm>>)
      tpu.yield
    }) : () -> ()
    "tpu.region"() ({
      %run_scoped3A = tpu.sem_alloc : memref<!tpu.dma_semaphore, #tpu.memory_space<semaphore_mem>>
      %dma_start3A_1535 = arith.constant 0 : i32
      %dma_start3A_1536 = tpu.memref_slice %arg5[%add3A, %dma_start3A_1535] : memref<32x512xf32, #tpu.memory_space<hbm>> -> memref<1x512xf32, #tpu.memory_space<hbm>>
      %dma_start3A_1537 = tpu.memref_squeeze %dma_start3A_1536 : memref<1x512xf32, #tpu.memory_space<hbm>> -> memref<512xf32, #tpu.memory_space<hbm>>
      %dma_start3A_1538 = arith.constant 0 : i32
      %dma_start3A_1539 = tpu.memref_slice %arg5[%add3A, %dma_start3A_1538] : memref<32x512xf32, #tpu.memory_space<hbm>> -> memref<1x512xf32, #tpu.memory_space<hbm>>
      %dma_start3A_1540 = tpu.memref_squeeze %dma_start3A_1539 : memref<1x512xf32, #tpu.memory_space<hbm>> -> memref<512xf32, #tpu.memory_space<hbm>>
      tpu.enqueue_dma source(%arg9 : memref<512xf32, #tpu.memory_space<vmem>>) target(%dma_start3A_1540 : memref<512xf32, #tpu.memory_space<hbm>>) target_semaphore(%run_scoped3A : memref<!tpu.dma_semaphore, #tpu.memory_space<semaphore_mem>>)
      %dma_wait3A_1541 = arith.constant 0 : i32
      %dma_wait3A_1542 = tpu.memref_slice %arg5[%add3A, %dma_wait3A_1541] : memref<32x512xf32, #tpu.memory_space<hbm>> -> memref<1x512xf32, #tpu.memory_space<hbm>>
      %dma_wait3A_1543 = tpu.memref_squeeze %dma_wait3A_1542 : memref<1x512xf32, #tpu.memory_space<hbm>> -> memref<512xf32, #tpu.memory_space<hbm>>
      %dma_wait3A_1544 = arith.constant 0 : i32
      %dma_wait3A_1545 = tpu.memref_slice %arg5[%add3A, %dma_wait3A_1544] : memref<32x512xf32, #tpu.memory_space<hbm>> -> memref<1x512xf32, #tpu.memory_space<hbm>>
      %dma_wait3A_1546 = tpu.memref_squeeze %dma_wait3A_1545 : memref<1x512xf32, #tpu.memory_space<hbm>> -> memref<512xf32, #tpu.memory_space<hbm>>
      tpu.wait_dma2 semaphore(%run_scoped3A : memref<!tpu.dma_semaphore, #tpu.memory_space<semaphore_mem>>) src(%arg9 : memref<512xf32, #tpu.memory_space<vmem>>) dst(%dma_wait3A_1546 : memref<512xf32, #tpu.memory_space<hbm>>)
      tpu.yield
    }) : () -> ()
    return
  }
}

module attributes {stable_mosaic.version = 14 : i64} {
  func.func @body(%arg0: memref<32x512xf32, #tpu.memory_space<vmem>>, %arg1: memref<32x512xf32, #tpu.memory_space<vmem>>, %arg2: memref<1x512xf32, #tpu.memory_space<vmem>>, %arg3: memref<1x1xf32, #tpu.memory_space<smem>>) attributes {dimension_semantics = [], scalar_prefetch = 0 : i64, scratch_operands = 0 : i64, tpu.core_type = #tpu.core_type<tc>} {
    %get3A = arith.constant 0 : index
    %get3A_0 = arith.constant 0 : index
    %get3A_1 = vector.load %arg0[%get3A, %get3A_0] : memref<32x512xf32, #tpu.memory_space<vmem>>, vector<32x512xf32>
    %reduce_sum3A = arith.constant dense<0.000000e+00> : vector<512xf32>
    %reduce_sum3A_2 = vector.multi_reduction <add>, %get3A_1, %reduce_sum3A [0] : vector<32x512xf32> to vector<512xf32>
    %broadcast_in_dim3A = vector.shape_cast %reduce_sum3A_2 : vector<512xf32> to vector<1x512xf32>
    %get3A_3 = arith.constant 0 : index
    %get3A_4 = arith.constant 0 : index
    %get3A_5 = vector.load %arg1[%get3A_3, %get3A_4] : memref<32x512xf32, #tpu.memory_space<vmem>>, vector<32x512xf32>
    %reduce_sum3A_6 = arith.constant dense<0.000000e+00> : vector<512xf32>
    %reduce_sum3A_7 = vector.multi_reduction <add>, %get3A_5, %reduce_sum3A_6 [0] : vector<32x512xf32> to vector<512xf32>
    %broadcast_in_dim3A_8 = vector.shape_cast %reduce_sum3A_7 : vector<512xf32> to vector<1x512xf32>
    %max3A = arith.constant 1.000000e+00 : f32
    %max3A_9 = vector.broadcast %max3A : f32 to vector<1x512xf32>
    %max3A_10 = arith.maximumf %broadcast_in_dim3A_8, %max3A_9 : vector<1x512xf32>
    %div3A = arith.divf %broadcast_in_dim3A, %max3A_10 : vector<1x512xf32>
    %get3A_11 = arith.constant 0 : index
    %get3A_12 = arith.constant 0 : index
    %get3A_13 = vector.load %arg2[%get3A_11, %get3A_12] : memref<1x512xf32, #tpu.memory_space<vmem>>, vector<1x512xf32>
    %sub3A = arith.subf %div3A, %get3A_13 : vector<1x512xf32>
    %mul3A = arith.mulf %sub3A, %sub3A : vector<1x512xf32>
    %reduce_sum3A_14 = vector.shape_cast %mul3A : vector<1x512xf32> to vector<1x1x512xf32>
    %reduce_sum3A_15 = arith.constant dense<0.000000e+00> : vector<1xf32>
    %reduce_sum3A_16 = vector.multi_reduction <add>, %reduce_sum3A_14, %reduce_sum3A_15 [1, 2] : vector<1x1x512xf32> to vector<1xf32>
    %reduce_sum3A_17 = vector.shape_cast %reduce_sum3A_16 : vector<1xf32> to vector<1x1x1xf32>
    %reduce_sum3A_18 = vector.extract %reduce_sum3A_17[0, 0, 0] : f32 from vector<1x1x1xf32>
    %mul3A_19 = arith.constant 0.001953125 : f32
    %mul3A_20 = arith.mulf %reduce_sum3A_18, %mul3A_19 : f32
    %swap3A = arith.constant 0 : index
    %swap3A_21 = arith.constant 0 : index
    %swap3A_22 = memref.load %arg3[%swap3A, %swap3A_21] : memref<1x1xf32, #tpu.memory_space<smem>>
    memref.store %mul3A_20, %arg3[%swap3A, %swap3A_21] : memref<1x1xf32, #tpu.memory_space<smem>>
    return
  }
}

</mosaic_0001>

<sc_bundles>
// kernel: kernel.4.cloned.1.call-start
scs
__scs_entry_jumppad:
0x0: {  	(pc) =	sbr.rel $0x88, $3  }
0x1: {  	(tag) =	ssettag $0x0;
	lr =	simm.s32 $0x1  }
0x2: {  	[smem:$0x3F9E] =	sst lr;
	_ =	strace $0xD0000000  }
0x3: {  	_ = 	snop  }
0x4: {  	_ = 	snop  }
0x5: {  	_ = 	snop  }
0x6: {  	_ = 	snop  }
0x7: {  	_ = 	snop  }
__scs_overlays_trampoline_lowered:
0x8: {  	[smem:$0x3FAD] =	sst s0  }
0x9: {  	[smem:$0x3FAE] =	sst s1  }
0xa: {  	[smem:$0x3FAF] =	sst s2  }
0xb: {  	[smem:$0x3FB0] =	sst s3  }
0xc: {  	[smem:$0x3FB1] =	sst s4  }
0xd: {  	[smem:$0x3FB2] =	sst s5  }
0xe: {  	[smem:$0x3FB3] =	sst s6  }
0xf: {  	[smem:$0x3FB4] =	sst s7  }
0x10: {  	[smem:$0x3FB5] =	sst s8  }
0x11: {  	[smem:$0x3FB6] =	sst s9;
	s0 =	simm.s32 @!p0 $0x0  }
0x12: {  	s1 =	sld [smem:$0x3F9C];
	s0 =	simm.s32 @p0 $0x1  }
0x13: {  	[smem:$0x3FB7] =	sst s0;
	s0 =	simm.s32 @!p1 $0x0  }
0x14: {  	s2 =	sld [smem:$0x3F9B];
	s0 =	simm.s32 @p1 $0x1  }
0x15: {  	[smem:$0x3FB8] =	sst s0;
	s0 =	simm.s32 @!p2 $0x0  }
0x16: {  	s3 =	sld [smem:$0x3FDB];
	s0 =	simm.s32 @p2 $0x1  }
0x17: {  	s4 =	simm.s32 $0x1BF5;
	[smem:$0x3FBA] =	sst s0  }
0x18: {  	s0 =	sld [smem:$0x3F9D];
	_ =	swait.ge [sflag:s4], $0x0  }
0x19: {  	s7 =	sld [smem:$0x3F9E]  }
0x1a: {  	s8 =	sadd.s32 $0xFFFFE003, lr  }
0x1b: {  	s9 =	sadd.s32 $0xFFFFFEF7, lr;
	s5 =	simm.s32 $0xFFFFFFFF;
	p2 =	slt.u32 s8, $0xFFFFF086  }
0x1c: {  	p1 =	slt.u32 s9, $0xF7A;
	s5 =	simm.s32 @!p2 $0x0  }
0x1d: {  	s5 =	simm.s32 @p1 $0x1;
	p0 =	seq.s32 s7, s2  }
0x1e: {  	s7 =	smul.u32 @!p0 $0xF7A, s2;
	p2 =	seq.s32 @!p0 s5, $0x0  }
0x1f: {  	s9 =	smul.u32 $0xF7A, s1;
	s8 =	simm.s32 @!p0 $0x1BF5;
	p2 =	por !p2, p0  }
0x20: {  	[sflag:s8] =	ssyncset.s32 @!p0 $0xFFFFF086;
	s6 =	sadd.s32 @!p0 s3, s7;
	s7 =	simm.s32 @!p0 $0x108  }
0x21: {  	s3 =	sadd.s32 s3, s9;
	s6 =	sadd.s32 @!p0 $0x88, s6;
	s7 =	simm.s32 @p2 $0x1082  }
0x22: {  	[simem:s7], [sflag:s8] =	dma.local @!p0 [hbm:s6], $0xF7A  }
0x23: {  	s9 =	sor.u32 $0xD0000000, s2;
	s6 =	simm.s32 $0x108;
	_ =	swait.ge @!p0 [sflag:s8], $0x0  }
0x24: {  	s3 =	sadd.s32 $0x88, s3;
	s6 =	simm.s32 @!p1 $0x1082;
	[sflag:s4] =	ssyncset.s32 $0xFFFFF086  }
0x25: {  	[simem:s6], [sflag:s4] =	dma.local [hbm:s3], $0xF7A  }
0x26: {  	[smem:$0x3F9E] =	sst s1;
	(tag) =	ssettag s2;
	_ =	strace s9  }
0x27: {  	s1 =	sld [smem:$0x3FAE]  }
0x28: {  	s2 =	sld [smem:$0x3FAF]  }
0x29: {  	s4 =	sld [smem:$0x3FB1]  }
0x2a: {  	p0 =	seq.s32 s5, $0x0;
	s5 =	sld [smem:$0x3FB2]  }
0x2b: {  	s6 =	sld [smem:$0x3FB3]  }
0x2c: {  	s7 =	sld [smem:$0x3FB4]  }
0x2d: {  	s3 =	simm.s32 $0x108;
	s8 =	sld [smem:$0x3FB5]  }
0x2e: {  	s3 =	simm.s32 @!p0 $0x1082;
	s9 =	sld [smem:$0x3FB6]  }
0x2f: {  	lr =	sadd.s32 s0, s3;
	s0 =	sld [smem:$0x3FAD]  }
0x30: {  	s3 =	sld [smem:$0x3FB0]  }
0x31: {  	[smem:$0x3FB9] =	sst s10  }
0x32: {  	s10 =	sld [smem:$0x3FB7];
	_ =	sdelay $0x3  }
0x33: {  	p0 =	seq.s32 s10, $0x1;
	s10 =	sld [smem:$0x3FB9];
	_ =	sdelay $0x3  }
0x34: {  	[smem:$0x3FB9] =	sst s10  }
0x35: {  	s10 =	sld [smem:$0x3FB8];
	_ =	sdelay $0x3  }
0x36: {  	p1 =	seq.s32 s10, $0x1;
	s10 =	sld [smem:$0x3FB9];
	_ =	sdelay $0x3  }
0x37: {  	[smem:$0x3FB9] =	sst s10  }
0x38: {  	s10 =	sld [smem:$0x3FBA]  }
0x39: {  	_ = 	snop;
	(pc) =	sbr.ind lr, $3  }
0x3a: {  	_ = 	snop  }
0x3b: {  	_ = 	snop  }
0x3c: {  	p2 =	seq.s32 s10, $0x1;
	s10 =	sld [smem:$0x3FB9]  }
0x3d: {  	_ =	shalt  }
0x3e: {  	_ =	shalt  }
0x3f: {  	_ =	shalt  }
0x40: {  	_ =	shalt  }
0x41: {  	_ =	shalt  }
0x42: {  	_ =	shalt  }
0x43: {  	_ =	shalt  }
0x44: {  	_ =	shalt  }
0x45: {  	_ =	shalt  }
0x46: {  	_ =	shalt  }
0x47: {  	_ =	shalt  }
0x48: {  	_ =	shalt  }
0x49: {  	_ =	shalt  }
0x4a: {  	_ =	shalt  }
0x4b: {  	_ =	shalt  }
0x4c: {  	_ =	shalt  }
0x4d: {  	_ =	shalt  }
0x4e: {  	_ =	shalt  }
0x4f: {  	_ =	shalt  }
0x50: {  	_ =	shalt  }
0x51: {  	_ =	shalt  }
0x52: {  	_ =	shalt  }
0x53: {  	_ =	shalt  }
0x54: {  	_ =	shalt  }
0x55: {  	_ =	shalt  }
0x56: {  	_ =	shalt  }
0x57: {  	_ =	shalt  }
0x58: {  	_ =	shalt  }
0x59: {  	_ =	shalt  }
0x5a: {  	_ =	shalt  }
0x5b: {  	_ =	shalt  }
0x5c: {  	_ =	shalt  }
0x5d: {  	_ =	shalt  }
0x5e: {  	_ =	shalt  }
0x5f: {  	_ =	shalt  }
0x60: {  	_ =	shalt  }
0x61: {  	_ =	shalt  }
0x62: {  	_ =	shalt  }
0x63: {  	_ =	shalt  }
0x64: {  	_ =	shalt  }
0x65: {  	_ =	shalt  }
0x66: {  	_ =	shalt  }
0x67: {  	_ =	shalt  }
0x68: {  	_ =	shalt  }
0x69: {  	_ =	shalt  }
0x6a: {  	_ =	shalt  }
0x6b: {  	_ =	shalt  }
0x6c: {  	_ =	shalt  }
0x6d: {  	_ =	shalt  }
0x6e: {  	_ =	shalt  }
0x6f: {  	_ =	shalt  }
0x70: {  	_ =	shalt  }
0x71: {  	_ =	shalt  }
0x72: {  	_ =	shalt  }
0x73: {  	_ =	shalt  }
0x74: {  	_ =	shalt  }
0x75: {  	_ =	shalt  }
0x76: {  	_ =	shalt  }
0x77: {  	_ =	shalt  }
0x78: {  	_ =	shalt  }
0x79: {  	_ =	shalt  }
0x7a: {  	_ =	shalt  }
0x7b: {  	_ =	shalt  }
0x7c: {  	_ =	shalt  }
0x7d: {  	_ =	shalt  }
0x7e: {  	_ =	shalt  }
0x7f: {  	_ =	shalt  }
0x80: {  	_ =	shalt  }
0x81: {  	_ =	shalt  }
0x82: {  	_ =	shalt  }
0x83: {  	_ =	shalt  }
0x84: {  	_ =	shalt  }
0x85: {  	_ =	shalt  }
0x86: {  	_ =	shalt  }
0x87: {  	_ =	shalt  }
.Lfunc_end0:
.L_simem_size_0:
called_computation_lowered:
.L_overlay_start_0:
0x88: {  	s2 =	sld [smem:$0x3FD9]  }
0x89: {  	s3 =	sld [smem:$0x3FFE];
	_ =	sdelay $0x1  }
0x8a: {  	s1 =	srdreg.scid  }
0x8b: {  	s0 =	sand.u32 $0x1, s1  }
0x8c: {  	s17 =	sshll.u32 s0, $0xA;
	s2 =	sadd.s32 s3, s2  }
0x8d: {  	s2 =	sadd.s32 s2, s17  }
0x8e: {  	[smem:$0x3FC5] =	sst s2  }
0x8f: {  	_ = 	snop  }
0x90: {  	s2 =	sld [smem:$0x3FC9]  }
0x91: {  	s18 =	sld [smem:$0x3FC8];
	(tm) =	ssettm $0x1  }
0x92: {  	s4 =	sld [smem:$0x3FFB];
	_ =	sdelay $0x3  }
0x93: {  	_ =	strace s4  }
0x94: {  	s4 =	sld [smem:$0x3FFC];
	_ =	sdelay $0x3  }
0x95: {  	_ =	strace s4  }
0x96: {  	s4 =	sld [smem:$0x3FFD];
	_ =	sdelay $0x3  }
0x97: {  	_ =	strace s4  }
0x98: {  	_ =	strace $0x8FFFFFFF  }
0x99: {  	s19 =	sld [smem:$0x3FDB];
	_ =	sdelay $0x1  }
0x9a: {  	s5 =	simm.s32 $_scs_section_size  }
0x9b: {  	s6 =	simm.s32 $_size__tile_overlayer_lowered;
	s7 =	simm.s32 $_tile_overlayer_lowered  }
0x9c: {  	s22 =	simm.s32 $0x1BFF;
	s21 =	sshll.u32 s7, $0x1;
	s4 =	sadd.s32 s5, s19  }
0x9d: {  	s8 =	simm.s32 $0x0;
	s20 =	sshll.u32 s6, $0x1;
	s6 =	sadd.s32 s21, s4  }
0x9e: {  	[timem:s8], [sflag:s22] =	dma.local [hbm:s6], s20  }
0x9f: {  	_ =	swait.ge [sflag:s22], s20  }
0xa0: {  	s5 =	ssub.s32 $0x0, s20;
	[sflag:s22] =	ssyncset.done $0x0  }
0xa1: {  	[sflag:s22] =	ssyncadd.s32 s5;
	_ =	sdelay $0x1  }
0xa2: {  	s23 =	simm.s32 $0x1B8B  }
0xa3: {  	_ =	swait.ge [sflag:s23], $0x1  }
0xa4: {  	[sflag:s23] =	ssyncset.done $0x0  }
0xa5: {  	s25 =	simm.s32 $0x1B8E;
	s24 =	sld [smem:$0x3FFE];
	[sflag:s23] =	ssyncadd.s32 $0xFFFFFFFF  }
0xa6: {  	s26 =	simm.s32 $execute0_lowered;
	[smem:$0x3FD2] =	sst s25  }
0xa7: {  	s6 =	sshll.u32 s26, $0x1;
	_ =	strace $0x80000046;
	[dreg:$0x1] =	wrdreg $0xFFFFFFFF  }
0xa8: {  	s28 =	simm.s32 $_size_execute0_lowered;
	s4 =	sadd.s32 s4, s6;
	[dreg:$0x0] =	wrdreg $0x0  }
0xa9: {  	s6 =	sshll.u32 s28, $0x1;
	[dreg:$0x2] =	wrdreg s4  }
0xaa: {  	[dreg:$0x3] =	wrdreg s6  }
0xab: {  	[dreg:$0x4] =	wrdreg $0xC0  }
0xac: {  	_ =	task [dreg:s8], $0x5FFFF  }
0xad: {  	[dreg:$0x1] =	wrdreg $0xFFFFFFFF  }
0xae: {  	[dreg:$0x0] =	wrdreg $0x60  }
0xaf: {  	[dreg:$0x2] =	wrdreg s2  }
0xb0: {  	[dreg:$0x3] =	wrdreg s18  }
0xb1: {  	[dreg:$0x4] =	wrdreg s24  }
0xb2: {  	[dreg:$0x5] =	wrdreg $0x9  }
0xb3: {  	_ =	task.clear_ibuf [dreg:s8], $0x6FFFF;
	_ =	strace $0x90000046  }
0xb4: {  	s29 =	simm.s32 $0x9;
	_ =	strace $0x80000048  }
0xb5: {  	_ =	swait.ge [sflag:s29], $0x1  }
0xb6: {  	[sflag:s29] =	ssyncadd.s32 $0xFFFFFFFF  }
0xb7: {  	_ =	strace $0x90000048  }
0xb8: {  	_ =	sfence  }
0xb9: {  	s30 =	sld [smem:$0x0];
	_ =	sdelay $0x2  }
0xba: {  	s31 =	sshll.u32 s1, $0xD;
	s1 =	sshrl.u32 s1, $0x2  }
0xbb: {  	s3 =	sand.u32 $0x4000, s31;
	s1 =	sadd.s32 s1, s30  }
0xbc: {  	s0 =	sor.u32 s3, s0;
	s1 =	sshll.u32 s1, $0x11  }
0xbd: {  	s0 =	sor.u32 s1, s0  }
0xbe: {  	s0 =	sadd.s32 $0x8F2B, s0  }
0xbf: {  	[sflag:s0] =	ssyncadd.remote.s32 $0x1  }
0xc0: {  	_ =	sfence.sel $0xFFFF  }
0xc1: {  	[dreg:$0x0] =	wrdreg $0xFFFFFFFF;
	(pc) =	sbr.abs _section_cstart, $3  }
0xc2: {  	[dreg:$0x1] =	wrdreg $0xFFFFFFFF  }
0xc3: {  	_ =	task.clear_ibuf [dreg:s8], $0x2FFFF;
	_ =	strace $0x9FFFFFFF  }
0xc4: {  	(tm) =	ssettm $0x7FFFFFFF  }
0xc5: {  	_ =	shalt  }
tec
execute0_lowered:
.L_overlay_start_1:
0x0: {  	(tag) =	ssettag $0x1  }
0x1: {  	s0 =	rddreg [dreg:$0x0]  }
0x2: {  	s1 =	rddreg [dreg:$0x1]  }
0x3: {  	s3 =	rddreg [dreg:$0x2];
	s4 =	srdreg.scid  }
0x4: {  	s6 =	stileid.u32;
	s2 =	simm.s32 $0x0;
	s28 =	simm.s32 $0x18700  }
0x5: {  	s29 =	simm.s32 $0x18900;
	s30 =	simm.s32 $0x18B00;
	s31 =	simm.s32 $0x18D00  }
0x6: {  	s16 =	simm.s32 $0x19300;
	s17 =	simm.s32 $0x19500;
	s18 =	simm.s32 $0x80  }
0x7: {  	s19 =	simm.s32 $0x400;
	s20 =	simm.s32 $0x3;
	s21 =	simm.s32 $0x0  }
0x8: {  	s4 =	sand.u32 $0x1, s4;
	s5 =	sshll.u32 s6, $0x1;
	[smem:$0x7FF] =	sst s2  }
0x9: {  	s6 =	sshll.u32 s6, $0x7;
	s5 =	sor.u32 s4, s5;
	s4 =	ssub.s32 $0x2, s4  }
0xa: {  	s7 =	sshll.u32 s5, $0x4;
	s5 =	smul.u32 $0xC350, s5;
	s25 =	sshrl.u32 s4, $0x1  }
0xb: {  	_ =	strace $0x80000047;
	s6 =	sor.u32 s6, s7;
	s15 =	ssub.s32 s4, s25  }
0xc: {  	s25 =	simm.s32 $0x1;
	s6 =	sand.u32 $0x670, s6;
	s9 =	sshrl.u32 s5, $0x3  }
0xd: {  	s15 =	smax.u32 s15, $0x1;
	s14 =	sadd.s32 s6, s3;
	s3 =	sadd.s32 s0, s9  }
0xe: {  	s4 =	sadd.s32 s1, s9;
	s26 =	sadd.s32 $0x4E2, s9;
	s8 =	sadd.s32 $0x9C4, s9  }
0xf: {  	s10 =	sadd.s32 $0xEA6, s9;
	s12 =	sadd.s32 $0x1388, s9;
	s5 =	sadd.s32 s0, s26  }
0x10: {  	s6 =	sadd.s32 s1, s26;
	s7 =	sadd.s32 s0, s8;
	s8 =	sadd.s32 s1, s8  }
0x11: {  	s9 =	sadd.s32 s0, s10;
	s10 =	sadd.s32 s1, s10;
	s11 =	sadd.s32 s0, s12  }
0x12: {  	s12 =	sadd.s32 s1, s12;
	s13 =	sadd.s32 $0xE00, s14;
	s14 =	sadd.s32 $0x1600, s14  }
0x13: {  	v0 =	vimm.f32 $0.0e+00;
	v1 =	vimm.f32 $1.000000000e+00;
	s26 =	simm.s32 $0x2;
	s0 =	simm.s32 $0x18F00;
	s1 =	simm.s32 $0x19100  }
.LBB2_1:
0x14: {  	[tilespmem:s2], [sflag:$0x1] =	stream.linear.gather [hbm4b:s3+s2], $0x2710, $0x38;
	[tilespmem:$0x19700] =	vst v63  }
0x15: {  	s22 =	simm.s32 $0xC380  }
0x16: {  	[tilespmem:s22], [sflag:$0x2] =	stream.linear.gather [hbm4b:s4+s2], $0x2710, $0x38;
	[tilespmem:$0x19700] =	vst v63  }
0x17: {  	s23 =	simm.s32 $0x2710  }
0x18: {  	[tilespmem:s23], [sflag:$0x1] =	stream.linear.gather [hbm4b:s5+s2], $0x2710, $0x38;
	[tilespmem:$0x19700] =	vst v63  }
0x19: {  	s24 =	simm.s32 $0xEA90  }
0x1a: {  	[tilespmem:s24], [sflag:$0x2] =	stream.linear.gather [hbm4b:s6+s2], $0x2710, $0x38;
	[tilespmem:$0x19700] =	vst v63  }
0x1b: {  	s23 =	simm.s32 $0x4E20  }
0x1c: {  	[tilespmem:s23], [sflag:$0x1] =	stream.linear.gather [hbm4b:s7+s2], $0x2710, $0x38;
	[tilespmem:$0x19700] =	vst v63  }
0x1d: {  	s24 =	simm.s32 $0x111A0  }
0x1e: {  	[tilespmem:s24], [sflag:$0x2] =	stream.linear.gather [hbm4b:s8+s2], $0x2710, $0x38;
	[tilespmem:$0x19700] =	vst v63  }
0x1f: {  	s23 =	simm.s32 $0x7530  }
0x20: {  	[tilespmem:s23], [sflag:$0x1] =	stream.linear.gather [hbm4b:s9+s2], $0x2710, $0x38;
	[tilespmem:$0x19700] =	vst v63  }
0x21: {  	s24 =	simm.s32 $0x138B0  }
0x22: {  	[tilespmem:s24], [sflag:$0x2] =	stream.linear.gather [hbm4b:s10+s2], $0x2710, $0x38;
	[tilespmem:$0x19700] =	vst v63  }
0x23: {  	s23 =	simm.s32 $0x9C40  }
0x24: {  	[tilespmem:s23], [sflag:$0x1] =	stream.linear.gather [hbm4b:s11+s2], $0x2710, $0x38;
	[tilespmem:$0x19700] =	vst v63  }
0x25: {  	s24 =	simm.s32 $0x15FC0  }
0x26: {  	[tilespmem:s24], [sflag:$0x2] =	stream.linear.gather [hbm4b:s12+s2], $0x2710, $0x38;
	[tilespmem:$0x19700] =	vst v63  }
0x27: {  	[tilespmem:$0x18700] =	vst v0  }
0x28: {  	[tilespmem:$0x18B00] =	vst v0  }
0x29: {  	[tilespmem:$0x18F00] =	vst v0  }
0x2a: {  	[tilespmem:$0x19300] =	vst v0  }
0x2b: {  	[tilespmem:$0x18900] =	vst v0  }
0x2c: {  	[tilespmem:$0x18D00] =	vst v0  }
0x2d: {  	[tilespmem:$0x19100] =	vst v0  }
0x2e: {  	[tilespmem:$0x19500] =	vst v0  }
0x2f: {  	[tilespmem:$0x18710] =	vst v0  }
0x30: {  	[tilespmem:$0x18B10] =	vst v0  }
0x31: {  	[tilespmem:$0x18F10] =	vst v0  }
0x32: {  	[tilespmem:$0x19310] =	vst v0  }
0x33: {  	[tilespmem:$0x18910] =	vst v0  }
0x34: {  	[tilespmem:$0x18D10] =	vst v0  }
0x35: {  	[tilespmem:$0x19110] =	vst v0  }
0x36: {  	[tilespmem:$0x19510] =	vst v0  }
0x37: {  	[tilespmem:$0x18720] =	vst v0  }
0x38: {  	[tilespmem:$0x18B20] =	vst v0  }
0x39: {  	[tilespmem:$0x18F20] =	vst v0  }
0x3a: {  	[tilespmem:$0x19320] =	vst v0  }
0x3b: {  	[tilespmem:$0x18920] =	vst v0  }
0x3c: {  	[tilespmem:$0x18D20] =	vst v0  }
0x3d: {  	[tilespmem:$0x19120] =	vst v0  }
0x3e: {  	[tilespmem:$0x19520] =	vst v0  }
0x3f: {  	[tilespmem:$0x18730] =	vst v0  }
0x40: {  	[tilespmem:$0x18B30] =	vst v0  }
0x41: {  	[tilespmem:$0x18F30] =	vst v0  }
0x42: {  	[tilespmem:$0x19330] =	vst v0  }
0x43: {  	[tilespmem:$0x18930] =	vst v0  }
0x44: {  	[tilespmem:$0x18D30] =	vst v0  }
0x45: {  	[tilespmem:$0x19130] =	vst v0  }
0x46: {  	[tilespmem:$0x19530] =	vst v0  }
0x47: {  	[tilespmem:$0x18740] =	vst v0  }
0x48: {  	[tilespmem:$0x18B40] =	vst v0  }
0x49: {  	[tilespmem:$0x18F40] =	vst v0  }
0x4a: {  	[tilespmem:$0x19340] =	vst v0  }
0x4b: {  	[tilespmem:$0x18940] =	vst v0  }
0x4c: {  	[tilespmem:$0x18D40] =	vst v0  }
0x4d: {  	[tilespmem:$0x19140] =	vst v0  }
0x4e: {  	[tilespmem:$0x19540] =	vst v0  }
0x4f: {  	[tilespmem:$0x18750] =	vst v0  }
0x50: {  	[tilespmem:$0x18B50] =	vst v0  }
0x51: {  	[tilespmem:$0x18F50] =	vst v0  }
0x52: {  	[tilespmem:$0x19350] =	vst v0  }
0x53: {  	[tilespmem:$0x18950] =	vst v0  }
0x54: {  	[tilespmem:$0x18D50] =	vst v0  }
0x55: {  	[tilespmem:$0x19150] =	vst v0  }
0x56: {  	[tilespmem:$0x19550] =	vst v0  }
0x57: {  	[tilespmem:$0x18760] =	vst v0  }
0x58: {  	[tilespmem:$0x18B60] =	vst v0  }
0x59: {  	[tilespmem:$0x18F60] =	vst v0  }
0x5a: {  	[tilespmem:$0x19360] =	vst v0  }
0x5b: {  	[tilespmem:$0x18960] =	vst v0  }
0x5c: {  	[tilespmem:$0x18D60] =	vst v0  }
0x5d: {  	[tilespmem:$0x19160] =	vst v0  }
0x5e: {  	[tilespmem:$0x19560] =	vst v0  }
0x5f: {  	[tilespmem:$0x18770] =	vst v0  }
0x60: {  	[tilespmem:$0x18B70] =	vst v0  }
0x61: {  	[tilespmem:$0x18F70] =	vst v0  }
0x62: {  	[tilespmem:$0x19370] =	vst v0  }
0x63: {  	[tilespmem:$0x18970] =	vst v0  }
0x64: {  	[tilespmem:$0x18D70] =	vst v0  }
0x65: {  	[tilespmem:$0x19170] =	vst v0  }
0x66: {  	[tilespmem:$0x19570] =	vst v0  }
0x67: {  	[tilespmem:$0x18780] =	vst v0  }
0x68: {  	[tilespmem:$0x18B80] =	vst v0  }
0x69: {  	[tilespmem:$0x18F80] =	vst v0  }
0x6a: {  	[tilespmem:$0x19380] =	vst v0  }
0x6b: {  	[tilespmem:$0x18980] =	vst v0  }
0x6c: {  	[tilespmem:$0x18D80] =	vst v0  }
0x6d: {  	[tilespmem:$0x19180] =	vst v0  }
0x6e: {  	[tilespmem:$0x19580] =	vst v0  }
0x6f: {  	[tilespmem:$0x18790] =	vst v0  }
0x70: {  	[tilespmem:$0x18B90] =	vst v0  }
0x71: {  	[tilespmem:$0x18F90] =	vst v0  }
0x72: {  	[tilespmem:$0x19390] =	vst v0  }
0x73: {  	[tilespmem:$0x18990] =	vst v0  }
0x74: {  	[tilespmem:$0x18D90] =	vst v0  }
0x75: {  	[tilespmem:$0x19190] =	vst v0  }
0x76: {  	[tilespmem:$0x19590] =	vst v0  }
0x77: {  	[tilespmem:$0x187A0] =	vst v0  }
0x78: {  	[tilespmem:$0x18BA0] =	vst v0  }
0x79: {  	[tilespmem:$0x18FA0] =	vst v0  }
0x7a: {  	[tilespmem:$0x193A0] =	vst v0  }
0x7b: {  	[tilespmem:$0x189A0] =	vst v0  }
0x7c: {  	[tilespmem:$0x18DA0] =	vst v0  }
0x7d: {  	[tilespmem:$0x191A0] =	vst v0  }
0x7e: {  	[tilespmem:$0x195A0] =	vst v0  }
0x7f: {  	[tilespmem:$0x187B0] =	vst v0  }
0x80: {  	[tilespmem:$0x18BB0] =	vst v0  }
0x81: {  	[tilespmem:$0x18FB0] =	vst v0  }
0x82: {  	[tilespmem:$0x193B0] =	vst v0  }
0x83: {  	[tilespmem:$0x189B0] =	vst v0  }
0x84: {  	[tilespmem:$0x18DB0] =	vst v0  }
0x85: {  	[tilespmem:$0x191B0] =	vst v0  }
0x86: {  	[tilespmem:$0x195B0] =	vst v0  }
0x87: {  	[tilespmem:$0x187C0] =	vst v0  }
0x88: {  	[tilespmem:$0x18BC0] =	vst v0  }
0x89: {  	[tilespmem:$0x18FC0] =	vst v0  }
0x8a: {  	[tilespmem:$0x193C0] =	vst v0  }
0x8b: {  	[tilespmem:$0x189C0] =	vst v0  }
0x8c: {  	[tilespmem:$0x18DC0] =	vst v0  }
0x8d: {  	[tilespmem:$0x191C0] =	vst v0  }
0x8e: {  	[tilespmem:$0x195C0] =	vst v0  }
0x8f: {  	[tilespmem:$0x187D0] =	vst v0  }
0x90: {  	[tilespmem:$0x18BD0] =	vst v0  }
0x91: {  	[tilespmem:$0x18FD0] =	vst v0  }
0x92: {  	[tilespmem:$0x193D0] =	vst v0  }
0x93: {  	[tilespmem:$0x189D0] =	vst v0  }
0x94: {  	[tilespmem:$0x18DD0] =	vst v0  }
0x95: {  	[tilespmem:$0x191D0] =	vst v0  }
0x96: {  	[tilespmem:$0x195D0] =	vst v0  }
0x97: {  	[tilespmem:$0x187E0] =	vst v0  }
0x98: {  	[tilespmem:$0x18BE0] =	vst v0  }
0x99: {  	[tilespmem:$0x18FE0] =	vst v0  }
0x9a: {  	[tilespmem:$0x193E0] =	vst v0  }
0x9b: {  	[tilespmem:$0x189E0] =	vst v0  }
0x9c: {  	[tilespmem:$0x18DE0] =	vst v0  }
0x9d: {  	[tilespmem:$0x191E0] =	vst v0  }
0x9e: {  	[tilespmem:$0x195E0] =	vst v0  }
0x9f: {  	[tilespmem:$0x187F0] =	vst v0  }
0xa0: {  	[tilespmem:$0x18BF0] =	vst v0  }
0xa1: {  	[tilespmem:$0x18FF0] =	vst v0  }
0xa2: {  	[tilespmem:$0x193F0] =	vst v0  }
0xa3: {  	[tilespmem:$0x189F0] =	vst v0  }
0xa4: {  	[tilespmem:$0x18DF0] =	vst v0  }
0xa5: {  	[tilespmem:$0x191F0] =	vst v0  }
0xa6: {  	[tilespmem:$0x195F0] =	vst v0  }
0xa7: {  	[tilespmem:$0x18800] =	vst v0  }
0xa8: {  	[tilespmem:$0x18C00] =	vst v0  }
0xa9: {  	[tilespmem:$0x19000] =	vst v0  }
0xaa: {  	[tilespmem:$0x19400] =	vst v0  }
0xab: {  	[tilespmem:$0x18A00] =	vst v0  }
0xac: {  	[tilespmem:$0x18E00] =	vst v0  }
0xad: {  	[tilespmem:$0x19200] =	vst v0  }
0xae: {  	[tilespmem:$0x19600] =	vst v0  }
0xaf: {  	[tilespmem:$0x18810] =	vst v0  }
0xb0: {  	[tilespmem:$0x18C10] =	vst v0  }
0xb1: {  	[tilespmem:$0x19010] =	vst v0  }
0xb2: {  	[tilespmem:$0x19410] =	vst v0  }
0xb3: {  	[tilespmem:$0x18A10] =	vst v0  }
0xb4: {  	[tilespmem:$0x18E10] =	vst v0  }
0xb5: {  	[tilespmem:$0x19210] =	vst v0  }
0xb6: {  	[tilespmem:$0x19610] =	vst v0  }
0xb7: {  	[tilespmem:$0x18820] =	vst v0  }
0xb8: {  	[tilespmem:$0x18C20] =	vst v0  }
0xb9: {  	[tilespmem:$0x19020] =	vst v0  }
0xba: {  	[tilespmem:$0x19420] =	vst v0  }
0xbb: {  	[tilespmem:$0x18A20] =	vst v0  }
0xbc: {  	[tilespmem:$0x18E20] =	vst v0  }
0xbd: {  	[tilespmem:$0x19220] =	vst v0  }
0xbe: {  	[tilespmem:$0x19620] =	vst v0  }
0xbf: {  	[tilespmem:$0x18830] =	vst v0  }
0xc0: {  	[tilespmem:$0x18C30] =	vst v0  }
0xc1: {  	[tilespmem:$0x19030] =	vst v0  }
0xc2: {  	[tilespmem:$0x19430] =	vst v0  }
0xc3: {  	[tilespmem:$0x18A30] =	vst v0  }
0xc4: {  	[tilespmem:$0x18E30] =	vst v0  }
0xc5: {  	[tilespmem:$0x19230] =	vst v0  }
0xc6: {  	[tilespmem:$0x19630] =	vst v0  }
0xc7: {  	[tilespmem:$0x18840] =	vst v0  }
0xc8: {  	[tilespmem:$0x18C40] =	vst v0  }
0xc9: {  	[tilespmem:$0x19040] =	vst v0  }
0xca: {  	[tilespmem:$0x19440] =	vst v0  }
0xcb: {  	[tilespmem:$0x18A40] =	vst v0  }
0xcc: {  	[tilespmem:$0x18E40] =	vst v0  }
0xcd: {  	[tilespmem:$0x19240] =	vst v0  }
0xce: {  	[tilespmem:$0x19640] =	vst v0  }
0xcf: {  	[tilespmem:$0x18850] =	vst v0  }
0xd0: {  	[tilespmem:$0x18C50] =	vst v0  }
0xd1: {  	[tilespmem:$0x19050] =	vst v0  }
0xd2: {  	[tilespmem:$0x19450] =	vst v0  }
0xd3: {  	[tilespmem:$0x18A50] =	vst v0  }
0xd4: {  	[tilespmem:$0x18E50] =	vst v0  }
0xd5: {  	[tilespmem:$0x19250] =	vst v0  }
0xd6: {  	[tilespmem:$0x19650] =	vst v0  }
0xd7: {  	[tilespmem:$0x18860] =	vst v0  }
0xd8: {  	[tilespmem:$0x18C60] =	vst v0  }
0xd9: {  	[tilespmem:$0x19060] =	vst v0  }
0xda: {  	[tilespmem:$0x19460] =	vst v0  }
0xdb: {  	[tilespmem:$0x18A60] =	vst v0  }
0xdc: {  	[tilespmem:$0x18E60] =	vst v0  }
0xdd: {  	[tilespmem:$0x19260] =	vst v0  }
0xde: {  	[tilespmem:$0x19660] =	vst v0  }
0xdf: {  	[tilespmem:$0x18870] =	vst v0  }
0xe0: {  	[tilespmem:$0x18C70] =	vst v0  }
0xe1: {  	[tilespmem:$0x19070] =	vst v0  }
0xe2: {  	[tilespmem:$0x19470] =	vst v0  }
0xe3: {  	[tilespmem:$0x18A70] =	vst v0  }
0xe4: {  	[tilespmem:$0x18E70] =	vst v0  }
0xe5: {  	[tilespmem:$0x19270] =	vst v0  }
0xe6: {  	[tilespmem:$0x19670] =	vst v0  }
0xe7: {  	[tilespmem:$0x18880] =	vst v0  }
0xe8: {  	[tilespmem:$0x18C80] =	vst v0  }
0xe9: {  	[tilespmem:$0x19080] =	vst v0  }
0xea: {  	[tilespmem:$0x19480] =	vst v0  }
0xeb: {  	[tilespmem:$0x18A80] =	vst v0  }
0xec: {  	[tilespmem:$0x18E80] =	vst v0  }
0xed: {  	[tilespmem:$0x19280] =	vst v0  }
0xee: {  	[tilespmem:$0x19680] =	vst v0  }
0xef: {  	[tilespmem:$0x18890] =	vst v0  }
0xf0: {  	[tilespmem:$0x18C90] =	vst v0  }
0xf1: {  	[tilespmem:$0x19090] =	vst v0  }
0xf2: {  	[tilespmem:$0x19490] =	vst v0  }
0xf3: {  	[tilespmem:$0x18A90] =	vst v0  }
0xf4: {  	[tilespmem:$0x18E90] =	vst v0  }
0xf5: {  	[tilespmem:$0x19290] =	vst v0  }
0xf6: {  	[tilespmem:$0x19690] =	vst v0  }
0xf7: {  	[tilespmem:$0x188A0] =	vst v0  }
0xf8: {  	[tilespmem:$0x18CA0] =	vst v0  }
0xf9: {  	[tilespmem:$0x190A0] =	vst v0  }
0xfa: {  	[tilespmem:$0x194A0] =	vst v0  }
0xfb: {  	[tilespmem:$0x18AA0] =	vst v0  }
0xfc: {  	[tilespmem:$0x18EA0] =	vst v0  }
0xfd: {  	[tilespmem:$0x192A0] =	vst v0  }
0xfe: {  	[tilespmem:$0x196A0] =	vst v0  }
0xff: {  	[tilespmem:$0x188B0] =	vst v0  }
0x100: {  	[tilespmem:$0x18CB0] =	vst v0  }
0x101: {  	[tilespmem:$0x190B0] =	vst v0  }
0x102: {  	[tilespmem:$0x194B0] =	vst v0  }
0x103: {  	[tilespmem:$0x18AB0] =	vst v0  }
0x104: {  	[tilespmem:$0x18EB0] =	vst v0  }
0x105: {  	[tilespmem:$0x192B0] =	vst v0  }
0x106: {  	[tilespmem:$0x196B0] =	vst v0  }
0x107: {  	[tilespmem:$0x188C0] =	vst v0  }
0x108: {  	[tilespmem:$0x18CC0] =	vst v0  }
0x109: {  	[tilespmem:$0x190C0] =	vst v0  }
0x10a: {  	[tilespmem:$0x194C0] =	vst v0  }
0x10b: {  	[tilespmem:$0x18AC0] =	vst v0  }
0x10c: {  	[tilespmem:$0x18EC0] =	vst v0  }
0x10d: {  	[tilespmem:$0x192C0] =	vst v0  }
0x10e: {  	[tilespmem:$0x196C0] =	vst v0  }
0x10f: {  	[tilespmem:$0x188D0] =	vst v0  }
0x110: {  	[tilespmem:$0x18CD0] =	vst v0  }
0x111: {  	[tilespmem:$0x190D0] =	vst v0  }
0x112: {  	[tilespmem:$0x194D0] =	vst v0  }
0x113: {  	[tilespmem:$0x18AD0] =	vst v0  }
0x114: {  	[tilespmem:$0x18ED0] =	vst v0  }
0x115: {  	[tilespmem:$0x192D0] =	vst v0  }
0x116: {  	[tilespmem:$0x196D0] =	vst v0  }
0x117: {  	[tilespmem:$0x188E0] =	vst v0  }
0x118: {  	[tilespmem:$0x18CE0] =	vst v0  }
0x119: {  	[tilespmem:$0x190E0] =	vst v0  }
0x11a: {  	[tilespmem:$0x194E0] =	vst v0  }
0x11b: {  	[tilespmem:$0x18AE0] =	vst v0  }
0x11c: {  	[tilespmem:$0x18EE0] =	vst v0  }
0x11d: {  	[tilespmem:$0x192E0] =	vst v0  }
0x11e: {  	[tilespmem:$0x196E0] =	vst v0  }
0x11f: {  	[tilespmem:$0x188F0] =	vst v0  }
0x120: {  	[tilespmem:$0x18CF0] =	vst v0  }
0x121: {  	[tilespmem:$0x190F0] =	vst v0  }
0x122: {  	[tilespmem:$0x194F0] =	vst v0  }
0x123: {  	[tilespmem:$0x18AF0] =	vst v0  }
0x124: {  	[tilespmem:$0x18EF0] =	vst v0  }
0x125: {  	[tilespmem:$0x192F0] =	vst v0  }
0x126: {  	[tilespmem:$0x196F0] =	vst v0  }
0x127: {  	_ =	swait.ge [sflag:s25], $0x2710  }
0x128: {  	[sflag:s25] =	ssyncset.done $0x0  }
0x129: {  	[sflag:s25] =	ssyncadd.s32 $0xFFFFD8F0  }
0x12a: {  	_ =	swait.ge [sflag:s26], $0x2710  }
0x12b: {  	[sflag:s26] =	ssyncset.done $0x0  }
0x12c: {  	[sflag:s26] =	ssyncadd.s32 $0xFFFFD8F0  }
0x12d: {  	v2 =	vld [tilespmem:s18+$0xFFFFFFF0]  }
0x12e: {  	v3 =	vld [tilespmem:s18+$0xFFFFFFE0]  }
0x12f: {  	v4 =	vld [tilespmem:s18+$0xFFFFFFD0]  }
0x130: {  	v5 =	vld [tilespmem:s18+$0xFFFFFFC0]  }
0x131: {  	v6 =	vld [tilespmem:s18+$0xFFFFFFB0]  }
0x132: {  	s22 =	simm.s32 $0xC400;
	v7 =	vld [tilespmem:s18+$0xFFFFFFA0]  }
0x133: {  	v8 =	vld [tilespmem:s22+$0xFFFFFFF0]  }
0x134: {  	v9 =	vld [tilespmem:s22+$0xFFFFFFE0]  }
0x135: {  	v10 =	vld [tilespmem:s22+$0xFFFFFF80]  }
0x136: {  	v11 =	vld [tilespmem:s22+$0xFFFFFFD0]  }
0x137: {  	v12 =	vld [tilespmem:s22+$0xFFFFFF90]  }
0x138: {  	v13 =	vld [tilespmem:s18+$0xFFFFFF80]  }
0x139: {  	v14 =	vld [tilespmem:s22+$0xFFFFFFA0]  }
0x13a: {  	v15 =	vld [tilespmem:s18+$0xFFFFFF90]  }
0x13b: {  	v16 =	vld [tilespmem:s22+$0xFFFFFFB0]  }
0x13c: {  	v17 =	vld [tilespmem:s22+$0xFFFFFFC0]  }
0x13d: {  	[tilespmem:v10+s28+$0x0] =	vst.idx.add.f32.msk $0xffff, v13  }
0x13e: {  	[tilespmem:v10+s29+$0x0] =	vst.idx.add.f32.msk $0xffff, v1  }
0x13f: {  	[tilespmem:v12+s30+$0x0] =	vst.idx.add.f32.msk $0xffff, v15  }
0x140: {  	[tilespmem:v12+s31+$0x0] =	vst.idx.add.f32.msk $0xffff, v1  }
0x141: {  	[tilespmem:v14+s0+$0x0] =	vst.idx.add.f32.msk $0xffff, v7  }
0x142: {  	[tilespmem:v14+s1+$0x0] =	vst.idx.add.f32.msk $0xffff, v1  }
0x143: {  	[tilespmem:v16+s16+$0x0] =	vst.idx.add.f32.msk $0xffff, v6  }
0x144: {  	[tilespmem:v16+s17+$0x0] =	vst.idx.add.f32.msk $0xffff, v1  }
0x145: {  	[tilespmem:v17+s28+$0x0] =	vst.idx.add.f32.msk $0xffff, v5  }
0x146: {  	[tilespmem:v17+s29+$0x0] =	vst.idx.add.f32.msk $0xffff, v1  }
0x147: {  	[tilespmem:v11+s30+$0x0] =	vst.idx.add.f32.msk $0xffff, v4  }
0x148: {  	[tilespmem:v11+s31+$0x0] =	vst.idx.add.f32.msk $0xffff, v1  }
0x149: {  	[tilespmem:v9+s0+$0x0] =	vst.idx.add.f32.msk $0xffff, v3  }
0x14a: {  	[tilespmem:v9+s1+$0x0] =	vst.idx.add.f32.msk $0xffff, v1  }
0x14b: {  	[tilespmem:v8+s16+$0x0] =	vst.idx.add.f32.msk $0xffff, v2  }
0x14c: {  	[tilespmem:v8+s17+$0x0] =	vst.idx.add.f32.msk $0xffff, v1  }
0x14d: {  	v3 =	vld [tilespmem:s22+$0x40]  }
0x14e: {  	v2 =	vld [tilespmem:s22+$0x50]  }
0x14f: {  	v6 =	vld [tilespmem:s22+$0x30]  }
0x150: {  	v11 =	vld [tilespmem:s18+$0x10]  }
0x151: {  	v4 =	vld [tilespmem:s18+$0x60]  }
0x152: {  	v12 =	vld [tilespmem:s22+$0x20]  }
0x153: {  	v13 =	vld [tilespmem:s18+$0x0]  }
0x154: {  	v14 =	vld [tilespmem:s22+$0x10]  }
0x155: {  	v15 =	vld [tilespmem:s22+$0x0]  }
0x156: {  	v7 =	vld [tilespmem:s22+$0x60]  }
0x157: {  	v5 =	vld [tilespmem:s22+$0x70]  }
0x158: {  	v16 =	vld [tilespmem:s18+$0x20]  }
0x159: {  	v17 =	vld [tilespmem:s18+$0x30]  }
0x15a: {  	v10 =	vld [tilespmem:s18+$0x40]  }
0x15b: {  	v9 =	vld [tilespmem:s18+$0x50]  }
0x15c: {  	v8 =	vld [tilespmem:s18+$0x70]  }
0x15d: {  	[tilespmem:v15+s28+$0x0] =	vst.idx.add.f32.msk $0xffff, v13  }
0x15e: {  	[tilespmem:v15+s29+$0x0] =	vst.idx.add.f32.msk $0xffff, v1  }
0x15f: {  	[tilespmem:v14+s30+$0x0] =	vst.idx.add.f32.msk $0xffff, v11  }
0x160: {  	[tilespmem:v14+s31+$0x0] =	vst.idx.add.f32.msk $0xffff, v1  }
0x161: {  	[tilespmem:v12+s0+$0x0] =	vst.idx.add.f32.msk $0xffff, v16  }
0x162: {  	[tilespmem:v12+s1+$0x0] =	vst.idx.add.f32.msk $0xffff, v1  }
0x163: {  	s23 =	simm.s32 $0x0;
	s24 =	simm.s32 $0x80;
	[tilespmem:v6+s16+$0x0] =	vst.idx.add.f32.msk $0xffff, v17  }
.LBB2_2:
0x164: {  	s23 =	sadd.s32 $0x2, s23;
	[tilespmem:v6+s17+$0x0] =	vst.idx.add.f32.msk $0xffff, v1;
	s24 =	sadd.s32 $0x100, s24;
	s22 =	sadd.s32 $0x100, s22  }
0x165: {  	p0 =	slt.u32 s23, $0x4C;
	[tilespmem:v3+s28+$0x0] =	vst.idx.add.f32.msk $0xffff, v10  }
0x166: {  	[tilespmem:v3+s29+$0x0] =	vst.idx.add.f32.msk $0xffff, v1  }
0x167: {  	[tilespmem:v2+s30+$0x0] =	vst.idx.add.f32.msk $0xffff, v9  }
0x168: {  	[tilespmem:v2+s31+$0x0] =	vst.idx.add.f32.msk $0xffff, v1  }
0x169: {  	[tilespmem:v7+s0+$0x0] =	vst.idx.add.f32.msk $0xffff, v4  }
0x16a: {  	[tilespmem:v7+s1+$0x0] =	vst.idx.add.f32.msk $0xffff, v1  }
0x16b: {  	[tilespmem:v5+s16+$0x0] =	vst.idx.add.f32.msk $0xffff, v8  }
0x16c: {  	[tilespmem:v5+s17+$0x0] =	vst.idx.add.f32.msk $0xffff, v1  }
0x16d: {  	v2 =	vld [tilespmem:s24+$0xFFFFFFF0]  }
0x16e: {  	v3 =	vld [tilespmem:s24+$0xFFFFFFE0]  }
0x16f: {  	v4 =	vld [tilespmem:s24+$0xFFFFFFD0]  }
0x170: {  	v5 =	vld [tilespmem:s24+$0xFFFFFFC0]  }
0x171: {  	v6 =	vld [tilespmem:s24+$0xFFFFFFB0]  }
0x172: {  	v7 =	vld [tilespmem:s24+$0xFFFFFFA0]  }
0x173: {  	v8 =	vld [tilespmem:s22+$0xFFFFFFF0]  }
0x174: {  	v9 =	vld [tilespmem:s22+$0xFFFFFFE0]  }
0x175: {  	v10 =	vld [tilespmem:s22+$0xFFFFFF80]  }
0x176: {  	v11 =	vld [tilespmem:s22+$0xFFFFFFD0]  }
0x177: {  	v12 =	vld [tilespmem:s22+$0xFFFFFF90]  }
0x178: {  	v13 =	vld [tilespmem:s24+$0xFFFFFF80]  }
0x179: {  	v14 =	vld [tilespmem:s22+$0xFFFFFFA0]  }
0x17a: {  	v15 =	vld [tilespmem:s24+$0xFFFFFF90]  }
0x17b: {  	v16 =	vld [tilespmem:s22+$0xFFFFFFB0]  }
0x17c: {  	v17 =	vld [tilespmem:s22+$0xFFFFFFC0]  }
0x17d: {  	[tilespmem:v10+s28+$0x0] =	vst.idx.add.f32.msk $0xffff, v13  }
0x17e: {  	[tilespmem:v10+s29+$0x0] =	vst.idx.add.f32.msk $0xffff, v1  }
0x17f: {  	[tilespmem:v12+s30+$0x0] =	vst.idx.add.f32.msk $0xffff, v15  }
0x180: {  	[tilespmem:v12+s31+$0x0] =	vst.idx.add.f32.msk $0xffff, v1  }
0x181: {  	[tilespmem:v14+s0+$0x0] =	vst.idx.add.f32.msk $0xffff, v7  }
0x182: {  	[tilespmem:v14+s1+$0x0] =	vst.idx.add.f32.msk $0xffff, v1  }
0x183: {  	[tilespmem:v16+s16+$0x0] =	vst.idx.add.f32.msk $0xffff, v6  }
0x184: {  	[tilespmem:v16+s17+$0x0] =	vst.idx.add.f32.msk $0xffff, v1  }
0x185: {  	[tilespmem:v17+s28+$0x0] =	vst.idx.add.f32.msk $0xffff, v5  }
0x186: {  	[tilespmem:v17+s29+$0x0] =	vst.idx.add.f32.msk $0xffff, v1  }
0x187: {  	[tilespmem:v11+s30+$0x0] =	vst.idx.add.f32.msk $0xffff, v4  }
0x188: {  	[tilespmem:v11+s31+$0x0] =	vst.idx.add.f32.msk $0xffff, v1  }
0x189: {  	[tilespmem:v9+s0+$0x0] =	vst.idx.add.f32.msk $0xffff, v3  }
0x18a: {  	[tilespmem:v9+s1+$0x0] =	vst.idx.add.f32.msk $0xffff, v1  }
0x18b: {  	[tilespmem:v8+s16+$0x0] =	vst.idx.add.f32.msk $0xffff, v2  }
0x18c: {  	[tilespmem:v8+s17+$0x0] =	vst.idx.add.f32.msk $0xffff, v1  }
0x18d: {  	v3 =	vld [tilespmem:s22+$0x40]  }
0x18e: {  	v2 =	vld [tilespmem:s22+$0x50]  }
0x18f: {  	v6 =	vld [tilespmem:s22+$0x30]  }
0x190: {  	v11 =	vld [tilespmem:s24+$0x10]  }
0x191: {  	v4 =	vld [tilespmem:s24+$0x60]  }
0x192: {  	v12 =	vld [tilespmem:s22+$0x20]  }
0x193: {  	v13 =	vld [tilespmem:s24+$0x0]  }
0x194: {  	v14 =	vld [tilespmem:s22+$0x10]  }
0x195: {  	v15 =	vld [tilespmem:s22+$0x0]  }
0x196: {  	v7 =	vld [tilespmem:s22+$0x60]  }
0x197: {  	v5 =	vld [tilespmem:s22+$0x70]  }
0x198: {  	v16 =	vld [tilespmem:s24+$0x20]  }
0x199: {  	v17 =	vld [tilespmem:s24+$0x30]  }
0x19a: {  	v10 =	vld [tilespmem:s24+$0x40]  }
0x19b: {  	v9 =	vld [tilespmem:s24+$0x50]  }
0x19c: {  	v8 =	vld [tilespmem:s24+$0x70]  }
0x19d: {  	[tilespmem:v15+s28+$0x0] =	vst.idx.add.f32.msk $0xffff, v13  }
0x19e: {  	[tilespmem:v15+s29+$0x0] =	vst.idx.add.f32.msk $0xffff, v1  }
.Ltmp0:
0x19f: {  	[tilespmem:v14+s30+$0x0] =	vst.idx.add.f32.msk $0xffff, v11;
	(pc) =	sbr.rel @p0 .LBB2_2-.Ltmp0, $4  }
0x1a0: {  	[tilespmem:v14+s31+$0x0] =	vst.idx.add.f32.msk $0xffff, v1  }
0x1a1: {  	[tilespmem:v12+s0+$0x0] =	vst.idx.add.f32.msk $0xffff, v16  }
0x1a2: {  	[tilespmem:v12+s1+$0x0] =	vst.idx.add.f32.msk $0xffff, v1  }
0x1a3: {  	[tilespmem:v6+s16+$0x0] =	vst.idx.add.f32.msk $0xffff, v17  }
0x1a4: {  	_ =	sdelay $0x3  }
0x1a5: {  	[tilespmem:v6+s17+$0x0] =	vst.idx.add.f32.msk $0xffff, v1  }
0x1a6: {  	[tilespmem:v3+s28+$0x0] =	vst.idx.add.f32.msk $0xffff, v10  }
0x1a7: {  	[tilespmem:v3+s29+$0x0] =	vst.idx.add.f32.msk $0xffff, v1  }
0x1a8: {  	[tilespmem:v2+s30+$0x0] =	vst.idx.add.f32.msk $0xffff, v9  }
0x1a9: {  	[tilespmem:v2+s31+$0x0] =	vst.idx.add.f32.msk $0xffff, v1  }
0x1aa: {  	[tilespmem:v7+s0+$0x0] =	vst.idx.add.f32.msk $0xffff, v4  }
0x1ab: {  	[tilespmem:v7+s1+$0x0] =	vst.idx.add.f32.msk $0xffff, v1  }
0x1ac: {  	[tilespmem:v5+s16+$0x0] =	vst.idx.add.f32.msk $0xffff, v8  }
0x1ad: {  	[tilespmem:v5+s17+$0x0] =	vst.idx.add.f32.msk $0xffff, v1  }
0x1ae: {  	v2 =	vld [tilespmem:$0xEA80];
	_ =	sdelay $0x2  }
0x1af: {  	v3 =	vld [tilespmem:$0x2700];
	_ =	sdelay $0x4  }
0x1b0: {  	[tilespmem:v2+s28+$0x0] =	vst.idx.add.f32.msk $0xffff, v3  }
0x1b1: {  	[tilespmem:v2+s29+$0x0] =	vst.idx.add.f32.msk $0xffff, v1  }
0x1b2: {  	_ =	swait.ge [sflag:s25], $0x2710  }
0x1b3: {  	[sflag:s25] =	ssyncset.done $0x0  }
0x1b4: {  	[sflag:s25] =	ssyncadd.s32 $0xFFFFD8F0  }
0x1b5: {  	_ =	swait.ge [sflag:s26], $0x2710  }
0x1b6: {  	[sflag:s26] =	ssyncset.done $0x0  }
0x1b7: {  	s22 =	simm.s32 $0x2800;
	[sflag:s26] =	ssyncadd.s32 $0xFFFFD8F0  }
0x1b8: {  	v2 =	vld [tilespmem:s22+$0xFFFFFF80]  }
0x1b9: {  	v3 =	vld [tilespmem:s22+$0xFFFFFF70]  }
0x1ba: {  	v4 =	vld [tilespmem:s22+$0xFFFFFF60]  }
0x1bb: {  	v5 =	vld [tilespmem:s22+$0xFFFFFF50]  }
0x1bc: {  	v6 =	vld [tilespmem:s22+$0xFFFFFF40]  }
0x1bd: {  	s23 =	simm.s32 $0xEB80;
	v7 =	vld [tilespmem:s22+$0xFFFFFF30]  }
0x1be: {  	v8 =	vld [tilespmem:s23+$0xFFFFFF80]  }
0x1bf: {  	v9 =	vld [tilespmem:s23+$0xFFFFFF70]  }
0x1c0: {  	v10 =	vld [tilespmem:s23+$0xFFFFFF10]  }
0x1c1: {  	v11 =	vld [tilespmem:s23+$0xFFFFFF60]  }
0x1c2: {  	v12 =	vld [tilespmem:s23+$0xFFFFFF20]  }
0x1c3: {  	v13 =	vld [tilespmem:s22+$0xFFFFFF10]  }
0x1c4: {  	v14 =	vld [tilespmem:s23+$0xFFFFFF30]  }
0x1c5: {  	v15 =	vld [tilespmem:s22+$0xFFFFFF20]  }
0x1c6: {  	v16 =	vld [tilespmem:s23+$0xFFFFFF40]  }
0x1c7: {  	v17 =	vld [tilespmem:s23+$0xFFFFFF50]  }
0x1c8: {  	[tilespmem:v10+s28+$0x0] =	vst.idx.add.f32.msk $0xffff, v13  }
0x1c9: {  	[tilespmem:v10+s29+$0x0] =	vst.idx.add.f32.msk $0xffff, v1  }
0x1ca: {  	[tilespmem:v12+s30+$0x0] =	vst.idx.add.f32.msk $0xffff, v15  }
0x1cb: {  	[tilespmem:v12+s31+$0x0] =	vst.idx.add.f32.msk $0xffff, v1  }
0x1cc: {  	[tilespmem:v14+s0+$0x0] =	vst.idx.add.f32.msk $0xffff, v7  }
0x1cd: {  	[tilespmem:v14+s1+$0x0] =	vst.idx.add.f32.msk $0xffff, v1  }
0x1ce: {  	[tilespmem:v16+s16+$0x0] =	vst.idx.add.f32.msk $0xffff, v6  }
0x1cf: {  	[tilespmem:v16+s17+$0x0] =	vst.idx.add.f32.msk $0xffff, v1  }
0x1d0: {  	[tilespmem:v17+s28+$0x0] =	vst.idx.add.f32.msk $0xffff, v5  }
0x1d1: {  	[tilespmem:v17+s29+$0x0] =	vst.idx.add.f32.msk $0xffff, v1  }
0x1d2: {  	[tilespmem:v11+s30+$0x0] =	vst.idx.add.f32.msk $0xffff, v4  }
0x1d3: {  	[tilespmem:v11+s31+$0x0] =	vst.idx.add.f32.msk $0xffff, v1  }
0x1d4: {  	[tilespmem:v9+s0+$0x0] =	vst.idx.add.f32.msk $0xffff, v3  }
0x1d5: {  	[tilespmem:v9+s1+$0x0] =	vst.idx.add.f32.msk $0xffff, v1  }
0x1d6: {  	[tilespmem:v8+s16+$0x0] =	vst.idx.add.f32.msk $0xffff, v2  }
0x1d7: {  	[tilespmem:v8+s17+$0x0] =	vst.idx.add.f32.msk $0xffff, v1  }
0x1d8: {  	v3 =	vld [tilespmem:s23+$0xFFFFFFD0]  }
0x1d9: {  	v2 =	vld [tilespmem:s23+$0xFFFFFFE0]  }
0x1da: {  	v6 =	vld [tilespmem:s23+$0xFFFFFFC0]  }
0x1db: {  	v11 =	vld [tilespmem:s22+$0xFFFFFFA0]  }
0x1dc: {  	v4 =	vld [tilespmem:s22+$0xFFFFFFF0]  }
0x1dd: {  	v12 =	vld [tilespmem:s23+$0xFFFFFFB0]  }
0x1de: {  	v13 =	vld [tilespmem:s22+$0xFFFFFF90]  }
0x1df: {  	v14 =	vld [tilespmem:s23+$0xFFFFFFA0]  }
0x1e0: {  	v15 =	vld [tilespmem:s23+$0xFFFFFF90]  }
0x1e1: {  	v7 =	vld [tilespmem:s23+$0xFFFFFFF0]  }
0x1e2: {  	v5 =	vld [tilespmem:s23+$0x0]  }
0x1e3: {  	v16 =	vld [tilespmem:s22+$0xFFFFFFB0]  }
0x1e4: {  	v17 =	vld [tilespmem:s22+$0xFFFFFFC0]  }
0x1e5: {  	v10 =	vld [tilespmem:s22+$0xFFFFFFD0]  }
0x1e6: {  	v9 =	vld [tilespmem:s22+$0xFFFFFFE0]  }
0x1e7: {  	v8 =	vld [tilespmem:s22+$0x0]  }
0x1e8: {  	[tilespmem:v15+s28+$0x0] =	vst.idx.add.f32.msk $0xffff, v13  }
0x1e9: {  	[tilespmem:v15+s29+$0x0] =	vst.idx.add.f32.msk $0xffff, v1  }
0x1ea: {  	[tilespmem:v14+s30+$0x0] =	vst.idx.add.f32.msk $0xffff, v11  }
0x1eb: {  	[tilespmem:v14+s31+$0x0] =	vst.idx.add.f32.msk $0xffff, v1  }
0x1ec: {  	[tilespmem:v12+s0+$0x0] =	vst.idx.add.f32.msk $0xffff, v16  }
0x1ed: {  	[tilespmem:v12+s1+$0x0] =	vst.idx.add.f32.msk $0xffff, v1  }
0x1ee: {  	s24 =	simm.s32 $0x0;
	[tilespmem:v6+s16+$0x0] =	vst.idx.add.f32.msk $0xffff, v17  }
.LBB2_4:
0x1ef: {  	s24 =	sadd.s32 $0x2, s24;
	[tilespmem:v6+s17+$0x0] =	vst.idx.add.f32.msk $0xffff, v1;
	s22 =	sadd.s32 $0x100, s22;
	s23 =	sadd.s32 $0x100, s23  }
0x1f0: {  	p0 =	slt.u32 s24, $0x4C;
	[tilespmem:v3+s28+$0x0] =	vst.idx.add.f32.msk $0xffff, v10  }
0x1f1: {  	[tilespmem:v3+s29+$0x0] =	vst.idx.add.f32.msk $0xffff, v1  }
0x1f2: {  	[tilespmem:v2+s30+$0x0] =	vst.idx.add.f32.msk $0xffff, v9  }
0x1f3: {  	[tilespmem:v2+s31+$0x0] =	vst.idx.add.f32.msk $0xffff, v1  }
0x1f4: {  	[tilespmem:v7+s0+$0x0] =	vst.idx.add.f32.msk $0xffff, v4  }
0x1f5: {  	[tilespmem:v7+s1+$0x0] =	vst.idx.add.f32.msk $0xffff, v1  }
0x1f6: {  	[tilespmem:v5+s16+$0x0] =	vst.idx.add.f32.msk $0xffff, v8  }
0x1f7: {  	[tilespmem:v5+s17+$0x0] =	vst.idx.add.f32.msk $0xffff, v1  }
0x1f8: {  	v2 =	vld [tilespmem:s22+$0xFFFFFF80]  }
0x1f9: {  	v3 =	vld [tilespmem:s22+$0xFFFFFF70]  }
0x1fa: {  	v4 =	vld [tilespmem:s22+$0xFFFFFF60]  }
0x1fb: {  	v5 =	vld [tilespmem:s22+$0xFFFFFF50]  }
0x1fc: {  	v6 =	vld [tilespmem:s22+$0xFFFFFF40]  }
0x1fd: {  	v7 =	vld [tilespmem:s22+$0xFFFFFF30]  }
0x1fe: {  	v8 =	vld [tilespmem:s23+$0xFFFFFF80]  }
0x1ff: {  	v9 =	vld [tilespmem:s23+$0xFFFFFF70]  }
0x200: {  	v10 =	vld [tilespmem:s23+$0xFFFFFF10]  }
0x201: {  	v11 =	vld [tilespmem:s23+$0xFFFFFF60]  }
0x202: {  	v12 =	vld [tilespmem:s23+$0xFFFFFF20]  }
0x203: {  	v13 =	vld [tilespmem:s22+$0xFFFFFF10]  }
0x204: {  	v14 =	vld [tilespmem:s23+$0xFFFFFF30]  }
0x205: {  	v15 =	vld [tilespmem:s22+$0xFFFFFF20]  }
0x206: {  	v16 =	vld [tilespmem:s23+$0xFFFFFF40]  }
0x207: {  	v17 =	vld [tilespmem:s23+$0xFFFFFF50]  }
0x208: {  	[tilespmem:v10+s28+$0x0] =	vst.idx.add.f32.msk $0xffff, v13  }
0x209: {  	[tilespmem:v10+s29+$0x0] =	vst.idx.add.f32.msk $0xffff, v1  }
0x20a: {  	[tilespmem:v12+s30+$0x0] =	vst.idx.add.f32.msk $0xffff, v15  }
0x20b: {  	[tilespmem:v12+s31+$0x0] =	vst.idx.add.f32.msk $0xffff, v1  }
0x20c: {  	[tilespmem:v14+s0+$0x0] =	vst.idx.add.f32.msk $0xffff, v7  }
0x20d: {  	[tilespmem:v14+s1+$0x0] =	vst.idx.add.f32.msk $0xffff, v1  }
0x20e: {  	[tilespmem:v16+s16+$0x0] =	vst.idx.add.f32.msk $0xffff, v6  }
0x20f: {  	[tilespmem:v16+s17+$0x0] =	vst.idx.add.f32.msk $0xffff, v1  }
0x210: {  	[tilespmem:v17+s28+$0x0] =	vst.idx.add.f32.msk $0xffff, v5  }
0x211: {  	[tilespmem:v17+s29+$0x0] =	vst.idx.add.f32.msk $0xffff, v1  }
0x212: {  	[tilespmem:v11+s30+$0x0] =	vst.idx.add.f32.msk $0xffff, v4  }
0x213: {  	[tilespmem:v11+s31+$0x0] =	vst.idx.add.f32.msk $0xffff, v1  }
0x214: {  	[tilespmem:v9+s0+$0x0] =	vst.idx.add.f32.msk $0xffff, v3  }
0x215: {  	[tilespmem:v9+s1+$0x0] =	vst.idx.add.f32.msk $0xffff, v1  }
0x216: {  	[tilespmem:v8+s16+$0x0] =	vst.idx.add.f32.msk $0xffff, v2  }
0x217: {  	[tilespmem:v8+s17+$0x0] =	vst.idx.add.f32.msk $0xffff, v1  }
0x218: {  	v3 =	vld [tilespmem:s23+$0xFFFFFFD0]  }
0x219: {  	v2 =	vld [tilespmem:s23+$0xFFFFFFE0]  }
0x21a: {  	v6 =	vld [tilespmem:s23+$0xFFFFFFC0]  }
0x21b: {  	v11 =	vld [tilespmem:s22+$0xFFFFFFA0]  }
0x21c: {  	v4 =	vld [tilespmem:s22+$0xFFFFFFF0]  }
0x21d: {  	v12 =	vld [tilespmem:s23+$0xFFFFFFB0]  }
0x21e: {  	v13 =	vld [tilespmem:s22+$0xFFFFFF90]  }
0x21f: {  	v14 =	vld [tilespmem:s23+$0xFFFFFFA0]  }
0x220: {  	v15 =	vld [tilespmem:s23+$0xFFFFFF90]  }
0x221: {  	v7 =	vld [tilespmem:s23+$0xFFFFFFF0]  }
0x222: {  	v5 =	vld [tilespmem:s23+$0x0]  }
0x223: {  	v16 =	vld [tilespmem:s22+$0xFFFFFFB0]  }
0x224: {  	v17 =	vld [tilespmem:s22+$0xFFFFFFC0]  }
0x225: {  	v10 =	vld [tilespmem:s22+$0xFFFFFFD0]  }
0x226: {  	v9 =	vld [tilespmem:s22+$0xFFFFFFE0]  }
0x227: {  	v8 =	vld [tilespmem:s22+$0x0]  }
0x228: {  	[tilespmem:v15+s28+$0x0] =	vst.idx.add.f32.msk $0xffff, v13  }
0x229: {  	[tilespmem:v15+s29+$0x0] =	vst.idx.add.f32.msk $0xffff, v1  }
.Ltmp1:
0x22a: {  	[tilespmem:v14+s30+$0x0] =	vst.idx.add.f32.msk $0xffff, v11;
	(pc) =	sbr.rel @p0 .LBB2_4-.Ltmp1, $4  }
0x22b: {  	[tilespmem:v14+s31+$0x0] =	vst.idx.add.f32.msk $0xffff, v1  }
0x22c: {  	[tilespmem:v12+s0+$0x0] =	vst.idx.add.f32.msk $0xffff, v16  }
0x22d: {  	[tilespmem:v12+s1+$0x0] =	vst.idx.add.f32.msk $0xffff, v1  }
0x22e: {  	[tilespmem:v6+s16+$0x0] =	vst.idx.add.f32.msk $0xffff, v17  }
0x22f: {  	_ =	sdelay $0x3  }
0x230: {  	[tilespmem:v6+s17+$0x0] =	vst.idx.add.f32.msk $0xffff, v1  }
0x231: {  	[tilespmem:v3+s28+$0x0] =	vst.idx.add.f32.msk $0xffff, v10  }
0x232: {  	[tilespmem:v3+s29+$0x0] =	vst.idx.add.f32.msk $0xffff, v1  }
0x233: {  	[tilespmem:v2+s30+$0x0] =	vst.idx.add.f32.msk $0xffff, v9  }
0x234: {  	[tilespmem:v2+s31+$0x0] =	vst.idx.add.f32.msk $0xffff, v1  }
0x235: {  	[tilespmem:v7+s0+$0x0] =	vst.idx.add.f32.msk $0xffff, v4  }
0x236: {  	[tilespmem:v7+s1+$0x0] =	vst.idx.add.f32.msk $0xffff, v1  }
0x237: {  	[tilespmem:v5+s16+$0x0] =	vst.idx.add.f32.msk $0xffff, v8  }
0x238: {  	[tilespmem:v5+s17+$0x0] =	vst.idx.add.f32.msk $0xffff, v1  }
0x239: {  	v2 =	vld [tilespmem:$0x11190];
	_ =	sdelay $0x2  }
0x23a: {  	v3 =	vld [tilespmem:$0x4E10];
	_ =	sdelay $0x4  }
0x23b: {  	[tilespmem:v2+s28+$0x0] =	vst.idx.add.f32.msk $0xffff, v3  }
0x23c: {  	[tilespmem:v2+s29+$0x0] =	vst.idx.add.f32.msk $0xffff, v1  }
0x23d: {  	_ =	swait.ge [sflag:s25], $0x2710  }
0x23e: {  	[sflag:s25] =	ssyncset.done $0x0  }
0x23f: {  	[sflag:s25] =	ssyncadd.s32 $0xFFFFD8F0  }
0x240: {  	_ =	swait.ge [sflag:s26], $0x2710  }
0x241: {  	[sflag:s26] =	ssyncset.done $0x0  }
0x242: {  	s22 =	simm.s32 $0x0;
	[sflag:s26] =	ssyncadd.s32 $0xFFFFD8F0  }
0x243: {  	v2 =	vld [tilespmem:s22+$0x111D0]  }
0x244: {  	v3 =	vld [tilespmem:s22+$0x4E60]  }
0x245: {  	v57 =	vld [tilespmem:s22+$0x4E90]  }
0x246: {  	v58 =	vld [tilespmem:s22+$0x4E30]  }
0x247: {  	v59 =	vld [tilespmem:s22+$0x4E20]  }
0x248: {  	v60 =	vld [tilespmem:s22+$0x4E40]  }
0x249: {  	v61 =	vld [tilespmem:s22+$0x111C0]  }
0x24a: {  	v62 =	vld [tilespmem:s22+$0x111B0]  }
0x24b: {  	v63 =	vld [tilespmem:s22+$0x111A0]  }
0x24c: {  	v11 =	vld [tilespmem:s22+$0x11210]  }
0x24d: {  	v12 =	vld [tilespmem:s22+$0x11200]  }
0x24e: {  	v13 =	vld [tilespmem:s22+$0x4E50]  }
0x24f: {  	v14 =	vld [tilespmem:s22+$0x111E0]  }
0x250: {  	v15 =	vld [tilespmem:s22+$0x111F0]  }
0x251: {  	v16 =	vld [tilespmem:s22+$0x4E70]  }
0x252: {  	v17 =	vld [tilespmem:s22+$0x4E80]  }
0x253: {  	[tilespmem:v63+s28+$0x0] =	vst.idx.add.f32.msk $0xffff, v59  }
0x254: {  	[tilespmem:v63+s29+$0x0] =	vst.idx.add.f32.msk $0xffff, v1  }
0x255: {  	[tilespmem:v62+s30+$0x0] =	vst.idx.add.f32.msk $0xffff, v58  }
0x256: {  	[tilespmem:v62+s31+$0x0] =	vst.idx.add.f32.msk $0xffff, v1  }
0x257: {  	[tilespmem:v61+s0+$0x0] =	vst.idx.add.f32.msk $0xffff, v60  }
0x258: {  	[tilespmem:v61+s1+$0x0] =	vst.idx.add.f32.msk $0xffff, v1  }
0x259: {  	[tilespmem:v2+s16+$0x0] =	vst.idx.add.f32.msk $0xffff, v13  }
0x25a: {  	[tilespmem:v2+s17+$0x0] =	vst.idx.add.f32.msk $0xffff, v1  }
0x25b: {  	[tilespmem:v14+s28+$0x0] =	vst.idx.add.f32.msk $0xffff, v3  }
0x25c: {  	[tilespmem:v14+s29+$0x0] =	vst.idx.add.f32.msk $0xffff, v1  }
0x25d: {  	[tilespmem:v15+s30+$0x0] =	vst.idx.add.f32.msk $0xffff, v16  }
0x25e: {  	[tilespmem:v15+s31+$0x0] =	vst.idx.add.f32.msk $0xffff, v1  }
0x25f: {  	[tilespmem:v12+s0+$0x0] =	vst.idx.add.f32.msk $0xffff, v17  }
0x260: {  	[tilespmem:v12+s1+$0x0] =	vst.idx.add.f32.msk $0xffff, v1  }
0x261: {  	[tilespmem:v11+s16+$0x0] =	vst.idx.add.f32.msk $0xffff, v57  }
0x262: {  	[tilespmem:v11+s17+$0x0] =	vst.idx.add.f32.msk $0xffff, v1  }
0x263: {  	v3 =	vld [tilespmem:s22+$0x4F10]  }
0x264: {  	v4 =	vld [tilespmem:s22+$0x4EF0]  }
0x265: {  	v5 =	vld [tilespmem:s22+$0x11260]  }
0x266: {  	v6 =	vld [tilespmem:s22+$0x4F00]  }
0x267: {  	v7 =	vld [tilespmem:s22+$0x4ED0]  }
0x268: {  	v8 =	vld [tilespmem:s22+$0x4EA0]  }
0x269: {  	v9 =	vld [tilespmem:s22+$0x4EB0]  }
0x26a: {  	v10 =	vld [tilespmem:s22+$0x11230]  }
0x26b: {  	v11 =	vld [tilespmem:s22+$0x11220]  }
0x26c: {  	v12 =	vld [tilespmem:s22+$0x4EC0]  }
0x26d: {  	v2 =	vld [tilespmem:s22+$0x11290]  }
0x26e: {  	v13 =	vld [tilespmem:s22+$0x11240]  }
0x26f: {  	v14 =	vld [tilespmem:s22+$0x11280]  }
0x270: {  	v15 =	vld [tilespmem:s22+$0x11250]  }
0x271: {  	v16 =	vld [tilespmem:s22+$0x11270]  }
0x272: {  	v17 =	vld [tilespmem:s22+$0x4EE0]  }
0x273: {  	[tilespmem:v11+s28+$0x0] =	vst.idx.add.f32.msk $0xffff, v8  }
0x274: {  	[tilespmem:v11+s29+$0x0] =	vst.idx.add.f32.msk $0xffff, v1  }
0x275: {  	[tilespmem:v10+s30+$0x0] =	vst.idx.add.f32.msk $0xffff, v9  }
0x276: {  	[tilespmem:v10+s31+$0x0] =	vst.idx.add.f32.msk $0xffff, v1  }
0x277: {  	[tilespmem:v13+s0+$0x0] =	vst.idx.add.f32.msk $0xffff, v12  }
0x278: {  	[tilespmem:v13+s1+$0x0] =	vst.idx.add.f32.msk $0xffff, v1  }
0x279: {  	[tilespmem:v15+s16+$0x0] =	vst.idx.add.f32.msk $0xffff, v7  }
0x27a: {  	[tilespmem:v15+s17+$0x0] =	vst.idx.add.f32.msk $0xffff, v1  }
0x27b: {  	[tilespmem:v5+s28+$0x0] =	vst.idx.add.f32.msk $0xffff, v17  }
0x27c: {  	[tilespmem:v5+s29+$0x0] =	vst.idx.add.f32.msk $0xffff, v1  }
0x27d: {  	[tilespmem:v16+s30+$0x0] =	vst.idx.add.f32.msk $0xffff, v4  }
0x27e: {  	[tilespmem:v16+s31+$0x0] =	vst.idx.add.f32.msk $0xffff, v1  }
0x27f: {  	[tilespmem:v14+s0+$0x0] =	vst.idx.add.f32.msk $0xffff, v6  }
0x280: {  	[tilespmem:v14+s1+$0x0] =	vst.idx.add.f32.msk $0xffff, v1  }
0x281: {  	s23 =	simm.s32 $0x400;
	s22 =	simm.s32 $0x0;
	[tilespmem:v2+s16+$0x0] =	vst.idx.add.f32.msk $0xffff, v3  }
.LBB2_6:
0x282: {  	s24 =	sshra.s32 s23, $0x2;
	s22 =	sadd.s32 $0x2, s22;
	[tilespmem:v2+s17+$0x0] =	vst.idx.add.f32.msk $0xffff, v1  }
0x283: {  	v2 =	vld [tilespmem:s24+$0x111D0];
	p0 =	slt.u32 s22, $0x4C  }
0x284: {  	v3 =	vld [tilespmem:s24+$0x4E60]  }
0x285: {  	v4 =	vld [tilespmem:s24+$0x4E90]  }
0x286: {  	v5 =	vld [tilespmem:s24+$0x4E30]  }
0x287: {  	v6 =	vld [tilespmem:s24+$0x4E20]  }
0x288: {  	v7 =	vld [tilespmem:s24+$0x4E40]  }
0x289: {  	v8 =	vld [tilespmem:s24+$0x111C0]  }
0x28a: {  	v9 =	vld [tilespmem:s24+$0x111B0]  }
0x28b: {  	v10 =	vld [tilespmem:s24+$0x111A0]  }
0x28c: {  	v11 =	vld [tilespmem:s24+$0x11210]  }
0x28d: {  	v12 =	vld [tilespmem:s24+$0x11200]  }
0x28e: {  	v13 =	vld [tilespmem:s24+$0x4E50]  }
0x28f: {  	v14 =	vld [tilespmem:s24+$0x111E0]  }
0x290: {  	v15 =	vld [tilespmem:s24+$0x111F0]  }
0x291: {  	v16 =	vld [tilespmem:s24+$0x4E70]  }
0x292: {  	v17 =	vld [tilespmem:s24+$0x4E80]  }
0x293: {  	[tilespmem:v10+s28+$0x0] =	vst.idx.add.f32.msk $0xffff, v6  }
0x294: {  	[tilespmem:v10+s29+$0x0] =	vst.idx.add.f32.msk $0xffff, v1  }
0x295: {  	[tilespmem:v9+s30+$0x0] =	vst.idx.add.f32.msk $0xffff, v5  }
0x296: {  	[tilespmem:v9+s31+$0x0] =	vst.idx.add.f32.msk $0xffff, v1  }
0x297: {  	[tilespmem:v8+s0+$0x0] =	vst.idx.add.f32.msk $0xffff, v7  }
0x298: {  	[tilespmem:v8+s1+$0x0] =	vst.idx.add.f32.msk $0xffff, v1  }
0x299: {  	[tilespmem:v2+s16+$0x0] =	vst.idx.add.f32.msk $0xffff, v13  }
0x29a: {  	[tilespmem:v2+s17+$0x0] =	vst.idx.add.f32.msk $0xffff, v1  }
0x29b: {  	[tilespmem:v14+s28+$0x0] =	vst.idx.add.f32.msk $0xffff, v3  }
0x29c: {  	[tilespmem:v14+s29+$0x0] =	vst.idx.add.f32.msk $0xffff, v1  }
0x29d: {  	[tilespmem:v15+s30+$0x0] =	vst.idx.add.f32.msk $0xffff, v16  }
0x29e: {  	[tilespmem:v15+s31+$0x0] =	vst.idx.add.f32.msk $0xffff, v1  }
0x29f: {  	[tilespmem:v12+s0+$0x0] =	vst.idx.add.f32.msk $0xffff, v17  }
0x2a0: {  	[tilespmem:v12+s1+$0x0] =	vst.idx.add.f32.msk $0xffff, v1  }
0x2a1: {  	[tilespmem:v11+s16+$0x0] =	vst.idx.add.f32.msk $0xffff, v4  }
0x2a2: {  	[tilespmem:v11+s17+$0x0] =	vst.idx.add.f32.msk $0xffff, v1  }
0x2a3: {  	v3 =	vld [tilespmem:s24+$0x4F10]  }
0x2a4: {  	v4 =	vld [tilespmem:s24+$0x4EF0]  }
0x2a5: {  	v5 =	vld [tilespmem:s24+$0x11260]  }
0x2a6: {  	v6 =	vld [tilespmem:s24+$0x4F00]  }
0x2a7: {  	v7 =	vld [tilespmem:s24+$0x4ED0]  }
0x2a8: {  	v8 =	vld [tilespmem:s24+$0x4EA0]  }
0x2a9: {  	v9 =	vld [tilespmem:s24+$0x4EB0]  }
0x2aa: {  	v10 =	vld [tilespmem:s24+$0x11230]  }
0x2ab: {  	v11 =	vld [tilespmem:s24+$0x11220]  }
0x2ac: {  	v12 =	vld [tilespmem:s24+$0x4EC0]  }
0x2ad: {  	v2 =	vld [tilespmem:s24+$0x11290]  }
0x2ae: {  	v13 =	vld [tilespmem:s24+$0x11240]  }
0x2af: {  	v14 =	vld [tilespmem:s24+$0x11280]  }
0x2b0: {  	v15 =	vld [tilespmem:s24+$0x11250]  }
0x2b1: {  	v16 =	vld [tilespmem:s24+$0x11270]  }
0x2b2: {  	v17 =	vld [tilespmem:s24+$0x4EE0]  }
0x2b3: {  	[tilespmem:v11+s28+$0x0] =	vst.idx.add.f32.msk $0xffff, v8  }
0x2b4: {  	[tilespmem:v11+s29+$0x0] =	vst.idx.add.f32.msk $0xffff, v1  }
0x2b5: {  	[tilespmem:v10+s30+$0x0] =	vst.idx.add.f32.msk $0xffff, v9  }
0x2b6: {  	[tilespmem:v10+s31+$0x0] =	vst.idx.add.f32.msk $0xffff, v1  }
0x2b7: {  	[tilespmem:v13+s0+$0x0] =	vst.idx.add.f32.msk $0xffff, v12  }
0x2b8: {  	[tilespmem:v13+s1+$0x0] =	vst.idx.add.f32.msk $0xffff, v1  }
0x2b9: {  	[tilespmem:v15+s16+$0x0] =	vst.idx.add.f32.msk $0xffff, v7  }
0x2ba: {  	[tilespmem:v15+s17+$0x0] =	vst.idx.add.f32.msk $0xffff, v1  }
0x2bb: {  	[tilespmem:v5+s28+$0x0] =	vst.idx.add.f32.msk $0xffff, v17  }
0x2bc: {  	[tilespmem:v5+s29+$0x0] =	vst.idx.add.f32.msk $0xffff, v1  }
.Ltmp2:
0x2bd: {  	[tilespmem:v16+s30+$0x0] =	vst.idx.add.f32.msk $0xffff, v4;
	(pc) =	sbr.rel @p0 .LBB2_6-.Ltmp2, $4  }
0x2be: {  	[tilespmem:v16+s31+$0x0] =	vst.idx.add.f32.msk $0xffff, v1  }
0x2bf: {  	[tilespmem:v14+s0+$0x0] =	vst.idx.add.f32.msk $0xffff, v6  }
0x2c0: {  	[tilespmem:v14+s1+$0x0] =	vst.idx.add.f32.msk $0xffff, v1  }
0x2c1: {  	s23 =	sadd.s32 $0x400, s23;
	[tilespmem:v2+s16+$0x0] =	vst.idx.add.f32.msk $0xffff, v3  }
0x2c2: {  	_ =	sdelay $0x3  }
0x2c3: {  	[tilespmem:v2+s17+$0x0] =	vst.idx.add.f32.msk $0xffff, v1  }
0x2c4: {  	v2 =	vld [tilespmem:$0x138A0];
	_ =	sdelay $0x2  }
0x2c5: {  	v3 =	vld [tilespmem:$0x7520];
	_ =	sdelay $0x4  }
0x2c6: {  	[tilespmem:v2+s28+$0x0] =	vst.idx.add.f32.msk $0xffff, v3  }
0x2c7: {  	[tilespmem:v2+s29+$0x0] =	vst.idx.add.f32.msk $0xffff, v1  }
0x2c8: {  	_ =	swait.ge [sflag:s25], $0x2710  }
0x2c9: {  	[sflag:s25] =	ssyncset.done $0x0  }
0x2ca: {  	[sflag:s25] =	ssyncadd.s32 $0xFFFFD8F0  }
0x2cb: {  	_ =	swait.ge [sflag:s26], $0x2710  }
0x2cc: {  	[sflag:s26] =	ssyncset.done $0x0  }
0x2cd: {  	s22 =	simm.s32 $0x0;
	[sflag:s26] =	ssyncadd.s32 $0xFFFFD8F0  }
0x2ce: {  	v2 =	vld [tilespmem:s22+$0x138E0]  }
0x2cf: {  	v3 =	vld [tilespmem:s22+$0x7570]  }
0x2d0: {  	v4 =	vld [tilespmem:s22+$0x75A0]  }
0x2d1: {  	v5 =	vld [tilespmem:s22+$0x7540]  }
0x2d2: {  	v6 =	vld [tilespmem:s22+$0x7530]  }
0x2d3: {  	v7 =	vld [tilespmem:s22+$0x7550]  }
0x2d4: {  	v8 =	vld [tilespmem:s22+$0x138D0]  }
0x2d5: {  	v9 =	vld [tilespmem:s22+$0x138C0]  }
0x2d6: {  	v10 =	vld [tilespmem:s22+$0x138B0]  }
0x2d7: {  	v11 =	vld [tilespmem:s22+$0x13920]  }
0x2d8: {  	v12 =	vld [tilespmem:s22+$0x13910]  }
0x2d9: {  	v13 =	vld [tilespmem:s22+$0x7560]  }
0x2da: {  	v14 =	vld [tilespmem:s22+$0x138F0]  }
0x2db: {  	v15 =	vld [tilespmem:s22+$0x13900]  }
0x2dc: {  	v16 =	vld [tilespmem:s22+$0x7580]  }
0x2dd: {  	v17 =	vld [tilespmem:s22+$0x7590]  }
0x2de: {  	[tilespmem:v10+s28+$0x0] =	vst.idx.add.f32.msk $0xffff, v6  }
0x2df: {  	[tilespmem:v10+s29+$0x0] =	vst.idx.add.f32.msk $0xffff, v1  }
0x2e0: {  	[tilespmem:v9+s30+$0x0] =	vst.idx.add.f32.msk $0xffff, v5  }
0x2e1: {  	[tilespmem:v9+s31+$0x0] =	vst.idx.add.f32.msk $0xffff, v1  }
0x2e2: {  	[tilespmem:v8+s0+$0x0] =	vst.idx.add.f32.msk $0xffff, v7  }
0x2e3: {  	[tilespmem:v8+s1+$0x0] =	vst.idx.add.f32.msk $0xffff, v1  }
0x2e4: {  	[tilespmem:v2+s16+$0x0] =	vst.idx.add.f32.msk $0xffff, v13  }
0x2e5: {  	[tilespmem:v2+s17+$0x0] =	vst.idx.add.f32.msk $0xffff, v1  }
0x2e6: {  	[tilespmem:v14+s28+$0x0] =	vst.idx.add.f32.msk $0xffff, v3  }
0x2e7: {  	[tilespmem:v14+s29+$0x0] =	vst.idx.add.f32.msk $0xffff, v1  }
0x2e8: {  	[tilespmem:v15+s30+$0x0] =	vst.idx.add.f32.msk $0xffff, v16  }
0x2e9: {  	[tilespmem:v15+s31+$0x0] =	vst.idx.add.f32.msk $0xffff, v1  }
0x2ea: {  	[tilespmem:v12+s0+$0x0] =	vst.idx.add.f32.msk $0xffff, v17  }
0x2eb: {  	[tilespmem:v12+s1+$0x0] =	vst.idx.add.f32.msk $0xffff, v1  }
0x2ec: {  	[tilespmem:v11+s16+$0x0] =	vst.idx.add.f32.msk $0xffff, v4  }
0x2ed: {  	[tilespmem:v11+s17+$0x0] =	vst.idx.add.f32.msk $0xffff, v1  }
0x2ee: {  	v3 =	vld [tilespmem:s22+$0x7620]  }
0x2ef: {  	v4 =	vld [tilespmem:s22+$0x7600]  }
0x2f0: {  	v5 =	vld [tilespmem:s22+$0x13970]  }
0x2f1: {  	v6 =	vld [tilespmem:s22+$0x7610]  }
0x2f2: {  	v7 =	vld [tilespmem:s22+$0x75E0]  }
0x2f3: {  	v8 =	vld [tilespmem:s22+$0x75B0]  }
0x2f4: {  	v9 =	vld [tilespmem:s22+$0x75C0]  }
0x2f5: {  	v10 =	vld [tilespmem:s22+$0x13940]  }
0x2f6: {  	v11 =	vld [tilespmem:s22+$0x13930]  }
0x2f7: {  	v12 =	vld [tilespmem:s22+$0x75D0]  }
0x2f8: {  	v2 =	vld [tilespmem:s22+$0x139A0]  }
0x2f9: {  	v13 =	vld [tilespmem:s22+$0x13950]  }
0x2fa: {  	v14 =	vld [tilespmem:s22+$0x13990]  }
0x2fb: {  	v15 =	vld [tilespmem:s22+$0x13960]  }
0x2fc: {  	v16 =	vld [tilespmem:s22+$0x13980]  }
0x2fd: {  	v17 =	vld [tilespmem:s22+$0x75F0]  }
0x2fe: {  	[tilespmem:v11+s28+$0x0] =	vst.idx.add.f32.msk $0xffff, v8  }
0x2ff: {  	[tilespmem:v11+s29+$0x0] =	vst.idx.add.f32.msk $0xffff, v1  }
0x300: {  	[tilespmem:v10+s30+$0x0] =	vst.idx.add.f32.msk $0xffff, v9  }
0x301: {  	[tilespmem:v10+s31+$0x0] =	vst.idx.add.f32.msk $0xffff, v1  }
0x302: {  	[tilespmem:v13+s0+$0x0] =	vst.idx.add.f32.msk $0xffff, v12  }
0x303: {  	[tilespmem:v13+s1+$0x0] =	vst.idx.add.f32.msk $0xffff, v1  }
0x304: {  	[tilespmem:v15+s16+$0x0] =	vst.idx.add.f32.msk $0xffff, v7  }
0x305: {  	[tilespmem:v15+s17+$0x0] =	vst.idx.add.f32.msk $0xffff, v1  }
0x306: {  	[tilespmem:v5+s28+$0x0] =	vst.idx.add.f32.msk $0xffff, v17  }
0x307: {  	[tilespmem:v5+s29+$0x0] =	vst.idx.add.f32.msk $0xffff, v1  }
0x308: {  	[tilespmem:v16+s30+$0x0] =	vst.idx.add.f32.msk $0xffff, v4  }
0x309: {  	[tilespmem:v16+s31+$0x0] =	vst.idx.add.f32.msk $0xffff, v1  }
0x30a: {  	[tilespmem:v14+s0+$0x0] =	vst.idx.add.f32.msk $0xffff, v6  }
0x30b: {  	[tilespmem:v14+s1+$0x0] =	vst.idx.add.f32.msk $0xffff, v1  }
0x30c: {  	s23 =	simm.s32 $0x400;
	s22 =	simm.s32 $0x0;
	[tilespmem:v2+s16+$0x0] =	vst.idx.add.f32.msk $0xffff, v3  }
.LBB2_8:
0x30d: {  	s24 =	sshra.s32 s23, $0x2;
	s22 =	sadd.s32 $0x2, s22;
	[tilespmem:v2+s17+$0x0] =	vst.idx.add.f32.msk $0xffff, v1  }
0x30e: {  	v2 =	vld [tilespmem:s24+$0x138E0];
	p0 =	slt.u32 s22, $0x4C  }
0x30f: {  	v3 =	vld [tilespmem:s24+$0x7570]  }
0x310: {  	v4 =	vld [tilespmem:s24+$0x75A0]  }
0x311: {  	v5 =	vld [tilespmem:s24+$0x7540]  }
0x312: {  	v6 =	vld [tilespmem:s24+$0x7530]  }
0x313: {  	v7 =	vld [tilespmem:s24+$0x7550]  }
0x314: {  	v8 =	vld [tilespmem:s24+$0x138D0]  }
0x315: {  	v9 =	vld [tilespmem:s24+$0x138C0]  }
0x316: {  	v10 =	vld [tilespmem:s24+$0x138B0]  }
0x317: {  	v11 =	vld [tilespmem:s24+$0x13920]  }
0x318: {  	v12 =	vld [tilespmem:s24+$0x13910]  }
0x319: {  	v13 =	vld [tilespmem:s24+$0x7560]  }
0x31a: {  	v14 =	vld [tilespmem:s24+$0x138F0]  }
0x31b: {  	v15 =	vld [tilespmem:s24+$0x13900]  }
0x31c: {  	v16 =	vld [tilespmem:s24+$0x7580]  }
0x31d: {  	v17 =	vld [tilespmem:s24+$0x7590]  }
0x31e: {  	[tilespmem:v10+s28+$0x0] =	vst.idx.add.f32.msk $0xffff, v6  }
0x31f: {  	[tilespmem:v10+s29+$0x0] =	vst.idx.add.f32.msk $0xffff, v1  }
0x320: {  	[tilespmem:v9+s30+$0x0] =	vst.idx.add.f32.msk $0xffff, v5  }
0x321: {  	[tilespmem:v9+s31+$0x0] =	vst.idx.add.f32.msk $0xffff, v1  }
0x322: {  	[tilespmem:v8+s0+$0x0] =	vst.idx.add.f32.msk $0xffff, v7  }
0x323: {  	[tilespmem:v8+s1+$0x0] =	vst.idx.add.f32.msk $0xffff, v1  }
0x324: {  	[tilespmem:v2+s16+$0x0] =	vst.idx.add.f32.msk $0xffff, v13  }
0x325: {  	[tilespmem:v2+s17+$0x0] =	vst.idx.add.f32.msk $0xffff, v1  }
0x326: {  	[tilespmem:v14+s28+$0x0] =	vst.idx.add.f32.msk $0xffff, v3  }
0x327: {  	[tilespmem:v14+s29+$0x0] =	vst.idx.add.f32.msk $0xffff, v1  }
0x328: {  	[tilespmem:v15+s30+$0x0] =	vst.idx.add.f32.msk $0xffff, v16  }
0x329: {  	[tilespmem:v15+s31+$0x0] =	vst.idx.add.f32.msk $0xffff, v1  }
0x32a: {  	[tilespmem:v12+s0+$0x0] =	vst.idx.add.f32.msk $0xffff, v17  }
0x32b: {  	[tilespmem:v12+s1+$0x0] =	vst.idx.add.f32.msk $0xffff, v1  }
0x32c: {  	[tilespmem:v11+s16+$0x0] =	vst.idx.add.f32.msk $0xffff, v4  }
0x32d: {  	[tilespmem:v11+s17+$0x0] =	vst.idx.add.f32.msk $0xffff, v1  }
0x32e: {  	v3 =	vld [tilespmem:s24+$0x7620]  }
0x32f: {  	v4 =	vld [tilespmem:s24+$0x7600]  }
0x330: {  	v5 =	vld [tilespmem:s24+$0x13970]  }
0x331: {  	v6 =	vld [tilespmem:s24+$0x7610]  }
0x332: {  	v7 =	vld [tilespmem:s24+$0x75E0]  }
0x333: {  	v8 =	vld [tilespmem:s24+$0x75B0]  }
0x334: {  	v9 =	vld [tilespmem:s24+$0x75C0]  }
0x335: {  	v10 =	vld [tilespmem:s24+$0x13940]  }
0x336: {  	v11 =	vld [tilespmem:s24+$0x13930]  }
0x337: {  	v12 =	vld [tilespmem:s24+$0x75D0]  }
0x338: {  	v2 =	vld [tilespmem:s24+$0x139A0]  }
0x339: {  	v13 =	vld [tilespmem:s24+$0x13950]  }
0x33a: {  	v14 =	vld [tilespmem:s24+$0x13990]  }
0x33b: {  	v15 =	vld [tilespmem:s24+$0x13960]  }
0x33c: {  	v16 =	vld [tilespmem:s24+$0x13980]  }
0x33d: {  	v17 =	vld [tilespmem:s24+$0x75F0]  }
0x33e: {  	[tilespmem:v11+s28+$0x0] =	vst.idx.add.f32.msk $0xffff, v8  }
0x33f: {  	[tilespmem:v11+s29+$0x0] =	vst.idx.add.f32.msk $0xffff, v1  }
0x340: {  	[tilespmem:v10+s30+$0x0] =	vst.idx.add.f32.msk $0xffff, v9  }
0x341: {  	[tilespmem:v10+s31+$0x0] =	vst.idx.add.f32.msk $0xffff, v1  }
0x342: {  	[tilespmem:v13+s0+$0x0] =	vst.idx.add.f32.msk $0xffff, v12  }
0x343: {  	[tilespmem:v13+s1+$0x0] =	vst.idx.add.f32.msk $0xffff, v1  }
0x344: {  	[tilespmem:v15+s16+$0x0] =	vst.idx.add.f32.msk $0xffff, v7  }
0x345: {  	[tilespmem:v15+s17+$0x0] =	vst.idx.add.f32.msk $0xffff, v1  }
0x346: {  	[tilespmem:v5+s28+$0x0] =	vst.idx.add.f32.msk $0xffff, v17  }
0x347: {  	[tilespmem:v5+s29+$0x0] =	vst.idx.add.f32.msk $0xffff, v1  }
.Ltmp3:
0x348: {  	[tilespmem:v16+s30+$0x0] =	vst.idx.add.f32.msk $0xffff, v4;
	(pc) =	sbr.rel @p0 .LBB2_8-.Ltmp3, $4  }
0x349: {  	[tilespmem:v16+s31+$0x0] =	vst.idx.add.f32.msk $0xffff, v1  }
0x34a: {  	[tilespmem:v14+s0+$0x0] =	vst.idx.add.f32.msk $0xffff, v6  }
0x34b: {  	[tilespmem:v14+s1+$0x0] =	vst.idx.add.f32.msk $0xffff, v1  }
0x34c: {  	s23 =	sadd.s32 $0x400, s23;
	[tilespmem:v2+s16+$0x0] =	vst.idx.add.f32.msk $0xffff, v3  }
0x34d: {  	_ =	sdelay $0x3  }
0x34e: {  	[tilespmem:v2+s17+$0x0] =	vst.idx.add.f32.msk $0xffff, v1  }
0x34f: {  	v2 =	vld [tilespmem:$0x15FB0];
	_ =	sdelay $0x2  }
0x350: {  	v3 =	vld [tilespmem:$0x9C30];
	_ =	sdelay $0x4  }
0x351: {  	[tilespmem:v2+s28+$0x0] =	vst.idx.add.f32.msk $0xffff, v3  }
0x352: {  	[tilespmem:v2+s29+$0x0] =	vst.idx.add.f32.msk $0xffff, v1  }
0x353: {  	_ =	swait.ge [sflag:s25], $0x2710  }
0x354: {  	[sflag:s25] =	ssyncset.done $0x0  }
0x355: {  	[sflag:s25] =	ssyncadd.s32 $0xFFFFD8F0  }
0x356: {  	_ =	swait.ge [sflag:s26], $0x2710  }
0x357: {  	[sflag:s26] =	ssyncset.done $0x0  }
0x358: {  	s22 =	simm.s32 $0x0;
	[sflag:s26] =	ssyncadd.s32 $0xFFFFD8F0  }
0x359: {  	v2 =	vld [tilespmem:s22+$0x15FF0]  }
0x35a: {  	v3 =	vld [tilespmem:s22+$0x9C80]  }
0x35b: {  	v4 =	vld [tilespmem:s22+$0x9CB0]  }
0x35c: {  	v5 =	vld [tilespmem:s22+$0x9C50]  }
0x35d: {  	v6 =	vld [tilespmem:s22+$0x9C40]  }
0x35e: {  	v7 =	vld [tilespmem:s22+$0x9C60]  }
0x35f: {  	v8 =	vld [tilespmem:s22+$0x15FE0]  }
0x360: {  	v9 =	vld [tilespmem:s22+$0x15FD0]  }
0x361: {  	v10 =	vld [tilespmem:s22+$0x15FC0]  }
0x362: {  	v11 =	vld [tilespmem:s22+$0x16030]  }
0x363: {  	v12 =	vld [tilespmem:s22+$0x16020]  }
0x364: {  	v13 =	vld [tilespmem:s22+$0x9C70]  }
0x365: {  	v14 =	vld [tilespmem:s22+$0x16000]  }
0x366: {  	v15 =	vld [tilespmem:s22+$0x16010]  }
0x367: {  	v16 =	vld [tilespmem:s22+$0x9C90]  }
0x368: {  	v17 =	vld [tilespmem:s22+$0x9CA0]  }
0x369: {  	[tilespmem:v10+s28+$0x0] =	vst.idx.add.f32.msk $0xffff, v6  }
0x36a: {  	[tilespmem:v10+s29+$0x0] =	vst.idx.add.f32.msk $0xffff, v1  }
0x36b: {  	[tilespmem:v9+s30+$0x0] =	vst.idx.add.f32.msk $0xffff, v5  }
0x36c: {  	[tilespmem:v9+s31+$0x0] =	vst.idx.add.f32.msk $0xffff, v1  }
0x36d: {  	[tilespmem:v8+s0+$0x0] =	vst.idx.add.f32.msk $0xffff, v7  }
0x36e: {  	[tilespmem:v8+s1+$0x0] =	vst.idx.add.f32.msk $0xffff, v1  }
0x36f: {  	[tilespmem:v2+s16+$0x0] =	vst.idx.add.f32.msk $0xffff, v13  }
0x370: {  	[tilespmem:v2+s17+$0x0] =	vst.idx.add.f32.msk $0xffff, v1  }
0x371: {  	[tilespmem:v14+s28+$0x0] =	vst.idx.add.f32.msk $0xffff, v3  }
0x372: {  	[tilespmem:v14+s29+$0x0] =	vst.idx.add.f32.msk $0xffff, v1  }
0x373: {  	[tilespmem:v15+s30+$0x0] =	vst.idx.add.f32.msk $0xffff, v16  }
0x374: {  	[tilespmem:v15+s31+$0x0] =	vst.idx.add.f32.msk $0xffff, v1  }
0x375: {  	[tilespmem:v12+s0+$0x0] =	vst.idx.add.f32.msk $0xffff, v17  }
0x376: {  	[tilespmem:v12+s1+$0x0] =	vst.idx.add.f32.msk $0xffff, v1  }
0x377: {  	[tilespmem:v11+s16+$0x0] =	vst.idx.add.f32.msk $0xffff, v4  }
0x378: {  	[tilespmem:v11+s17+$0x0] =	vst.idx.add.f32.msk $0xffff, v1  }
0x379: {  	v3 =	vld [tilespmem:s22+$0x9D30]  }
0x37a: {  	v4 =	vld [tilespmem:s22+$0x9D10]  }
0x37b: {  	v5 =	vld [tilespmem:s22+$0x16080]  }
0x37c: {  	v6 =	vld [tilespmem:s22+$0x9D20]  }
0x37d: {  	v7 =	vld [tilespmem:s22+$0x9CF0]  }
0x37e: {  	v8 =	vld [tilespmem:s22+$0x9CC0]  }
0x37f: {  	v9 =	vld [tilespmem:s22+$0x9CD0]  }
0x380: {  	v10 =	vld [tilespmem:s22+$0x16050]  }
0x381: {  	v11 =	vld [tilespmem:s22+$0x16040]  }
0x382: {  	v12 =	vld [tilespmem:s22+$0x9CE0]  }
0x383: {  	v2 =	vld [tilespmem:s22+$0x160B0]  }
0x384: {  	v13 =	vld [tilespmem:s22+$0x16060]  }
0x385: {  	v14 =	vld [tilespmem:s22+$0x160A0]  }
0x386: {  	v15 =	vld [tilespmem:s22+$0x16070]  }
0x387: {  	v16 =	vld [tilespmem:s22+$0x16090]  }
0x388: {  	v17 =	vld [tilespmem:s22+$0x9D00]  }
0x389: {  	[tilespmem:v11+s28+$0x0] =	vst.idx.add.f32.msk $0xffff, v8  }
0x38a: {  	[tilespmem:v11+s29+$0x0] =	vst.idx.add.f32.msk $0xffff, v1  }
0x38b: {  	[tilespmem:v10+s30+$0x0] =	vst.idx.add.f32.msk $0xffff, v9  }
0x38c: {  	[tilespmem:v10+s31+$0x0] =	vst.idx.add.f32.msk $0xffff, v1  }
0x38d: {  	[tilespmem:v13+s0+$0x0] =	vst.idx.add.f32.msk $0xffff, v12  }
0x38e: {  	[tilespmem:v13+s1+$0x0] =	vst.idx.add.f32.msk $0xffff, v1  }
0x38f: {  	[tilespmem:v15+s16+$0x0] =	vst.idx.add.f32.msk $0xffff, v7  }
0x390: {  	[tilespmem:v15+s17+$0x0] =	vst.idx.add.f32.msk $0xffff, v1  }
0x391: {  	[tilespmem:v5+s28+$0x0] =	vst.idx.add.f32.msk $0xffff, v17  }
0x392: {  	[tilespmem:v5+s29+$0x0] =	vst.idx.add.f32.msk $0xffff, v1  }
0x393: {  	[tilespmem:v16+s30+$0x0] =	vst.idx.add.f32.msk $0xffff, v4  }
0x394: {  	[tilespmem:v16+s31+$0x0] =	vst.idx.add.f32.msk $0xffff, v1  }
0x395: {  	[tilespmem:v14+s0+$0x0] =	vst.idx.add.f32.msk $0xffff, v6  }
0x396: {  	[tilespmem:v14+s1+$0x0] =	vst.idx.add.f32.msk $0xffff, v1  }
0x397: {  	s23 =	simm.s32 $0x400;
	s22 =	simm.s32 $0x0;
	[tilespmem:v2+s16+$0x0] =	vst.idx.add.f32.msk $0xffff, v3  }
.LBB2_10:
0x398: {  	s24 =	sshra.s32 s23, $0x2;
	s22 =	sadd.s32 $0x2, s22;
	[tilespmem:v2+s17+$0x0] =	vst.idx.add.f32.msk $0xffff, v1  }
0x399: {  	v2 =	vld [tilespmem:s24+$0x15FF0];
	p0 =	slt.u32 s22, $0x4C  }
0x39a: {  	v3 =	vld [tilespmem:s24+$0x9C80]  }
0x39b: {  	v4 =	vld [tilespmem:s24+$0x9CB0]  }
0x39c: {  	v5 =	vld [tilespmem:s24+$0x9C50]  }
0x39d: {  	v6 =	vld [tilespmem:s24+$0x9C40]  }
0x39e: {  	v7 =	vld [tilespmem:s24+$0x9C60]  }
0x39f: {  	v8 =	vld [tilespmem:s24+$0x15FE0]  }
0x3a0: {  	v9 =	vld [tilespmem:s24+$0x15FD0]  }
0x3a1: {  	v10 =	vld [tilespmem:s24+$0x15FC0]  }
0x3a2: {  	v11 =	vld [tilespmem:s24+$0x16030]  }
0x3a3: {  	v12 =	vld [tilespmem:s24+$0x16020]  }
0x3a4: {  	v13 =	vld [tilespmem:s24+$0x9C70]  }
0x3a5: {  	v14 =	vld [tilespmem:s24+$0x16000]  }
0x3a6: {  	v15 =	vld [tilespmem:s24+$0x16010]  }
0x3a7: {  	v16 =	vld [tilespmem:s24+$0x9C90]  }
0x3a8: {  	v17 =	vld [tilespmem:s24+$0x9CA0]  }
0x3a9: {  	[tilespmem:v10+s28+$0x0] =	vst.idx.add.f32.msk $0xffff, v6  }
0x3aa: {  	[tilespmem:v10+s29+$0x0] =	vst.idx.add.f32.msk $0xffff, v1  }
0x3ab: {  	[tilespmem:v9+s30+$0x0] =	vst.idx.add.f32.msk $0xffff, v5  }
0x3ac: {  	[tilespmem:v9+s31+$0x0] =	vst.idx.add.f32.msk $0xffff, v1  }
0x3ad: {  	[tilespmem:v8+s0+$0x0] =	vst.idx.add.f32.msk $0xffff, v7  }
0x3ae: {  	[tilespmem:v8+s1+$0x0] =	vst.idx.add.f32.msk $0xffff, v1  }
0x3af: {  	[tilespmem:v2+s16+$0x0] =	vst.idx.add.f32.msk $0xffff, v13  }
0x3b0: {  	[tilespmem:v2+s17+$0x0] =	vst.idx.add.f32.msk $0xffff, v1  }
0x3b1: {  	[tilespmem:v14+s28+$0x0] =	vst.idx.add.f32.msk $0xffff, v3  }
0x3b2: {  	[tilespmem:v14+s29+$0x0] =	vst.idx.add.f32.msk $0xffff, v1  }
0x3b3: {  	[tilespmem:v15+s30+$0x0] =	vst.idx.add.f32.msk $0xffff, v16  }
0x3b4: {  	[tilespmem:v15+s31+$0x0] =	vst.idx.add.f32.msk $0xffff, v1  }
0x3b5: {  	[tilespmem:v12+s0+$0x0] =	vst.idx.add.f32.msk $0xffff, v17  }
0x3b6: {  	[tilespmem:v12+s1+$0x0] =	vst.idx.add.f32.msk $0xffff, v1  }
0x3b7: {  	[tilespmem:v11+s16+$0x0] =	vst.idx.add.f32.msk $0xffff, v4  }
0x3b8: {  	[tilespmem:v11+s17+$0x0] =	vst.idx.add.f32.msk $0xffff, v1  }
0x3b9: {  	v3 =	vld [tilespmem:s24+$0x9D30]  }
0x3ba: {  	v4 =	vld [tilespmem:s24+$0x9D10]  }
0x3bb: {  	v5 =	vld [tilespmem:s24+$0x16080]  }
0x3bc: {  	v6 =	vld [tilespmem:s24+$0x9D20]  }
0x3bd: {  	v7 =	vld [tilespmem:s24+$0x9CF0]  }
0x3be: {  	v8 =	vld [tilespmem:s24+$0x9CC0]  }
0x3bf: {  	v9 =	vld [tilespmem:s24+$0x9CD0]  }
0x3c0: {  	v10 =	vld [tilespmem:s24+$0x16050]  }
0x3c1: {  	v11 =	vld [tilespmem:s24+$0x16040]  }
0x3c2: {  	v12 =	vld [tilespmem:s24+$0x9CE0]  }
0x3c3: {  	v2 =	vld [tilespmem:s24+$0x160B0]  }
0x3c4: {  	v13 =	vld [tilespmem:s24+$0x16060]  }
0x3c5: {  	v14 =	vld [tilespmem:s24+$0x160A0]  }
0x3c6: {  	v15 =	vld [tilespmem:s24+$0x16070]  }
0x3c7: {  	v16 =	vld [tilespmem:s24+$0x16090]  }
0x3c8: {  	v17 =	vld [tilespmem:s24+$0x9D00]  }
0x3c9: {  	[tilespmem:v11+s28+$0x0] =	vst.idx.add.f32.msk $0xffff, v8  }
0x3ca: {  	[tilespmem:v11+s29+$0x0] =	vst.idx.add.f32.msk $0xffff, v1  }
0x3cb: {  	[tilespmem:v10+s30+$0x0] =	vst.idx.add.f32.msk $0xffff, v9  }
0x3cc: {  	[tilespmem:v10+s31+$0x0] =	vst.idx.add.f32.msk $0xffff, v1  }
0x3cd: {  	[tilespmem:v13+s0+$0x0] =	vst.idx.add.f32.msk $0xffff, v12  }
0x3ce: {  	[tilespmem:v13+s1+$0x0] =	vst.idx.add.f32.msk $0xffff, v1  }
0x3cf: {  	[tilespmem:v15+s16+$0x0] =	vst.idx.add.f32.msk $0xffff, v7  }
0x3d0: {  	[tilespmem:v15+s17+$0x0] =	vst.idx.add.f32.msk $0xffff, v1  }
0x3d1: {  	[tilespmem:v5+s28+$0x0] =	vst.idx.add.f32.msk $0xffff, v17  }
0x3d2: {  	[tilespmem:v5+s29+$0x0] =	vst.idx.add.f32.msk $0xffff, v1  }
.Ltmp4:
0x3d3: {  	[tilespmem:v16+s30+$0x0] =	vst.idx.add.f32.msk $0xffff, v4;
	(pc) =	sbr.rel @p0 .LBB2_10-.Ltmp4, $4  }
0x3d4: {  	[tilespmem:v16+s31+$0x0] =	vst.idx.add.f32.msk $0xffff, v1  }
0x3d5: {  	[tilespmem:v14+s0+$0x0] =	vst.idx.add.f32.msk $0xffff, v6  }
0x3d6: {  	[tilespmem:v14+s1+$0x0] =	vst.idx.add.f32.msk $0xffff, v1  }
0x3d7: {  	s23 =	sadd.s32 $0x400, s23;
	[tilespmem:v2+s16+$0x0] =	vst.idx.add.f32.msk $0xffff, v3  }
0x3d8: {  	_ =	sdelay $0x3  }
0x3d9: {  	[tilespmem:v2+s17+$0x0] =	vst.idx.add.f32.msk $0xffff, v1  }
0x3da: {  	v2 =	vld [tilespmem:$0x186C0];
	_ =	sdelay $0x2  }
0x3db: {  	v3 =	vld [tilespmem:$0xC340];
	_ =	sdelay $0x4  }
0x3dc: {  	[tilespmem:v2+s28+$0x0] =	vst.idx.add.f32.msk $0xffff, v3  }
0x3dd: {  	[tilespmem:v2+s29+$0x0] =	vst.idx.add.f32.msk $0xffff, v1  }
0x3de: {  	v18 =	vld [tilespmem:$0x18700]  }
0x3df: {  	v10 =	vld [tilespmem:$0x18B00]  }
0x3e0: {  	v11 =	vld [tilespmem:$0x18F00]  }
0x3e1: {  	v8 =	vld [tilespmem:$0x19300]  }
0x3e2: {  	v12 =	vld [tilespmem:$0x18900]  }
0x3e3: {  	v9 =	vld [tilespmem:$0x18D00]  }
0x3e4: {  	v4 =	vld [tilespmem:$0x19100]  }
0x3e5: {  	v2 =	vld [tilespmem:$0x19500]  }
0x3e6: {  	v34 =	vld [tilespmem:$0x18710]  }
0x3e7: {  	v26 =	vld [tilespmem:$0x18B10]  }
0x3e8: {  	v27 =	vld [tilespmem:$0x18F10]  }
0x3e9: {  	v19 =	vld [tilespmem:$0x19310]  }
0x3ea: {  	v28 =	vld [tilespmem:$0x18910]  }
0x3eb: {  	v20 =	vld [tilespmem:$0x18D10]  }
0x3ec: {  	v21 =	vld [tilespmem:$0x19110]  }
0x3ed: {  	v13 =	vld [tilespmem:$0x19510]  }
0x3ee: {  	v22 =	vld [tilespmem:$0x18720]  }
0x3ef: {  	v14 =	vld [tilespmem:$0x18B20]  }
0x3f0: {  	v15 =	vld [tilespmem:$0x18F20]  }
0x3f1: {  	v5 =	vld [tilespmem:$0x19320]  }
0x3f2: {  	v16 =	vld [tilespmem:$0x18920]  }
0x3f3: {  	v6 =	vld [tilespmem:$0x18D20]  }
0x3f4: {  	v7 =	vld [tilespmem:$0x19120]  }
0x3f5: {  	v3 =	vld [tilespmem:$0x19520]  }
0x3f6: {  	v60 =	vld [tilespmem:$0x18730]  }
0x3f7: {  	v42 =	vld [tilespmem:$0x18B30]  }
0x3f8: {  	v43 =	vld [tilespmem:$0x18F30]  }
0x3f9: {  	v35 =	vld [tilespmem:$0x19330]  }
0x3fa: {  	v44 =	vld [tilespmem:$0x18930]  }
0x3fb: {  	v36 =	vld [tilespmem:$0x18D30]  }
0x3fc: {  	v37 =	vld [tilespmem:$0x19130]  }
0x3fd: {  	v29 =	vld [tilespmem:$0x19530]  }
0x3fe: {  	v38 =	vld [tilespmem:$0x18740]  }
0x3ff: {  	v30 =	vld [tilespmem:$0x18B40]  }
0x400: {  	v31 =	vld [tilespmem:$0x18F40]  }
0x401: {  	v23 =	vld [tilespmem:$0x19340]  }
0x402: {  	v32 =	vld [tilespmem:$0x18940]  }
0x403: {  	v24 =	vld [tilespmem:$0x18D40]  }
0x404: {  	v25 =	vld [tilespmem:$0x19140]  }
0x405: {  	v17 =	vld [tilespmem:$0x19540]  }
0x406: {  	v33 =	vld [tilespmem:$0x18750]  }
0x407: {  	v58 =	vld [tilespmem:$0x18B50]  }
0x408: {  	v59 =	vld [tilespmem:$0x18F50]  }
0x409: {  	v61 =	vld [tilespmem:$0x19350]  }
0x40a: {  	v62 =	vld [tilespmem:$0x18950]  }
0x40b: {  	v50 =	vld [tilespmem:$0x18D50]  }
0x40c: {  	v51 =	vld [tilespmem:$0x19150]  }
0x40d: {  	v45 =	vld [tilespmem:$0x19550]  }
0x40e: {  	v52 =	vld [tilespmem:$0x18760]  }
0x40f: {  	v46 =	vld [tilespmem:$0x18B60]  }
0x410: {  	v47 =	vld [tilespmem:$0x18F60]  }
0x411: {  	v39 =	vld [tilespmem:$0x19360]  }
0x412: {  	v48 =	vld [tilespmem:$0x18960]  }
0x413: {  	v49 =	vld [tilespmem:$0x18770]  }
0x414: {  	v57 =	vld [tilespmem:$0x18B70]  }
0x415: {  	v63 =	vld [tilespmem:$0x18F70]  }
0x416: {  	v53 =	vld [tilespmem:$0x19370]  }
0x417: {  	v54 =	vld [tilespmem:$0x18970];
	[tilespmem:$0x1F810] =	vst v33  }
0x418: {  	v55 =	vld [tilespmem:$0x18D70];
	[tilespmem:$0x1F820] =	vst v49  }
0x419: {  	v56 =	vld [tilespmem:$0x19170];
	[tilespmem:$0x1F830] =	vst v57  }
0x41a: {  	[tilespmem:$0x1F840] =	vst v63;
	v57 =	vld [tilespmem:$0x18780]  }
0x41b: {  	[tilespmem:$0x1F850] =	vst v53;
	v53 =	vld [tilespmem:$0x18B80]  }
0x41c: {  	[tilespmem:$0x1F860] =	vst v54;
	v54 =	vld [tilespmem:$0x18F80]  }
0x41d: {  	[tilespmem:$0x1F870] =	vst v55;
	v55 =	vld [tilespmem:$0x18980]  }
0x41e: {  	v40 =	vld [tilespmem:$0x18D60];
	[tilespmem:$0x1F880] =	vst v56  }
0x41f: {  	v41 =	vld [tilespmem:$0x19160];
	[tilespmem:$0x1F890] =	vst v57  }
0x420: {  	v33 =	vld [tilespmem:$0x19560];
	[tilespmem:$0x1F8A0] =	vst v53  }
0x421: {  	v63 =	vld [tilespmem:$0x19570];
	[tilespmem:$0x1F8B0] =	vst v54  }
0x422: {  	v53 =	vld [tilespmem:$0x19380];
	[tilespmem:$0x1F8C0] =	vst v55  }
0x423: {  	v56 =	vld [tilespmem:$0x18790];
	_ =	sdelay $0x4  }
0x424: {  	[tilespmem:$0x1F8D0] =	vst v56;
	v56 =	vld [tilespmem:$0x18B90];
	_ =	sdelay $0x4  }
0x425: {  	[tilespmem:$0x1F8E0] =	vst v56;
	v56 =	vld [tilespmem:$0x18F90];
	_ =	sdelay $0x4  }
0x426: {  	[tilespmem:$0x1F8F0] =	vst v56;
	v56 =	vld [tilespmem:$0x19390];
	_ =	sdelay $0x4  }
0x427: {  	[tilespmem:$0x1F900] =	vst v56;
	v56 =	vld [tilespmem:$0x18990];
	_ =	sdelay $0x4  }
0x428: {  	[tilespmem:$0x1F910] =	vst v56;
	v56 =	vld [tilespmem:$0x18D90];
	_ =	sdelay $0x4  }
0x429: {  	[tilespmem:$0x1F920] =	vst v56;
	v56 =	vld [tilespmem:$0x19190];
	_ =	sdelay $0x4  }
0x42a: {  	[tilespmem:$0x1F930] =	vst v56;
	v56 =	vld [tilespmem:$0x19590];
	_ =	sdelay $0x4  }
0x42b: {  	[tilespmem:$0x1F940] =	vst v56;
	v56 =	vld [tilespmem:$0x187A0];
	_ =	sdelay $0x4  }
0x42c: {  	[tilespmem:$0x1F950] =	vst v56;
	v56 =	vld [tilespmem:$0x18BA0];
	_ =	sdelay $0x4  }
0x42d: {  	[tilespmem:$0x1F960] =	vst v56;
	v56 =	vld [tilespmem:$0x18FA0];
	_ =	sdelay $0x4  }
0x42e: {  	[tilespmem:$0x1F970] =	vst v56;
	v56 =	vld [tilespmem:$0x193A0];
	_ =	sdelay $0x4  }
0x42f: {  	[tilespmem:$0x1F980] =	vst v56;
	v56 =	vld [tilespmem:$0x189A0];
	_ =	sdelay $0x4  }
0x430: {  	[tilespmem:$0x1F990] =	vst v56;
	v56 =	vld [tilespmem:$0x18DA0];
	_ =	sdelay $0x4  }
0x431: {  	[tilespmem:$0x1F9A0] =	vst v56;
	v56 =	vld [tilespmem:$0x191A0];
	_ =	sdelay $0x4  }
0x432: {  	[tilespmem:$0x1F9B0] =	vst v56;
	v56 =	vld [tilespmem:$0x187B0];
	_ =	sdelay $0x4  }
0x433: {  	[tilespmem:$0x1F9C0] =	vst v56;
	v56 =	vld [tilespmem:$0x18BB0];
	_ =	sdelay $0x4  }
0x434: {  	[tilespmem:$0x1F9D0] =	vst v56;
	v56 =	vld [tilespmem:$0x18FB0];
	_ =	sdelay $0x4  }
0x435: {  	[tilespmem:$0x1F9E0] =	vst v56;
	v56 =	vld [tilespmem:$0x193B0];
	_ =	sdelay $0x4  }
0x436: {  	[tilespmem:$0x1F9F0] =	vst v56;
	v56 =	vld [tilespmem:$0x189B0];
	_ =	sdelay $0x4  }
0x437: {  	[tilespmem:$0x1FA00] =	vst v56;
	v56 =	vld [tilespmem:$0x18DB0];
	_ =	sdelay $0x4  }
0x438: {  	[tilespmem:$0x1FA10] =	vst v56;
	v56 =	vld [tilespmem:$0x191B0];
	_ =	sdelay $0x4  }
0x439: {  	[tilespmem:$0x1FA20] =	vst v56;
	v56 =	vld [tilespmem:$0x195B0];
	_ =	sdelay $0x4  }
0x43a: {  	[tilespmem:$0x1FA30] =	vst v56;
	v56 =	vld [tilespmem:$0x187C0];
	_ =	sdelay $0x4  }
0x43b: {  	[tilespmem:$0x1FA40] =	vst v56;
	v56 =	vld [tilespmem:$0x18BC0];
	_ =	sdelay $0x4  }
0x43c: {  	[tilespmem:$0x1FA50] =	vst v56;
	v56 =	vld [tilespmem:$0x18FC0];
	_ =	sdelay $0x4  }
0x43d: {  	[tilespmem:$0x1FA60] =	vst v56;
	v56 =	vld [tilespmem:$0x193C0];
	_ =	sdelay $0x4  }
0x43e: {  	[tilespmem:$0x1FA70] =	vst v56;
	v56 =	vld [tilespmem:$0x189C0];
	_ =	sdelay $0x4  }
0x43f: {  	[tilespmem:$0x1FA80] =	vst v56;
	v56 =	vld [tilespmem:$0x18DC0];
	_ =	sdelay $0x4  }
0x440: {  	[tilespmem:$0x1FA90] =	vst v56;
	v56 =	vld [tilespmem:$0x191C0];
	_ =	sdelay $0x4  }
0x441: {  	[tilespmem:$0x1FAA0] =	vst v56;
	v56 =	vld [tilespmem:$0x195C0];
	_ =	sdelay $0x4  }
0x442: {  	[tilespmem:$0x1FAB0] =	vst v56;
	v56 =	vld [tilespmem:$0x187D0];
	_ =	sdelay $0x4  }
0x443: {  	[tilespmem:$0x1FAC0] =	vst v56;
	v56 =	vld [tilespmem:$0x18BD0];
	_ =	sdelay $0x4  }
0x444: {  	[tilespmem:$0x1FAD0] =	vst v56;
	v56 =	vld [tilespmem:$0x18FD0];
	_ =	sdelay $0x4  }
0x445: {  	[tilespmem:$0x1FAE0] =	vst v56;
	v56 =	vld [tilespmem:$0x193D0];
	_ =	sdelay $0x4  }
0x446: {  	[tilespmem:$0x1FAF0] =	vst v56;
	v56 =	vld [tilespmem:$0x189D0];
	_ =	sdelay $0x4  }
0x447: {  	[tilespmem:$0x1FB00] =	vst v56;
	v56 =	vld [tilespmem:$0x18DD0];
	_ =	sdelay $0x4  }
0x448: {  	[tilespmem:$0x1FB10] =	vst v56;
	v56 =	vld [tilespmem:$0x191D0];
	_ =	sdelay $0x4  }
0x449: {  	[tilespmem:$0x1FB20] =	vst v56;
	v56 =	vld [tilespmem:$0x195D0];
	_ =	sdelay $0x4  }
0x44a: {  	[tilespmem:$0x1FB30] =	vst v56;
	v56 =	vld [tilespmem:$0x187E0];
	_ =	sdelay $0x4  }
0x44b: {  	[tilespmem:$0x1FB40] =	vst v56;
	v56 =	vld [tilespmem:$0x18BE0];
	_ =	sdelay $0x4  }
0x44c: {  	[tilespmem:$0x1FB50] =	vst v56;
	v56 =	vld [tilespmem:$0x18FE0];
	_ =	sdelay $0x4  }
0x44d: {  	[tilespmem:$0x1FB60] =	vst v56;
	v56 =	vld [tilespmem:$0x193E0];
	_ =	sdelay $0x4  }
0x44e: {  	[tilespmem:$0x1FB70] =	vst v56;
	v56 =	vld [tilespmem:$0x189E0];
	_ =	sdelay $0x4  }
0x44f: {  	[tilespmem:$0x1FB80] =	vst v56;
	v56 =	vld [tilespmem:$0x18DE0];
	_ =	sdelay $0x4  }
0x450: {  	[tilespmem:$0x1FB90] =	vst v56;
	v56 =	vld [tilespmem:$0x191E0];
	_ =	sdelay $0x4  }
0x451: {  	[tilespmem:$0x1FBA0] =	vst v56;
	v56 =	vld [tilespmem:$0x195E0];
	_ =	sdelay $0x4  }
0x452: {  	[tilespmem:$0x1FBB0] =	vst v56;
	v56 =	vld [tilespmem:$0x187F0];
	_ =	sdelay $0x4  }
0x453: {  	[tilespmem:$0x1FBC0] =	vst v56;
	v56 =	vld [tilespmem:$0x18BF0];
	_ =	sdelay $0x4  }
0x454: {  	[tilespmem:$0x1FBD0] =	vst v56;
	v56 =	vld [tilespmem:$0x18FF0];
	_ =	sdelay $0x4  }
0x455: {  	[tilespmem:$0x1FBE0] =	vst v56;
	v56 =	vld [tilespmem:$0x193F0];
	_ =	sdelay $0x4  }
0x456: {  	[tilespmem:$0x1FBF0] =	vst v56;
	v56 =	vld [tilespmem:$0x189F0];
	_ =	sdelay $0x4  }
0x457: {  	[tilespmem:$0x1FC00] =	vst v56;
	v56 =	vld [tilespmem:$0x18DF0];
	_ =	sdelay $0x4  }
0x458: {  	[tilespmem:$0x1FC10] =	vst v56;
	v56 =	vld [tilespmem:$0x191F0];
	_ =	sdelay $0x4  }
0x459: {  	[tilespmem:$0x1FC20] =	vst v56;
	v56 =	vld [tilespmem:$0x195F0];
	_ =	sdelay $0x4  }
0x45a: {  	[tilespmem:$0x1FC30] =	vst v56;
	v56 =	vld [tilespmem:$0x18800];
	_ =	sdelay $0x4  }
0x45b: {  	[tilespmem:$0x1FC40] =	vst v56;
	v56 =	vld [tilespmem:$0x18C00];
	_ =	sdelay $0x4  }
0x45c: {  	[tilespmem:$0x1FC50] =	vst v56;
	v56 =	vld [tilespmem:$0x19000];
	_ =	sdelay $0x4  }
0x45d: {  	[tilespmem:$0x1FC60] =	vst v56;
	v56 =	vld [tilespmem:$0x19400];
	_ =	sdelay $0x4  }
0x45e: {  	[tilespmem:$0x1FC70] =	vst v56;
	v56 =	vld [tilespmem:$0x18A00];
	_ =	sdelay $0x4  }
0x45f: {  	[tilespmem:$0x1FC80] =	vst v56;
	v56 =	vld [tilespmem:$0x18E00];
	_ =	sdelay $0x4  }
0x460: {  	[tilespmem:$0x1FC90] =	vst v56;
	v56 =	vld [tilespmem:$0x19200];
	_ =	sdelay $0x4  }
0x461: {  	[tilespmem:$0x1FCA0] =	vst v56;
	v56 =	vld [tilespmem:$0x19600];
	_ =	sdelay $0x4  }
0x462: {  	[tilespmem:$0x1FCB0] =	vst v56;
	v56 =	vld [tilespmem:$0x18810];
	_ =	sdelay $0x4  }
0x463: {  	[tilespmem:$0x1FCC0] =	vst v56;
	v56 =	vld [tilespmem:$0x18C10];
	_ =	sdelay $0x4  }
0x464: {  	[tilespmem:$0x1FCD0] =	vst v56;
	v56 =	vld [tilespmem:$0x19010];
	_ =	sdelay $0x4  }
0x465: {  	[tilespmem:$0x1FCE0] =	vst v56;
	v56 =	vld [tilespmem:$0x19410];
	_ =	sdelay $0x4  }
0x466: {  	[tilespmem:$0x1FCF0] =	vst v56;
	v56 =	vld [tilespmem:$0x18A10];
	_ =	sdelay $0x4  }
0x467: {  	[tilespmem:$0x1FD00] =	vst v56;
	v56 =	vld [tilespmem:$0x18E10];
	_ =	sdelay $0x4  }
0x468: {  	[tilespmem:$0x1FD10] =	vst v56;
	v56 =	vld [tilespmem:$0x19210];
	_ =	sdelay $0x4  }
0x469: {  	[tilespmem:$0x1FD20] =	vst v56;
	v56 =	vld [tilespmem:$0x19610];
	_ =	sdelay $0x4  }
0x46a: {  	[tilespmem:$0x1FD30] =	vst v56;
	v56 =	vld [tilespmem:$0x18820];
	_ =	sdelay $0x4  }
0x46b: {  	[tilespmem:$0x1FD40] =	vst v56;
	v56 =	vld [tilespmem:$0x18C20];
	_ =	sdelay $0x4  }
0x46c: {  	[tilespmem:$0x1FD50] =	vst v56;
	v56 =	vld [tilespmem:$0x19020];
	_ =	sdelay $0x4  }
0x46d: {  	[tilespmem:$0x1FD60] =	vst v56;
	v56 =	vld [tilespmem:$0x19420];
	_ =	sdelay $0x4  }
0x46e: {  	[tilespmem:$0x1FD70] =	vst v56;
	v56 =	vld [tilespmem:$0x18A20];
	_ =	sdelay $0x4  }
0x46f: {  	[tilespmem:$0x1FD80] =	vst v56;
	v56 =	vld [tilespmem:$0x18E20];
	_ =	sdelay $0x4  }
0x470: {  	[tilespmem:$0x1FD90] =	vst v56;
	v56 =	vld [tilespmem:$0x19220];
	_ =	sdelay $0x4  }
0x471: {  	[tilespmem:$0x1FDA0] =	vst v56;
	v56 =	vld [tilespmem:$0x19620];
	_ =	sdelay $0x4  }
0x472: {  	[tilespmem:$0x1FDB0] =	vst v56;
	v56 =	vld [tilespmem:$0x18830];
	_ =	sdelay $0x4  }
0x473: {  	[tilespmem:$0x1FDC0] =	vst v56;
	v56 =	vld [tilespmem:$0x18C30];
	_ =	sdelay $0x4  }
0x474: {  	[tilespmem:$0x1FDD0] =	vst v56;
	v56 =	vld [tilespmem:$0x19030];
	_ =	sdelay $0x4  }
0x475: {  	[tilespmem:$0x1FDE0] =	vst v56;
	v56 =	vld [tilespmem:$0x19430];
	_ =	sdelay $0x4  }
0x476: {  	[tilespmem:$0x1FDF0] =	vst v56;
	v56 =	vld [tilespmem:$0x18A30];
	_ =	sdelay $0x4  }
0x477: {  	v9 =	vadd.f32 v9, v12;
	v2 =	vadd.f32 v2, v4;
	[tilespmem:$0x1FE00] =	vst v56;
	v56 =	vld [tilespmem:$0x18E30];
	_ =	sdelay $0x1  }
0x478: {  	v8 =	vadd.f32 v8, v11;
	v11 =	vadd.f32 v2, v9;
	v2 =	vld [tilespmem:$0x18850];
	_ =	sdelay $0x2  }
0x479: {  	[tilespmem:$0x1FE10] =	vst v56;
	v56 =	vld [tilespmem:$0x19230];
	_ =	sdelay $0x1  }
0x47a: {  	v19 =	vadd.f32 v19, v27;
	[tilespmem:$0x1FEC0] =	vst v2;
	v2 =	vadd.f32 v26, v34;
	_ =	sdelay $0x1  }
0x47b: {  	v34 =	vadd.f32 v20, v28;
	v20 =	vadd.f32 v19, v2;
	v2 =	vld [tilespmem:$0x18E50]  }
0x47c: {  	[tilespmem:$0x1FE20] =	vst v56;
	v56 =	vld [tilespmem:$0x19630];
	_ =	sdelay $0x3  }
0x47d: {  	[tilespmem:$0x1FF10] =	vst v2;
	v2 =	vld [tilespmem:$0x19250]  }
0x47e: {  	[tilespmem:$0x1FE30] =	vst v56;
	v56 =	vld [tilespmem:$0x18840]  }
0x47f: {  	v5 =	vadd.f32 v5, v15;
	v6 =	vadd.f32 v6, v16  }
0x480: {  	v3 =	vadd.f32 v3, v7;
	v26 =	vadd.f32 v14, v22;
	_ =	sdelay $0x1  }
0x481: {  	v22 =	vadd.f32 v5, v26;
	v26 =	vadd.f32 v3, v6;
	[tilespmem:$0x1FF20] =	vst v2  }
0x482: {  	v3 =	vadd.f32 v35, v43;
	v2 =	vadd.f32 v42, v60;
	[tilespmem:$0x1FE40] =	vst v56;
	v56 =	vld [tilespmem:$0x18C40]  }
0x483: {  	v35 =	vadd.f32 v36, v44  }
0x484: {  	v44 =	vadd.f32 v24, v32;
	v24 =	vadd.f32 v3, v2;
	v2 =	vld [tilespmem:$0x19460];
	_ =	sdelay $0x2  }
0x485: {  	[tilespmem:$0x1FE50] =	vst v56;
	v56 =	vld [tilespmem:$0x19040];
	_ =	sdelay $0x1  }
0x486: {  	[tilespmem:$0x1FF70] =	vst v2;
	v2 =	vld [tilespmem:$0x18A60];
	_ =	sdelay $0x2  }
0x487: {  	[tilespmem:$0x1FE60] =	vst v56;
	v56 =	vld [tilespmem:$0x19440];
	_ =	sdelay $0x1  }
0x488: {  	[tilespmem:$0x1FF80] =	vst v2;
	v2 =	vld [tilespmem:$0x1F810];
	_ =	sdelay $0x2  }
0x489: {  	[tilespmem:$0x1FE70] =	vst v56;
	v56 =	vld [tilespmem:$0x18A40];
	_ =	sdelay $0x1  }
0x48a: {  	v3 =	vadd.f32 v61, v59;
	v2 =	vadd.f32 v58, v2;
	_ =	sdelay $0x1  }
0x48b: {  	v38 =	vadd.f32 v30, v38;
	v30 =	vadd.f32 v3, v2;
	v2 =	vld [tilespmem:$0x18C70]  }
0x48c: {  	[tilespmem:$0x1FE80] =	vst v56;
	v56 =	vld [tilespmem:$0x18E40];
	_ =	sdelay $0x3  }
0x48d: {  	[tilespmem:$0x1FFC0] =	vst v2;
	v2 =	vld [tilespmem:$0x19070]  }
0x48e: {  	[tilespmem:$0x1FE90] =	vst v56;
	v56 =	vadd.f32 v13, v21;
	v21 =	vld [tilespmem:$0x19050];
	_ =	sdelay $0x2  }
0x48f: {  	v3 =	vld [tilespmem:$0x1F830]  }
0x490: {  	[tilespmem:$0x1FFD0] =	vst v2;
	v2 =	vld [tilespmem:$0x1F820]  }
0x491: {  	[tilespmem:$0x1FEE0] =	vst v21;
	v21 =	vadd.f32 v56, v34;
	v34 =	vld [tilespmem:$0x19650];
	_ =	sdelay $0x4  }
0x492: {  	[tilespmem:$0x1FF30] =	vst v34;
	v34 =	vadd.f32 v3, v2;
	v2 =	vld [tilespmem:$0x1F840]  }
0x493: {  	v3 =	vld [tilespmem:$0x1F850];
	_ =	sdelay $0x2  }
0x494: {  	v36 =	vadd.f32 v29, v37  }
0x495: {  	v56 =	vadd.f32 v17, v25  }
0x496: {  	v25 =	vadd.f32 v36, v35;
	v35 =	vadd.f32 v3, v2;
	v2 =	vld [tilespmem:$0x19470];
	_ =	sdelay $0x3  }
0x497: {  	v3 =	vld [tilespmem:$0x1F870]  }
0x498: {  	[tilespmem:$0x1FFE0] =	vst v2;
	v2 =	vld [tilespmem:$0x1F860];
	_ =	sdelay $0x3  }
0x499: {  	v37 =	vld [tilespmem:$0x18860]  }
0x49a: {  	v36 =	vadd.f32 v3, v2;
	v2 =	vld [tilespmem:$0x1F880];
	_ =	sdelay $0x2  }
0x49b: {  	v27 =	vld [tilespmem:$0x18C50];
	_ =	sdelay $0x1  }
0x49c: {  	[tilespmem:$0x1FF40] =	vst v37;
	v37 =	vadd.f32 v63, v2;
	v2 =	vld [tilespmem:$0x18A70];
	_ =	sdelay $0x2  }
0x49d: {  	[tilespmem:$0x1FED0] =	vst v27;
	v27 =	vld [tilespmem:$0x19450]  }
0x49e: {  	v3 =	vld [tilespmem:$0x1F8A0]  }
0x49f: {  	[tilespmem:$0x1FFF0] =	vst v2;
	v2 =	vld [tilespmem:$0x1F890];
	_ =	sdelay $0x2  }
0x4a0: {  	v42 =	vadd.f32 v23, v31;
	_ =	sdelay $0x1  }
0x4a1: {  	[tilespmem:$0x1FEF0] =	vst v27;
	v27 =	vadd.f32 v42, v38;
	v38 =	vadd.f32 v3, v2;
	v2 =	vld [tilespmem:$0x1F8B0];
	_ =	sdelay $0x3  }
0x4a2: {  	v54 =	vld [tilespmem:$0x18D80]  }
0x4a3: {  	v17 =	vadd.f32 v39, v47;
	v39 =	vadd.f32 v53, v2;
	v2 =	vld [tilespmem:$0x1F8C0];
	_ =	sdelay $0x3  }
0x4a4: {  	v3 =	vld [tilespmem:$0x1F8E0]  }
0x4a5: {  	v19 =	vadd.f32 v40, v48;
	v40 =	vadd.f32 v54, v2;
	v2 =	vld [tilespmem:$0x1F8D0];
	_ =	sdelay $0x4  }
0x4a6: {  	v47 =	vadd.f32 v3, v2;
	v2 =	vld [tilespmem:$0x1F8F0]  }
0x4a7: {  	v3 =	vld [tilespmem:$0x1F900];
	_ =	sdelay $0x2  }
0x4a8: {  	v55 =	vld [tilespmem:$0x19180]  }
0x4a9: {  	v49 =	vld [tilespmem:$0x19580]  }
0x4aa: {  	v48 =	vadd.f32 v3, v2;
	v2 =	vld [tilespmem:$0x1F910]  }
0x4ab: {  	v3 =	vld [tilespmem:$0x1F920];
	_ =	sdelay $0x3  }
0x4ac: {  	v23 =	vadd.f32 v33, v41  }
0x4ad: {  	v41 =	vadd.f32 v49, v55;
	v49 =	vadd.f32 v3, v2;
	v2 =	vld [tilespmem:$0x1F930]  }
0x4ae: {  	v3 =	vld [tilespmem:$0x1F940];
	_ =	sdelay $0x4  }
0x4af: {  	v13 =	vadd.f32 v50, v62;
	v50 =	vadd.f32 v3, v2;
	v2 =	vld [tilespmem:$0x1F950]  }
0x4b0: {  	v3 =	vld [tilespmem:$0x1F960];
	_ =	sdelay $0x4  }
0x4b1: {  	v14 =	vadd.f32 v45, v51;
	v51 =	vadd.f32 v3, v2;
	v2 =	vld [tilespmem:$0x1F970]  }
0x4b2: {  	v3 =	vld [tilespmem:$0x1F980];
	_ =	sdelay $0x4  }
0x4b3: {  	v16 =	vadd.f32 v46, v52;
	v52 =	vadd.f32 v3, v2;
	v2 =	vld [tilespmem:$0x1F990]  }
0x4b4: {  	v3 =	vld [tilespmem:$0x1F9A0];
	_ =	sdelay $0x3  }
0x4b5: {  	v57 =	vld [tilespmem:$0x195A0]  }
0x4b6: {  	v53 =	vadd.f32 v3, v2;
	v2 =	vld [tilespmem:$0x1F9B0];
	_ =	sdelay $0x3  }
0x4b7: {  	v3 =	vld [tilespmem:$0x1F9D0]  }
0x4b8: {  	v54 =	vadd.f32 v57, v2;
	v2 =	vld [tilespmem:$0x1F9C0];
	_ =	sdelay $0x4  }
0x4b9: {  	v55 =	vadd.f32 v3, v2;
	v2 =	vld [tilespmem:$0x1F9E0]  }
0x4ba: {  	v3 =	vld [tilespmem:$0x1F9F0];
	_ =	sdelay $0x4  }
0x4bb: {  	v29 =	vadd.f32 v56, v44;
	v56 =	vadd.f32 v3, v2;
	v2 =	vld [tilespmem:$0x1FA00]  }
0x4bc: {  	v3 =	vld [tilespmem:$0x1FA10];
	_ =	sdelay $0x4  }
0x4bd: {  	v57 =	vadd.f32 v3, v2;
	v2 =	vld [tilespmem:$0x1FA20]  }
0x4be: {  	v3 =	vld [tilespmem:$0x1FA30];
	_ =	sdelay $0x4  }
0x4bf: {  	v58 =	vadd.f32 v3, v2;
	v2 =	vld [tilespmem:$0x1FA40]  }
0x4c0: {  	v3 =	vld [tilespmem:$0x1FA50];
	_ =	sdelay $0x4  }
0x4c1: {  	v59 =	vadd.f32 v3, v2;
	v2 =	vld [tilespmem:$0x1FA60]  }
0x4c2: {  	v3 =	vld [tilespmem:$0x1FA70];
	_ =	sdelay $0x4  }
0x4c3: {  	v62 =	vadd.f32 v3, v2;
	v2 =	vld [tilespmem:$0x1FA80]  }
0x4c4: {  	v3 =	vld [tilespmem:$0x1FA90];
	_ =	sdelay $0x4  }
0x4c5: {  	v63 =	vadd.f32 v3, v2;
	v2 =	vld [tilespmem:$0x1FAA0]  }
0x4c6: {  	v3 =	vld [tilespmem:$0x1FAB0];
	_ =	sdelay $0x4  }
0x4c7: {  	v6 =	vadd.f32 v3, v2;
	v2 =	vld [tilespmem:$0x1FAC0]  }
0x4c8: {  	v3 =	vld [tilespmem:$0x1FAD0];
	_ =	sdelay $0x4  }
0x4c9: {  	v7 =	vadd.f32 v3, v2;
	v2 =	vld [tilespmem:$0x1FAE0]  }
0x4ca: {  	v3 =	vld [tilespmem:$0x1FAF0];
	_ =	sdelay $0x2  }
0x4cb: {  	v34 =	vadd.f32 v35, v34  }
0x4cc: {  	v43 =	vld [tilespmem:$0x18C60];
	v35 =	vadd.f32 v37, v36;
	v36 =	vadd.f32 v39, v38  }
0x4cd: {  	v39 =	vadd.f32 v56, v55;
	v56 =	vadd.f32 v3, v2;
	v2 =	vld [tilespmem:$0x1FB00]  }
0x4ce: {  	v3 =	vld [tilespmem:$0x1FB10];
	_ =	sdelay $0x4  }
0x4cf: {  	[tilespmem:$0x1FF50] =	vst v43;
	v43 =	vadd.f32 v58, v57;
	v57 =	vadd.f32 v3, v2;
	v2 =	vld [tilespmem:$0x1FB20]  }
0x4d0: {  	v3 =	vld [tilespmem:$0x1FB30];
	_ =	sdelay $0x4  }
0x4d1: {  	v58 =	vadd.f32 v3, v2;
	v2 =	vld [tilespmem:$0x1FB40]  }
0x4d2: {  	v3 =	vld [tilespmem:$0x1FB50];
	_ =	sdelay $0x4  }
0x4d3: {  	v45 =	vadd.f32 v62, v59;
	v59 =	vadd.f32 v3, v2;
	v2 =	vld [tilespmem:$0x1FB60]  }
0x4d4: {  	v3 =	vld [tilespmem:$0x1FB70];
	_ =	sdelay $0x4  }
0x4d5: {  	v62 =	vadd.f32 v3, v2;
	v2 =	vld [tilespmem:$0x1FB80]  }
0x4d6: {  	v3 =	vld [tilespmem:$0x1FB90];
	_ =	sdelay $0x4  }
0x4d7: {  	[tilespmem:$0x18900] =	vst v11;
	v11 =	vadd.f32 v6, v63;
	v63 =	vadd.f32 v3, v2;
	v2 =	vld [tilespmem:$0x1FBA0]  }
0x4d8: {  	v3 =	vld [tilespmem:$0x1FBB0];
	_ =	sdelay $0x4  }
0x4d9: {  	v5 =	vadd.f32 v3, v2;
	v2 =	vld [tilespmem:$0x1FBC0]  }
0x4da: {  	v3 =	vld [tilespmem:$0x1FBD0];
	_ =	sdelay $0x4  }
0x4db: {  	[tilespmem:$0x18750] =	vst v30;
	v30 =	vadd.f32 v3, v2;
	v2 =	vld [tilespmem:$0x1FBE0]  }
0x4dc: {  	v3 =	vld [tilespmem:$0x1FBF0];
	_ =	sdelay $0x3  }
0x4dd: {  	v37 =	vadd.f32 v41, v40  }
0x4de: {  	v41 =	vadd.f32 v50, v49;
	v49 =	vadd.f32 v3, v2;
	v2 =	vld [tilespmem:$0x1FC00]  }
0x4df: {  	v3 =	vld [tilespmem:$0x1FC10];
	_ =	sdelay $0x2  }
0x4e0: {  	v31 =	vadd.f32 v14, v13;
	_ =	sdelay $0x1  }
0x4e1: {  	[tilespmem:$0x18950] =	vst v31;
	v31 =	vadd.f32 v3, v2;
	v2 =	vld [tilespmem:$0x1FC20]  }
0x4e2: {  	v3 =	vld [tilespmem:$0x1FC30];
	_ =	sdelay $0x4  }
0x4e3: {  	v6 =	vadd.f32 v3, v2;
	v2 =	vld [tilespmem:$0x1FC40]  }
0x4e4: {  	v3 =	vld [tilespmem:$0x1FC50];
	_ =	sdelay $0x4  }
0x4e5: {  	v46 =	vadd.f32 v56, v7;
	v7 =	vadd.f32 v3, v2;
	v2 =	vld [tilespmem:$0x1FC60]  }
0x4e6: {  	v3 =	vld [tilespmem:$0x1FC70];
	_ =	sdelay $0x4  }
0x4e7: {  	[tilespmem:$0x18940] =	vst v29;
	v29 =	vadd.f32 v62, v59;
	v62 =	vadd.f32 v3, v2;
	v2 =	vld [tilespmem:$0x1FC80]  }
0x4e8: {  	v3 =	vld [tilespmem:$0x1FC90];
	_ =	sdelay $0x3  }
0x4e9: {  	v40 =	vadd.f32 v48, v47  }
0x4ea: {  	v48 =	vadd.f32 v5, v63;
	v63 =	vadd.f32 v3, v2;
	v2 =	vld [tilespmem:$0x1FCA0]  }
0x4eb: {  	v3 =	vld [tilespmem:$0x1FCB0];
	_ =	sdelay $0x4  }
0x4ec: {  	v5 =	vadd.f32 v3, v2;
	v2 =	vld [tilespmem:$0x1FCC0]  }
0x4ed: {  	v3 =	vld [tilespmem:$0x1FCD0];
	_ =	sdelay $0x4  }
0x4ee: {  	[tilespmem:$0x18780] =	vst v36;
	v36 =	vadd.f32 v3, v2;
	v2 =	vld [tilespmem:$0x1FCE0]  }
0x4ef: {  	v3 =	vld [tilespmem:$0x1FCF0];
	_ =	sdelay $0x4  }
0x4f0: {  	v30 =	vadd.f32 v49, v30;
	v49 =	vadd.f32 v3, v2;
	v2 =	vld [tilespmem:$0x1FD00]  }
0x4f1: {  	v3 =	vld [tilespmem:$0x1FD10];
	_ =	sdelay $0x4  }
0x4f2: {  	[tilespmem:$0x18980] =	vst v37;
	v37 =	vadd.f32 v3, v2;
	v2 =	vld [tilespmem:$0x1FD20]  }
0x4f3: {  	v3 =	vld [tilespmem:$0x1FD30];
	_ =	sdelay $0x4  }
0x4f4: {  	v38 =	vadd.f32 v54, v53;
	v53 =	vadd.f32 v3, v2;
	v2 =	vld [tilespmem:$0x1FD40]  }
0x4f5: {  	v3 =	vld [tilespmem:$0x1FD50];
	_ =	sdelay $0x2  }
0x4f6: {  	v12 =	vld [tilespmem:$0x19240]  }
0x4f7: {  	v10 =	vadd.f32 v10, v18;
	v18 =	vld [tilespmem:$0x19640]  }
0x4f8: {  	[tilespmem:$0x18790] =	vst v40;
	v40 =	vadd.f32 v3, v2;
	v2 =	vld [tilespmem:$0x1FD60]  }
0x4f9: {  	v3 =	vld [tilespmem:$0x1FD70]  }
0x4fa: {  	v15 =	vld [tilespmem:$0x19260]  }
0x4fb: {  	v9 =	vld [tilespmem:$0x19080]  }
0x4fc: {  	v28 =	vld [tilespmem:$0x18A50]  }
0x4fd: {  	[tilespmem:$0x1FEA0] =	vst v12;
	v12 =	vld [tilespmem:$0x18E60]  }
0x4fe: {  	v47 =	vadd.f32 v58, v57;
	v57 =	vadd.f32 v3, v2;
	v2 =	vld [tilespmem:$0x1FD80]  }
0x4ff: {  	v3 =	vld [tilespmem:$0x1FD90]  }
0x500: {  	[tilespmem:$0x1FEB0] =	vst v18;
	v18 =	vadd.f32 v8, v10;
	v10 =	vld [tilespmem:$0x19670]  }
0x501: {  	v8 =	vld [tilespmem:$0x18C80]  }
0x502: {  	[tilespmem:$0x1FFA0] =	vst v15;
	v15 =	vld [tilespmem:$0x18E80]  }
0x503: {  	[tilespmem:$0x18700] =	vst v18;
	v18 =	vld [tilespmem:$0x19090]  }
0x504: {  	v31 =	vadd.f32 v6, v31;
	v6 =	vadd.f32 v3, v2;
	v2 =	vld [tilespmem:$0x1FDA0]  }
0x505: {  	v3 =	vld [tilespmem:$0x1FDB0]  }
0x506: {  	[tilespmem:$0x18710] =	vst v20;
	v20 =	vld [tilespmem:$0x19490]  }
0x507: {  	[tilespmem:$0x18720] =	vst v22;
	v22 =	vld [tilespmem:$0x18E90]  }
0x508: {  	[tilespmem:$0x1FF90] =	vst v12;
	v12 =	vld [tilespmem:$0x19480];
	v32 =	vadd.f32 v17, v16  }
0x509: {  	[tilespmem:$0x1FF00] =	vst v28;
	v28 =	vld [tilespmem:$0x18880]  }
0x50a: {  	[tilespmem:$0x18760] =	vst v32;
	v32 =	vadd.f32 v62, v7;
	v7 =	vadd.f32 v3, v2;
	v2 =	vld [tilespmem:$0x1FDC0]  }
0x50b: {  	v3 =	vld [tilespmem:$0x1FDD0]  }
0x50c: {  	[tilespmem:$0x18920] =	vst v26;
	v26 =	vld [tilespmem:$0x18CA0]  }
0x50d: {  	v9 =	vadd.f32 v12, v9;
	v12 =	vld [tilespmem:$0x18ED0]  }
0x50e: {  	v8 =	vadd.f32 v8, v28;
	v28 =	vld [tilespmem:$0x196D0]  }
0x50f: {  	v60 =	vld [tilespmem:$0x19060]  }
0x510: {  	[tilespmem:$0x187B0] =	vst v39;
	v39 =	vadd.f32 v3, v2;
	v2 =	vld [tilespmem:$0x1FDE0]  }
0x511: {  	v3 =	vld [tilespmem:$0x1FDF0]  }
0x512: {  	v33 =	vld [tilespmem:$0x18870]  }
0x513: {  	v61 =	vld [tilespmem:$0x18E70]  }
0x514: {  	[tilespmem:$0x18730] =	vst v24;
	v24 =	vld [tilespmem:$0x19690]  }
0x515: {  	[tilespmem:$0x18740] =	vst v27;
	v27 =	vld [tilespmem:$0x190A0]  }
0x516: {  	v36 =	vadd.f32 v49, v36;
	v49 =	vadd.f32 v3, v2;
	v2 =	vld [tilespmem:$0x1FE00]  }
0x517: {  	v3 =	vld [tilespmem:$0x1FE10]  }
0x518: {  	[tilespmem:$0x1FF60] =	vst v60;
	v60 =	vld [tilespmem:$0x19660]  }
0x519: {  	[tilespmem:$0x1FFB0] =	vst v33;
	v33 =	vadd.f32 v23, v19;
	v19 =	vld [tilespmem:$0x19680]  }
0x51a: {  	v23 =	vld [tilespmem:$0x19290]  }
0x51b: {  	v4 =	vld [tilespmem:$0x1FF70]  }
0x51c: {  	[tilespmem:$0x189B0] =	vst v43;
	v43 =	vadd.f32 v3, v2;
	v2 =	vld [tilespmem:$0x1FE20]  }
0x51d: {  	v3 =	vld [tilespmem:$0x1FE30]  }
0x51e: {  	v13 =	vld [tilespmem:$0x18A80]  }
0x51f: {  	v14 =	vld [tilespmem:$0x18890]  }
0x520: {  	v44 =	vld [tilespmem:$0x19270]  }
0x521: {  	v17 =	vld [tilespmem:$0x19280]  }
0x522: {  	[tilespmem:$0x189A0] =	vst v38;
	v38 =	vadd.f32 v57, v40;
	v57 =	vadd.f32 v3, v2;
	v2 =	vld [tilespmem:$0x1FE40]  }
0x523: {  	v3 =	vld [tilespmem:$0x1FE50]  }
0x524: {  	v16 =	vld [tilespmem:$0x18C90]  }
0x525: {  	[tilespmem:$0x18910] =	vst v21;
	v21 =	vld [tilespmem:$0x18A90]  }
0x526: {  	[tilespmem:$0x18930] =	vst v25;
	v25 =	vld [tilespmem:$0x188A0]  }
0x527: {  	v10 =	vadd.f32 v10, v44;
	v44 =	vld [tilespmem:$0x18AD0]  }
0x528: {  	[tilespmem:$0x187C0] =	vst v45;
	v45 =	vadd.f32 v3, v2;
	v2 =	vld [tilespmem:$0x1FE60]  }
0x529: {  	v3 =	vld [tilespmem:$0x1FE70]  }
0x52a: {  	v14 =	vadd.f32 v16, v14;
	v16 =	vld [tilespmem:$0x18CE0]  }
0x52b: {  	[tilespmem:$0x18770] =	vst v34;
	v34 =	vld [tilespmem:$0x196A0]  }
0x52c: {  	[tilespmem:$0x18970] =	vst v35;
	v35 =	vld [tilespmem:$0x188B0]  }
0x52d: {  	v50 =	vld [tilespmem:$0x194A0]  }
0x52e: {  	[tilespmem:$0x18960] =	vst v33;
	v33 =	vadd.f32 v5, v63;
	v63 =	vadd.f32 v3, v2;
	v2 =	vld [tilespmem:$0x1FE80]  }
0x52f: {  	v3 =	vld [tilespmem:$0x1FE90]  }
0x530: {  	[tilespmem:$0x18990] =	vst v41;
	v41 =	vld [tilespmem:$0x192B0]  }
0x531: {  	v42 =	vadd.f32 v52, v51;
	v52 =	vld [tilespmem:$0x18AA0]  }
0x532: {  	v51 =	vld [tilespmem:$0x18CB0]  }
0x533: {  	[tilespmem:$0x187A0] =	vst v42;
	v42 =	vld [tilespmem:$0x18EB0]  }
0x534: {  	[tilespmem:$0x189C0] =	vst v11;
	v11 =	vadd.f32 v3, v2;
	v2 =	vld [tilespmem:$0x1FEA0]  }
0x535: {  	v3 =	vld [tilespmem:$0x1FEB0]  }
0x536: {  	v54 =	vld [tilespmem:$0x18EA0]  }
0x537: {  	v55 =	vld [tilespmem:$0x190B0]  }
0x538: {  	v56 =	vld [tilespmem:$0x192A0]  }
0x539: {  	[tilespmem:$0x187D0] =	vst v46;
	v46 =	vld [tilespmem:$0x194C0]  }
0x53a: {  	[tilespmem:$0x189D0] =	vst v47;
	v47 =	vld [tilespmem:$0x1FED0];
	v2 =	vadd.f32 v3, v2  }
0x53b: {  	[tilespmem:$0x189F0] =	vst v31;
	v31 =	vld [tilespmem:$0x1FF90]  }
0x53c: {  	v3 =	vadd.f32 v2, v11;
	v2 =	vld [tilespmem:$0x1FEC0]  }
0x53d: {  	v5 =	vld [tilespmem:$0x1FF80]  }
0x53e: {  	v58 =	vld [tilespmem:$0x194B0]  }
0x53f: {  	v59 =	vld [tilespmem:$0x188C0]  }
0x540: {  	v39 =	vadd.f32 v49, v39;
	v49 =	vld [tilespmem:$0x1FEF0]  }
0x541: {  	[tilespmem:$0x187E0] =	vst v29;
	v29 =	vadd.f32 v47, v2;
	v2 =	vld [tilespmem:$0x1FEE0]  }
0x542: {  	v31 =	vadd.f32 v31, v5;
	v5 =	vld [tilespmem:$0x1FFA0]  }
0x543: {  	[tilespmem:$0x187F0] =	vst v30;
	v30 =	vld [tilespmem:$0x1FF50]  }
0x544: {  	v62 =	vld [tilespmem:$0x18AB0]  }
0x545: {  	v43 =	vadd.f32 v57, v43;
	v57 =	vld [tilespmem:$0x1FF10]  }
0x546: {  	v47 =	vadd.f32 v49, v2;
	v2 =	vld [tilespmem:$0x1FF00]  }
0x547: {  	v60 =	vadd.f32 v60, v5;
	v5 =	vld [tilespmem:$0x188D0]  }
0x548: {  	v37 =	vadd.f32 v53, v37;
	v53 =	vld [tilespmem:$0x196B0]  }
0x549: {  	[tilespmem:$0x18820] =	vst v38;
	v38 =	vadd.f32 v19, v17;
	v17 =	vld [tilespmem:$0x192D0]  }
0x54a: {  	v45 =	vadd.f32 v63, v45;
	v63 =	vld [tilespmem:$0x1FF30]  }
0x54b: {  	v13 =	vadd.f32 v15, v13;
	[tilespmem:$0x189E0] =	vst v48;
	v48 =	vadd.f32 v57, v2;
	v2 =	vld [tilespmem:$0x1FF20]  }
0x54c: {  	v40 =	vadd.f32 v7, v6;
	v6 =	vld [tilespmem:$0x190C0]  }
0x54d: {  	v8 =	vadd.f32 v9, v8;
	v9 =	vadd.f32 v38, v13;
	v13 =	vld [tilespmem:$0x188E0]  }
0x54e: {  	v7 =	vld [tilespmem:$0x18CC0]  }
0x54f: {  	[tilespmem:$0x18A20] =	vst v40;
	v40 =	vadd.f32 v20, v18;
	v20 =	vld [tilespmem:$0x190E0]  }
0x550: {  	v57 =	vadd.f32 v63, v2;
	v2 =	vld [tilespmem:$0x1FF40]  }
0x551: {  	v6 =	vadd.f32 v46, v6;
	v46 =	vld [tilespmem:$0x190F0]  }
0x552: {  	[tilespmem:$0x18A30] =	vst v43;
	v43 =	vadd.f32 v24, v23;
	v23 =	vld [tilespmem:$0x194E0]  }
0x553: {  	v11 =	vld [tilespmem:$0x18AC0]  }
0x554: {  	[tilespmem:$0x18800] =	vst v32;
	v32 =	vadd.f32 v57, v48;
	v48 =	vld [tilespmem:$0x1FFB0]  }
0x555: {  	[tilespmem:$0x18A40] =	vst v3;
	v3 =	vadd.f32 v22, v21;
	v30 =	vadd.f32 v30, v2;
	v2 =	vld [tilespmem:$0x1FF60]  }
0x556: {  	v57 =	vld [tilespmem:$0x1FFC0]  }
0x557: {  	v3 =	vadd.f32 v43, v3;
	v43 =	vld [tilespmem:$0x18CF0]  }
0x558: {  	v49 =	vld [tilespmem:$0x18EC0]  }
0x559: {  	[tilespmem:$0x18880] =	vst v8;
	v12 =	vadd.f32 v12, v44;
	v29 =	vadd.f32 v47, v29;
	v47 =	vld [tilespmem:$0x18CD0]  }
0x55a: {  	[tilespmem:$0x18A00] =	vst v33;
	v41 =	vadd.f32 v53, v41;
	v63 =	vld [tilespmem:$0x192C0];
	v2 =	vadd.f32 v4, v2  }
0x55b: {  	[tilespmem:$0x18810] =	vst v36;
	v53 =	vadd.f32 v28, v17;
	v33 =	vadd.f32 v57, v48;
	v57 =	vld [tilespmem:$0x1FFE0]  }
0x55c: {  	[tilespmem:$0x18A10] =	vst v37;
	v2 =	vadd.f32 v2, v30;
	v30 =	vadd.f32 v60, v31;
	v60 =	vld [tilespmem:$0x1FFD0]  }
0x55d: {  	v7 =	vadd.f32 v7, v59;
	v59 =	vadd.f32 v53, v12;
	[tilespmem:$0x18A50] =	vst v32;
	v32 =	vld [tilespmem:$0x18EE0]  }
0x55e: {  	[tilespmem:$0x18A80] =	vst v9;
	v48 =	vld [tilespmem:$0x194D0]  }
0x55f: {  	v50 =	vadd.f32 v50, v27;
	[tilespmem:$0x18AD0] =	vst v59;
	v4 =	vld [tilespmem:$0x196C0]  }
0x560: {  	v38 =	vadd.f32 v58, v55;
	[tilespmem:$0x18830] =	vst v39;
	v55 =	vadd.f32 v23, v20;
	v31 =	vld [tilespmem:$0x190D0]  }
0x561: {  	[tilespmem:$0x18A90] =	vst v3;
	v3 =	vadd.f32 v6, v7;
	v36 =	vadd.f32 v57, v60;
	v60 =	vld [tilespmem:$0x1FFF0]  }
0x562: {  	[tilespmem:$0x18860] =	vst v2;
	v2 =	vadd.f32 v40, v14;
	v40 =	vadd.f32 v42, v62;
	v42 =	vld [tilespmem:$0x188F0]  }
0x563: {  	[tilespmem:$0x18840] =	vst v45;
	v45 =	vadd.f32 v26, v25;
	v57 =	vadd.f32 v54, v52;
	v52 =	vld [tilespmem:$0x18EF0]  }
0x564: {  	[tilespmem:$0x188C0] =	vst v3;
	v4 =	vadd.f32 v4, v63;
	v39 =	vadd.f32 v36, v33;
	v36 =	vld [tilespmem:$0x192E0]  }
0x565: {  	[tilespmem:$0x18850] =	vst v29;
	v33 =	vadd.f32 v50, v45;
	v45 =	vadd.f32 v49, v11;
	v50 =	vld [tilespmem:$0x18AF0]  }
0x566: {  	v5 =	vadd.f32 v47, v5;
	[tilespmem:$0x18870] =	vst v39;
	v39 =	vld [tilespmem:$0x196E0];
	v37 =	vadd.f32 v61, v60  }
0x567: {  	[tilespmem:$0x18A60] =	vst v30;
	v49 =	vld [tilespmem:$0x194F0];
	v4 =	vadd.f32 v4, v45;
	v60 =	vadd.f32 v34, v56  }
0x568: {  	[tilespmem:$0x18890] =	vst v2;
	v61 =	vld [tilespmem:$0x18AE0];
	v10 =	vadd.f32 v10, v37;
	v37 =	vadd.f32 v51, v35  }
0x569: {  	v54 =	vld [tilespmem:$0x192F0];
	[tilespmem:$0x188A0] =	vst v33;
	v34 =	vadd.f32 v60, v57;
	v51 =	vadd.f32 v48, v31  }
0x56a: {  	v56 =	vld [tilespmem:$0x196F0];
	[tilespmem:$0x18AC0] =	vst v4;
	v62 =	vadd.f32 v52, v50;
	v2 =	vadd.f32 v38, v37  }
0x56b: {  	[tilespmem:$0x18A70] =	vst v10;
	v10 =	vadd.f32 v41, v40;
	v58 =	vadd.f32 v39, v36  }
0x56c: {  	v3 =	vadd.f32 v51, v5;
	[tilespmem:$0x188B0] =	vst v2;
	v2 =	vadd.f32 v16, v13  }
0x56d: {  	[tilespmem:$0x18AA0] =	vst v34;
	v57 =	vadd.f32 v32, v61;
	v61 =	vadd.f32 v49, v46  }
0x56e: {  	[tilespmem:$0x188D0] =	vst v3;
	v3 =	vadd.f32 v43, v42;
	v2 =	vadd.f32 v55, v2  }
0x56f: {  	v63 =	vadd.f32 v56, v54;
	[tilespmem:$0x18AB0] =	vst v10;
	v60 =	vadd.f32 v58, v57  }
0x570: {  	[tilespmem:$0x188E0] =	vst v2;
	v2 =	vadd.f32 v61, v3  }
0x571: {  	[tilespmem:$0x18AE0] =	vst v60;
	v3 =	vadd.f32 v63, v62  }
0x572: {  	[tilespmem:$0x188F0] =	vst v2  }
0x573: {  	[tilespmem:$0x18AF0] =	vst v3  }
0x574: {  	[hbm4b:s13+s18] =	stream.strided.scatter [tilespmem:s28], [sflag:$0x3], $0x200, s19, s18, $0x38;
	[tilespmem:$0x19700] =	vst v63  }
0x575: {  	s21 =	sadd.s32 $0x1, s21;
	_ =	swait.ge [sflag:s20], $0x200  }
0x576: {  	p0 =	sne.s32 s21, s15;
	[sflag:s20] =	ssyncset.done $0x0  }
.Ltmp5:
0x577: {  	[sflag:s20] =	ssyncadd.s32 $0xFFFFFE00;
	(pc) =	sbr.rel @p0 .LBB2_1-.Ltmp5, $4  }
0x578: {  	[hbm4b:s14+s18] =	stream.strided.scatter [tilespmem:s29], [sflag:$0x3], $0x200, s19, s18, $0x38;
	[tilespmem:$0x19700] =	vst v63  }
0x579: {  	_ =	swait.ge [sflag:s20], $0x200  }
0x57a: {  	[sflag:s20] =	ssyncset.done $0x0  }
0x57b: {  	[sflag:s20] =	ssyncadd.s32 $0xFFFFFE00  }
0x57c: {  	_ =	sfence.sel $0x180000  }
0x57d: {  	[bflag:$0x0] =	sbarrier.arrive $0xFFFF  }
0x57e: {  	_ =	strace $0x90000047  }
0x57f: {  	s0 =	stileid.u32;
	[bflag:$0x2] =	sbarrier.arrive $0xFFFF  }
0x580: {  	p0 =	sne.s32 s0, $0x0;
	s0 =	rddreg [dreg:$0x3]  }
0x581: {  	s0 =	sadd.s32 @!p0 $0x100000, s0  }
0x582: {  	[sflag:s0] =	ssyncadd.tile.s32 @!p0 $0x1;
	_ =	shalt  }
.Lfunc_end2:
_tile_overlayer_lowered:
.L_overlay_start_2:
0x583: {  	(tag) =	ssettag $0x2  }
0x584: {  	s0 =	rddreg [dreg:$0x0];
	s2 =	stileid.u32  }
0x585: {  	s1 =	rddreg [dreg:$0x1];
	p0 =	sne.s32 s2, $0x0  }
0x586: {  	s3 =	rddreg [dreg:$0x2];
	[bflag:$0x3] =	sbarrier.arrive $0xFFFF;
	s2 =	simm.s32 @!p0 $0x1C03  }
0x587: {  	[timem:s3], [sflag:s2] =	dma.local @!p0 [hbm:s0], s1  }
0x588: {  	s0 =	simm.s32 @!p0 $0x3  }
0x589: {  	_ =	swait.ge @!p0 [sflag:s0], s1  }
0x58a: {  	s1 =	ssub.s32 @!p0 $0x0, s1;
	[sflag:s0] =	ssyncset.done @!p0 $0x0  }
0x58b: {  	[sflag:s0] =	ssyncadd.s32 @!p0 s1  }
0x58c: {  	[bflag:$0x3] =	sbarrier.arrive $0xFFFF  }
0x58d: {  	_ =	shalt  }

</sc_bundles>
